<compile_context>
chip_gen: v7x
topology: tpu7x:2x2x1
jax: 0.10.2.dev20260603
libtpu: 0.0.44.dev20260713+nightly
codegen_flags: <defaults>
</compile_context>

<pallas_src>
import functools

import jax
import jax.numpy as jnp
from jax import lax
from jax.experimental import pallas as pl
from jax.experimental.pallas import tpu as pltpu
from jax.experimental.pallas import tpu_sc as plsc

EPS = 1e-5
F32 = jnp.float32
I32 = jnp.int32



def _fps_stage(x, y, z, npoint):
    B, N = x.shape
    iota = lax.broadcasted_iota(I32, (B, N), 1)
    io_s = lax.broadcasted_iota(I32, (B, npoint), 1)

    def extract(last):
        m = iota == last
        cx = jnp.sum(jnp.where(m, x, 0.0), axis=1, keepdims=True)
        cy = jnp.sum(jnp.where(m, y, 0.0), axis=1, keepdims=True)
        cz = jnp.sum(jnp.where(m, z, 0.0), axis=1, keepdims=True)
        return cx, cy, cz

    def body(i, st):
        dist, last, fid, sx, sy, sz = st
        cx, cy, cz = extract(last)
        rec = io_s == (i - 1)
        sx = jnp.where(rec, cx, sx)
        sy = jnp.where(rec, cy, sy)
        sz = jnp.where(rec, cz, sz)
        d = (x - cx) ** 2 + (y - cy) ** 2 + (z - cz) ** 2
        dist = jnp.minimum(dist, d)
        mx = jnp.max(dist, axis=1, keepdims=True)
        nxt = jnp.min(jnp.where(dist >= mx, iota, N), axis=1, keepdims=True)
        fid = jnp.where(io_s == i, nxt, fid)
        return dist, nxt.astype(I32), fid, sx, sy, sz

    dist0 = jnp.full((B, N), 1e10, F32)
    last0 = jnp.zeros((B, 1), I32)
    fid0 = jnp.zeros((B, npoint), I32)
    sx0 = jnp.zeros((B, npoint), F32)
    sy0 = jnp.zeros((B, npoint), F32)
    sz0 = jnp.zeros((B, npoint), F32)
    dist, last, fid, sx, sy, sz = lax.fori_loop(
        1, npoint, body, (dist0, last0, fid0, sx0, sy0, sz0))
    cx, cy, cz = extract(last)
    rec = io_s == (npoint - 1)
    sx = jnp.where(rec, cx, sx)
    sy = jnp.where(rec, cy, sy)
    sz = jnp.where(rec, cz, sz)
    return fid, sx, sy, sz


def _fps_kernel(pc_ref, x1_ref, x2_ref, x3_ref, f2_ref, f3_ref):
    x = pc_ref[:, 0, :]
    y = pc_ref[:, 1, :]
    z = pc_ref[:, 2, :]
    _, sx1, sy1, sz1 = _fps_stage(x, y, z, 1024)
    f2, sx2, sy2, sz2 = _fps_stage(sx1, sy1, sz1, 512)
    f3, sx3, sy3, sz3 = _fps_stage(sx2, sy2, sz2, 256)
    x1_ref[:, 0, :] = sx1
    x1_ref[:, 1, :] = sy1
    x1_ref[:, 2, :] = sz1
    x2_ref[:, 0, :] = sx2
    x2_ref[:, 1, :] = sy2
    x2_ref[:, 2, :] = sz2
    x3_ref[:, 0, :] = sx3
    x3_ref[:, 1, :] = sy3
    x3_ref[:, 2, :] = sz3
    f2_ref[...] = f2
    f3_ref[...] = f3


def _run_fps(pc_t):
    B = pc_t.shape[0]
    return pl.pallas_call(
        _fps_kernel,
        out_shape=(
            jax.ShapeDtypeStruct((B, 3, 1024), F32),
            jax.ShapeDtypeStruct((B, 3, 512), F32),
            jax.ShapeDtypeStruct((B, 3, 256), F32),
            jax.ShapeDtypeStruct((B, 512), I32),
            jax.ShapeDtypeStruct((B, 256), I32),
        ),
    )(pc_t)



def _ballquery_kernel(xyz_ref, new_ref, idx_ref, cw_ref, *, r2, K, N, S, ST):
    b = pl.program_id(0)
    xyz = xyz_ref[0]
    new = new_ref[0]
    NC = N // 128
    NQ = (NC + 7) // 8

    sq_n = jnp.sum(new * new, axis=0)[:, None]
    sq_x = jnp.sum(xyz * xyz, axis=0)[None, :]
    dotp = lax.dot_general(new, xyz, (((0,), (0,)), ((), ())),
                           preferred_element_type=F32)
    d = sq_n + sq_x - 2.0 * dotp
    mask = (d <= r2).astype(F32)

    i_n = lax.broadcasted_iota(I32, (N, NC), 0)
    j_n = lax.broadcasted_iota(I32, (N, NC), 1)
    E = ((i_n // 128) == j_n).astype(F32)
    cs = lax.dot_general(mask, E, (((1,), (0,)), ((), ())),
                         preferred_element_type=F32)
    i_c = lax.broadcasted_iota(I32, (NC, NC), 0)
    j_c = lax.broadcasted_iota(I32, (NC, NC), 1)
    Tinc = (i_c <= j_c).astype(F32)
    c32 = lax.dot_general(cs, Tinc, (((1,), (0,)), ((), ())),
                          preferred_element_type=F32)
    excl = c32 - cs
    cnt = c32[:, NC - 1:NC]

    i_t = lax.broadcasted_iota(I32, (128, 128), 0)
    j_t = lax.broadcasted_iota(I32, (128, 128), 1)
    T128 = (i_t <= j_t).astype(F32)
    if NC < NQ * 8:
        cw_ref[...] = jnp.zeros((ST, NQ * 8, 128), F32)
    for j in range(NC):
        mj = mask[:, j * 128:(j + 1) * 128]
        cw_ref[:, j, :] = lax.dot_general(
            mj, T128, (((1,), (0,)), ((), ())), preferred_element_type=F32)

    kio = lax.broadcasted_iota(I32, (ST, K), 1).astype(F32)
    jk_cols = []
    for k in range(K):
        jk_cols.append(jnp.sum((c32 <= float(k)).astype(F32), axis=1,
                               keepdims=True))
    jk = jnp.concatenate(jk_cols, axis=1).astype(I32)
    jk = jnp.minimum(jk, NC - 1)

    base = jnp.take_along_axis(excl, jk, axis=1,
                               mode="promise_in_bounds")
    tk = kio - base

    jq3 = jnp.broadcast_to((jk % 8)[:, :, None], (ST, K, 128))
    hi3 = jnp.broadcast_to((jk // 8)[:, :, None], (ST, K, 128))
    rows = jnp.zeros((ST, K, 128), F32)
    for q in range(NQ):
        slab = cw_ref[:, q * 8:(q + 1) * 8, :]
        g = jnp.take_along_axis(slab, jq3, axis=1, mode="promise_in_bounds")
        rows = jnp.where(hi3 == q, g, rows)
    pos = jnp.sum((rows <= tk[:, :, None]).astype(F32), axis=2)

    lidx = jk * 128 + pos.astype(I32)
    valid = kio < cnt
    first = jnp.broadcast_to(lidx[:, 0:1], (ST, K))
    nonempty = cnt > 0.0
    lidx = jnp.where(valid, lidx, jnp.where(nonempty, first, 0))
    idx_ref[0] = lidx + b * N


def _run_ballquery(xyz_t, new_t, radius, K):
    B, _, N = xyz_t.shape
    S = new_t.shape[2]
    ST = min(S, 256)
    NC = N // 128
    NQ = (NC + 7) // 8
    kern = functools.partial(_ballquery_kernel, r2=float(radius) ** 2, K=K,
                             N=N, S=S, ST=ST)
    return pl.pallas_call(
        kern,
        grid=(B, S // ST),
        in_specs=[
            pl.BlockSpec((1, 3, N), lambda b, t: (b, 0, 0)),
            pl.BlockSpec((1, 3, ST), lambda b, t: (b, 0, t)),
        ],
        out_specs=pl.BlockSpec((1, ST, K), lambda b, t: (b, t, 0)),
        out_shape=jax.ShapeDtypeStruct((B, S, K), I32),
        scratch_shapes=[pltpu.VMEM((ST, NQ * 8, 128), F32)],
    )(xyz_t, new_t)



def _sc_gather(table, idx):
    M = idx.shape[0]
    D = table.shape[1]
    info = plsc.get_sparse_core_info()
    NW = info.num_cores * info.num_subcores
    per_w = M // NW
    CH = 128
    steps = per_w // CH
    mesh = plsc.VectorSubcoreMesh(core_axis_name="c", subcore_axis_name="s")

    @functools.partial(
        pl.kernel, mesh=mesh,
        out_type=jax.ShapeDtypeStruct((M, D), F32),
        scratch_types=[
            pltpu.VMEM((CH,), I32),
            pltpu.VMEM((CH, D), F32),
            pltpu.SemaphoreType.DMA,
        ],
    )
    def k(table_hbm, idx_hbm, out_hbm, idx_v, rows_v, sem):
        wid = lax.axis_index("s") * info.num_cores + lax.axis_index("c")
        base = wid * per_w

        def body(t, carry):
            off = base + t * CH
            pltpu.sync_copy(idx_hbm.at[pl.ds(off, CH)], idx_v)
            pltpu.async_copy(table_hbm.at[idx_v], rows_v, sem).wait()
            pltpu.sync_copy(rows_v, out_hbm.at[pl.ds(off, CH)])
            return carry

        lax.fori_loop(0, steps, body, 0)

    return k(table, idx)



def _stats_kernel(rows_ref, ctr_ref, w_ref, s1_ref, s2_ref, *, ST, K, Cp, O):
    t = pl.program_id(0) * pl.num_programs(1) + pl.program_id(1)

    @pl.when(t == 0)
    def _():
        s1_ref[...] = jnp.zeros_like(s1_ref)
        s2_ref[...] = jnp.zeros_like(s2_ref)

    g = rows_ref[0].reshape(ST, K, Cp) - ctr_ref[0][:, None, :]
    y = lax.dot_general(g.reshape(ST * K, Cp), w_ref[...],
                        (((1,), (1,)), ((), ())),
                        preferred_element_type=F32)
    s1_ref[...] += jnp.sum(y, axis=0)[None, :]
    s2_ref[...] += jnp.sum(y * y, axis=0)[None, :]


def _run_stats(rows, ctr, W, ST):
    B, SK, Cp = rows.shape
    S = ctr.shape[1]
    K = SK // S
    O = W.shape[0]
    kern = functools.partial(_stats_kernel, ST=ST, K=K, Cp=Cp, O=O)
    return pl.pallas_call(
        kern,
        grid=(B, S // ST),
        in_specs=[
            pl.BlockSpec((1, ST * K, Cp), lambda b, t: (b, t, 0)),
            pl.BlockSpec((1, ST, Cp), lambda b, t: (b, t, 0)),
            pl.BlockSpec(W.shape, lambda b, t: (0, 0)),
        ],
        out_specs=[
            pl.BlockSpec((1, O), lambda b, t: (0, 0)),
            pl.BlockSpec((1, O), lambda b, t: (0, 0)),
        ],
        out_shape=[
            jax.ShapeDtypeStruct((1, O), F32),
            jax.ShapeDtypeStruct((1, O), F32),
        ],
    )(rows, ctr, W)


def _layer2_kernel(rows_ref, ctr_ref, w_ref, s1_ref, s2_ref, w2_ref,
                   p_ref, t1_ref, t2_ref, *, ST, K, Cp, O, O2, count):
    t = pl.program_id(0) * pl.num_programs(1) + pl.program_id(1)

    @pl.when(t == 0)
    def _():
        t1_ref[...] = jnp.zeros_like(t1_ref)
        t2_ref[...] = jnp.zeros_like(t2_ref)

    m = s1_ref[...] / count
    v = s2_ref[...] / count - m * m
    g = rows_ref[0].reshape(ST, K, Cp) - ctr_ref[0][:, None, :]
    y1 = lax.dot_general(g.reshape(ST * K, Cp), w_ref[...],
                         (((1,), (1,)), ((), ())),
                         preferred_element_type=F32)
    h1 = jnp.maximum((y1 - m) / jnp.sqrt(v + EPS), 0.0)
    y2 = lax.dot_general(h1, w2_ref[...], (((1,), (1,)), ((), ())),
                         preferred_element_type=F32)
    t1_ref[...] += jnp.sum(y2, axis=0)[None, :]
    t2_ref[...] += jnp.sum(y2 * y2, axis=0)[None, :]
    p_ref[0] = jnp.max(y2.reshape(ST, K, O2), axis=1)


def _run_layer2(rows, ctr, W, s1, s2, W2, count, ST):
    B, SK, Cp = rows.shape
    S = ctr.shape[1]
    K = SK // S
    O = W.shape[0]
    O2 = W2.shape[0]
    kern = functools.partial(_layer2_kernel, ST=ST, K=K, Cp=Cp, O=O, O2=O2,
                             count=float(count))
    return pl.pallas_call(
        kern,
        grid=(B, S // ST),
        in_specs=[
            pl.BlockSpec((1, ST * K, Cp), lambda b, t: (b, t, 0)),
            pl.BlockSpec((1, ST, Cp), lambda b, t: (b, t, 0)),
            pl.BlockSpec(W.shape, lambda b, t: (0, 0)),
            pl.BlockSpec((1, O), lambda b, t: (0, 0)),
            pl.BlockSpec((1, O), lambda b, t: (0, 0)),
            pl.BlockSpec(W2.shape, lambda b, t: (0, 0)),
        ],
        out_specs=[
            pl.BlockSpec((1, ST, O2), lambda b, t: (b, t, 0)),
            pl.BlockSpec((1, O2), lambda b, t: (0, 0)),
            pl.BlockSpec((1, O2), lambda b, t: (0, 0)),
        ],
        out_shape=[
            jax.ShapeDtypeStruct((B, S, O2), F32),
            jax.ShapeDtypeStruct((1, O2), F32),
            jax.ShapeDtypeStruct((1, O2), F32),
        ],
    )(rows, ctr, W, s1, s2, W2)


def _pool_kernel(rows_ref, ctr_ref, w_ref, p_ref, s1_ref, s2_ref,
                 *, ST, K, Cp, O):
    t = pl.program_id(0) * pl.num_programs(1) + pl.program_id(1)

    @pl.when(t == 0)
    def _():
        s1_ref[...] = jnp.zeros_like(s1_ref)
        s2_ref[...] = jnp.zeros_like(s2_ref)

    g = rows_ref[0].reshape(ST, K, Cp) - ctr_ref[0][:, None, :]
    y = lax.dot_general(g.reshape(ST * K, Cp), w_ref[...],
                        (((1,), (1,)), ((), ())),
                        preferred_element_type=F32)
    s1_ref[...] += jnp.sum(y, axis=0)[None, :]
    s2_ref[...] += jnp.sum(y * y, axis=0)[None, :]
    p_ref[0] = jnp.max(y.reshape(ST, K, O), axis=1)


def _run_pool(rows, ctr, W, ST):
    B, SK, Cp = rows.shape
    S = ctr.shape[1]
    K = SK // S
    O = W.shape[0]
    kern = functools.partial(_pool_kernel, ST=ST, K=K, Cp=Cp, O=O)
    return pl.pallas_call(
        kern,
        grid=(B, S // ST),
        in_specs=[
            pl.BlockSpec((1, ST * K, Cp), lambda b, t: (b, t, 0)),
            pl.BlockSpec((1, ST, Cp), lambda b, t: (b, t, 0)),
            pl.BlockSpec(W.shape, lambda b, t: (0, 0)),
        ],
        out_specs=[
            pl.BlockSpec((1, ST, O), lambda b, t: (b, t, 0)),
            pl.BlockSpec((1, O), lambda b, t: (0, 0)),
            pl.BlockSpec((1, O), lambda b, t: (0, 0)),
        ],
        out_shape=[
            jax.ShapeDtypeStruct((B, S, O), F32),
            jax.ShapeDtypeStruct((1, O), F32),
            jax.ShapeDtypeStruct((1, O), F32),
        ],
    )(rows, ctr, W)


def _finalize_kernel(p_ref, s1_ref, s2_ref, f_ref, *, count):
    p = p_ref[0]
    m = s1_ref[...] / count
    v = s2_ref[...] / count - m * m
    f_ref[0] = jnp.maximum((p - m) / jnp.sqrt(v + EPS), 0.0)


def _run_finalize(p, s1, s2, count):
    B, S, O = p.shape
    kern = functools.partial(_finalize_kernel, count=float(count))
    return pl.pallas_call(
        kern,
        grid=(B,),
        in_specs=[
            pl.BlockSpec((1, S, O), lambda b: (b, 0, 0)),
            pl.BlockSpec((1, O), lambda b: (0, 0)),
            pl.BlockSpec((1, O), lambda b: (0, 0)),
        ],
        out_specs=pl.BlockSpec((1, S, O), lambda b: (b, 0, 0)),
        out_shape=jax.ShapeDtypeStruct((B, S, O), F32),
    )(p, s1, s2)



def _pre_kernel(d0_ref, d1_ref, wd0_ref, wd1_ref,
                r0_ref, r1_ref, a1_ref, a2_ref, b1_ref, b2_ref):
    t = pl.program_id(0)

    @pl.when(t == 0)
    def _():
        a1_ref[...] = jnp.zeros_like(a1_ref)
        a2_ref[...] = jnp.zeros_like(a2_ref)
        b1_ref[...] = jnp.zeros_like(b1_ref)
        b2_ref[...] = jnp.zeros_like(b2_ref)

    r0 = lax.dot_general(d0_ref[0], wd0_ref[...], (((1,), (1,)), ((), ())),
                         preferred_element_type=F32)
    r1 = lax.dot_general(d1_ref[0], wd1_ref[...], (((1,), (1,)), ((), ())),
                         preferred_element_type=F32)
    r0_ref[0] = r0
    r1_ref[0] = r1
    a1_ref[...] += jnp.sum(r0, axis=0)[None, :]
    a2_ref[...] += jnp.sum(r0 * r0, axis=0)[None, :]
    b1_ref[...] += jnp.sum(r1, axis=0)[None, :]
    b2_ref[...] += jnp.sum(r1 * r1, axis=0)[None, :]


def _y4_kernel(x3_ref, r0_ref, r1_ref, p3_ref, a1_ref, a2_ref, b1_ref,
               b2_ref, s31_ref, s32_ref, w4_ref, pool_ref, s41_ref, s42_ref,
               *, S, cds, c3):
    t = pl.program_id(0)

    @pl.when(t == 0)
    def _():
        s41_ref[...] = jnp.zeros_like(s41_ref)
        s42_ref[...] = jnp.zeros_like(s42_ref)

    def norm(x, s1, s2, cnt):
        m = s1 / cnt
        v = s2 / cnt - m * m
        return jnp.maximum((x - m) / jnp.sqrt(v + EPS), 0.0)

    r0 = norm(r0_ref[0], a1_ref[...], a2_ref[...], cds)
    r1 = norm(r1_ref[0], b1_ref[...], b2_ref[...], cds)
    f3 = norm(p3_ref[0], s31_ref[...], s32_ref[...], c3)
    xyz_rows = jnp.transpose(x3_ref[0], (1, 0))
    grouped = jnp.concatenate([xyz_rows, r0, r1, f3], axis=1)
    y4 = lax.dot_general(grouped, w4_ref[...], (((1,), (1,)), ((), ())),
                         preferred_element_type=F32)
    s41_ref[...] += jnp.sum(y4, axis=0)[None, :]
    s42_ref[...] += jnp.sum(y4 * y4, axis=0)[None, :]
    pool_ref[0] = jnp.max(y4, axis=0, keepdims=True)


def _fc_kernel(pool_ref, s41_ref, s42_ref, wf1_ref, wf2_ref, out_ref, *, c4):
    m4 = s41_ref[...] / c4
    v4 = s42_ref[...] / c4 - m4 * m4
    g = jnp.maximum((pool_ref[...] - m4) / jnp.sqrt(v4 + EPS), 0.0)

    def bnrelu(x):
        cnt = x.shape[0]
        m = jnp.sum(x, axis=0, keepdims=True) / cnt
        v = jnp.sum(x * x, axis=0, keepdims=True) / cnt - m * m
        return jnp.maximum((x - m) / jnp.sqrt(v + EPS), 0.0)

    h = bnrelu(lax.dot_general(g, wf1_ref[...], (((1,), (1,)), ((), ())),
                               preferred_element_type=F32))
    out_ref[...] = bnrelu(lax.dot_general(h, wf2_ref[...],
                                          (((1,), (1,)), ((), ())),
                                          preferred_element_type=F32))


def _run_final(x3_t, d0rows, d1rows, p3, s31, s32, Wd0, Wd1, W4, Wf1, Wf2):
    B, _, S = x3_t.shape
    c3 = float(B * S * 64)
    cds = float(B * S)
    d0 = d0rows.reshape(B, S, 128)
    d1 = d1rows.reshape(B, S, 256)
    r0p, r1p, a1, a2, b1, b2 = pl.pallas_call(
        _pre_kernel,
        grid=(B,),
        in_specs=[
            pl.BlockSpec((1, S, 128), lambda b: (b, 0, 0)),
            pl.BlockSpec((1, S, 256), lambda b: (b, 0, 0)),
            pl.BlockSpec(Wd0.shape, lambda b: (0, 0)),
            pl.BlockSpec(Wd1.shape, lambda b: (0, 0)),
        ],
        out_specs=[
            pl.BlockSpec((1, S, 256), lambda b: (b, 0, 0)),
            pl.BlockSpec((1, S, 256), lambda b: (b, 0, 0)),
            pl.BlockSpec((1, 256), lambda b: (0, 0)),
            pl.BlockSpec((1, 256), lambda b: (0, 0)),
            pl.BlockSpec((1, 256), lambda b: (0, 0)),
            pl.BlockSpec((1, 256), lambda b: (0, 0)),
        ],
        out_shape=[
            jax.ShapeDtypeStruct((B, S, 256), F32),
            jax.ShapeDtypeStruct((B, S, 256), F32),
            jax.ShapeDtypeStruct((1, 256), F32),
            jax.ShapeDtypeStruct((1, 256), F32),
            jax.ShapeDtypeStruct((1, 256), F32),
            jax.ShapeDtypeStruct((1, 256), F32),
        ],
    )(d0, d1, Wd0, Wd1)

    kern4 = functools.partial(_y4_kernel, S=S, cds=cds, c3=c3)
    pooled, s41, s42 = pl.pallas_call(
        kern4,
        grid=(B,),
        in_specs=[
            pl.BlockSpec((1, 3, S), lambda b: (b, 0, 0)),
            pl.BlockSpec((1, S, 256), lambda b: (b, 0, 0)),
            pl.BlockSpec((1, S, 256), lambda b: (b, 0, 0)),
            pl.BlockSpec((1, S, 256), lambda b: (b, 0, 0)),
            pl.BlockSpec((1, 256), lambda b: (0, 0)),
            pl.BlockSpec((1, 256), lambda b: (0, 0)),
            pl.BlockSpec((1, 256), lambda b: (0, 0)),
            pl.BlockSpec((1, 256), lambda b: (0, 0)),
            pl.BlockSpec((1, 256), lambda b: (0, 0)),
            pl.BlockSpec((1, 256), lambda b: (0, 0)),
            pl.BlockSpec(W4.shape, lambda b: (0, 0)),
        ],
        out_specs=[
            pl.BlockSpec((1, 1, 1024), lambda b: (b, 0, 0)),
            pl.BlockSpec((1, 1024), lambda b: (0, 0)),
            pl.BlockSpec((1, 1024), lambda b: (0, 0)),
        ],
        out_shape=[
            jax.ShapeDtypeStruct((B, 1, 1024), F32),
            jax.ShapeDtypeStruct((1, 1024), F32),
            jax.ShapeDtypeStruct((1, 1024), F32),
        ],
    )(x3_t, r0p, r1p, p3, a1, a2, b1, b2, s31, s32, W4)
    pooled = pooled.reshape(B, 1024)

    kernf = functools.partial(_fc_kernel, c4=cds)
    return pl.pallas_call(
        kernf,
        out_shape=jax.ShapeDtypeStruct((B, 512), F32),
    )(pooled, s41, s42, Wf1, Wf2)



def kernel(pointcloud, params):
    B, N, _ = pointcloud.shape
    pc_t = jnp.transpose(pointcloud, (0, 2, 1))

    W1a, _, _ = params['sa1'][0]
    W1b, _, _ = params['sa1'][1]
    W2a, _, _ = params['sa2'][0]
    W2b, _, _ = params['sa2'][1]
    W3a, _, _ = params['sa3'][0]
    Wd0, _, _ = params['ds0']
    Wd1, _, _ = params['ds1']
    W4, _, _ = params['sa4'][0]
    Wf1, _, _ = params['fc'][0]
    Wf2, _, _ = params['fc'][1]

    def padc(x, c):
        return jnp.pad(x, ((0, 0),) * (x.ndim - 1) + ((0, c - x.shape[-1]),))

    x1_t, x2_t, x3_t, fid2, fid3 = _run_fps(pc_t)
    idx1 = _run_ballquery(pc_t, x1_t, 0.23, 48)
    idx2 = _run_ballquery(x1_t, x2_t, 0.32, 64)
    idx3 = _run_ballquery(x2_t, x3_t, 0.32, 64)

    x1r = jnp.transpose(x1_t, (0, 2, 1))
    x2r = jnp.transpose(x2_t, (0, 2, 1))
    x3r = jnp.transpose(x3_t, (0, 2, 1))

    S1, K1, O1 = 1024, 48, 128
    C1 = 128
    T1 = padc(pointcloud.reshape(B * N, 3), C1)
    rows1 = _sc_gather(T1, idx1.reshape(B * S1 * K1)).reshape(B, S1 * K1, C1)
    ctr1 = padc(x1r, C1)
    W1ap = padc(W1a, C1)
    c1 = B * S1 * K1
    s11, s12 = _run_stats(rows1, ctr1, W1ap, 128)
    p2, t21, t22 = _run_layer2(rows1, ctr1, W1ap, s11, s12, W1b, c1, 128)
    f1 = _run_finalize(p2, t21, t22, c1)

    S2, K2, O2 = 512, 64, 256
    C2 = 256
    T2 = padc(jnp.concatenate([x1r, f1], axis=2).reshape(B * S1, 131), C2)
    rows2 = _sc_gather(T2, idx2.reshape(B * S2 * K2)).reshape(B, S2 * K2, C2)
    ctr2 = padc(x2r, C2)
    W2ap = padc(W2a, C2)
    c2 = B * S2 * K2
    s21, s22 = _run_stats(rows2, ctr2, W2ap, 64)
    p3q, t31, t32 = _run_layer2(rows2, ctr2, W2ap, s21, s22, W2b, c2, 64)
    f2 = _run_finalize(p3q, t31, t32, c2)

    S3, K3, O3 = 256, 64, 256
    C3 = 384
    T3 = padc(jnp.concatenate([x2r, f2], axis=2).reshape(B * S2, 259), C3)
    rows3 = _sc_gather(T3, idx3.reshape(B * S3 * K3)).reshape(B, S3 * K3, C3)
    ctr3 = padc(x3r, C3)
    W3ap = padc(W3a, C3)
    p3, s31, s32 = _run_pool(rows3, ctr3, W3ap, 64)

    boff1 = (jnp.arange(B, dtype=I32) * S1)[:, None]
    boff2 = (jnp.arange(B, dtype=I32) * S2)[:, None]
    gd0 = (fid2[:, :256] + boff1).reshape(B * 256)
    gd1 = (fid3 + boff2).reshape(B * 256)
    d0rows = _sc_gather(T2, gd0)[:, 3:131]
    d1rows = _sc_gather(T3, gd1)[:, 3:259]

    return _run_final(x3_t, d0rows, d1rows, p3, s31, s32,
                      Wd0, Wd1, W4, Wf1, Wf2)

# --- scband reference (transcript-rebuilt; emitter-appended) ---
"""Pipeline reference for scband-rscnn-ms-6158983102650 (READ-ONLY COPY).

The authoritative reference and input builder live on the scoring server;
editing this copy changes nothing except your own understanding.
"""

import jax, jax.numpy as jnp
import numpy as np

EPS = 1e-5

def batchnorm(x, g, b):
    axes = (0,) + tuple(range(2, x.ndim))
    m = jnp.mean(x, axis=axes, keepdims=True)
    v = jnp.var(x, axis=axes, keepdims=True)
    shape = (1, -1) + (1,) * (x.ndim - 2)
    return (x - m) / jnp.sqrt(v + EPS) * g.reshape(shape) + b.reshape(shape)

def fps(xyz, npoint):
    N = xyz.shape[1]
    def one(pts):
        def body(i, state):
            idxs, dist, last = state
            d = jnp.sum((pts - pts[last]) ** 2, axis=-1)
            dist = jnp.minimum(dist, d)
            nxt = jnp.argmax(dist).astype(jnp.int32)
            idxs = idxs.at[i].set(nxt)
            return (idxs, dist, nxt)
        idxs0 = jnp.zeros((npoint,), dtype=jnp.int32)
        state = (idxs0, jnp.full((N,), 1e10, dtype=jnp.float32), jnp.int32(0))
        idxs, _, _ = jax.lax.fori_loop(1, npoint, body, state)
        return idxs
    return jax.vmap(one)(xyz)

def sq_dist(a, b):
    return (jnp.sum(a ** 2, -1)[:, :, None] + jnp.sum(b ** 2, -1)[:, None, :]
            - 2.0 * jnp.einsum('bsd,bnd->bsn', a, b))

def ball_query(radius, nsample, xyz, new_xyz):
    N = xyz.shape[1]
    d = sq_dist(new_xyz, xyz)
    mask = d <= radius ** 2
    idx = jnp.where(mask, jnp.arange(N, dtype=jnp.int32)[None, None, :], N)
    idx = jnp.sort(idx, axis=-1)[:, :, :nsample]
    first = idx[:, :, :1]
    idx = jnp.where(idx == N, first, idx)
    idx = jnp.where(idx == N, 0, idx).astype(jnp.int32)
    return idx

def index_points(points, idx):
    return jax.vmap(lambda p, i: p[i])(points, idx)

def shared_mlp(x, layers):
    for (W, g, b) in layers:
        x = jnp.einsum('oc,bcsk->bosk', W, x)
        x = jax.nn.relu(batchnorm(x, g, b))
    return x

def sa_module(xyz, features, npoint, radius, nsample, layers):
    fidx = fps(xyz, npoint)
    new_xyz = index_points(xyz, fidx)
    idx = ball_query(radius, nsample, xyz, new_xyz)
    grouped_xyz = index_points(xyz, idx) - new_xyz[:, :, None, :]
    if features is not None:
        grouped_feat = index_points(jnp.transpose(features, (0, 2, 1)), idx)
        grouped = jnp.concatenate([grouped_xyz, grouped_feat], axis=-1)
    else:
        grouped = grouped_xyz
    x = jnp.transpose(grouped, (0, 3, 1, 2))
    x = shared_mlp(x, layers)
    return new_xyz, jnp.max(x, axis=-1)

def sa_group_all(xyz, features, layers):
    grouped = jnp.concatenate([jnp.transpose(xyz, (0, 2, 1)), features], axis=1)[:, :, None, :]
    x = shared_mlp(grouped, layers)
    return jnp.max(x, axis=-1)

def downsample(xyz, features, W, g, b):
    fidx = fps(xyz, 256)
    feat = jax.vmap(lambda f, i: f[:, i])(features, fidx)
    x = jnp.einsum('oc,bcn->bon', W, feat)
    return jax.nn.relu(batchnorm(x, g, b))

def forward(pointcloud, params):
    xyz = pointcloud[..., :3]
    xyz1, f1 = sa_module(xyz, None, 1024, 0.23, 48, params['sa1'])
    xyz2, f2 = sa_module(xyz1, f1, 512, 0.32, 64, params['sa2'])
    xyz3, f3 = sa_module(xyz2, f2, 256, 0.32, 64, params['sa3'])
    r0 = downsample(xyz1, f1, *params['ds0'])
    r1 = downsample(xyz2, f2, *params['ds1'])
    feats = jnp.concatenate([r0, r1, f3], axis=1)
    g = sa_group_all(xyz3, feats, params['sa4'])
    x = g[:, :, 0]
    for (W, ga, be) in params['fc']:
        x = jax.nn.relu(batchnorm(x @ W.T, ga, be))
    return x

def setup_inputs(seed: int = 0):
    key = jax.random.key(seed)
    ks = jax.random.split(key, 12)
    B, N = 16, 4096
    pointcloud = jax.random.uniform(ks[0], (B, N, 3), dtype=jnp.float32)
    def mk(k, o, i):
        return (jax.random.normal(k, (o, i), dtype=jnp.float32) * 0.02,
                jnp.ones((o,), jnp.float32), jnp.zeros((o,), jnp.float32))
    params = {
        'sa1': [mk(ks[1], 128, 3), mk(ks[2], 128, 128)],
        'sa2': [mk(ks[3], 256, 131), mk(ks[4], 256, 256)],
        'sa3': [mk(ks[5], 256, 259)],
        'ds0': mk(ks[6], 256, 128),
        'ds1': mk(ks[7], 256, 256),
        'sa4': [mk(ks[8], 1024, 771)],
        'fc': [mk(ks[9], 512, 1024), mk(ks[10], 512, 512)],
    }
    return {'pointcloud': pointcloud, 'params': params}

def reference(pointcloud, params):
    return forward(pointcloud, params)

if __name__ == "__main__":
    import jax
    _d = setup_inputs()
    print(jax.jit(kernel)(*tuple(_d.values())))

</pallas_src>

<mosaic_0001>
#map = affine_map<(d0, d1) -> (0, 0)>
#map1 = affine_map<(d0, d1) -> (0)>
module attributes {stable_mosaic.version = 14 : i64} {
  func.func @k(%arg0: i32, %arg1: i32, %arg2: memref<16384x256xf32, #tpu.memory_space<hbm>>, %arg3: memref<4096xi32, #tpu.memory_space<hbm>>, %arg4: memref<4096x256xf32, #tpu.memory_space<hbm>>, %arg5: memref<128xi32, #tpu.memory_space<vmem>>, %arg6: memref<128x256xf32, #tpu.memory_space<vmem>>, %arg7: memref<!tpu.dma_semaphore, #tpu.memory_space<semaphore_mem>>) attributes {dimension_semantics = [#tpu.dimension_semantics<core_parallel>, #tpu.dimension_semantics<subcore_parallel>], iteration_bounds = array<i64: 2, 16>, scalar_prefetch = 0 : i64, scratch_operands = 3 : i64, tpu.core_type = #tpu.core_type<sc_vector_subcore>, window_params = [{transform_indices = #map}, {transform_indices = #map1}, {transform_indices = #map}]} {
    %mul3A = arith.constant 2 : i32
    %mul3A_0 = arith.muli %arg1, %mul3A : i32
    %add3A = arith.addi %mul3A_0, %arg0 : i32
    %mul3A_1 = arith.constant 128 : i32
    %mul3A_2 = arith.muli %add3A, %mul3A_1 : i32
    %scan3A = arith.constant 0 : i32
    %scan3A_3 = arith.constant 0 : i32
    %mul3A_4 = arith.constant 128 : i32
    %mul3A_5 = arith.muli %scan3A_3, %mul3A_4 : i32
    %add3A_6 = arith.addi %mul3A_2, %mul3A_5 : i32
    "tpu.region"() ({
      %run_scoped3A = tpu.sem_alloc : memref<!tpu.dma_semaphore, #tpu.memory_space<semaphore_mem>>
      %dma_start3A_12 = tpu.memref_slice %arg3[%add3A_6] : memref<4096xi32, #tpu.memory_space<hbm>> -> memref<128xi32, #tpu.memory_space<hbm>>
      %dma_start3A_13 = tpu.memref_slice %arg3[%add3A_6] : memref<4096xi32, #tpu.memory_space<hbm>> -> memref<128xi32, #tpu.memory_space<hbm>>
      tpu.enqueue_dma source(%dma_start3A_13 : memref<128xi32, #tpu.memory_space<hbm>>) target(%arg5 : memref<128xi32, #tpu.memory_space<vmem>>) target_semaphore(%run_scoped3A : memref<!tpu.dma_semaphore, #tpu.memory_space<semaphore_mem>>)
      %dma_wait3A_14 = tpu.memref_slice %arg3[%add3A_6] : memref<4096xi32, #tpu.memory_space<hbm>> -> memref<128xi32, #tpu.memory_space<hbm>>
      %dma_wait3A_15 = tpu.memref_slice %arg3[%add3A_6] : memref<4096xi32, #tpu.memory_space<hbm>> -> memref<128xi32, #tpu.memory_space<hbm>>
      tpu.wait_dma2 semaphore(%run_scoped3A : memref<!tpu.dma_semaphore, #tpu.memory_space<semaphore_mem>>) src(%dma_wait3A_15 : memref<128xi32, #tpu.memory_space<hbm>>) dst(%arg5 : memref<128xi32, #tpu.memory_space<vmem>>)
      tpu.yield
    }) : () -> ()
    %dma_start3A = arith.constant 0 : i32
    %dma_start3A_7 = arith.constant 0 : i32
    %dma_start3A_8 = tpu.memref_slice %arg2[%dma_start3A, %dma_start3A_7] : memref<16384x256xf32, #tpu.memory_space<hbm>> -> memref<16384x256xf32, #tpu.memory_space<hbm>>
    tpu.enqueue_indirect_dma source(%dma_start3A_8 : memref<16384x256xf32, #tpu.memory_space<hbm>>) target(%arg6 : memref<128x256xf32, #tpu.memory_space<vmem>>) offsets(%arg5 : memref<128xi32, #tpu.memory_space<vmem>>) semaphore(%arg7 : memref<!tpu.dma_semaphore, #tpu.memory_space<semaphore_mem>>)
    %dma_wait3A = arith.constant 0 : i32
    %dma_wait3A_9 = arith.constant 0 : i32
    %dma_wait3A_10 = tpu.memref_slice %arg2[%dma_wait3A, %dma_wait3A_9] : memref<16384x256xf32, #tpu.memory_space<hbm>> -> memref<16384x256xf32, #tpu.memory_space<hbm>>
    tpu.wait_indirect_dma semaphore(%arg7 : memref<!tpu.dma_semaphore, #tpu.memory_space<semaphore_mem>>) src(%dma_wait3A_10 : memref<16384x256xf32, #tpu.memory_space<hbm>>) dst(%arg6 : memref<128x256xf32, #tpu.memory_space<vmem>>)
    "tpu.region"() ({
      %run_scoped3A = tpu.sem_alloc : memref<!tpu.dma_semaphore, #tpu.memory_space<semaphore_mem>>
      %dma_start3A_12 = arith.constant 0 : i32
      %dma_start3A_13 = tpu.memref_slice %arg4[%add3A_6, %dma_start3A_12] : memref<4096x256xf32, #tpu.memory_space<hbm>> -> memref<128x256xf32, #tpu.memory_space<hbm>>
      %dma_start3A_14 = arith.constant 0 : i32
      %dma_start3A_15 = tpu.memref_slice %arg4[%add3A_6, %dma_start3A_14] : memref<4096x256xf32, #tpu.memory_space<hbm>> -> memref<128x256xf32, #tpu.memory_space<hbm>>
      tpu.enqueue_dma source(%arg6 : memref<128x256xf32, #tpu.memory_space<vmem>>) target(%dma_start3A_15 : memref<128x256xf32, #tpu.memory_space<hbm>>) target_semaphore(%run_scoped3A : memref<!tpu.dma_semaphore, #tpu.memory_space<semaphore_mem>>)
      %dma_wait3A_16 = arith.constant 0 : i32
      %dma_wait3A_17 = tpu.memref_slice %arg4[%add3A_6, %dma_wait3A_16] : memref<4096x256xf32, #tpu.memory_space<hbm>> -> memref<128x256xf32, #tpu.memory_space<hbm>>
      %dma_wait3A_18 = arith.constant 0 : i32
      %dma_wait3A_19 = tpu.memref_slice %arg4[%add3A_6, %dma_wait3A_18] : memref<4096x256xf32, #tpu.memory_space<hbm>> -> memref<128x256xf32, #tpu.memory_space<hbm>>
      tpu.wait_dma2 semaphore(%run_scoped3A : memref<!tpu.dma_semaphore, #tpu.memory_space<semaphore_mem>>) src(%arg6 : memref<128x256xf32, #tpu.memory_space<vmem>>) dst(%dma_wait3A_19 : memref<128x256xf32, #tpu.memory_space<hbm>>)
      tpu.yield
    }) : () -> ()
    %scan3A_11 = arith.constant 1 : i32
    return
  }
}

#map = affine_map<(d0, d1) -> (0, 0)>
#map1 = affine_map<(d0, d1) -> (0)>
module attributes {stable_mosaic.version = 14 : i64} {
  func.func @k(%arg0: i32, %arg1: i32, %arg2: memref<65536x128xf32, #tpu.memory_space<hbm>>, %arg3: memref<786432xi32, #tpu.memory_space<hbm>>, %arg4: memref<786432x128xf32, #tpu.memory_space<hbm>>, %arg5: memref<128xi32, #tpu.memory_space<vmem>>, %arg6: memref<128x128xf32, #tpu.memory_space<vmem>>, %arg7: memref<!tpu.dma_semaphore, #tpu.memory_space<semaphore_mem>>) attributes {dimension_semantics = [#tpu.dimension_semantics<core_parallel>, #tpu.dimension_semantics<subcore_parallel>], iteration_bounds = array<i64: 2, 16>, scalar_prefetch = 0 : i64, scratch_operands = 3 : i64, tpu.core_type = #tpu.core_type<sc_vector_subcore>, window_params = [{transform_indices = #map}, {transform_indices = #map1}, {transform_indices = #map}]} {
    %mul3A = arith.constant 2 : i32
    %mul3A_0 = arith.muli %arg1, %mul3A : i32
    %add3A = arith.addi %mul3A_0, %arg0 : i32
    %mul3A_1 = arith.constant 24576 : i32
    %mul3A_2 = arith.muli %add3A, %mul3A_1 : i32
    %scan3A = arith.constant 0 : i32
    %scan3A_3 = arith.constant 0 : i32
    %scan3A_4 = arith.constant 192 : i32
    %scan3A_5 = arith.addi %scan3A_3, %scan3A_4 : i32
    %scan3A_6 = arith.constant 1 : i32
    scf.for %scan3A_8 = %scan3A_3 to %scan3A_5 step %scan3A_6  : i32 {
      %mul3A_9 = arith.constant 128 : i32
      %mul3A_10 = arith.muli %scan3A_8, %mul3A_9 : i32
      %add3A_11 = arith.addi %mul3A_2, %mul3A_10 : i32
      "tpu.region"() ({
        %run_scoped3A = tpu.sem_alloc : memref<!tpu.dma_semaphore, #tpu.memory_space<semaphore_mem>>
        %dma_start3A_16 = tpu.memref_slice %arg3[%add3A_11] : memref<786432xi32, #tpu.memory_space<hbm>> -> memref<128xi32, #tpu.memory_space<hbm>>
        %dma_start3A_17 = tpu.memref_slice %arg3[%add3A_11] : memref<786432xi32, #tpu.memory_space<hbm>> -> memref<128xi32, #tpu.memory_space<hbm>>
        tpu.enqueue_dma source(%dma_start3A_17 : memref<128xi32, #tpu.memory_space<hbm>>) target(%arg5 : memref<128xi32, #tpu.memory_space<vmem>>) target_semaphore(%run_scoped3A : memref<!tpu.dma_semaphore, #tpu.memory_space<semaphore_mem>>)
        %dma_wait3A_18 = tpu.memref_slice %arg3[%add3A_11] : memref<786432xi32, #tpu.memory_space<hbm>> -> memref<128xi32, #tpu.memory_space<hbm>>
        %dma_wait3A_19 = tpu.memref_slice %arg3[%add3A_11] : memref<786432xi32, #tpu.memory_space<hbm>> -> memref<128xi32, #tpu.memory_space<hbm>>
        tpu.wait_dma2 semaphore(%run_scoped3A : memref<!tpu.dma_semaphore, #tpu.memory_space<semaphore_mem>>) src(%dma_wait3A_19 : memref<128xi32, #tpu.memory_space<hbm>>) dst(%arg5 : memref<128xi32, #tpu.memory_space<vmem>>)
        tpu.yield
      }) : () -> ()
      %dma_start3A = arith.constant 0 : i32
      %dma_start3A_12 = arith.constant 0 : i32
      %dma_start3A_13 = tpu.memref_slice %arg2[%dma_start3A, %dma_start3A_12] : memref<65536x128xf32, #tpu.memory_space<hbm>> -> memref<65536x128xf32, #tpu.memory_space<hbm>>
      tpu.enqueue_indirect_dma source(%dma_start3A_13 : memref<65536x128xf32, #tpu.memory_space<hbm>>) target(%arg6 : memref<128x128xf32, #tpu.memory_space<vmem>>) offsets(%arg5 : memref<128xi32, #tpu.memory_space<vmem>>) semaphore(%arg7 : memref<!tpu.dma_semaphore, #tpu.memory_space<semaphore_mem>>)
      %dma_wait3A = arith.constant 0 : i32
      %dma_wait3A_14 = arith.constant 0 : i32
      %dma_wait3A_15 = tpu.memref_slice %arg2[%dma_wait3A, %dma_wait3A_14] : memref<65536x128xf32, #tpu.memory_space<hbm>> -> memref<65536x128xf32, #tpu.memory_space<hbm>>
      tpu.wait_indirect_dma semaphore(%arg7 : memref<!tpu.dma_semaphore, #tpu.memory_space<semaphore_mem>>) src(%dma_wait3A_15 : memref<65536x128xf32, #tpu.memory_space<hbm>>) dst(%arg6 : memref<128x128xf32, #tpu.memory_space<vmem>>)
      "tpu.region"() ({
        %run_scoped3A = tpu.sem_alloc : memref<!tpu.dma_semaphore, #tpu.memory_space<semaphore_mem>>
        %dma_start3A_16 = arith.constant 0 : i32
        %dma_start3A_17 = tpu.memref_slice %arg4[%add3A_11, %dma_start3A_16] : memref<786432x128xf32, #tpu.memory_space<hbm>> -> memref<128x128xf32, #tpu.memory_space<hbm>>
        %dma_start3A_18 = arith.constant 0 : i32
        %dma_start3A_19 = tpu.memref_slice %arg4[%add3A_11, %dma_start3A_18] : memref<786432x128xf32, #tpu.memory_space<hbm>> -> memref<128x128xf32, #tpu.memory_space<hbm>>
        tpu.enqueue_dma source(%arg6 : memref<128x128xf32, #tpu.memory_space<vmem>>) target(%dma_start3A_19 : memref<128x128xf32, #tpu.memory_space<hbm>>) target_semaphore(%run_scoped3A : memref<!tpu.dma_semaphore, #tpu.memory_space<semaphore_mem>>)
        %dma_wait3A_20 = arith.constant 0 : i32
        %dma_wait3A_21 = tpu.memref_slice %arg4[%add3A_11, %dma_wait3A_20] : memref<786432x128xf32, #tpu.memory_space<hbm>> -> memref<128x128xf32, #tpu.memory_space<hbm>>
        %dma_wait3A_22 = arith.constant 0 : i32
        %dma_wait3A_23 = tpu.memref_slice %arg4[%add3A_11, %dma_wait3A_22] : memref<786432x128xf32, #tpu.memory_space<hbm>> -> memref<128x128xf32, #tpu.memory_space<hbm>>
        tpu.wait_dma2 semaphore(%run_scoped3A : memref<!tpu.dma_semaphore, #tpu.memory_space<semaphore_mem>>) src(%arg6 : memref<128x128xf32, #tpu.memory_space<vmem>>) dst(%dma_wait3A_23 : memref<128x128xf32, #tpu.memory_space<hbm>>)
        tpu.yield
      }) : () -> ()
    }
    %scan3A_7 = arith.constant 192 : i32
    return
  }
}

#map = affine_map<(d0, d1) -> (0, 0)>
#map1 = affine_map<(d0, d1) -> (0)>
module attributes {stable_mosaic.version = 14 : i64} {
  func.func @k(%arg0: i32, %arg1: i32, %arg2: memref<16384x256xf32, #tpu.memory_space<hbm>>, %arg3: memref<524288xi32, #tpu.memory_space<hbm>>, %arg4: memref<524288x256xf32, #tpu.memory_space<hbm>>, %arg5: memref<128xi32, #tpu.memory_space<vmem>>, %arg6: memref<128x256xf32, #tpu.memory_space<vmem>>, %arg7: memref<!tpu.dma_semaphore, #tpu.memory_space<semaphore_mem>>) attributes {dimension_semantics = [#tpu.dimension_semantics<core_parallel>, #tpu.dimension_semantics<subcore_parallel>], iteration_bounds = array<i64: 2, 16>, scalar_prefetch = 0 : i64, scratch_operands = 3 : i64, tpu.core_type = #tpu.core_type<sc_vector_subcore>, window_params = [{transform_indices = #map}, {transform_indices = #map1}, {transform_indices = #map}]} {
    %mul3A = arith.constant 2 : i32
    %mul3A_0 = arith.muli %arg1, %mul3A : i32
    %add3A = arith.addi %mul3A_0, %arg0 : i32
    %mul3A_1 = arith.constant 16384 : i32
    %mul3A_2 = arith.muli %add3A, %mul3A_1 : i32
    %scan3A = arith.constant 0 : i32
    %scan3A_3 = arith.constant 0 : i32
    %scan3A_4 = arith.constant 128 : i32
    %scan3A_5 = arith.addi %scan3A_3, %scan3A_4 : i32
    %scan3A_6 = arith.constant 1 : i32
    scf.for %scan3A_8 = %scan3A_3 to %scan3A_5 step %scan3A_6  : i32 {
      %mul3A_9 = arith.constant 128 : i32
      %mul3A_10 = arith.muli %scan3A_8, %mul3A_9 : i32
      %add3A_11 = arith.addi %mul3A_2, %mul3A_10 : i32
      "tpu.region"() ({
        %run_scoped3A = tpu.sem_alloc : memref<!tpu.dma_semaphore, #tpu.memory_space<semaphore_mem>>
        %dma_start3A_16 = tpu.memref_slice %arg3[%add3A_11] : memref<524288xi32, #tpu.memory_space<hbm>> -> memref<128xi32, #tpu.memory_space<hbm>>
        %dma_start3A_17 = tpu.memref_slice %arg3[%add3A_11] : memref<524288xi32, #tpu.memory_space<hbm>> -> memref<128xi32, #tpu.memory_space<hbm>>
        tpu.enqueue_dma source(%dma_start3A_17 : memref<128xi32, #tpu.memory_space<hbm>>) target(%arg5 : memref<128xi32, #tpu.memory_space<vmem>>) target_semaphore(%run_scoped3A : memref<!tpu.dma_semaphore, #tpu.memory_space<semaphore_mem>>)
        %dma_wait3A_18 = tpu.memref_slice %arg3[%add3A_11] : memref<524288xi32, #tpu.memory_space<hbm>> -> memref<128xi32, #tpu.memory_space<hbm>>
        %dma_wait3A_19 = tpu.memref_slice %arg3[%add3A_11] : memref<524288xi32, #tpu.memory_space<hbm>> -> memref<128xi32, #tpu.memory_space<hbm>>
        tpu.wait_dma2 semaphore(%run_scoped3A : memref<!tpu.dma_semaphore, #tpu.memory_space<semaphore_mem>>) src(%dma_wait3A_19 : memref<128xi32, #tpu.memory_space<hbm>>) dst(%arg5 : memref<128xi32, #tpu.memory_space<vmem>>)
        tpu.yield
      }) : () -> ()
      %dma_start3A = arith.constant 0 : i32
      %dma_start3A_12 = arith.constant 0 : i32
      %dma_start3A_13 = tpu.memref_slice %arg2[%dma_start3A, %dma_start3A_12] : memref<16384x256xf32, #tpu.memory_space<hbm>> -> memref<16384x256xf32, #tpu.memory_space<hbm>>
      tpu.enqueue_indirect_dma source(%dma_start3A_13 : memref<16384x256xf32, #tpu.memory_space<hbm>>) target(%arg6 : memref<128x256xf32, #tpu.memory_space<vmem>>) offsets(%arg5 : memref<128xi32, #tpu.memory_space<vmem>>) semaphore(%arg7 : memref<!tpu.dma_semaphore, #tpu.memory_space<semaphore_mem>>)
      %dma_wait3A = arith.constant 0 : i32
      %dma_wait3A_14 = arith.constant 0 : i32
      %dma_wait3A_15 = tpu.memref_slice %arg2[%dma_wait3A, %dma_wait3A_14] : memref<16384x256xf32, #tpu.memory_space<hbm>> -> memref<16384x256xf32, #tpu.memory_space<hbm>>
      tpu.wait_indirect_dma semaphore(%arg7 : memref<!tpu.dma_semaphore, #tpu.memory_space<semaphore_mem>>) src(%dma_wait3A_15 : memref<16384x256xf32, #tpu.memory_space<hbm>>) dst(%arg6 : memref<128x256xf32, #tpu.memory_space<vmem>>)
      "tpu.region"() ({
        %run_scoped3A = tpu.sem_alloc : memref<!tpu.dma_semaphore, #tpu.memory_space<semaphore_mem>>
        %dma_start3A_16 = arith.constant 0 : i32
        %dma_start3A_17 = tpu.memref_slice %arg4[%add3A_11, %dma_start3A_16] : memref<524288x256xf32, #tpu.memory_space<hbm>> -> memref<128x256xf32, #tpu.memory_space<hbm>>
        %dma_start3A_18 = arith.constant 0 : i32
        %dma_start3A_19 = tpu.memref_slice %arg4[%add3A_11, %dma_start3A_18] : memref<524288x256xf32, #tpu.memory_space<hbm>> -> memref<128x256xf32, #tpu.memory_space<hbm>>
        tpu.enqueue_dma source(%arg6 : memref<128x256xf32, #tpu.memory_space<vmem>>) target(%dma_start3A_19 : memref<128x256xf32, #tpu.memory_space<hbm>>) target_semaphore(%run_scoped3A : memref<!tpu.dma_semaphore, #tpu.memory_space<semaphore_mem>>)
        %dma_wait3A_20 = arith.constant 0 : i32
        %dma_wait3A_21 = tpu.memref_slice %arg4[%add3A_11, %dma_wait3A_20] : memref<524288x256xf32, #tpu.memory_space<hbm>> -> memref<128x256xf32, #tpu.memory_space<hbm>>
        %dma_wait3A_22 = arith.constant 0 : i32
        %dma_wait3A_23 = tpu.memref_slice %arg4[%add3A_11, %dma_wait3A_22] : memref<524288x256xf32, #tpu.memory_space<hbm>> -> memref<128x256xf32, #tpu.memory_space<hbm>>
        tpu.wait_dma2 semaphore(%run_scoped3A : memref<!tpu.dma_semaphore, #tpu.memory_space<semaphore_mem>>) src(%arg6 : memref<128x256xf32, #tpu.memory_space<vmem>>) dst(%dma_wait3A_23 : memref<128x256xf32, #tpu.memory_space<hbm>>)
        tpu.yield
      }) : () -> ()
    }
    %scan3A_7 = arith.constant 128 : i32
    return
  }
}

#map = affine_map<(d0, d1) -> (0, 0)>
#map1 = affine_map<(d0, d1) -> (0)>
module attributes {stable_mosaic.version = 14 : i64} {
  func.func @k(%arg0: i32, %arg1: i32, %arg2: memref<8192x384xf32, #tpu.memory_space<hbm>>, %arg3: memref<262144xi32, #tpu.memory_space<hbm>>, %arg4: memref<262144x384xf32, #tpu.memory_space<hbm>>, %arg5: memref<128xi32, #tpu.memory_space<vmem>>, %arg6: memref<128x384xf32, #tpu.memory_space<vmem>>, %arg7: memref<!tpu.dma_semaphore, #tpu.memory_space<semaphore_mem>>) attributes {dimension_semantics = [#tpu.dimension_semantics<core_parallel>, #tpu.dimension_semantics<subcore_parallel>], iteration_bounds = array<i64: 2, 16>, scalar_prefetch = 0 : i64, scratch_operands = 3 : i64, tpu.core_type = #tpu.core_type<sc_vector_subcore>, window_params = [{transform_indices = #map}, {transform_indices = #map1}, {transform_indices = #map}]} {
    %mul3A = arith.constant 2 : i32
    %mul3A_0 = arith.muli %arg1, %mul3A : i32
    %add3A = arith.addi %mul3A_0, %arg0 : i32
    %mul3A_1 = arith.constant 8192 : i32
    %mul3A_2 = arith.muli %add3A, %mul3A_1 : i32
    %scan3A = arith.constant 0 : i32
    %scan3A_3 = arith.constant 0 : i32
    %scan3A_4 = arith.constant 64 : i32
    %scan3A_5 = arith.addi %scan3A_3, %scan3A_4 : i32
    %scan3A_6 = arith.constant 1 : i32
    scf.for %scan3A_8 = %scan3A_3 to %scan3A_5 step %scan3A_6  : i32 {
      %mul3A_9 = arith.constant 128 : i32
      %mul3A_10 = arith.muli %scan3A_8, %mul3A_9 : i32
      %add3A_11 = arith.addi %mul3A_2, %mul3A_10 : i32
      "tpu.region"() ({
        %run_scoped3A = tpu.sem_alloc : memref<!tpu.dma_semaphore, #tpu.memory_space<semaphore_mem>>
        %dma_start3A_16 = tpu.memref_slice %arg3[%add3A_11] : memref<262144xi32, #tpu.memory_space<hbm>> -> memref<128xi32, #tpu.memory_space<hbm>>
        %dma_start3A_17 = tpu.memref_slice %arg3[%add3A_11] : memref<262144xi32, #tpu.memory_space<hbm>> -> memref<128xi32, #tpu.memory_space<hbm>>
        tpu.enqueue_dma source(%dma_start3A_17 : memref<128xi32, #tpu.memory_space<hbm>>) target(%arg5 : memref<128xi32, #tpu.memory_space<vmem>>) target_semaphore(%run_scoped3A : memref<!tpu.dma_semaphore, #tpu.memory_space<semaphore_mem>>)
        %dma_wait3A_18 = tpu.memref_slice %arg3[%add3A_11] : memref<262144xi32, #tpu.memory_space<hbm>> -> memref<128xi32, #tpu.memory_space<hbm>>
        %dma_wait3A_19 = tpu.memref_slice %arg3[%add3A_11] : memref<262144xi32, #tpu.memory_space<hbm>> -> memref<128xi32, #tpu.memory_space<hbm>>
        tpu.wait_dma2 semaphore(%run_scoped3A : memref<!tpu.dma_semaphore, #tpu.memory_space<semaphore_mem>>) src(%dma_wait3A_19 : memref<128xi32, #tpu.memory_space<hbm>>) dst(%arg5 : memref<128xi32, #tpu.memory_space<vmem>>)
        tpu.yield
      }) : () -> ()
      %dma_start3A = arith.constant 0 : i32
      %dma_start3A_12 = arith.constant 0 : i32
      %dma_start3A_13 = tpu.memref_slice %arg2[%dma_start3A, %dma_start3A_12] : memref<8192x384xf32, #tpu.memory_space<hbm>> -> memref<8192x384xf32, #tpu.memory_space<hbm>>
      tpu.enqueue_indirect_dma source(%dma_start3A_13 : memref<8192x384xf32, #tpu.memory_space<hbm>>) target(%arg6 : memref<128x384xf32, #tpu.memory_space<vmem>>) offsets(%arg5 : memref<128xi32, #tpu.memory_space<vmem>>) semaphore(%arg7 : memref<!tpu.dma_semaphore, #tpu.memory_space<semaphore_mem>>)
      %dma_wait3A = arith.constant 0 : i32
      %dma_wait3A_14 = arith.constant 0 : i32
      %dma_wait3A_15 = tpu.memref_slice %arg2[%dma_wait3A, %dma_wait3A_14] : memref<8192x384xf32, #tpu.memory_space<hbm>> -> memref<8192x384xf32, #tpu.memory_space<hbm>>
      tpu.wait_indirect_dma semaphore(%arg7 : memref<!tpu.dma_semaphore, #tpu.memory_space<semaphore_mem>>) src(%dma_wait3A_15 : memref<8192x384xf32, #tpu.memory_space<hbm>>) dst(%arg6 : memref<128x384xf32, #tpu.memory_space<vmem>>)
      "tpu.region"() ({
        %run_scoped3A = tpu.sem_alloc : memref<!tpu.dma_semaphore, #tpu.memory_space<semaphore_mem>>
        %dma_start3A_16 = arith.constant 0 : i32
        %dma_start3A_17 = tpu.memref_slice %arg4[%add3A_11, %dma_start3A_16] : memref<262144x384xf32, #tpu.memory_space<hbm>> -> memref<128x384xf32, #tpu.memory_space<hbm>>
        %dma_start3A_18 = arith.constant 0 : i32
        %dma_start3A_19 = tpu.memref_slice %arg4[%add3A_11, %dma_start3A_18] : memref<262144x384xf32, #tpu.memory_space<hbm>> -> memref<128x384xf32, #tpu.memory_space<hbm>>
        tpu.enqueue_dma source(%arg6 : memref<128x384xf32, #tpu.memory_space<vmem>>) target(%dma_start3A_19 : memref<128x384xf32, #tpu.memory_space<hbm>>) target_semaphore(%run_scoped3A : memref<!tpu.dma_semaphore, #tpu.memory_space<semaphore_mem>>)
        %dma_wait3A_20 = arith.constant 0 : i32
        %dma_wait3A_21 = tpu.memref_slice %arg4[%add3A_11, %dma_wait3A_20] : memref<262144x384xf32, #tpu.memory_space<hbm>> -> memref<128x384xf32, #tpu.memory_space<hbm>>
        %dma_wait3A_22 = arith.constant 0 : i32
        %dma_wait3A_23 = tpu.memref_slice %arg4[%add3A_11, %dma_wait3A_22] : memref<262144x384xf32, #tpu.memory_space<hbm>> -> memref<128x384xf32, #tpu.memory_space<hbm>>
        tpu.wait_dma2 semaphore(%run_scoped3A : memref<!tpu.dma_semaphore, #tpu.memory_space<semaphore_mem>>) src(%arg6 : memref<128x384xf32, #tpu.memory_space<vmem>>) dst(%dma_wait3A_23 : memref<128x384xf32, #tpu.memory_space<hbm>>)
        tpu.yield
      }) : () -> ()
    }
    %scan3A_7 = arith.constant 64 : i32
    return
  }
}

#map = affine_map<(d0, d1) -> (0, 0)>
#map1 = affine_map<(d0, d1) -> (0)>
module attributes {stable_mosaic.version = 14 : i64} {
  func.func @k(%arg0: i32, %arg1: i32, %arg2: memref<8192x384xf32, #tpu.memory_space<hbm>>, %arg3: memref<4096xi32, #tpu.memory_space<hbm>>, %arg4: memref<4096x384xf32, #tpu.memory_space<hbm>>, %arg5: memref<128xi32, #tpu.memory_space<vmem>>, %arg6: memref<128x384xf32, #tpu.memory_space<vmem>>, %arg7: memref<!tpu.dma_semaphore, #tpu.memory_space<semaphore_mem>>) attributes {dimension_semantics = [#tpu.dimension_semantics<core_parallel>, #tpu.dimension_semantics<subcore_parallel>], iteration_bounds = array<i64: 2, 16>, scalar_prefetch = 0 : i64, scratch_operands = 3 : i64, tpu.core_type = #tpu.core_type<sc_vector_subcore>, window_params = [{transform_indices = #map}, {transform_indices = #map1}, {transform_indices = #map}]} {
    %mul3A = arith.constant 2 : i32
    %mul3A_0 = arith.muli %arg1, %mul3A : i32
    %add3A = arith.addi %mul3A_0, %arg0 : i32
    %mul3A_1 = arith.constant 128 : i32
    %mul3A_2 = arith.muli %add3A, %mul3A_1 : i32
    %scan3A = arith.constant 0 : i32
    %scan3A_3 = arith.constant 0 : i32
    %mul3A_4 = arith.constant 128 : i32
    %mul3A_5 = arith.muli %scan3A_3, %mul3A_4 : i32
    %add3A_6 = arith.addi %mul3A_2, %mul3A_5 : i32
    "tpu.region"() ({
      %run_scoped3A = tpu.sem_alloc : memref<!tpu.dma_semaphore, #tpu.memory_space<semaphore_mem>>
      %dma_start3A_12 = tpu.memref_slice %arg3[%add3A_6] : memref<4096xi32, #tpu.memory_space<hbm>> -> memref<128xi32, #tpu.memory_space<hbm>>
      %dma_start3A_13 = tpu.memref_slice %arg3[%add3A_6] : memref<4096xi32, #tpu.memory_space<hbm>> -> memref<128xi32, #tpu.memory_space<hbm>>
      tpu.enqueue_dma source(%dma_start3A_13 : memref<128xi32, #tpu.memory_space<hbm>>) target(%arg5 : memref<128xi32, #tpu.memory_space<vmem>>) target_semaphore(%run_scoped3A : memref<!tpu.dma_semaphore, #tpu.memory_space<semaphore_mem>>)
      %dma_wait3A_14 = tpu.memref_slice %arg3[%add3A_6] : memref<4096xi32, #tpu.memory_space<hbm>> -> memref<128xi32, #tpu.memory_space<hbm>>
      %dma_wait3A_15 = tpu.memref_slice %arg3[%add3A_6] : memref<4096xi32, #tpu.memory_space<hbm>> -> memref<128xi32, #tpu.memory_space<hbm>>
      tpu.wait_dma2 semaphore(%run_scoped3A : memref<!tpu.dma_semaphore, #tpu.memory_space<semaphore_mem>>) src(%dma_wait3A_15 : memref<128xi32, #tpu.memory_space<hbm>>) dst(%arg5 : memref<128xi32, #tpu.memory_space<vmem>>)
      tpu.yield
    }) : () -> ()
    %dma_start3A = arith.constant 0 : i32
    %dma_start3A_7 = arith.constant 0 : i32
    %dma_start3A_8 = tpu.memref_slice %arg2[%dma_start3A, %dma_start3A_7] : memref<8192x384xf32, #tpu.memory_space<hbm>> -> memref<8192x384xf32, #tpu.memory_space<hbm>>
    tpu.enqueue_indirect_dma source(%dma_start3A_8 : memref<8192x384xf32, #tpu.memory_space<hbm>>) target(%arg6 : memref<128x384xf32, #tpu.memory_space<vmem>>) offsets(%arg5 : memref<128xi32, #tpu.memory_space<vmem>>) semaphore(%arg7 : memref<!tpu.dma_semaphore, #tpu.memory_space<semaphore_mem>>)
    %dma_wait3A = arith.constant 0 : i32
    %dma_wait3A_9 = arith.constant 0 : i32
    %dma_wait3A_10 = tpu.memref_slice %arg2[%dma_wait3A, %dma_wait3A_9] : memref<8192x384xf32, #tpu.memory_space<hbm>> -> memref<8192x384xf32, #tpu.memory_space<hbm>>
    tpu.wait_indirect_dma semaphore(%arg7 : memref<!tpu.dma_semaphore, #tpu.memory_space<semaphore_mem>>) src(%dma_wait3A_10 : memref<8192x384xf32, #tpu.memory_space<hbm>>) dst(%arg6 : memref<128x384xf32, #tpu.memory_space<vmem>>)
    "tpu.region"() ({
      %run_scoped3A = tpu.sem_alloc : memref<!tpu.dma_semaphore, #tpu.memory_space<semaphore_mem>>
      %dma_start3A_12 = arith.constant 0 : i32
      %dma_start3A_13 = tpu.memref_slice %arg4[%add3A_6, %dma_start3A_12] : memref<4096x384xf32, #tpu.memory_space<hbm>> -> memref<128x384xf32, #tpu.memory_space<hbm>>
      %dma_start3A_14 = arith.constant 0 : i32
      %dma_start3A_15 = tpu.memref_slice %arg4[%add3A_6, %dma_start3A_14] : memref<4096x384xf32, #tpu.memory_space<hbm>> -> memref<128x384xf32, #tpu.memory_space<hbm>>
      tpu.enqueue_dma source(%arg6 : memref<128x384xf32, #tpu.memory_space<vmem>>) target(%dma_start3A_15 : memref<128x384xf32, #tpu.memory_space<hbm>>) target_semaphore(%run_scoped3A : memref<!tpu.dma_semaphore, #tpu.memory_space<semaphore_mem>>)
      %dma_wait3A_16 = arith.constant 0 : i32
      %dma_wait3A_17 = tpu.memref_slice %arg4[%add3A_6, %dma_wait3A_16] : memref<4096x384xf32, #tpu.memory_space<hbm>> -> memref<128x384xf32, #tpu.memory_space<hbm>>
      %dma_wait3A_18 = arith.constant 0 : i32
      %dma_wait3A_19 = tpu.memref_slice %arg4[%add3A_6, %dma_wait3A_18] : memref<4096x384xf32, #tpu.memory_space<hbm>> -> memref<128x384xf32, #tpu.memory_space<hbm>>
      tpu.wait_dma2 semaphore(%run_scoped3A : memref<!tpu.dma_semaphore, #tpu.memory_space<semaphore_mem>>) src(%arg6 : memref<128x384xf32, #tpu.memory_space<vmem>>) dst(%dma_wait3A_19 : memref<128x384xf32, #tpu.memory_space<hbm>>)
      tpu.yield
    }) : () -> ()
    %scan3A_11 = arith.constant 1 : i32
    return
  }
}

module attributes {stable_mosaic.version = 14 : i64} {
  func.func @_ballquery_kernel(%arg0: i32, %arg1: i32, %arg2: memref<1x3x4096xf32, #tpu.memory_space<vmem>>, %arg3: memref<1x3x256xf32, #tpu.memory_space<vmem>>, %arg4: memref<1x256x48xi32, #tpu.memory_space<vmem>>, %arg5: memref<256x32x128xf32, #tpu.memory_space<vmem>>) attributes {dimension_semantics = [#tpu.dimension_semantics<arbitrary>, #tpu.dimension_semantics<arbitrary>], iteration_bounds = array<i64: 16, 4>, scalar_prefetch = 0 : i64, scratch_operands = 1 : i64, tpu.core_type = #tpu.core_type<tc>, window_params = [{transform_indices = @transform_0, window_bounds = array<i64: 1, 3, 4096>}, {transform_indices = @transform_1, window_bounds = array<i64: 1, 3, 256>}, {transform_indices = @transform_2, window_bounds = array<i64: 1, 256, 48>}]} {
    %get3A = arith.constant 0 : index
    %get3A_0 = arith.constant 0 : index
    %get3A_1 = arith.constant 0 : index
    %get3A_2 = vector.load %arg2[%get3A, %get3A_0, %get3A_1] : memref<1x3x4096xf32, #tpu.memory_space<vmem>>, vector<1x3x4096xf32>
    %get3A_3 = vector.shape_cast %get3A_2 : vector<1x3x4096xf32> to vector<3x4096xf32>
    %get3A_4 = arith.constant 0 : index
    %get3A_5 = arith.constant 0 : index
    %get3A_6 = arith.constant 0 : index
    %get3A_7 = vector.load %arg3[%get3A_4, %get3A_5, %get3A_6] : memref<1x3x256xf32, #tpu.memory_space<vmem>>, vector<1x3x256xf32>
    %get3A_8 = vector.shape_cast %get3A_7 : vector<1x3x256xf32> to vector<3x256xf32>
    %mul3A = arith.mulf %get3A_8, %get3A_8 : vector<3x256xf32>
    %reduce_sum3A = arith.constant dense<0.000000e+00> : vector<256xf32>
    %reduce_sum3A_9 = vector.multi_reduction <add>, %mul3A, %reduce_sum3A [0] : vector<3x256xf32> to vector<256xf32>
    %broadcast_in_dim3A = vector.shape_cast %reduce_sum3A_9 : vector<256xf32> to vector<256x1xf32>
    %mul3A_10 = arith.mulf %get3A_3, %get3A_3 : vector<3x4096xf32>
    %reduce_sum3A_11 = arith.constant dense<0.000000e+00> : vector<4096xf32>
    %reduce_sum3A_12 = vector.multi_reduction <add>, %mul3A_10, %reduce_sum3A_11 [0] : vector<3x4096xf32> to vector<4096xf32>
    %broadcast_in_dim3A_13 = vector.shape_cast %reduce_sum3A_12 : vector<4096xf32> to vector<1x4096xf32>
    %dot_general3A = arith.constant dense<0.000000e+00> : vector<256x4096xf32>
    %dot_general3A_14 = tpu.matmul %get3A_8, %get3A_3, %dot_general3A {dimension_numbers = #tpu.dot_dimension_numbers<[0], [0], [1], [1], [0, 1, 1, 1], [], []>, transpose_lhs_hint = false} : vector<3x256xf32>, vector<3x4096xf32>, vector<256x4096xf32> -> vector<256x4096xf32>
    %add3A = vector.broadcast %broadcast_in_dim3A : vector<256x1xf32> to vector<256x4096xf32>
    %add3A_15 = vector.broadcast %broadcast_in_dim3A_13 : vector<1x4096xf32> to vector<256x4096xf32>
    %add3A_16 = arith.addf %add3A, %add3A_15 : vector<256x4096xf32>
    %mul3A_17 = arith.constant 2.000000e+00 : f32
    %mul3A_18 = vector.broadcast %mul3A_17 : f32 to vector<256x4096xf32>
    %mul3A_19 = arith.mulf %mul3A_18, %dot_general3A_14 : vector<256x4096xf32>
    %sub3A = arith.subf %add3A_16, %mul3A_19 : vector<256x4096xf32>
    %le3A = arith.constant 5.290000e-02 : f32
    %le3A_20 = vector.broadcast %le3A : f32 to vector<256x4096xf32>
    %le3A_21 = arith.cmpf ole, %sub3A, %le3A_20 : vector<256x4096xf32>
    %convert_element_type3A = arith.extui %le3A_21 : vector<256x4096xi1> to vector<256x4096xi32>
    %convert_element_type3A_22 = arith.sitofp %convert_element_type3A : vector<256x4096xi32> to vector<256x4096xf32>
    %iota3A = tpu.iota {dimensions = array<i32: 0>} : vector<4096x32xi32>
    %iota3A_23 = tpu.iota {dimensions = array<i32: 1>} : vector<4096x32xi32>
    %jit3A = arith.constant 128 : i32
    %div3A = vector.broadcast %jit3A : i32 to vector<4096x32xi32>
    %div3A_24 = arith.divsi %iota3A, %div3A : vector<4096x32xi32>
    %sign3A = arith.constant 0 : i32
    %sign3A_25 = vector.broadcast %sign3A : i32 to vector<4096x32xi32>
    %sign3A_26 = arith.cmpi sgt, %iota3A, %sign3A_25 : vector<4096x32xi32>
    %sign3A_27 = arith.extui %sign3A_26 : vector<4096x32xi1> to vector<4096x32xi32>
    %sign3A_28 = arith.constant 0 : i32
    %sign3A_29 = vector.broadcast %sign3A_28 : i32 to vector<4096x32xi32>
    %sign3A_30 = arith.cmpi slt, %iota3A, %sign3A_29 : vector<4096x32xi32>
    %sign3A_31 = arith.extui %sign3A_30 : vector<4096x32xi1> to vector<4096x32xi32>
    %sign3A_32 = arith.subi %sign3A_27, %sign3A_31 : vector<4096x32xi32>
    %sign3A_33 = arith.constant 0 : i32
    %sign3A_34 = arith.cmpi sgt, %jit3A, %sign3A_33 : i32
    %sign3A_35 = arith.extui %sign3A_34 : i1 to i32
    %sign3A_36 = arith.constant 0 : i32
    %sign3A_37 = arith.cmpi slt, %jit3A, %sign3A_36 : i32
    %sign3A_38 = arith.extui %sign3A_37 : i1 to i32
    %sign3A_39 = arith.subi %sign3A_35, %sign3A_38 : i32
    %ne3A = vector.broadcast %sign3A_39 : i32 to vector<4096x32xi32>
    %ne3A_40 = arith.cmpi ne, %sign3A_32, %ne3A : vector<4096x32xi32>
    %rem3A = vector.broadcast %jit3A : i32 to vector<4096x32xi32>
    %rem3A_41 = arith.remsi %iota3A, %rem3A : vector<4096x32xi32>
    %ne3A_42 = arith.constant 0 : i32
    %ne3A_43 = vector.broadcast %ne3A_42 : i32 to vector<4096x32xi32>
    %ne3A_44 = arith.cmpi ne, %rem3A_41, %ne3A_43 : vector<4096x32xi32>
    %and3A = arith.andi %ne3A_40, %ne3A_44 : vector<4096x32xi1>
    %sub3A_45 = arith.constant 1 : i32
    %sub3A_46 = vector.broadcast %sub3A_45 : i32 to vector<4096x32xi32>
    %sub3A_47 = arith.subi %div3A_24, %sub3A_46 : vector<4096x32xi32>
    %select_n3A = arith.select %and3A, %sub3A_47, %div3A_24 : vector<4096x32xi1>, vector<4096x32xi32>
    %eq3A = arith.cmpi eq, %select_n3A, %iota3A_23 : vector<4096x32xi32>
    %convert_element_type3A_48 = arith.extui %eq3A : vector<4096x32xi1> to vector<4096x32xi32>
    %convert_element_type3A_49 = arith.sitofp %convert_element_type3A_48 : vector<4096x32xi32> to vector<4096x32xf32>
    %dot_general3A_50 = arith.constant dense<0.000000e+00> : vector<256x32xf32>
    %dot_general3A_51 = tpu.matmul %convert_element_type3A_22, %convert_element_type3A_49, %dot_general3A_50 {dimension_numbers = #tpu.dot_dimension_numbers<[1], [0], [0], [1], [0, 0, 1, 1], [], []>, transpose_lhs_hint = false} : vector<256x4096xf32>, vector<4096x32xf32>, vector<256x32xf32> -> vector<256x32xf32>
    %iota3A_52 = tpu.iota {dimensions = array<i32: 0>} : vector<32x32xi32>
    %iota3A_53 = tpu.iota {dimensions = array<i32: 1>} : vector<32x32xi32>
    %le3A_54 = arith.cmpi sle, %iota3A_52, %iota3A_53 : vector<32x32xi32>
    %convert_element_type3A_55 = arith.extui %le3A_54 : vector<32x32xi1> to vector<32x32xi32>
    %convert_element_type3A_56 = arith.sitofp %convert_element_type3A_55 : vector<32x32xi32> to vector<32x32xf32>
    %dot_general3A_57 = arith.constant dense<0.000000e+00> : vector<256x32xf32>
    %dot_general3A_58 = tpu.matmul %dot_general3A_51, %convert_element_type3A_56, %dot_general3A_57 {dimension_numbers = #tpu.dot_dimension_numbers<[1], [0], [0], [1], [0, 0, 1, 1], [], []>, transpose_lhs_hint = false} : vector<256x32xf32>, vector<32x32xf32>, vector<256x32xf32> -> vector<256x32xf32>
    %sub3A_59 = arith.subf %dot_general3A_58, %dot_general3A_51 : vector<256x32xf32>
    %slice3A = vector.extract_strided_slice %dot_general3A_58 {offsets = [0, 31], sizes = [256, 1], strides = [1, 1]} : vector<256x32xf32> to vector<256x1xf32>
    %iota3A_60 = tpu.iota {dimensions = array<i32: 0>} : vector<128x128xi32>
    %iota3A_61 = tpu.iota {dimensions = array<i32: 1>} : vector<128x128xi32>
    %le3A_62 = arith.cmpi sle, %iota3A_60, %iota3A_61 : vector<128x128xi32>
    %convert_element_type3A_63 = arith.extui %le3A_62 : vector<128x128xi1> to vector<128x128xi32>
    %convert_element_type3A_64 = arith.sitofp %convert_element_type3A_63 : vector<128x128xi32> to vector<128x128xf32>
    %slice3A_65 = vector.extract_strided_slice %convert_element_type3A_22 {offsets = [0, 0], sizes = [256, 128], strides = [1, 1]} : vector<256x4096xf32> to vector<256x128xf32>
    %dot_general3A_66 = arith.constant dense<0.000000e+00> : vector<256x128xf32>
    %dot_general3A_67 = tpu.matmul %slice3A_65, %convert_element_type3A_64, %dot_general3A_66 {dimension_numbers = #tpu.dot_dimension_numbers<[1], [0], [0], [1], [0, 0, 1, 1], [], []>, transpose_lhs_hint = false} : vector<256x128xf32>, vector<128x128xf32>, vector<256x128xf32> -> vector<256x128xf32>
    %swap3A = arith.constant 0 : index
    %swap3A_68 = arith.constant 0 : index
    %swap3A_69 = arith.constant 0 : index
    %swap3A_70 = vector.load %arg5[%swap3A, %swap3A_68, %swap3A_69] : memref<256x32x128xf32, #tpu.memory_space<vmem>>, vector<256x1x128xf32>
    %swap3A_71 = vector.shape_cast %swap3A_70 : vector<256x1x128xf32> to vector<256x128xf32>
    %swap3A_72 = vector.shape_cast %dot_general3A_67 : vector<256x128xf32> to vector<256x1x128xf32>
    tpu.vector_store %arg5[%swap3A, %swap3A_68, %swap3A_69], %swap3A_72 {strides = array<i32>} : memref<256x32x128xf32, #tpu.memory_space<vmem>>, vector<256x1x128xf32>,
    %slice3A_73 = vector.extract_strided_slice %convert_element_type3A_22 {offsets = [0, 128], sizes = [256, 128], strides = [1, 1]} : vector<256x4096xf32> to vector<256x128xf32>
    %dot_general3A_74 = arith.constant dense<0.000000e+00> : vector<256x128xf32>
    %dot_general3A_75 = tpu.matmul %slice3A_73, %convert_element_type3A_64, %dot_general3A_74 {dimension_numbers = #tpu.dot_dimension_numbers<[1], [0], [0], [1], [0, 0, 1, 1], [], []>, transpose_lhs_hint = false} : vector<256x128xf32>, vector<128x128xf32>, vector<256x128xf32> -> vector<256x128xf32>
    %swap3A_76 = arith.constant 0 : index
    %swap3A_77 = arith.constant 1 : index
    %swap3A_78 = arith.constant 0 : index
    %swap3A_79 = vector.load %arg5[%swap3A_76, %swap3A_77, %swap3A_78] : memref<256x32x128xf32, #tpu.memory_space<vmem>>, vector<256x1x128xf32>
    %swap3A_80 = vector.shape_cast %swap3A_79 : vector<256x1x128xf32> to vector<256x128xf32>
    %swap3A_81 = vector.shape_cast %dot_general3A_75 : vector<256x128xf32> to vector<256x1x128xf32>
    tpu.vector_store %arg5[%swap3A_76, %swap3A_77, %swap3A_78], %swap3A_81 {strides = array<i32>} : memref<256x32x128xf32, #tpu.memory_space<vmem>>, vector<256x1x128xf32>,
    %slice3A_82 = vector.extract_strided_slice %convert_element_type3A_22 {offsets = [0, 256], sizes = [256, 128], strides = [1, 1]} : vector<256x4096xf32> to vector<256x128xf32>
    %dot_general3A_83 = arith.constant dense<0.000000e+00> : vector<256x128xf32>
    %dot_general3A_84 = tpu.matmul %slice3A_82, %convert_element_type3A_64, %dot_general3A_83 {dimension_numbers = #tpu.dot_dimension_numbers<[1], [0], [0], [1], [0, 0, 1, 1], [], []>, transpose_lhs_hint = false} : vector<256x128xf32>, vector<128x128xf32>, vector<256x128xf32> -> vector<256x128xf32>
    %swap3A_85 = arith.constant 0 : index
    %swap3A_86 = arith.constant 2 : index
    %swap3A_87 = arith.constant 0 : index
    %swap3A_88 = vector.load %arg5[%swap3A_85, %swap3A_86, %swap3A_87] : memref<256x32x128xf32, #tpu.memory_space<vmem>>, vector<256x1x128xf32>
    %swap3A_89 = vector.shape_cast %swap3A_88 : vector<256x1x128xf32> to vector<256x128xf32>
    %swap3A_90 = vector.shape_cast %dot_general3A_84 : vector<256x128xf32> to vector<256x1x128xf32>
    tpu.vector_store %arg5[%swap3A_85, %swap3A_86, %swap3A_87], %swap3A_90 {strides = array<i32>} : memref<256x32x128xf32, #tpu.memory_space<vmem>>, vector<256x1x128xf32>,
    %slice3A_91 = vector.extract_strided_slice %convert_element_type3A_22 {offsets = [0, 384], sizes = [256, 128], strides = [1, 1]} : vector<256x4096xf32> to vector<256x128xf32>
    %dot_general3A_92 = arith.constant dense<0.000000e+00> : vector<256x128xf32>
    %dot_general3A_93 = tpu.matmul %slice3A_91, %convert_element_type3A_64, %dot_general3A_92 {dimension_numbers = #tpu.dot_dimension_numbers<[1], [0], [0], [1], [0, 0, 1, 1], [], []>, transpose_lhs_hint = false} : vector<256x128xf32>, vector<128x128xf32>, vector<256x128xf32> -> vector<256x128xf32>
    %swap3A_94 = arith.constant 0 : index
    %swap3A_95 = arith.constant 3 : index
    %swap3A_96 = arith.constant 0 : index
    %swap3A_97 = vector.load %arg5[%swap3A_94, %swap3A_95, %swap3A_96] : memref<256x32x128xf32, #tpu.memory_space<vmem>>, vector<256x1x128xf32>
    %swap3A_98 = vector.shape_cast %swap3A_97 : vector<256x1x128xf32> to vector<256x128xf32>
    %swap3A_99 = vector.shape_cast %dot_general3A_93 : vector<256x128xf32> to vector<256x1x128xf32>
    tpu.vector_store %arg5[%swap3A_94, %swap3A_95, %swap3A_96], %swap3A_99 {strides = array<i32>} : memref<256x32x128xf32, #tpu.memory_space<vmem>>, vector<256x1x128xf32>,
    %slice3A_100 = vector.extract_strided_slice %convert_element_type3A_22 {offsets = [0, 512], sizes = [256, 128], strides = [1, 1]} : vector<256x4096xf32> to vector<256x128xf32>
    %dot_general3A_101 = arith.constant dense<0.000000e+00> : vector<256x128xf32>
    %dot_general3A_102 = tpu.matmul %slice3A_100, %convert_element_type3A_64, %dot_general3A_101 {dimension_numbers = #tpu.dot_dimension_numbers<[1], [0], [0], [1], [0, 0, 1, 1], [], []>, transpose_lhs_hint = false} : vector<256x128xf32>, vector<128x128xf32>, vector<256x128xf32> -> vector<256x128xf32>
    %swap3A_103 = arith.constant 0 : index
    %swap3A_104 = arith.constant 4 : index
    %swap3A_105 = arith.constant 0 : index
    %swap3A_106 = vector.load %arg5[%swap3A_103, %swap3A_104, %swap3A_105] : memref<256x32x128xf32, #tpu.memory_space<vmem>>, vector<256x1x128xf32>
    %swap3A_107 = vector.shape_cast %swap3A_106 : vector<256x1x128xf32> to vector<256x128xf32>
    %swap3A_108 = vector.shape_cast %dot_general3A_102 : vector<256x128xf32> to vector<256x1x128xf32>
    tpu.vector_store %arg5[%swap3A_103, %swap3A_104, %swap3A_105], %swap3A_108 {strides = array<i32>} : memref<256x32x128xf32, #tpu.memory_space<vmem>>, vector<256x1x128xf32>,
    %slice3A_109 = vector.extract_strided_slice %convert_element_type3A_22 {offsets = [0, 640], sizes = [256, 128], strides = [1, 1]} : vector<256x4096xf32> to vector<256x128xf32>
    %dot_general3A_110 = arith.constant dense<0.000000e+00> : vector<256x128xf32>
    %dot_general3A_111 = tpu.matmul %slice3A_109, %convert_element_type3A_64, %dot_general3A_110 {dimension_numbers = #tpu.dot_dimension_numbers<[1], [0], [0], [1], [0, 0, 1, 1], [], []>, transpose_lhs_hint = false} : vector<256x128xf32>, vector<128x128xf32>, vector<256x128xf32> -> vector<256x128xf32>
    %swap3A_112 = arith.constant 0 : index
    %swap3A_113 = arith.constant 5 : index
    %swap3A_114 = arith.constant 0 : index
    %swap3A_115 = vector.load %arg5[%swap3A_112, %swap3A_113, %swap3A_114] : memref<256x32x128xf32, #tpu.memory_space<vmem>>, vector<256x1x128xf32>
    %swap3A_116 = vector.shape_cast %swap3A_115 : vector<256x1x128xf32> to vector<256x128xf32>
    %swap3A_117 = vector.shape_cast %dot_general3A_111 : vector<256x128xf32> to vector<256x1x128xf32>
    tpu.vector_store %arg5[%swap3A_112, %swap3A_113, %swap3A_114], %swap3A_117 {strides = array<i32>} : memref<256x32x128xf32, #tpu.memory_space<vmem>>, vector<256x1x128xf32>,
    %slice3A_118 = vector.extract_strided_slice %convert_element_type3A_22 {offsets = [0, 768], sizes = [256, 128], strides = [1, 1]} : vector<256x4096xf32> to vector<256x128xf32>
    %dot_general3A_119 = arith.constant dense<0.000000e+00> : vector<256x128xf32>
    %dot_general3A_120 = tpu.matmul %slice3A_118, %convert_element_type3A_64, %dot_general3A_119 {dimension_numbers = #tpu.dot_dimension_numbers<[1], [0], [0], [1], [0, 0, 1, 1], [], []>, transpose_lhs_hint = false} : vector<256x128xf32>, vector<128x128xf32>, vector<256x128xf32> -> vector<256x128xf32>
    %swap3A_121 = arith.constant 0 : index
    %swap3A_122 = arith.constant 6 : index
    %swap3A_123 = arith.constant 0 : index
    %swap3A_124 = vector.load %arg5[%swap3A_121, %swap3A_122, %swap3A_123] : memref<256x32x128xf32, #tpu.memory_space<vmem>>, vector<256x1x128xf32>
    %swap3A_125 = vector.shape_cast %swap3A_124 : vector<256x1x128xf32> to vector<256x128xf32>
    %swap3A_126 = vector.shape_cast %dot_general3A_120 : vector<256x128xf32> to vector<256x1x128xf32>
    tpu.vector_store %arg5[%swap3A_121, %swap3A_122, %swap3A_123], %swap3A_126 {strides = array<i32>} : memref<256x32x128xf32, #tpu.memory_space<vmem>>, vector<256x1x128xf32>,
    %slice3A_127 = vector.extract_strided_slice %convert_element_type3A_22 {offsets = [0, 896], sizes = [256, 128], strides = [1, 1]} : vector<256x4096xf32> to vector<256x128xf32>
    %dot_general3A_128 = arith.constant dense<0.000000e+00> : vector<256x128xf32>
    %dot_general3A_129 = tpu.matmul %slice3A_127, %convert_element_type3A_64, %dot_general3A_128 {dimension_numbers = #tpu.dot_dimension_numbers<[1], [0], [0], [1], [0, 0, 1, 1], [], []>, transpose_lhs_hint = false} : vector<256x128xf32>, vector<128x128xf32>, vector<256x128xf32> -> vector<256x128xf32>
    %swap3A_130 = arith.constant 0 : index
    %swap3A_131 = arith.constant 7 : index
    %swap3A_132 = arith.constant 0 : index
    %swap3A_133 = vector.load %arg5[%swap3A_130, %swap3A_131, %swap3A_132] : memref<256x32x128xf32, #tpu.memory_space<vmem>>, vector<256x1x128xf32>
    %swap3A_134 = vector.shape_cast %swap3A_133 : vector<256x1x128xf32> to vector<256x128xf32>
    %swap3A_135 = vector.shape_cast %dot_general3A_129 : vector<256x128xf32> to vector<256x1x128xf32>
    tpu.vector_store %arg5[%swap3A_130, %swap3A_131, %swap3A_132], %swap3A_135 {strides = array<i32>} : memref<256x32x128xf32, #tpu.memory_space<vmem>>, vector<256x1x128xf32>,
    %slice3A_136 = vector.extract_strided_slice %convert_element_type3A_22 {offsets = [0, 1024], sizes = [256, 128], strides = [1, 1]} : vector<256x4096xf32> to vector<256x128xf32>
    %dot_general3A_137 = arith.constant dense<0.000000e+00> : vector<256x128xf32>
    %dot_general3A_138 = tpu.matmul %slice3A_136, %convert_element_type3A_64, %dot_general3A_137 {dimension_numbers = #tpu.dot_dimension_numbers<[1], [0], [0], [1], [0, 0, 1, 1], [], []>, transpose_lhs_hint = false} : vector<256x128xf32>, vector<128x128xf32>, vector<256x128xf32> -> vector<256x128xf32>
    %swap3A_139 = arith.constant 0 : index
    %swap3A_140 = arith.constant 8 : index
    %swap3A_141 = arith.constant 0 : index
    %swap3A_142 = vector.load %arg5[%swap3A_139, %swap3A_140, %swap3A_141] : memref<256x32x128xf32, #tpu.memory_space<vmem>>, vector<256x1x128xf32>
    %swap3A_143 = vector.shape_cast %swap3A_142 : vector<256x1x128xf32> to vector<256x128xf32>
    %swap3A_144 = vector.shape_cast %dot_general3A_138 : vector<256x128xf32> to vector<256x1x128xf32>
    tpu.vector_store %arg5[%swap3A_139, %swap3A_140, %swap3A_141], %swap3A_144 {strides = array<i32>} : memref<256x32x128xf32, #tpu.memory_space<vmem>>, vector<256x1x128xf32>,
    %slice3A_145 = vector.extract_strided_slice %convert_element_type3A_22 {offsets = [0, 1152], sizes = [256, 128], strides = [1, 1]} : vector<256x4096xf32> to vector<256x128xf32>
    %dot_general3A_146 = arith.constant dense<0.000000e+00> : vector<256x128xf32>
    %dot_general3A_147 = tpu.matmul %slice3A_145, %convert_element_type3A_64, %dot_general3A_146 {dimension_numbers = #tpu.dot_dimension_numbers<[1], [0], [0], [1], [0, 0, 1, 1], [], []>, transpose_lhs_hint = false} : vector<256x128xf32>, vector<128x128xf32>, vector<256x128xf32> -> vector<256x128xf32>
    %swap3A_148 = arith.constant 0 : index
    %swap3A_149 = arith.constant 9 : index
    %swap3A_150 = arith.constant 0 : index
    %swap3A_151 = vector.load %arg5[%swap3A_148, %swap3A_149, %swap3A_150] : memref<256x32x128xf32, #tpu.memory_space<vmem>>, vector<256x1x128xf32>
    %swap3A_152 = vector.shape_cast %swap3A_151 : vector<256x1x128xf32> to vector<256x128xf32>
    %swap3A_153 = vector.shape_cast %dot_general3A_147 : vector<256x128xf32> to vector<256x1x128xf32>
    tpu.vector_store %arg5[%swap3A_148, %swap3A_149, %swap3A_150], %swap3A_153 {strides = array<i32>} : memref<256x32x128xf32, #tpu.memory_space<vmem>>, vector<256x1x128xf32>,
    %slice3A_154 = vector.extract_strided_slice %convert_element_type3A_22 {offsets = [0, 1280], sizes = [256, 128], strides = [1, 1]} : vector<256x4096xf32> to vector<256x128xf32>
    %dot_general3A_155 = arith.constant dense<0.000000e+00> : vector<256x128xf32>
    %dot_general3A_156 = tpu.matmul %slice3A_154, %convert_element_type3A_64, %dot_general3A_155 {dimension_numbers = #tpu.dot_dimension_numbers<[1], [0], [0], [1], [0, 0, 1, 1], [], []>, transpose_lhs_hint = false} : vector<256x128xf32>, vector<128x128xf32>, vector<256x128xf32> -> vector<256x128xf32>
    %swap3A_157 = arith.constant 0 : index
    %swap3A_158 = arith.constant 10 : index
    %swap3A_159 = arith.constant 0 : index
    %swap3A_160 = vector.load %arg5[%swap3A_157, %swap3A_158, %swap3A_159] : memref<256x32x128xf32, #tpu.memory_space<vmem>>, vector<256x1x128xf32>
    %swap3A_161 = vector.shape_cast %swap3A_160 : vector<256x1x128xf32> to vector<256x128xf32>
    %swap3A_162 = vector.shape_cast %dot_general3A_156 : vector<256x128xf32> to vector<256x1x128xf32>
    tpu.vector_store %arg5[%swap3A_157, %swap3A_158, %swap3A_159], %swap3A_162 {strides = array<i32>} : memref<256x32x128xf32, #tpu.memory_space<vmem>>, vector<256x1x128xf32>,
    %slice3A_163 = vector.extract_strided_slice %convert_element_type3A_22 {offsets = [0, 1408], sizes = [256, 128], strides = [1, 1]} : vector<256x4096xf32> to vector<256x128xf32>
    %dot_general3A_164 = arith.constant dense<0.000000e+00> : vector<256x128xf32>
    %dot_general3A_165 = tpu.matmul %slice3A_163, %convert_element_type3A_64, %dot_general3A_164 {dimension_numbers = #tpu.dot_dimension_numbers<[1], [0], [0], [1], [0, 0, 1, 1], [], []>, transpose_lhs_hint = false} : vector<256x128xf32>, vector<128x128xf32>, vector<256x128xf32> -> vector<256x128xf32>
    %swap3A_166 = arith.constant 0 : index
    %swap3A_167 = arith.constant 11 : index
    %swap3A_168 = arith.constant 0 : index
    %swap3A_169 = vector.load %arg5[%swap3A_166, %swap3A_167, %swap3A_168] : memref<256x32x128xf32, #tpu.memory_space<vmem>>, vector<256x1x128xf32>
    %swap3A_170 = vector.shape_cast %swap3A_169 : vector<256x1x128xf32> to vector<256x128xf32>
    %swap3A_171 = vector.shape_cast %dot_general3A_165 : vector<256x128xf32> to vector<256x1x128xf32>
    tpu.vector_store %arg5[%swap3A_166, %swap3A_167, %swap3A_168], %swap3A_171 {strides = array<i32>} : memref<256x32x128xf32, #tpu.memory_space<vmem>>, vector<256x1x128xf32>,
    %slice3A_172 = vector.extract_strided_slice %convert_element_type3A_22 {offsets = [0, 1536], sizes = [256, 128], strides = [1, 1]} : vector<256x4096xf32> to vector<256x128xf32>
    %dot_general3A_173 = arith.constant dense<0.000000e+00> : vector<256x128xf32>
    %dot_general3A_174 = tpu.matmul %slice3A_172, %convert_element_type3A_64, %dot_general3A_173 {dimension_numbers = #tpu.dot_dimension_numbers<[1], [0], [0], [1], [0, 0, 1, 1], [], []>, transpose_lhs_hint = false} : vector<256x128xf32>, vector<128x128xf32>, vector<256x128xf32> -> vector<256x128xf32>
    %swap3A_175 = arith.constant 0 : index
    %swap3A_176 = arith.constant 12 : index
    %swap3A_177 = arith.constant 0 : index
    %swap3A_178 = vector.load %arg5[%swap3A_175, %swap3A_176, %swap3A_177] : memref<256x32x128xf32, #tpu.memory_space<vmem>>, vector<256x1x128xf32>
    %swap3A_179 = vector.shape_cast %swap3A_178 : vector<256x1x128xf32> to vector<256x128xf32>
    %swap3A_180 = vector.shape_cast %dot_general3A_174 : vector<256x128xf32> to vector<256x1x128xf32>
    tpu.vector_store %arg5[%swap3A_175, %swap3A_176, %swap3A_177], %swap3A_180 {strides = array<i32>} : memref<256x32x128xf32, #tpu.memory_space<vmem>>, vector<256x1x128xf32>,
    %slice3A_181 = vector.extract_strided_slice %convert_element_type3A_22 {offsets = [0, 1664], sizes = [256, 128], strides = [1, 1]} : vector<256x4096xf32> to vector<256x128xf32>
    %dot_general3A_182 = arith.constant dense<0.000000e+00> : vector<256x128xf32>
    %dot_general3A_183 = tpu.matmul %slice3A_181, %convert_element_type3A_64, %dot_general3A_182 {dimension_numbers = #tpu.dot_dimension_numbers<[1], [0], [0], [1], [0, 0, 1, 1], [], []>, transpose_lhs_hint = false} : vector<256x128xf32>, vector<128x128xf32>, vector<256x128xf32> -> vector<256x128xf32>
    %swap3A_184 = arith.constant 0 : index
    %swap3A_185 = arith.constant 13 : index
    %swap3A_186 = arith.constant 0 : index
    %swap3A_187 = vector.load %arg5[%swap3A_184, %swap3A_185, %swap3A_186] : memref<256x32x128xf32, #tpu.memory_space<vmem>>, vector<256x1x128xf32>
    %swap3A_188 = vector.shape_cast %swap3A_187 : vector<256x1x128xf32> to vector<256x128xf32>
    %swap3A_189 = vector.shape_cast %dot_general3A_183 : vector<256x128xf32> to vector<256x1x128xf32>
    tpu.vector_store %arg5[%swap3A_184, %swap3A_185, %swap3A_186], %swap3A_189 {strides = array<i32>} : memref<256x32x128xf32, #tpu.memory_space<vmem>>, vector<256x1x128xf32>,
    %slice3A_190 = vector.extract_strided_slice %convert_element_type3A_22 {offsets = [0, 1792], sizes = [256, 128], strides = [1, 1]} : vector<256x4096xf32> to vector<256x128xf32>
    %dot_general3A_191 = arith.constant dense<0.000000e+00> : vector<256x128xf32>
    %dot_general3A_192 = tpu.matmul %slice3A_190, %convert_element_type3A_64, %dot_general3A_191 {dimension_numbers = #tpu.dot_dimension_numbers<[1], [0], [0], [1], [0, 0, 1, 1], [], []>, transpose_lhs_hint = false} : vector<256x128xf32>, vector<128x128xf32>, vector<256x128xf32> -> vector<256x128xf32>
    %swap3A_193 = arith.constant 0 : index
    %swap3A_194 = arith.constant 14 : index
    %swap3A_195 = arith.constant 0 : index
    %swap3A_196 = vector.load %arg5[%swap3A_193, %swap3A_194, %swap3A_195] : memref<256x32x128xf32, #tpu.memory_space<vmem>>, vector<256x1x128xf32>
    %swap3A_197 = vector.shape_cast %swap3A_196 : vector<256x1x128xf32> to vector<256x128xf32>
    %swap3A_198 = vector.shape_cast %dot_general3A_192 : vector<256x128xf32> to vector<256x1x128xf32>
    tpu.vector_store %arg5[%swap3A_193, %swap3A_194, %swap3A_195], %swap3A_198 {strides = array<i32>} : memref<256x32x128xf32, #tpu.memory_space<vmem>>, vector<256x1x128xf32>,
    %slice3A_199 = vector.extract_strided_slice %convert_element_type3A_22 {offsets = [0, 1920], sizes = [256, 128], strides = [1, 1]} : vector<256x4096xf32> to vector<256x128xf32>
    %dot_general3A_200 = arith.constant dense<0.000000e+00> : vector<256x128xf32>
    %dot_general3A_201 = tpu.matmul %slice3A_199, %convert_element_type3A_64, %dot_general3A_200 {dimension_numbers = #tpu.dot_dimension_numbers<[1], [0], [0], [1], [0, 0, 1, 1], [], []>, transpose_lhs_hint = false} : vector<256x128xf32>, vector<128x128xf32>, vector<256x128xf32> -> vector<256x128xf32>
    %swap3A_202 = arith.constant 0 : index
    %swap3A_203 = arith.constant 15 : index
    %swap3A_204 = arith.constant 0 : index
    %swap3A_205 = vector.load %arg5[%swap3A_202, %swap3A_203, %swap3A_204] : memref<256x32x128xf32, #tpu.memory_space<vmem>>, vector<256x1x128xf32>
    %swap3A_206 = vector.shape_cast %swap3A_205 : vector<256x1x128xf32> to vector<256x128xf32>
    %swap3A_207 = vector.shape_cast %dot_general3A_201 : vector<256x128xf32> to vector<256x1x128xf32>
    tpu.vector_store %arg5[%swap3A_202, %swap3A_203, %swap3A_204], %swap3A_207 {strides = array<i32>} : memref<256x32x128xf32, #tpu.memory_space<vmem>>, vector<256x1x128xf32>,
    %slice3A_208 = vector.extract_strided_slice %convert_element_type3A_22 {offsets = [0, 2048], sizes = [256, 128], strides = [1, 1]} : vector<256x4096xf32> to vector<256x128xf32>
    %dot_general3A_209 = arith.constant dense<0.000000e+00> : vector<256x128xf32>
    %dot_general3A_210 = tpu.matmul %slice3A_208, %convert_element_type3A_64, %dot_general3A_209 {dimension_numbers = #tpu.dot_dimension_numbers<[1], [0], [0], [1], [0, 0, 1, 1], [], []>, transpose_lhs_hint = false} : vector<256x128xf32>, vector<128x128xf32>, vector<256x128xf32> -> vector<256x128xf32>
    %swap3A_211 = arith.constant 0 : index
    %swap3A_212 = arith.constant 16 : index
    %swap3A_213 = arith.constant 0 : index
    %swap3A_214 = vector.load %arg5[%swap3A_211, %swap3A_212, %swap3A_213] : memref<256x32x128xf32, #tpu.memory_space<vmem>>, vector<256x1x128xf32>
    %swap3A_215 = vector.shape_cast %swap3A_214 : vector<256x1x128xf32> to vector<256x128xf32>
    %swap3A_216 = vector.shape_cast %dot_general3A_210 : vector<256x128xf32> to vector<256x1x128xf32>
    tpu.vector_store %arg5[%swap3A_211, %swap3A_212, %swap3A_213], %swap3A_216 {strides = array<i32>} : memref<256x32x128xf32, #tpu.memory_space<vmem>>, vector<256x1x128xf32>,
    %slice3A_217 = vector.extract_strided_slice %convert_element_type3A_22 {offsets = [0, 2176], sizes = [256, 128], strides = [1, 1]} : vector<256x4096xf32> to vector<256x128xf32>
    %dot_general3A_218 = arith.constant dense<0.000000e+00> : vector<256x128xf32>
    %dot_general3A_219 = tpu.matmul %slice3A_217, %convert_element_type3A_64, %dot_general3A_218 {dimension_numbers = #tpu.dot_dimension_numbers<[1], [0], [0], [1], [0, 0, 1, 1], [], []>, transpose_lhs_hint = false} : vector<256x128xf32>, vector<128x128xf32>, vector<256x128xf32> -> vector<256x128xf32>
    %swap3A_220 = arith.constant 0 : index
    %swap3A_221 = arith.constant 17 : index
    %swap3A_222 = arith.constant 0 : index
    %swap3A_223 = vector.load %arg5[%swap3A_220, %swap3A_221, %swap3A_222] : memref<256x32x128xf32, #tpu.memory_space<vmem>>, vector<256x1x128xf32>
    %swap3A_224 = vector.shape_cast %swap3A_223 : vector<256x1x128xf32> to vector<256x128xf32>
    %swap3A_225 = vector.shape_cast %dot_general3A_219 : vector<256x128xf32> to vector<256x1x128xf32>
    tpu.vector_store %arg5[%swap3A_220, %swap3A_221, %swap3A_222], %swap3A_225 {strides = array<i32>} : memref<256x32x128xf32, #tpu.memory_space<vmem>>, vector<256x1x128xf32>,
    %slice3A_226 = vector.extract_strided_slice %convert_element_type3A_22 {offsets = [0, 2304], sizes = [256, 128], strides = [1, 1]} : vector<256x4096xf32> to vector<256x128xf32>
    %dot_general3A_227 = arith.constant dense<0.000000e+00> : vector<256x128xf32>
    %dot_general3A_228 = tpu.matmul %slice3A_226, %convert_element_type3A_64, %dot_general3A_227 {dimension_numbers = #tpu.dot_dimension_numbers<[1], [0], [0], [1], [0, 0, 1, 1], [], []>, transpose_lhs_hint = false} : vector<256x128xf32>, vector<128x128xf32>, vector<256x128xf32> -> vector<256x128xf32>
    %swap3A_229 = arith.constant 0 : index
    %swap3A_230 = arith.constant 18 : index
    %swap3A_231 = arith.constant 0 : index
    %swap3A_232 = vector.load %arg5[%swap3A_229, %swap3A_230, %swap3A_231] : memref<256x32x128xf32, #tpu.memory_space<vmem>>, vector<256x1x128xf32>
    %swap3A_233 = vector.shape_cast %swap3A_232 : vector<256x1x128xf32> to vector<256x128xf32>
    %swap3A_234 = vector.shape_cast %dot_general3A_228 : vector<256x128xf32> to vector<256x1x128xf32>
    tpu.vector_store %arg5[%swap3A_229, %swap3A_230, %swap3A_231], %swap3A_234 {strides = array<i32>} : memref<256x32x128xf32, #tpu.memory_space<vmem>>, vector<256x1x128xf32>,
    %slice3A_235 = vector.extract_strided_slice %convert_element_type3A_22 {offsets = [0, 2432], sizes = [256, 128], strides = [1, 1]} : vector<256x4096xf32> to vector<256x128xf32>
    %dot_general3A_236 = arith.constant dense<0.000000e+00> : vector<256x128xf32>
    %dot_general3A_237 = tpu.matmul %slice3A_235, %convert_element_type3A_64, %dot_general3A_236 {dimension_numbers = #tpu.dot_dimension_numbers<[1], [0], [0], [1], [0, 0, 1, 1], [], []>, transpose_lhs_hint = false} : vector<256x128xf32>, vector<128x128xf32>, vector<256x128xf32> -> vector<256x128xf32>
    %swap3A_238 = arith.constant 0 : index
    %swap3A_239 = arith.constant 19 : index
    %swap3A_240 = arith.constant 0 : index
    %swap3A_241 = vector.load %arg5[%swap3A_238, %swap3A_239, %swap3A_240] : memref<256x32x128xf32, #tpu.memory_space<vmem>>, vector<256x1x128xf32>
    %swap3A_242 = vector.shape_cast %swap3A_241 : vector<256x1x128xf32> to vector<256x128xf32>
    %swap3A_243 = vector.shape_cast %dot_general3A_237 : vector<256x128xf32> to vector<256x1x128xf32>
    tpu.vector_store %arg5[%swap3A_238, %swap3A_239, %swap3A_240], %swap3A_243 {strides = array<i32>} : memref<256x32x128xf32, #tpu.memory_space<vmem>>, vector<256x1x128xf32>,
    %slice3A_244 = vector.extract_strided_slice %convert_element_type3A_22 {offsets = [0, 2560], sizes = [256, 128], strides = [1, 1]} : vector<256x4096xf32> to vector<256x128xf32>
    %dot_general3A_245 = arith.constant dense<0.000000e+00> : vector<256x128xf32>
    %dot_general3A_246 = tpu.matmul %slice3A_244, %convert_element_type3A_64, %dot_general3A_245 {dimension_numbers = #tpu.dot_dimension_numbers<[1], [0], [0], [1], [0, 0, 1, 1], [], []>, transpose_lhs_hint = false} : vector<256x128xf32>, vector<128x128xf32>, vector<256x128xf32> -> vector<256x128xf32>
    %swap3A_247 = arith.constant 0 : index
    %swap3A_248 = arith.constant 20 : index
    %swap3A_249 = arith.constant 0 : index
    %swap3A_250 = vector.load %arg5[%swap3A_247, %swap3A_248, %swap3A_249] : memref<256x32x128xf32, #tpu.memory_space<vmem>>, vector<256x1x128xf32>
    %swap3A_251 = vector.shape_cast %swap3A_250 : vector<256x1x128xf32> to vector<256x128xf32>
    %swap3A_252 = vector.shape_cast %dot_general3A_246 : vector<256x128xf32> to vector<256x1x128xf32>
    tpu.vector_store %arg5[%swap3A_247, %swap3A_248, %swap3A_249], %swap3A_252 {strides = array<i32>} : memref<256x32x128xf32, #tpu.memory_space<vmem>>, vector<256x1x128xf32>,
    %slice3A_253 = vector.extract_strided_slice %convert_element_type3A_22 {offsets = [0, 2688], sizes = [256, 128], strides = [1, 1]} : vector<256x4096xf32> to vector<256x128xf32>
    %dot_general3A_254 = arith.constant dense<0.000000e+00> : vector<256x128xf32>
    %dot_general3A_255 = tpu.matmul %slice3A_253, %convert_element_type3A_64, %dot_general3A_254 {dimension_numbers = #tpu.dot_dimension_numbers<[1], [0], [0], [1], [0, 0, 1, 1], [], []>, transpose_lhs_hint = false} : vector<256x128xf32>, vector<128x128xf32>, vector<256x128xf32> -> vector<256x128xf32>
    %swap3A_256 = arith.constant 0 : index
    %swap3A_257 = arith.constant 21 : index
    %swap3A_258 = arith.constant 0 : index
    %swap3A_259 = vector.load %arg5[%swap3A_256, %swap3A_257, %swap3A_258] : memref<256x32x128xf32, #tpu.memory_space<vmem>>, vector<256x1x128xf32>
    %swap3A_260 = vector.shape_cast %swap3A_259 : vector<256x1x128xf32> to vector<256x128xf32>
    %swap3A_261 = vector.shape_cast %dot_general3A_255 : vector<256x128xf32> to vector<256x1x128xf32>
    tpu.vector_store %arg5[%swap3A_256, %swap3A_257, %swap3A_258], %swap3A_261 {strides = array<i32>} : memref<256x32x128xf32, #tpu.memory_space<vmem>>, vector<256x1x128xf32>,
    %slice3A_262 = vector.extract_strided_slice %convert_element_type3A_22 {offsets = [0, 2816], sizes = [256, 128], strides = [1, 1]} : vector<256x4096xf32> to vector<256x128xf32>
    %dot_general3A_263 = arith.constant dense<0.000000e+00> : vector<256x128xf32>
    %dot_general3A_264 = tpu.matmul %slice3A_262, %convert_element_type3A_64, %dot_general3A_263 {dimension_numbers = #tpu.dot_dimension_numbers<[1], [0], [0], [1], [0, 0, 1, 1], [], []>, transpose_lhs_hint = false} : vector<256x128xf32>, vector<128x128xf32>, vector<256x128xf32> -> vector<256x128xf32>
    %swap3A_265 = arith.constant 0 : index
    %swap3A_266 = arith.constant 22 : index
    %swap3A_267 = arith.constant 0 : index
    %swap3A_268 = vector.load %arg5[%swap3A_265, %swap3A_266, %swap3A_267] : memref<256x32x128xf32, #tpu.memory_space<vmem>>, vector<256x1x128xf32>
    %swap3A_269 = vector.shape_cast %swap3A_268 : vector<256x1x128xf32> to vector<256x128xf32>
    %swap3A_270 = vector.shape_cast %dot_general3A_264 : vector<256x128xf32> to vector<256x1x128xf32>
    tpu.vector_store %arg5[%swap3A_265, %swap3A_266, %swap3A_267], %swap3A_270 {strides = array<i32>} : memref<256x32x128xf32, #tpu.memory_space<vmem>>, vector<256x1x128xf32>,
    %slice3A_271 = vector.extract_strided_slice %convert_element_type3A_22 {offsets = [0, 2944], sizes = [256, 128], strides = [1, 1]} : vector<256x4096xf32> to vector<256x128xf32>
    %dot_general3A_272 = arith.constant dense<0.000000e+00> : vector<256x128xf32>
    %dot_general3A_273 = tpu.matmul %slice3A_271, %convert_element_type3A_64, %dot_general3A_272 {dimension_numbers = #tpu.dot_dimension_numbers<[1], [0], [0], [1], [0, 0, 1, 1], [], []>, transpose_lhs_hint = false} : vector<256x128xf32>, vector<128x128xf32>, vector<256x128xf32> -> vector<256x128xf32>
    %swap3A_274 = arith.constant 0 : index
    %swap3A_275 = arith.constant 23 : index
    %swap3A_276 = arith.constant 0 : index
    %swap3A_277 = vector.load %arg5[%swap3A_274, %swap3A_275, %swap3A_276] : memref<256x32x128xf32, #tpu.memory_space<vmem>>, vector<256x1x128xf32>
    %swap3A_278 = vector.shape_cast %swap3A_277 : vector<256x1x128xf32> to vector<256x128xf32>
    %swap3A_279 = vector.shape_cast %dot_general3A_273 : vector<256x128xf32> to vector<256x1x128xf32>
    tpu.vector_store %arg5[%swap3A_274, %swap3A_275, %swap3A_276], %swap3A_279 {strides = array<i32>} : memref<256x32x128xf32, #tpu.memory_space<vmem>>, vector<256x1x128xf32>,
    %slice3A_280 = vector.extract_strided_slice %convert_element_type3A_22 {offsets = [0, 3072], sizes = [256, 128], strides = [1, 1]} : vector<256x4096xf32> to vector<256x128xf32>
    %dot_general3A_281 = arith.constant dense<0.000000e+00> : vector<256x128xf32>
    %dot_general3A_282 = tpu.matmul %slice3A_280, %convert_element_type3A_64, %dot_general3A_281 {dimension_numbers = #tpu.dot_dimension_numbers<[1], [0], [0], [1], [0, 0, 1, 1], [], []>, transpose_lhs_hint = false} : vector<256x128xf32>, vector<128x128xf32>, vector<256x128xf32> -> vector<256x128xf32>
    %swap3A_283 = arith.constant 0 : index
    %swap3A_284 = arith.constant 24 : index
    %swap3A_285 = arith.constant 0 : index
    %swap3A_286 = vector.load %arg5[%swap3A_283, %swap3A_284, %swap3A_285] : memref<256x32x128xf32, #tpu.memory_space<vmem>>, vector<256x1x128xf32>
    %swap3A_287 = vector.shape_cast %swap3A_286 : vector<256x1x128xf32> to vector<256x128xf32>
    %swap3A_288 = vector.shape_cast %dot_general3A_282 : vector<256x128xf32> to vector<256x1x128xf32>
    tpu.vector_store %arg5[%swap3A_283, %swap3A_284, %swap3A_285], %swap3A_288 {strides = array<i32>} : memref<256x32x128xf32, #tpu.memory_space<vmem>>, vector<256x1x128xf32>,
    %slice3A_289 = vector.extract_strided_slice %convert_element_type3A_22 {offsets = [0, 3200], sizes = [256, 128], strides = [1, 1]} : vector<256x4096xf32> to vector<256x128xf32>
    %dot_general3A_290 = arith.constant dense<0.000000e+00> : vector<256x128xf32>
    %dot_general3A_291 = tpu.matmul %slice3A_289, %convert_element_type3A_64, %dot_general3A_290 {dimension_numbers = #tpu.dot_dimension_numbers<[1], [0], [0], [1], [0, 0, 1, 1], [], []>, transpose_lhs_hint = false} : vector<256x128xf32>, vector<128x128xf32>, vector<256x128xf32> -> vector<256x128xf32>
    %swap3A_292 = arith.constant 0 : index
    %swap3A_293 = arith.constant 25 : index
    %swap3A_294 = arith.constant 0 : index
    %swap3A_295 = vector.load %arg5[%swap3A_292, %swap3A_293, %swap3A_294] : memref<256x32x128xf32, #tpu.memory_space<vmem>>, vector<256x1x128xf32>
    %swap3A_296 = vector.shape_cast %swap3A_295 : vector<256x1x128xf32> to vector<256x128xf32>
    %swap3A_297 = vector.shape_cast %dot_general3A_291 : vector<256x128xf32> to vector<256x1x128xf32>
    tpu.vector_store %arg5[%swap3A_292, %swap3A_293, %swap3A_294], %swap3A_297 {strides = array<i32>} : memref<256x32x128xf32, #tpu.memory_space<vmem>>, vector<256x1x128xf32>,
    %slice3A_298 = vector.extract_strided_slice %convert_element_type3A_22 {offsets = [0, 3328], sizes = [256, 128], strides = [1, 1]} : vector<256x4096xf32> to vector<256x128xf32>
    %dot_general3A_299 = arith.constant dense<0.000000e+00> : vector<256x128xf32>
    %dot_general3A_300 = tpu.matmul %slice3A_298, %convert_element_type3A_64, %dot_general3A_299 {dimension_numbers = #tpu.dot_dimension_numbers<[1], [0], [0], [1], [0, 0, 1, 1], [], []>, transpose_lhs_hint = false} : vector<256x128xf32>, vector<128x128xf32>, vector<256x128xf32> -> vector<256x128xf32>
    %swap3A_301 = arith.constant 0 : index
    %swap3A_302 = arith.constant 26 : index
    %swap3A_303 = arith.constant 0 : index
    %swap3A_304 = vector.load %arg5[%swap3A_301, %swap3A_302, %swap3A_303] : memref<256x32x128xf32, #tpu.memory_space<vmem>>, vector<256x1x128xf32>
    %swap3A_305 = vector.shape_cast %swap3A_304 : vector<256x1x128xf32> to vector<256x128xf32>
    %swap3A_306 = vector.shape_cast %dot_general3A_300 : vector<256x128xf32> to vector<256x1x128xf32>
    tpu.vector_store %arg5[%swap3A_301, %swap3A_302, %swap3A_303], %swap3A_306 {strides = array<i32>} : memref<256x32x128xf32, #tpu.memory_space<vmem>>, vector<256x1x128xf32>,
    %slice3A_307 = vector.extract_strided_slice %convert_element_type3A_22 {offsets = [0, 3456], sizes = [256, 128], strides = [1, 1]} : vector<256x4096xf32> to vector<256x128xf32>
    %dot_general3A_308 = arith.constant dense<0.000000e+00> : vector<256x128xf32>
    %dot_general3A_309 = tpu.matmul %slice3A_307, %convert_element_type3A_64, %dot_general3A_308 {dimension_numbers = #tpu.dot_dimension_numbers<[1], [0], [0], [1], [0, 0, 1, 1], [], []>, transpose_lhs_hint = false} : vector<256x128xf32>, vector<128x128xf32>, vector<256x128xf32> -> vector<256x128xf32>
    %swap3A_310 = arith.constant 0 : index
    %swap3A_311 = arith.constant 27 : index
    %swap3A_312 = arith.constant 0 : index
    %swap3A_313 = vector.load %arg5[%swap3A_310, %swap3A_311, %swap3A_312] : memref<256x32x128xf32, #tpu.memory_space<vmem>>, vector<256x1x128xf32>
    %swap3A_314 = vector.shape_cast %swap3A_313 : vector<256x1x128xf32> to vector<256x128xf32>
    %swap3A_315 = vector.shape_cast %dot_general3A_309 : vector<256x128xf32> to vector<256x1x128xf32>
    tpu.vector_store %arg5[%swap3A_310, %swap3A_311, %swap3A_312], %swap3A_315 {strides = array<i32>} : memref<256x32x128xf32, #tpu.memory_space<vmem>>, vector<256x1x128xf32>,
    %slice3A_316 = vector.extract_strided_slice %convert_element_type3A_22 {offsets = [0, 3584], sizes = [256, 128], strides = [1, 1]} : vector<256x4096xf32> to vector<256x128xf32>
    %dot_general3A_317 = arith.constant dense<0.000000e+00> : vector<256x128xf32>
    %dot_general3A_318 = tpu.matmul %slice3A_316, %convert_element_type3A_64, %dot_general3A_317 {dimension_numbers = #tpu.dot_dimension_numbers<[1], [0], [0], [1], [0, 0, 1, 1], [], []>, transpose_lhs_hint = false} : vector<256x128xf32>, vector<128x128xf32>, vector<256x128xf32> -> vector<256x128xf32>
    %swap3A_319 = arith.constant 0 : index
    %swap3A_320 = arith.constant 28 : index
    %swap3A_321 = arith.constant 0 : index
    %swap3A_322 = vector.load %arg5[%swap3A_319, %swap3A_320, %swap3A_321] : memref<256x32x128xf32, #tpu.memory_space<vmem>>, vector<256x1x128xf32>
    %swap3A_323 = vector.shape_cast %swap3A_322 : vector<256x1x128xf32> to vector<256x128xf32>
    %swap3A_324 = vector.shape_cast %dot_general3A_318 : vector<256x128xf32> to vector<256x1x128xf32>
    tpu.vector_store %arg5[%swap3A_319, %swap3A_320, %swap3A_321], %swap3A_324 {strides = array<i32>} : memref<256x32x128xf32, #tpu.memory_space<vmem>>, vector<256x1x128xf32>,
    %slice3A_325 = vector.extract_strided_slice %convert_element_type3A_22 {offsets = [0, 3712], sizes = [256, 128], strides = [1, 1]} : vector<256x4096xf32> to vector<256x128xf32>
    %dot_general3A_326 = arith.constant dense<0.000000e+00> : vector<256x128xf32>
    %dot_general3A_327 = tpu.matmul %slice3A_325, %convert_element_type3A_64, %dot_general3A_326 {dimension_numbers = #tpu.dot_dimension_numbers<[1], [0], [0], [1], [0, 0, 1, 1], [], []>, transpose_lhs_hint = false} : vector<256x128xf32>, vector<128x128xf32>, vector<256x128xf32> -> vector<256x128xf32>
    %swap3A_328 = arith.constant 0 : index
    %swap3A_329 = arith.constant 29 : index
    %swap3A_330 = arith.constant 0 : index
    %swap3A_331 = vector.load %arg5[%swap3A_328, %swap3A_329, %swap3A_330] : memref<256x32x128xf32, #tpu.memory_space<vmem>>, vector<256x1x128xf32>
    %swap3A_332 = vector.shape_cast %swap3A_331 : vector<256x1x128xf32> to vector<256x128xf32>
    %swap3A_333 = vector.shape_cast %dot_general3A_327 : vector<256x128xf32> to vector<256x1x128xf32>
    tpu.vector_store %arg5[%swap3A_328, %swap3A_329, %swap3A_330], %swap3A_333 {strides = array<i32>} : memref<256x32x128xf32, #tpu.memory_space<vmem>>, vector<256x1x128xf32>,
    %slice3A_334 = vector.extract_strided_slice %convert_element_type3A_22 {offsets = [0, 3840], sizes = [256, 128], strides = [1, 1]} : vector<256x4096xf32> to vector<256x128xf32>
    %dot_general3A_335 = arith.constant dense<0.000000e+00> : vector<256x128xf32>
    %dot_general3A_336 = tpu.matmul %slice3A_334, %convert_element_type3A_64, %dot_general3A_335 {dimension_numbers = #tpu.dot_dimension_numbers<[1], [0], [0], [1], [0, 0, 1, 1], [], []>, transpose_lhs_hint = false} : vector<256x128xf32>, vector<128x128xf32>, vector<256x128xf32> -> vector<256x128xf32>
    %swap3A_337 = arith.constant 0 : index
    %swap3A_338 = arith.constant 30 : index
    %swap3A_339 = arith.constant 0 : index
    %swap3A_340 = vector.load %arg5[%swap3A_337, %swap3A_338, %swap3A_339] : memref<256x32x128xf32, #tpu.memory_space<vmem>>, vector<256x1x128xf32>
    %swap3A_341 = vector.shape_cast %swap3A_340 : vector<256x1x128xf32> to vector<256x128xf32>
    %swap3A_342 = vector.shape_cast %dot_general3A_336 : vector<256x128xf32> to vector<256x1x128xf32>
    tpu.vector_store %arg5[%swap3A_337, %swap3A_338, %swap3A_339], %swap3A_342 {strides = array<i32>} : memref<256x32x128xf32, #tpu.memory_space<vmem>>, vector<256x1x128xf32>,
    %slice3A_343 = vector.extract_strided_slice %convert_element_type3A_22 {offsets = [0, 3968], sizes = [256, 128], strides = [1, 1]} : vector<256x4096xf32> to vector<256x128xf32>
    %dot_general3A_344 = arith.constant dense<0.000000e+00> : vector<256x128xf32>
    %dot_general3A_345 = tpu.matmul %slice3A_343, %convert_element_type3A_64, %dot_general3A_344 {dimension_numbers = #tpu.dot_dimension_numbers<[1], [0], [0], [1], [0, 0, 1, 1], [], []>, transpose_lhs_hint = false} : vector<256x128xf32>, vector<128x128xf32>, vector<256x128xf32> -> vector<256x128xf32>
    %swap3A_346 = arith.constant 0 : index
    %swap3A_347 = arith.constant 31 : index
    %swap3A_348 = arith.constant 0 : index
    %swap3A_349 = vector.load %arg5[%swap3A_346, %swap3A_347, %swap3A_348] : memref<256x32x128xf32, #tpu.memory_space<vmem>>, vector<256x1x128xf32>
    %swap3A_350 = vector.shape_cast %swap3A_349 : vector<256x1x128xf32> to vector<256x128xf32>
    %swap3A_351 = vector.shape_cast %dot_general3A_345 : vector<256x128xf32> to vector<256x1x128xf32>
    tpu.vector_store %arg5[%swap3A_346, %swap3A_347, %swap3A_348], %swap3A_351 {strides = array<i32>} : memref<256x32x128xf32, #tpu.memory_space<vmem>>, vector<256x1x128xf32>,
    %iota3A_352 = tpu.iota {dimensions = array<i32: 1>} : vector<256x48xi32>
    %convert_element_type3A_353 = arith.sitofp %iota3A_352 : vector<256x48xi32> to vector<256x48xf32>
    %le3A_354 = arith.constant 0.000000e+00 : f32
    %le3A_355 = vector.broadcast %le3A_354 : f32 to vector<256x32xf32>
    %le3A_356 = arith.cmpf ole, %dot_general3A_58, %le3A_355 : vector<256x32xf32>
    %convert_element_type3A_357 = arith.extui %le3A_356 : vector<256x32xi1> to vector<256x32xi32>
    %convert_element_type3A_358 = arith.sitofp %convert_element_type3A_357 : vector<256x32xi32> to vector<256x32xf32>
    %reduce_sum3A_359 = arith.constant dense<0.000000e+00> : vector<256xf32>
    %reduce_sum3A_360 = vector.multi_reduction <add>, %convert_element_type3A_358, %reduce_sum3A_359 [1] : vector<256x32xf32> to vector<256xf32>
    %broadcast_in_dim3A_361 = vector.shape_cast %reduce_sum3A_360 : vector<256xf32> to vector<256x1xf32>
    %le3A_362 = arith.constant 1.000000e+00 : f32
    %le3A_363 = vector.broadcast %le3A_362 : f32 to vector<256x32xf32>
    %le3A_364 = arith.cmpf ole, %dot_general3A_58, %le3A_363 : vector<256x32xf32>
    %convert_element_type3A_365 = arith.extui %le3A_364 : vector<256x32xi1> to vector<256x32xi32>
    %convert_element_type3A_366 = arith.sitofp %convert_element_type3A_365 : vector<256x32xi32> to vector<256x32xf32>
    %reduce_sum3A_367 = arith.constant dense<0.000000e+00> : vector<256xf32>
    %reduce_sum3A_368 = vector.multi_reduction <add>, %convert_element_type3A_366, %reduce_sum3A_367 [1] : vector<256x32xf32> to vector<256xf32>
    %broadcast_in_dim3A_369 = vector.shape_cast %reduce_sum3A_368 : vector<256xf32> to vector<256x1xf32>
    %le3A_370 = arith.constant 2.000000e+00 : f32
    %le3A_371 = vector.broadcast %le3A_370 : f32 to vector<256x32xf32>
    %le3A_372 = arith.cmpf ole, %dot_general3A_58, %le3A_371 : vector<256x32xf32>
    %convert_element_type3A_373 = arith.extui %le3A_372 : vector<256x32xi1> to vector<256x32xi32>
    %convert_element_type3A_374 = arith.sitofp %convert_element_type3A_373 : vector<256x32xi32> to vector<256x32xf32>
    %reduce_sum3A_375 = arith.constant dense<0.000000e+00> : vector<256xf32>
    %reduce_sum3A_376 = vector.multi_reduction <add>, %convert_element_type3A_374, %reduce_sum3A_375 [1] : vector<256x32xf32> to vector<256xf32>
    %broadcast_in_dim3A_377 = vector.shape_cast %reduce_sum3A_376 : vector<256xf32> to vector<256x1xf32>
    %le3A_378 = arith.constant 3.000000e+00 : f32
    %le3A_379 = vector.broadcast %le3A_378 : f32 to vector<256x32xf32>
    %le3A_380 = arith.cmpf ole, %dot_general3A_58, %le3A_379 : vector<256x32xf32>
    %convert_element_type3A_381 = arith.extui %le3A_380 : vector<256x32xi1> to vector<256x32xi32>
    %convert_element_type3A_382 = arith.sitofp %convert_element_type3A_381 : vector<256x32xi32> to vector<256x32xf32>
    %reduce_sum3A_383 = arith.constant dense<0.000000e+00> : vector<256xf32>
    %reduce_sum3A_384 = vector.multi_reduction <add>, %convert_element_type3A_382, %reduce_sum3A_383 [1] : vector<256x32xf32> to vector<256xf32>
    %broadcast_in_dim3A_385 = vector.shape_cast %reduce_sum3A_384 : vector<256xf32> to vector<256x1xf32>
    %le3A_386 = arith.constant 4.000000e+00 : f32
    %le3A_387 = vector.broadcast %le3A_386 : f32 to vector<256x32xf32>
    %le3A_388 = arith.cmpf ole, %dot_general3A_58, %le3A_387 : vector<256x32xf32>
    %convert_element_type3A_389 = arith.extui %le3A_388 : vector<256x32xi1> to vector<256x32xi32>
    %convert_element_type3A_390 = arith.sitofp %convert_element_type3A_389 : vector<256x32xi32> to vector<256x32xf32>
    %reduce_sum3A_391 = arith.constant dense<0.000000e+00> : vector<256xf32>
    %reduce_sum3A_392 = vector.multi_reduction <add>, %convert_element_type3A_390, %reduce_sum3A_391 [1] : vector<256x32xf32> to vector<256xf32>
    %broadcast_in_dim3A_393 = vector.shape_cast %reduce_sum3A_392 : vector<256xf32> to vector<256x1xf32>
    %le3A_394 = arith.constant 5.000000e+00 : f32
    %le3A_395 = vector.broadcast %le3A_394 : f32 to vector<256x32xf32>
    %le3A_396 = arith.cmpf ole, %dot_general3A_58, %le3A_395 : vector<256x32xf32>
    %convert_element_type3A_397 = arith.extui %le3A_396 : vector<256x32xi1> to vector<256x32xi32>
    %convert_element_type3A_398 = arith.sitofp %convert_element_type3A_397 : vector<256x32xi32> to vector<256x32xf32>
    %reduce_sum3A_399 = arith.constant dense<0.000000e+00> : vector<256xf32>
    %reduce_sum3A_400 = vector.multi_reduction <add>, %convert_element_type3A_398, %reduce_sum3A_399 [1] : vector<256x32xf32> to vector<256xf32>
    %broadcast_in_dim3A_401 = vector.shape_cast %reduce_sum3A_400 : vector<256xf32> to vector<256x1xf32>
    %le3A_402 = arith.constant 6.000000e+00 : f32
    %le3A_403 = vector.broadcast %le3A_402 : f32 to vector<256x32xf32>
    %le3A_404 = arith.cmpf ole, %dot_general3A_58, %le3A_403 : vector<256x32xf32>
    %convert_element_type3A_405 = arith.extui %le3A_404 : vector<256x32xi1> to vector<256x32xi32>
    %convert_element_type3A_406 = arith.sitofp %convert_element_type3A_405 : vector<256x32xi32> to vector<256x32xf32>
    %reduce_sum3A_407 = arith.constant dense<0.000000e+00> : vector<256xf32>
    %reduce_sum3A_408 = vector.multi_reduction <add>, %convert_element_type3A_406, %reduce_sum3A_407 [1] : vector<256x32xf32> to vector<256xf32>
    %broadcast_in_dim3A_409 = vector.shape_cast %reduce_sum3A_408 : vector<256xf32> to vector<256x1xf32>
    %le3A_410 = arith.constant 7.000000e+00 : f32
    %le3A_411 = vector.broadcast %le3A_410 : f32 to vector<256x32xf32>
    %le3A_412 = arith.cmpf ole, %dot_general3A_58, %le3A_411 : vector<256x32xf32>
    %convert_element_type3A_413 = arith.extui %le3A_412 : vector<256x32xi1> to vector<256x32xi32>
    %convert_element_type3A_414 = arith.sitofp %convert_element_type3A_413 : vector<256x32xi32> to vector<256x32xf32>
    %reduce_sum3A_415 = arith.constant dense<0.000000e+00> : vector<256xf32>
    %reduce_sum3A_416 = vector.multi_reduction <add>, %convert_element_type3A_414, %reduce_sum3A_415 [1] : vector<256x32xf32> to vector<256xf32>
    %broadcast_in_dim3A_417 = vector.shape_cast %reduce_sum3A_416 : vector<256xf32> to vector<256x1xf32>
    %le3A_418 = arith.constant 8.000000e+00 : f32
    %le3A_419 = vector.broadcast %le3A_418 : f32 to vector<256x32xf32>
    %le3A_420 = arith.cmpf ole, %dot_general3A_58, %le3A_419 : vector<256x32xf32>
    %convert_element_type3A_421 = arith.extui %le3A_420 : vector<256x32xi1> to vector<256x32xi32>
    %convert_element_type3A_422 = arith.sitofp %convert_element_type3A_421 : vector<256x32xi32> to vector<256x32xf32>
    %reduce_sum3A_423 = arith.constant dense<0.000000e+00> : vector<256xf32>
    %reduce_sum3A_424 = vector.multi_reduction <add>, %convert_element_type3A_422, %reduce_sum3A_423 [1] : vector<256x32xf32> to vector<256xf32>
    %broadcast_in_dim3A_425 = vector.shape_cast %reduce_sum3A_424 : vector<256xf32> to vector<256x1xf32>
    %le3A_426 = arith.constant 9.000000e+00 : f32
    %le3A_427 = vector.broadcast %le3A_426 : f32 to vector<256x32xf32>
    %le3A_428 = arith.cmpf ole, %dot_general3A_58, %le3A_427 : vector<256x32xf32>
    %convert_element_type3A_429 = arith.extui %le3A_428 : vector<256x32xi1> to vector<256x32xi32>
    %convert_element_type3A_430 = arith.sitofp %convert_element_type3A_429 : vector<256x32xi32> to vector<256x32xf32>
    %reduce_sum3A_431 = arith.constant dense<0.000000e+00> : vector<256xf32>
    %reduce_sum3A_432 = vector.multi_reduction <add>, %convert_element_type3A_430, %reduce_sum3A_431 [1] : vector<256x32xf32> to vector<256xf32>
    %broadcast_in_dim3A_433 = vector.shape_cast %reduce_sum3A_432 : vector<256xf32> to vector<256x1xf32>
    %le3A_434 = arith.constant 1.000000e+01 : f32
    %le3A_435 = vector.broadcast %le3A_434 : f32 to vector<256x32xf32>
    %le3A_436 = arith.cmpf ole, %dot_general3A_58, %le3A_435 : vector<256x32xf32>
    %convert_element_type3A_437 = arith.extui %le3A_436 : vector<256x32xi1> to vector<256x32xi32>
    %convert_element_type3A_438 = arith.sitofp %convert_element_type3A_437 : vector<256x32xi32> to vector<256x32xf32>
    %reduce_sum3A_439 = arith.constant dense<0.000000e+00> : vector<256xf32>
    %reduce_sum3A_440 = vector.multi_reduction <add>, %convert_element_type3A_438, %reduce_sum3A_439 [1] : vector<256x32xf32> to vector<256xf32>
    %broadcast_in_dim3A_441 = vector.shape_cast %reduce_sum3A_440 : vector<256xf32> to vector<256x1xf32>
    %le3A_442 = arith.constant 1.100000e+01 : f32
    %le3A_443 = vector.broadcast %le3A_442 : f32 to vector<256x32xf32>
    %le3A_444 = arith.cmpf ole, %dot_general3A_58, %le3A_443 : vector<256x32xf32>
    %convert_element_type3A_445 = arith.extui %le3A_444 : vector<256x32xi1> to vector<256x32xi32>
    %convert_element_type3A_446 = arith.sitofp %convert_element_type3A_445 : vector<256x32xi32> to vector<256x32xf32>
    %reduce_sum3A_447 = arith.constant dense<0.000000e+00> : vector<256xf32>
    %reduce_sum3A_448 = vector.multi_reduction <add>, %convert_element_type3A_446, %reduce_sum3A_447 [1] : vector<256x32xf32> to vector<256xf32>
    %broadcast_in_dim3A_449 = vector.shape_cast %reduce_sum3A_448 : vector<256xf32> to vector<256x1xf32>
    %le3A_450 = arith.constant 1.200000e+01 : f32
    %le3A_451 = vector.broadcast %le3A_450 : f32 to vector<256x32xf32>
    %le3A_452 = arith.cmpf ole, %dot_general3A_58, %le3A_451 : vector<256x32xf32>
    %convert_element_type3A_453 = arith.extui %le3A_452 : vector<256x32xi1> to vector<256x32xi32>
    %convert_element_type3A_454 = arith.sitofp %convert_element_type3A_453 : vector<256x32xi32> to vector<256x32xf32>
    %reduce_sum3A_455 = arith.constant dense<0.000000e+00> : vector<256xf32>
    %reduce_sum3A_456 = vector.multi_reduction <add>, %convert_element_type3A_454, %reduce_sum3A_455 [1] : vector<256x32xf32> to vector<256xf32>
    %broadcast_in_dim3A_457 = vector.shape_cast %reduce_sum3A_456 : vector<256xf32> to vector<256x1xf32>
    %le3A_458 = arith.constant 1.300000e+01 : f32
    %le3A_459 = vector.broadcast %le3A_458 : f32 to vector<256x32xf32>
    %le3A_460 = arith.cmpf ole, %dot_general3A_58, %le3A_459 : vector<256x32xf32>
    %convert_element_type3A_461 = arith.extui %le3A_460 : vector<256x32xi1> to vector<256x32xi32>
    %convert_element_type3A_462 = arith.sitofp %convert_element_type3A_461 : vector<256x32xi32> to vector<256x32xf32>
    %reduce_sum3A_463 = arith.constant dense<0.000000e+00> : vector<256xf32>
    %reduce_sum3A_464 = vector.multi_reduction <add>, %convert_element_type3A_462, %reduce_sum3A_463 [1] : vector<256x32xf32> to vector<256xf32>
    %broadcast_in_dim3A_465 = vector.shape_cast %reduce_sum3A_464 : vector<256xf32> to vector<256x1xf32>
    %le3A_466 = arith.constant 1.400000e+01 : f32
    %le3A_467 = vector.broadcast %le3A_466 : f32 to vector<256x32xf32>
    %le3A_468 = arith.cmpf ole, %dot_general3A_58, %le3A_467 : vector<256x32xf32>
    %convert_element_type3A_469 = arith.extui %le3A_468 : vector<256x32xi1> to vector<256x32xi32>
    %convert_element_type3A_470 = arith.sitofp %convert_element_type3A_469 : vector<256x32xi32> to vector<256x32xf32>
    %reduce_sum3A_471 = arith.constant dense<0.000000e+00> : vector<256xf32>
    %reduce_sum3A_472 = vector.multi_reduction <add>, %convert_element_type3A_470, %reduce_sum3A_471 [1] : vector<256x32xf32> to vector<256xf32>
    %broadcast_in_dim3A_473 = vector.shape_cast %reduce_sum3A_472 : vector<256xf32> to vector<256x1xf32>
    %le3A_474 = arith.constant 1.500000e+01 : f32
    %le3A_475 = vector.broadcast %le3A_474 : f32 to vector<256x32xf32>
    %le3A_476 = arith.cmpf ole, %dot_general3A_58, %le3A_475 : vector<256x32xf32>
    %convert_element_type3A_477 = arith.extui %le3A_476 : vector<256x32xi1> to vector<256x32xi32>
    %convert_element_type3A_478 = arith.sitofp %convert_element_type3A_477 : vector<256x32xi32> to vector<256x32xf32>
    %reduce_sum3A_479 = arith.constant dense<0.000000e+00> : vector<256xf32>
    %reduce_sum3A_480 = vector.multi_reduction <add>, %convert_element_type3A_478, %reduce_sum3A_479 [1] : vector<256x32xf32> to vector<256xf32>
    %broadcast_in_dim3A_481 = vector.shape_cast %reduce_sum3A_480 : vector<256xf32> to vector<256x1xf32>
    %le3A_482 = arith.constant 1.600000e+01 : f32
    %le3A_483 = vector.broadcast %le3A_482 : f32 to vector<256x32xf32>
    %le3A_484 = arith.cmpf ole, %dot_general3A_58, %le3A_483 : vector<256x32xf32>
    %convert_element_type3A_485 = arith.extui %le3A_484 : vector<256x32xi1> to vector<256x32xi32>
    %convert_element_type3A_486 = arith.sitofp %convert_element_type3A_485 : vector<256x32xi32> to vector<256x32xf32>
    %reduce_sum3A_487 = arith.constant dense<0.000000e+00> : vector<256xf32>
    %reduce_sum3A_488 = vector.multi_reduction <add>, %convert_element_type3A_486, %reduce_sum3A_487 [1] : vector<256x32xf32> to vector<256xf32>
    %broadcast_in_dim3A_489 = vector.shape_cast %reduce_sum3A_488 : vector<256xf32> to vector<256x1xf32>
    %le3A_490 = arith.constant 1.700000e+01 : f32
    %le3A_491 = vector.broadcast %le3A_490 : f32 to vector<256x32xf32>
    %le3A_492 = arith.cmpf ole, %dot_general3A_58, %le3A_491 : vector<256x32xf32>
    %convert_element_type3A_493 = arith.extui %le3A_492 : vector<256x32xi1> to vector<256x32xi32>
    %convert_element_type3A_494 = arith.sitofp %convert_element_type3A_493 : vector<256x32xi32> to vector<256x32xf32>
    %reduce_sum3A_495 = arith.constant dense<0.000000e+00> : vector<256xf32>
    %reduce_sum3A_496 = vector.multi_reduction <add>, %convert_element_type3A_494, %reduce_sum3A_495 [1] : vector<256x32xf32> to vector<256xf32>
    %broadcast_in_dim3A_497 = vector.shape_cast %reduce_sum3A_496 : vector<256xf32> to vector<256x1xf32>
    %le3A_498 = arith.constant 1.800000e+01 : f32
    %le3A_499 = vector.broadcast %le3A_498 : f32 to vector<256x32xf32>
    %le3A_500 = arith.cmpf ole, %dot_general3A_58, %le3A_499 : vector<256x32xf32>
    %convert_element_type3A_501 = arith.extui %le3A_500 : vector<256x32xi1> to vector<256x32xi32>
    %convert_element_type3A_502 = arith.sitofp %convert_element_type3A_501 : vector<256x32xi32> to vector<256x32xf32>
    %reduce_sum3A_503 = arith.constant dense<0.000000e+00> : vector<256xf32>
    %reduce_sum3A_504 = vector.multi_reduction <add>, %convert_element_type3A_502, %reduce_sum3A_503 [1] : vector<256x32xf32> to vector<256xf32>
    %broadcast_in_dim3A_505 = vector.shape_cast %reduce_sum3A_504 : vector<256xf32> to vector<256x1xf32>
    %le3A_506 = arith.constant 1.900000e+01 : f32
    %le3A_507 = vector.broadcast %le3A_506 : f32 to vector<256x32xf32>
    %le3A_508 = arith.cmpf ole, %dot_general3A_58, %le3A_507 : vector<256x32xf32>
    %convert_element_type3A_509 = arith.extui %le3A_508 : vector<256x32xi1> to vector<256x32xi32>
    %convert_element_type3A_510 = arith.sitofp %convert_element_type3A_509 : vector<256x32xi32> to vector<256x32xf32>
    %reduce_sum3A_511 = arith.constant dense<0.000000e+00> : vector<256xf32>
    %reduce_sum3A_512 = vector.multi_reduction <add>, %convert_element_type3A_510, %reduce_sum3A_511 [1] : vector<256x32xf32> to vector<256xf32>
    %broadcast_in_dim3A_513 = vector.shape_cast %reduce_sum3A_512 : vector<256xf32> to vector<256x1xf32>
    %le3A_514 = arith.constant 2.000000e+01 : f32
    %le3A_515 = vector.broadcast %le3A_514 : f32 to vector<256x32xf32>
    %le3A_516 = arith.cmpf ole, %dot_general3A_58, %le3A_515 : vector<256x32xf32>
    %convert_element_type3A_517 = arith.extui %le3A_516 : vector<256x32xi1> to vector<256x32xi32>
    %convert_element_type3A_518 = arith.sitofp %convert_element_type3A_517 : vector<256x32xi32> to vector<256x32xf32>
    %reduce_sum3A_519 = arith.constant dense<0.000000e+00> : vector<256xf32>
    %reduce_sum3A_520 = vector.multi_reduction <add>, %convert_element_type3A_518, %reduce_sum3A_519 [1] : vector<256x32xf32> to vector<256xf32>
    %broadcast_in_dim3A_521 = vector.shape_cast %reduce_sum3A_520 : vector<256xf32> to vector<256x1xf32>
    %le3A_522 = arith.constant 2.100000e+01 : f32
    %le3A_523 = vector.broadcast %le3A_522 : f32 to vector<256x32xf32>
    %le3A_524 = arith.cmpf ole, %dot_general3A_58, %le3A_523 : vector<256x32xf32>
    %convert_element_type3A_525 = arith.extui %le3A_524 : vector<256x32xi1> to vector<256x32xi32>
    %convert_element_type3A_526 = arith.sitofp %convert_element_type3A_525 : vector<256x32xi32> to vector<256x32xf32>
    %reduce_sum3A_527 = arith.constant dense<0.000000e+00> : vector<256xf32>
    %reduce_sum3A_528 = vector.multi_reduction <add>, %convert_element_type3A_526, %reduce_sum3A_527 [1] : vector<256x32xf32> to vector<256xf32>
    %broadcast_in_dim3A_529 = vector.shape_cast %reduce_sum3A_528 : vector<256xf32> to vector<256x1xf32>
    %le3A_530 = arith.constant 2.200000e+01 : f32
    %le3A_531 = vector.broadcast %le3A_530 : f32 to vector<256x32xf32>
    %le3A_532 = arith.cmpf ole, %dot_general3A_58, %le3A_531 : vector<256x32xf32>
    %convert_element_type3A_533 = arith.extui %le3A_532 : vector<256x32xi1> to vector<256x32xi32>
    %convert_element_type3A_534 = arith.sitofp %convert_element_type3A_533 : vector<256x32xi32> to vector<256x32xf32>
    %reduce_sum3A_535 = arith.constant dense<0.000000e+00> : vector<256xf32>
    %reduce_sum3A_536 = vector.multi_reduction <add>, %convert_element_type3A_534, %reduce_sum3A_535 [1] : vector<256x32xf32> to vector<256xf32>
    %broadcast_in_dim3A_537 = vector.shape_cast %reduce_sum3A_536 : vector<256xf32> to vector<256x1xf32>
    %le3A_538 = arith.constant 2.300000e+01 : f32
    %le3A_539 = vector.broadcast %le3A_538 : f32 to vector<256x32xf32>
    %le3A_540 = arith.cmpf ole, %dot_general3A_58, %le3A_539 : vector<256x32xf32>
    %convert_element_type3A_541 = arith.extui %le3A_540 : vector<256x32xi1> to vector<256x32xi32>
    %convert_element_type3A_542 = arith.sitofp %convert_element_type3A_541 : vector<256x32xi32> to vector<256x32xf32>
    %reduce_sum3A_543 = arith.constant dense<0.000000e+00> : vector<256xf32>
    %reduce_sum3A_544 = vector.multi_reduction <add>, %convert_element_type3A_542, %reduce_sum3A_543 [1] : vector<256x32xf32> to vector<256xf32>
    %broadcast_in_dim3A_545 = vector.shape_cast %reduce_sum3A_544 : vector<256xf32> to vector<256x1xf32>
    %le3A_546 = arith.constant 2.400000e+01 : f32
    %le3A_547 = vector.broadcast %le3A_546 : f32 to vector<256x32xf32>
    %le3A_548 = arith.cmpf ole, %dot_general3A_58, %le3A_547 : vector<256x32xf32>
    %convert_element_type3A_549 = arith.extui %le3A_548 : vector<256x32xi1> to vector<256x32xi32>
    %convert_element_type3A_550 = arith.sitofp %convert_element_type3A_549 : vector<256x32xi32> to vector<256x32xf32>
    %reduce_sum3A_551 = arith.constant dense<0.000000e+00> : vector<256xf32>
    %reduce_sum3A_552 = vector.multi_reduction <add>, %convert_element_type3A_550, %reduce_sum3A_551 [1] : vector<256x32xf32> to vector<256xf32>
    %broadcast_in_dim3A_553 = vector.shape_cast %reduce_sum3A_552 : vector<256xf32> to vector<256x1xf32>
    %le3A_554 = arith.constant 2.500000e+01 : f32
    %le3A_555 = vector.broadcast %le3A_554 : f32 to vector<256x32xf32>
    %le3A_556 = arith.cmpf ole, %dot_general3A_58, %le3A_555 : vector<256x32xf32>
    %convert_element_type3A_557 = arith.extui %le3A_556 : vector<256x32xi1> to vector<256x32xi32>
    %convert_element_type3A_558 = arith.sitofp %convert_element_type3A_557 : vector<256x32xi32> to vector<256x32xf32>
    %reduce_sum3A_559 = arith.constant dense<0.000000e+00> : vector<256xf32>
    %reduce_sum3A_560 = vector.multi_reduction <add>, %convert_element_type3A_558, %reduce_sum3A_559 [1] : vector<256x32xf32> to vector<256xf32>
    %broadcast_in_dim3A_561 = vector.shape_cast %reduce_sum3A_560 : vector<256xf32> to vector<256x1xf32>
    %le3A_562 = arith.constant 2.600000e+01 : f32
    %le3A_563 = vector.broadcast %le3A_562 : f32 to vector<256x32xf32>
    %le3A_564 = arith.cmpf ole, %dot_general3A_58, %le3A_563 : vector<256x32xf32>
    %convert_element_type3A_565 = arith.extui %le3A_564 : vector<256x32xi1> to vector<256x32xi32>
    %convert_element_type3A_566 = arith.sitofp %convert_element_type3A_565 : vector<256x32xi32> to vector<256x32xf32>
    %reduce_sum3A_567 = arith.constant dense<0.000000e+00> : vector<256xf32>
    %reduce_sum3A_568 = vector.multi_reduction <add>, %convert_element_type3A_566, %reduce_sum3A_567 [1] : vector<256x32xf32> to vector<256xf32>
    %broadcast_in_dim3A_569 = vector.shape_cast %reduce_sum3A_568 : vector<256xf32> to vector<256x1xf32>
    %le3A_570 = arith.constant 2.700000e+01 : f32
    %le3A_571 = vector.broadcast %le3A_570 : f32 to vector<256x32xf32>
    %le3A_572 = arith.cmpf ole, %dot_general3A_58, %le3A_571 : vector<256x32xf32>
    %convert_element_type3A_573 = arith.extui %le3A_572 : vector<256x32xi1> to vector<256x32xi32>
    %convert_element_type3A_574 = arith.sitofp %convert_element_type3A_573 : vector<256x32xi32> to vector<256x32xf32>
    %reduce_sum3A_575 = arith.constant dense<0.000000e+00> : vector<256xf32>
    %reduce_sum3A_576 = vector.multi_reduction <add>, %convert_element_type3A_574, %reduce_sum3A_575 [1] : vector<256x32xf32> to vector<256xf32>
    %broadcast_in_dim3A_577 = vector.shape_cast %reduce_sum3A_576 : vector<256xf32> to vector<256x1xf32>
    %le3A_578 = arith.constant 2.800000e+01 : f32
    %le3A_579 = vector.broadcast %le3A_578 : f32 to vector<256x32xf32>
    %le3A_580 = arith.cmpf ole, %dot_general3A_58, %le3A_579 : vector<256x32xf32>
    %convert_element_type3A_581 = arith.extui %le3A_580 : vector<256x32xi1> to vector<256x32xi32>
    %convert_element_type3A_582 = arith.sitofp %convert_element_type3A_581 : vector<256x32xi32> to vector<256x32xf32>
    %reduce_sum3A_583 = arith.constant dense<0.000000e+00> : vector<256xf32>
    %reduce_sum3A_584 = vector.multi_reduction <add>, %convert_element_type3A_582, %reduce_sum3A_583 [1] : vector<256x32xf32> to vector<256xf32>
    %broadcast_in_dim3A_585 = vector.shape_cast %reduce_sum3A_584 : vector<256xf32> to vector<256x1xf32>
    %le3A_586 = arith.constant 2.900000e+01 : f32
    %le3A_587 = vector.broadcast %le3A_586 : f32 to vector<256x32xf32>
    %le3A_588 = arith.cmpf ole, %dot_general3A_58, %le3A_587 : vector<256x32xf32>
    %convert_element_type3A_589 = arith.extui %le3A_588 : vector<256x32xi1> to vector<256x32xi32>
    %convert_element_type3A_590 = arith.sitofp %convert_element_type3A_589 : vector<256x32xi32> to vector<256x32xf32>
    %reduce_sum3A_591 = arith.constant dense<0.000000e+00> : vector<256xf32>
    %reduce_sum3A_592 = vector.multi_reduction <add>, %convert_element_type3A_590, %reduce_sum3A_591 [1] : vector<256x32xf32> to vector<256xf32>
    %broadcast_in_dim3A_593 = vector.shape_cast %reduce_sum3A_592 : vector<256xf32> to vector<256x1xf32>
    %le3A_594 = arith.constant 3.000000e+01 : f32
    %le3A_595 = vector.broadcast %le3A_594 : f32 to vector<256x32xf32>
    %le3A_596 = arith.cmpf ole, %dot_general3A_58, %le3A_595 : vector<256x32xf32>
    %convert_element_type3A_597 = arith.extui %le3A_596 : vector<256x32xi1> to vector<256x32xi32>
    %convert_element_type3A_598 = arith.sitofp %convert_element_type3A_597 : vector<256x32xi32> to vector<256x32xf32>
    %reduce_sum3A_599 = arith.constant dense<0.000000e+00> : vector<256xf32>
    %reduce_sum3A_600 = vector.multi_reduction <add>, %convert_element_type3A_598, %reduce_sum3A_599 [1] : vector<256x32xf32> to vector<256xf32>
    %broadcast_in_dim3A_601 = vector.shape_cast %reduce_sum3A_600 : vector<256xf32> to vector<256x1xf32>
    %le3A_602 = arith.constant 3.100000e+01 : f32
    %le3A_603 = vector.broadcast %le3A_602 : f32 to vector<256x32xf32>
    %le3A_604 = arith.cmpf ole, %dot_general3A_58, %le3A_603 : vector<256x32xf32>
    %convert_element_type3A_605 = arith.extui %le3A_604 : vector<256x32xi1> to vector<256x32xi32>
    %convert_element_type3A_606 = arith.sitofp %convert_element_type3A_605 : vector<256x32xi32> to vector<256x32xf32>
    %reduce_sum3A_607 = arith.constant dense<0.000000e+00> : vector<256xf32>
    %reduce_sum3A_608 = vector.multi_reduction <add>, %convert_element_type3A_606, %reduce_sum3A_607 [1] : vector<256x32xf32> to vector<256xf32>
    %broadcast_in_dim3A_609 = vector.shape_cast %reduce_sum3A_608 : vector<256xf32> to vector<256x1xf32>
    %le3A_610 = arith.constant 3.200000e+01 : f32
    %le3A_611 = vector.broadcast %le3A_610 : f32 to vector<256x32xf32>
    %le3A_612 = arith.cmpf ole, %dot_general3A_58, %le3A_611 : vector<256x32xf32>
    %convert_element_type3A_613 = arith.extui %le3A_612 : vector<256x32xi1> to vector<256x32xi32>
    %convert_element_type3A_614 = arith.sitofp %convert_element_type3A_613 : vector<256x32xi32> to vector<256x32xf32>
    %reduce_sum3A_615 = arith.constant dense<0.000000e+00> : vector<256xf32>
    %reduce_sum3A_616 = vector.multi_reduction <add>, %convert_element_type3A_614, %reduce_sum3A_615 [1] : vector<256x32xf32> to vector<256xf32>
    %broadcast_in_dim3A_617 = vector.shape_cast %reduce_sum3A_616 : vector<256xf32> to vector<256x1xf32>
    %le3A_618 = arith.constant 3.300000e+01 : f32
    %le3A_619 = vector.broadcast %le3A_618 : f32 to vector<256x32xf32>
    %le3A_620 = arith.cmpf ole, %dot_general3A_58, %le3A_619 : vector<256x32xf32>
    %convert_element_type3A_621 = arith.extui %le3A_620 : vector<256x32xi1> to vector<256x32xi32>
    %convert_element_type3A_622 = arith.sitofp %convert_element_type3A_621 : vector<256x32xi32> to vector<256x32xf32>
    %reduce_sum3A_623 = arith.constant dense<0.000000e+00> : vector<256xf32>
    %reduce_sum3A_624 = vector.multi_reduction <add>, %convert_element_type3A_622, %reduce_sum3A_623 [1] : vector<256x32xf32> to vector<256xf32>
    %broadcast_in_dim3A_625 = vector.shape_cast %reduce_sum3A_624 : vector<256xf32> to vector<256x1xf32>
    %le3A_626 = arith.constant 3.400000e+01 : f32
    %le3A_627 = vector.broadcast %le3A_626 : f32 to vector<256x32xf32>
    %le3A_628 = arith.cmpf ole, %dot_general3A_58, %le3A_627 : vector<256x32xf32>
    %convert_element_type3A_629 = arith.extui %le3A_628 : vector<256x32xi1> to vector<256x32xi32>
    %convert_element_type3A_630 = arith.sitofp %convert_element_type3A_629 : vector<256x32xi32> to vector<256x32xf32>
    %reduce_sum3A_631 = arith.constant dense<0.000000e+00> : vector<256xf32>
    %reduce_sum3A_632 = vector.multi_reduction <add>, %convert_element_type3A_630, %reduce_sum3A_631 [1] : vector<256x32xf32> to vector<256xf32>
    %broadcast_in_dim3A_633 = vector.shape_cast %reduce_sum3A_632 : vector<256xf32> to vector<256x1xf32>
    %le3A_634 = arith.constant 3.500000e+01 : f32
    %le3A_635 = vector.broadcast %le3A_634 : f32 to vector<256x32xf32>
    %le3A_636 = arith.cmpf ole, %dot_general3A_58, %le3A_635 : vector<256x32xf32>
    %convert_element_type3A_637 = arith.extui %le3A_636 : vector<256x32xi1> to vector<256x32xi32>
    %convert_element_type3A_638 = arith.sitofp %convert_element_type3A_637 : vector<256x32xi32> to vector<256x32xf32>
    %reduce_sum3A_639 = arith.constant dense<0.000000e+00> : vector<256xf32>
    %reduce_sum3A_640 = vector.multi_reduction <add>, %convert_element_type3A_638, %reduce_sum3A_639 [1] : vector<256x32xf32> to vector<256xf32>
    %broadcast_in_dim3A_641 = vector.shape_cast %reduce_sum3A_640 : vector<256xf32> to vector<256x1xf32>
    %le3A_642 = arith.constant 3.600000e+01 : f32
    %le3A_643 = vector.broadcast %le3A_642 : f32 to vector<256x32xf32>
    %le3A_644 = arith.cmpf ole, %dot_general3A_58, %le3A_643 : vector<256x32xf32>
    %convert_element_type3A_645 = arith.extui %le3A_644 : vector<256x32xi1> to vector<256x32xi32>
    %convert_element_type3A_646 = arith.sitofp %convert_element_type3A_645 : vector<256x32xi32> to vector<256x32xf32>
    %reduce_sum3A_647 = arith.constant dense<0.000000e+00> : vector<256xf32>
    %reduce_sum3A_648 = vector.multi_reduction <add>, %convert_element_type3A_646, %reduce_sum3A_647 [1] : vector<256x32xf32> to vector<256xf32>
    %broadcast_in_dim3A_649 = vector.shape_cast %reduce_sum3A_648 : vector<256xf32> to vector<256x1xf32>
    %le3A_650 = arith.constant 3.700000e+01 : f32
    %le3A_651 = vector.broadcast %le3A_650 : f32 to vector<256x32xf32>
    %le3A_652 = arith.cmpf ole, %dot_general3A_58, %le3A_651 : vector<256x32xf32>
    %convert_element_type3A_653 = arith.extui %le3A_652 : vector<256x32xi1> to vector<256x32xi32>
    %convert_element_type3A_654 = arith.sitofp %convert_element_type3A_653 : vector<256x32xi32> to vector<256x32xf32>
    %reduce_sum3A_655 = arith.constant dense<0.000000e+00> : vector<256xf32>
    %reduce_sum3A_656 = vector.multi_reduction <add>, %convert_element_type3A_654, %reduce_sum3A_655 [1] : vector<256x32xf32> to vector<256xf32>
    %broadcast_in_dim3A_657 = vector.shape_cast %reduce_sum3A_656 : vector<256xf32> to vector<256x1xf32>
    %le3A_658 = arith.constant 3.800000e+01 : f32
    %le3A_659 = vector.broadcast %le3A_658 : f32 to vector<256x32xf32>
    %le3A_660 = arith.cmpf ole, %dot_general3A_58, %le3A_659 : vector<256x32xf32>
    %convert_element_type3A_661 = arith.extui %le3A_660 : vector<256x32xi1> to vector<256x32xi32>
    %convert_element_type3A_662 = arith.sitofp %convert_element_type3A_661 : vector<256x32xi32> to vector<256x32xf32>
    %reduce_sum3A_663 = arith.constant dense<0.000000e+00> : vector<256xf32>
    %reduce_sum3A_664 = vector.multi_reduction <add>, %convert_element_type3A_662, %reduce_sum3A_663 [1] : vector<256x32xf32> to vector<256xf32>
    %broadcast_in_dim3A_665 = vector.shape_cast %reduce_sum3A_664 : vector<256xf32> to vector<256x1xf32>
    %le3A_666 = arith.constant 3.900000e+01 : f32
    %le3A_667 = vector.broadcast %le3A_666 : f32 to vector<256x32xf32>
    %le3A_668 = arith.cmpf ole, %dot_general3A_58, %le3A_667 : vector<256x32xf32>
    %convert_element_type3A_669 = arith.extui %le3A_668 : vector<256x32xi1> to vector<256x32xi32>
    %convert_element_type3A_670 = arith.sitofp %convert_element_type3A_669 : vector<256x32xi32> to vector<256x32xf32>
    %reduce_sum3A_671 = arith.constant dense<0.000000e+00> : vector<256xf32>
    %reduce_sum3A_672 = vector.multi_reduction <add>, %convert_element_type3A_670, %reduce_sum3A_671 [1] : vector<256x32xf32> to vector<256xf32>
    %broadcast_in_dim3A_673 = vector.shape_cast %reduce_sum3A_672 : vector<256xf32> to vector<256x1xf32>
    %le3A_674 = arith.constant 4.000000e+01 : f32
    %le3A_675 = vector.broadcast %le3A_674 : f32 to vector<256x32xf32>
    %le3A_676 = arith.cmpf ole, %dot_general3A_58, %le3A_675 : vector<256x32xf32>
    %convert_element_type3A_677 = arith.extui %le3A_676 : vector<256x32xi1> to vector<256x32xi32>
    %convert_element_type3A_678 = arith.sitofp %convert_element_type3A_677 : vector<256x32xi32> to vector<256x32xf32>
    %reduce_sum3A_679 = arith.constant dense<0.000000e+00> : vector<256xf32>
    %reduce_sum3A_680 = vector.multi_reduction <add>, %convert_element_type3A_678, %reduce_sum3A_679 [1] : vector<256x32xf32> to vector<256xf32>
    %broadcast_in_dim3A_681 = vector.shape_cast %reduce_sum3A_680 : vector<256xf32> to vector<256x1xf32>
    %le3A_682 = arith.constant 4.100000e+01 : f32
    %le3A_683 = vector.broadcast %le3A_682 : f32 to vector<256x32xf32>
    %le3A_684 = arith.cmpf ole, %dot_general3A_58, %le3A_683 : vector<256x32xf32>
    %convert_element_type3A_685 = arith.extui %le3A_684 : vector<256x32xi1> to vector<256x32xi32>
    %convert_element_type3A_686 = arith.sitofp %convert_element_type3A_685 : vector<256x32xi32> to vector<256x32xf32>
    %reduce_sum3A_687 = arith.constant dense<0.000000e+00> : vector<256xf32>
    %reduce_sum3A_688 = vector.multi_reduction <add>, %convert_element_type3A_686, %reduce_sum3A_687 [1] : vector<256x32xf32> to vector<256xf32>
    %broadcast_in_dim3A_689 = vector.shape_cast %reduce_sum3A_688 : vector<256xf32> to vector<256x1xf32>
    %le3A_690 = arith.constant 4.200000e+01 : f32
    %le3A_691 = vector.broadcast %le3A_690 : f32 to vector<256x32xf32>
    %le3A_692 = arith.cmpf ole, %dot_general3A_58, %le3A_691 : vector<256x32xf32>
    %convert_element_type3A_693 = arith.extui %le3A_692 : vector<256x32xi1> to vector<256x32xi32>
    %convert_element_type3A_694 = arith.sitofp %convert_element_type3A_693 : vector<256x32xi32> to vector<256x32xf32>
    %reduce_sum3A_695 = arith.constant dense<0.000000e+00> : vector<256xf32>
    %reduce_sum3A_696 = vector.multi_reduction <add>, %convert_element_type3A_694, %reduce_sum3A_695 [1] : vector<256x32xf32> to vector<256xf32>
    %broadcast_in_dim3A_697 = vector.shape_cast %reduce_sum3A_696 : vector<256xf32> to vector<256x1xf32>
    %le3A_698 = arith.constant 4.300000e+01 : f32
    %le3A_699 = vector.broadcast %le3A_698 : f32 to vector<256x32xf32>
    %le3A_700 = arith.cmpf ole, %dot_general3A_58, %le3A_699 : vector<256x32xf32>
    %convert_element_type3A_701 = arith.extui %le3A_700 : vector<256x32xi1> to vector<256x32xi32>
    %convert_element_type3A_702 = arith.sitofp %convert_element_type3A_701 : vector<256x32xi32> to vector<256x32xf32>
    %reduce_sum3A_703 = arith.constant dense<0.000000e+00> : vector<256xf32>
    %reduce_sum3A_704 = vector.multi_reduction <add>, %convert_element_type3A_702, %reduce_sum3A_703 [1] : vector<256x32xf32> to vector<256xf32>
    %broadcast_in_dim3A_705 = vector.shape_cast %reduce_sum3A_704 : vector<256xf32> to vector<256x1xf32>
    %le3A_706 = arith.constant 4.400000e+01 : f32
    %le3A_707 = vector.broadcast %le3A_706 : f32 to vector<256x32xf32>
    %le3A_708 = arith.cmpf ole, %dot_general3A_58, %le3A_707 : vector<256x32xf32>
    %convert_element_type3A_709 = arith.extui %le3A_708 : vector<256x32xi1> to vector<256x32xi32>
    %convert_element_type3A_710 = arith.sitofp %convert_element_type3A_709 : vector<256x32xi32> to vector<256x32xf32>
    %reduce_sum3A_711 = arith.constant dense<0.000000e+00> : vector<256xf32>
    %reduce_sum3A_712 = vector.multi_reduction <add>, %convert_element_type3A_710, %reduce_sum3A_711 [1] : vector<256x32xf32> to vector<256xf32>
    %broadcast_in_dim3A_713 = vector.shape_cast %reduce_sum3A_712 : vector<256xf32> to vector<256x1xf32>
    %le3A_714 = arith.constant 4.500000e+01 : f32
    %le3A_715 = vector.broadcast %le3A_714 : f32 to vector<256x32xf32>
    %le3A_716 = arith.cmpf ole, %dot_general3A_58, %le3A_715 : vector<256x32xf32>
    %convert_element_type3A_717 = arith.extui %le3A_716 : vector<256x32xi1> to vector<256x32xi32>
    %convert_element_type3A_718 = arith.sitofp %convert_element_type3A_717 : vector<256x32xi32> to vector<256x32xf32>
    %reduce_sum3A_719 = arith.constant dense<0.000000e+00> : vector<256xf32>
    %reduce_sum3A_720 = vector.multi_reduction <add>, %convert_element_type3A_718, %reduce_sum3A_719 [1] : vector<256x32xf32> to vector<256xf32>
    %broadcast_in_dim3A_721 = vector.shape_cast %reduce_sum3A_720 : vector<256xf32> to vector<256x1xf32>
    %le3A_722 = arith.constant 4.600000e+01 : f32
    %le3A_723 = vector.broadcast %le3A_722 : f32 to vector<256x32xf32>
    %le3A_724 = arith.cmpf ole, %dot_general3A_58, %le3A_723 : vector<256x32xf32>
    %convert_element_type3A_725 = arith.extui %le3A_724 : vector<256x32xi1> to vector<256x32xi32>
    %convert_element_type3A_726 = arith.sitofp %convert_element_type3A_725 : vector<256x32xi32> to vector<256x32xf32>
    %reduce_sum3A_727 = arith.constant dense<0.000000e+00> : vector<256xf32>
    %reduce_sum3A_728 = vector.multi_reduction <add>, %convert_element_type3A_726, %reduce_sum3A_727 [1] : vector<256x32xf32> to vector<256xf32>
    %broadcast_in_dim3A_729 = vector.shape_cast %reduce_sum3A_728 : vector<256xf32> to vector<256x1xf32>
    %le3A_730 = arith.constant 4.700000e+01 : f32
    %le3A_731 = vector.broadcast %le3A_730 : f32 to vector<256x32xf32>
    %le3A_732 = arith.cmpf ole, %dot_general3A_58, %le3A_731 : vector<256x32xf32>
    %convert_element_type3A_733 = arith.extui %le3A_732 : vector<256x32xi1> to vector<256x32xi32>
    %convert_element_type3A_734 = arith.sitofp %convert_element_type3A_733 : vector<256x32xi32> to vector<256x32xf32>
    %reduce_sum3A_735 = arith.constant dense<0.000000e+00> : vector<256xf32>
    %reduce_sum3A_736 = vector.multi_reduction <add>, %convert_element_type3A_734, %reduce_sum3A_735 [1] : vector<256x32xf32> to vector<256xf32>
    %broadcast_in_dim3A_737 = vector.shape_cast %reduce_sum3A_736 : vector<256xf32> to vector<256x1xf32>
    %concatenate3A = tpu.concatenate %broadcast_in_dim3A_361, %broadcast_in_dim3A_369, %broadcast_in_dim3A_377, %broadcast_in_dim3A_385, %broadcast_in_dim3A_393, %broadcast_in_dim3A_401, %broadcast_in_dim3A_409, %broadcast_in_dim3A_417, %broadcast_in_dim3A_425, %broadcast_in_dim3A_433, %broadcast_in_dim3A_441, %broadcast_in_dim3A_449, %broadcast_in_dim3A_457, %broadcast_in_dim3A_465, %broadcast_in_dim3A_473, %broadcast_in_dim3A_481, %broadcast_in_dim3A_489, %broadcast_in_dim3A_497, %broadcast_in_dim3A_505, %broadcast_in_dim3A_513, %broadcast_in_dim3A_521, %broadcast_in_dim3A_529, %broadcast_in_dim3A_537, %broadcast_in_dim3A_545, %broadcast_in_dim3A_553, %broadcast_in_dim3A_561, %broadcast_in_dim3A_569, %broadcast_in_dim3A_577, %broadcast_in_dim3A_585, %broadcast_in_dim3A_593, %broadcast_in_dim3A_601, %broadcast_in_dim3A_609, %broadcast_in_dim3A_617, %broadcast_in_dim3A_625, %broadcast_in_dim3A_633, %broadcast_in_dim3A_641, %broadcast_in_dim3A_649, %broadcast_in_dim3A_657, %broadcast_in_dim3A_665, %broadcast_in_dim3A_673, %broadcast_in_dim3A_681, %broadcast_in_dim3A_689, %broadcast_in_dim3A_697, %broadcast_in_dim3A_705, %broadcast_in_dim3A_713, %broadcast_in_dim3A_721, %broadcast_in_dim3A_729, %broadcast_in_dim3A_737 in 1 : vector<256x1xf32>, vector<256x1xf32>, vector<256x1xf32>, vector<256x1xf32>, vector<256x1xf32>, vector<256x1xf32>, vector<256x1xf32>, vector<256x1xf32>, vector<256x1xf32>, vector<256x1xf32>, vector<256x1xf32>, vector<256x1xf32>, vector<256x1xf32>, vector<256x1xf32>, vector<256x1xf32>, vector<256x1xf32>, vector<256x1xf32>, vector<256x1xf32>, vector<256x1xf32>, vector<256x1xf32>, vector<256x1xf32>, vector<256x1xf32>, vector<256x1xf32>, vector<256x1xf32>, vector<256x1xf32>, vector<256x1xf32>, vector<256x1xf32>, vector<256x1xf32>, vector<256x1xf32>, vector<256x1xf32>, vector<256x1xf32>, vector<256x1xf32>, vector<256x1xf32>, vector<256x1xf32>, vector<256x1xf32>, vector<256x1xf32>, vector<256x1xf32>, vector<256x1xf32>, vector<256x1xf32>, vector<256x1xf32>, vector<256x1xf32>, vector<256x1xf32>, vector<256x1xf32>, vector<256x1xf32>, vector<256x1xf32>, vector<256x1xf32>, vector<256x1xf32>, vector<256x1xf32> -> vector<256x48xf32>
    %convert_element_type3A_738 = arith.fptosi %concatenate3A : vector<256x48xf32> to vector<256x48xi32>
    %min3A = arith.constant 31 : i32
    %min3A_739 = vector.broadcast %min3A : i32 to vector<256x48xi32>
    %min3A_740 = arith.minsi %convert_element_type3A_738, %min3A_739 : vector<256x48xi32>
    %reshape3A = vector.shape_cast %min3A_740 : vector<256x48xi32> to vector<256x48x1xi32>
    %gather3A = vector.shape_cast %reshape3A : vector<256x48x1xi32> to vector<256x48xi32>
    %gather3A_741 = tpu.dynamic_gather %sub3A_59[%gather3A] in [1] : vector<256x32xf32>, vector<256x48xi32> -> vector<256x48xf32>
    %sub3A_742 = arith.subf %convert_element_type3A_353, %gather3A_741 : vector<256x48xf32>
    %jit3A_743 = arith.constant 8 : i32
    %eq3A_744 = arith.constant 0 : i32
    %eq3A_745 = arith.cmpi eq, %jit3A_743, %eq3A_744 : i32
    %jit3A_746 = arith.constant 1 : i32
    %select_n3A_747 = arith.select %eq3A_745, %jit3A_746, %jit3A_743 : i32
    %rem3A_748 = vector.broadcast %select_n3A_747 : i32 to vector<256x48xi32>
    %rem3A_749 = arith.remsi %min3A_740, %rem3A_748 : vector<256x48xi32>
    %ne3A_750 = arith.constant 0 : i32
    %ne3A_751 = vector.broadcast %ne3A_750 : i32 to vector<256x48xi32>
    %ne3A_752 = arith.cmpi ne, %rem3A_749, %ne3A_751 : vector<256x48xi32>
    %lt3A = arith.constant 0 : i32
    %lt3A_753 = vector.broadcast %lt3A : i32 to vector<256x48xi32>
    %lt3A_754 = arith.cmpi slt, %rem3A_749, %lt3A_753 : vector<256x48xi32>
    %lt3A_755 = arith.constant 0 : i32
    %lt3A_756 = arith.cmpi slt, %select_n3A_747, %lt3A_755 : i32
    %ne3A_757 = vector.broadcast %lt3A_756 : i1 to vector<256x48xi1>
    %ne3A_758 = vector.broadcast %ne3A_757 : vector<256x48xi1> to vector<256x48xi1>
    %ne3A_759 = arith.xori %lt3A_754, %ne3A_758 : vector<256x48xi1>
    %and3A_760 = arith.andi %ne3A_759, %ne3A_752 : vector<256x48xi1>
    %add3A_761 = vector.broadcast %select_n3A_747 : i32 to vector<256x48xi32>
    %add3A_762 = arith.addi %rem3A_749, %add3A_761 : vector<256x48xi32>
    %select_n3A_763 = arith.select %and3A_760, %add3A_762, %rem3A_749 : vector<256x48xi1>, vector<256x48xi32>
    %broadcast_in_dim3A_764 = vector.shape_cast %select_n3A_763 : vector<256x48xi32> to vector<256x48x1xi32>
    %broadcast_in_dim3A_765 = vector.shape_cast %broadcast_in_dim3A_764 : vector<256x48x1xi32> to vector<256x48x1xi32>
    %broadcast_in_dim3A_766 = vector.broadcast %broadcast_in_dim3A_765 : vector<256x48x1xi32> to vector<256x48x128xi32>
    %jit3A_767 = arith.constant 8 : i32
    %div3A_768 = vector.broadcast %jit3A_767 : i32 to vector<256x48xi32>
    %div3A_769 = arith.divsi %min3A_740, %div3A_768 : vector<256x48xi32>
    %sign3A_770 = arith.constant 0 : i32
    %sign3A_771 = vector.broadcast %sign3A_770 : i32 to vector<256x48xi32>
    %sign3A_772 = arith.cmpi sgt, %min3A_740, %sign3A_771 : vector<256x48xi32>
    %sign3A_773 = arith.extui %sign3A_772 : vector<256x48xi1> to vector<256x48xi32>
    %sign3A_774 = arith.constant 0 : i32
    %sign3A_775 = vector.broadcast %sign3A_774 : i32 to vector<256x48xi32>
    %sign3A_776 = arith.cmpi slt, %min3A_740, %sign3A_775 : vector<256x48xi32>
    %sign3A_777 = arith.extui %sign3A_776 : vector<256x48xi1> to vector<256x48xi32>
    %sign3A_778 = arith.subi %sign3A_773, %sign3A_777 : vector<256x48xi32>
    %sign3A_779 = arith.constant 0 : i32
    %sign3A_780 = arith.cmpi sgt, %jit3A_767, %sign3A_779 : i32
    %sign3A_781 = arith.extui %sign3A_780 : i1 to i32
    %sign3A_782 = arith.constant 0 : i32
    %sign3A_783 = arith.cmpi slt, %jit3A_767, %sign3A_782 : i32
    %sign3A_784 = arith.extui %sign3A_783 : i1 to i32
    %sign3A_785 = arith.subi %sign3A_781, %sign3A_784 : i32
    %ne3A_786 = vector.broadcast %sign3A_785 : i32 to vector<256x48xi32>
    %ne3A_787 = arith.cmpi ne, %sign3A_778, %ne3A_786 : vector<256x48xi32>
    %rem3A_788 = vector.broadcast %jit3A_767 : i32 to vector<256x48xi32>
    %rem3A_789 = arith.remsi %min3A_740, %rem3A_788 : vector<256x48xi32>
    %ne3A_790 = arith.constant 0 : i32
    %ne3A_791 = vector.broadcast %ne3A_790 : i32 to vector<256x48xi32>
    %ne3A_792 = arith.cmpi ne, %rem3A_789, %ne3A_791 : vector<256x48xi32>
    %and3A_793 = arith.andi %ne3A_787, %ne3A_792 : vector<256x48xi1>
    %sub3A_794 = arith.constant 1 : i32
    %sub3A_795 = vector.broadcast %sub3A_794 : i32 to vector<256x48xi32>
    %sub3A_796 = arith.subi %div3A_769, %sub3A_795 : vector<256x48xi32>
    %select_n3A_797 = arith.select %and3A_793, %sub3A_796, %div3A_769 : vector<256x48xi1>, vector<256x48xi32>
    %broadcast_in_dim3A_798 = vector.shape_cast %select_n3A_797 : vector<256x48xi32> to vector<256x48x1xi32>
    %broadcast_in_dim3A_799 = vector.shape_cast %broadcast_in_dim3A_798 : vector<256x48x1xi32> to vector<256x48x1xi32>
    %broadcast_in_dim3A_800 = vector.broadcast %broadcast_in_dim3A_799 : vector<256x48x1xi32> to vector<256x48x128xi32>
    %broadcast_in_dim3A_801 = arith.constant 0.000000e+00 : f32
    %broadcast_in_dim3A_802 = vector.broadcast %broadcast_in_dim3A_801 : f32 to vector<256x48x128xf32>
    %get3A_803 = arith.constant 0 : index
    %get3A_804 = arith.constant 0 : index
    %get3A_805 = arith.constant 0 : index
    %get3A_806 = vector.load %arg5[%get3A_803, %get3A_804, %get3A_805] : memref<256x32x128xf32, #tpu.memory_space<vmem>>, vector<256x8x128xf32>
    %reshape3A_807 = vector.shape_cast %broadcast_in_dim3A_766 : vector<256x48x128xi32> to vector<256x48x128x1xi32>
    %gather3A_808 = vector.shape_cast %reshape3A_807 : vector<256x48x128x1xi32> to vector<256x48x128xi32>
    %gather3A_809 = tpu.dynamic_gather %get3A_806[%gather3A_808] in [1] : vector<256x8x128xf32>, vector<256x48x128xi32> -> vector<256x48x128xf32>
    %eq3A_810 = arith.constant 0 : i32
    %eq3A_811 = vector.broadcast %eq3A_810 : i32 to vector<256x48x128xi32>
    %eq3A_812 = arith.cmpi eq, %broadcast_in_dim3A_800, %eq3A_811 : vector<256x48x128xi32>
    %select_n3A_813 = arith.select %eq3A_812, %gather3A_809, %broadcast_in_dim3A_802 : vector<256x48x128xi1>, vector<256x48x128xf32>
    %get3A_814 = arith.constant 0 : index
    %get3A_815 = arith.constant 8 : index
    %get3A_816 = arith.constant 0 : index
    %get3A_817 = vector.load %arg5[%get3A_814, %get3A_815, %get3A_816] : memref<256x32x128xf32, #tpu.memory_space<vmem>>, vector<256x8x128xf32>
    %reshape3A_818 = vector.shape_cast %broadcast_in_dim3A_766 : vector<256x48x128xi32> to vector<256x48x128x1xi32>
    %gather3A_819 = vector.shape_cast %reshape3A_818 : vector<256x48x128x1xi32> to vector<256x48x128xi32>
    %gather3A_820 = tpu.dynamic_gather %get3A_817[%gather3A_819] in [1] : vector<256x8x128xf32>, vector<256x48x128xi32> -> vector<256x48x128xf32>
    %eq3A_821 = arith.constant 1 : i32
    %eq3A_822 = vector.broadcast %eq3A_821 : i32 to vector<256x48x128xi32>
    %eq3A_823 = arith.cmpi eq, %broadcast_in_dim3A_800, %eq3A_822 : vector<256x48x128xi32>
    %select_n3A_824 = arith.select %eq3A_823, %gather3A_820, %select_n3A_813 : vector<256x48x128xi1>, vector<256x48x128xf32>
    %get3A_825 = arith.constant 0 : index
    %get3A_826 = arith.constant 16 : index
    %get3A_827 = arith.constant 0 : index
    %get3A_828 = vector.load %arg5[%get3A_825, %get3A_826, %get3A_827] : memref<256x32x128xf32, #tpu.memory_space<vmem>>, vector<256x8x128xf32>
    %reshape3A_829 = vector.shape_cast %broadcast_in_dim3A_766 : vector<256x48x128xi32> to vector<256x48x128x1xi32>
    %gather3A_830 = vector.shape_cast %reshape3A_829 : vector<256x48x128x1xi32> to vector<256x48x128xi32>
    %gather3A_831 = tpu.dynamic_gather %get3A_828[%gather3A_830] in [1] : vector<256x8x128xf32>, vector<256x48x128xi32> -> vector<256x48x128xf32>
    %eq3A_832 = arith.constant 2 : i32
    %eq3A_833 = vector.broadcast %eq3A_832 : i32 to vector<256x48x128xi32>
    %eq3A_834 = arith.cmpi eq, %broadcast_in_dim3A_800, %eq3A_833 : vector<256x48x128xi32>
    %select_n3A_835 = arith.select %eq3A_834, %gather3A_831, %select_n3A_824 : vector<256x48x128xi1>, vector<256x48x128xf32>
    %get3A_836 = arith.constant 0 : index
    %get3A_837 = arith.constant 24 : index
    %get3A_838 = arith.constant 0 : index
    %get3A_839 = vector.load %arg5[%get3A_836, %get3A_837, %get3A_838] : memref<256x32x128xf32, #tpu.memory_space<vmem>>, vector<256x8x128xf32>
    %reshape3A_840 = vector.shape_cast %broadcast_in_dim3A_766 : vector<256x48x128xi32> to vector<256x48x128x1xi32>
    %gather3A_841 = vector.shape_cast %reshape3A_840 : vector<256x48x128x1xi32> to vector<256x48x128xi32>
    %gather3A_842 = tpu.dynamic_gather %get3A_839[%gather3A_841] in [1] : vector<256x8x128xf32>, vector<256x48x128xi32> -> vector<256x48x128xf32>
    %eq3A_843 = arith.constant 3 : i32
    %eq3A_844 = vector.broadcast %eq3A_843 : i32 to vector<256x48x128xi32>
    %eq3A_845 = arith.cmpi eq, %broadcast_in_dim3A_800, %eq3A_844 : vector<256x48x128xi32>
    %select_n3A_846 = arith.select %eq3A_845, %gather3A_842, %select_n3A_835 : vector<256x48x128xi1>, vector<256x48x128xf32>
    %broadcast_in_dim3A_847 = vector.shape_cast %sub3A_742 : vector<256x48xf32> to vector<256x48x1xf32>
    %le3A_848 = vector.broadcast %broadcast_in_dim3A_847 : vector<256x48x1xf32> to vector<256x48x128xf32>
    %le3A_849 = arith.cmpf ole, %select_n3A_846, %le3A_848 : vector<256x48x128xf32>
    %convert_element_type3A_850 = arith.extui %le3A_849 : vector<256x48x128xi1> to vector<256x48x128xi32>
    %convert_element_type3A_851 = arith.sitofp %convert_element_type3A_850 : vector<256x48x128xi32> to vector<256x48x128xf32>
    %reduce_sum3A_852 = arith.constant dense<0.000000e+00> : vector<256x48xf32>
    %reduce_sum3A_853 = vector.multi_reduction <add>, %convert_element_type3A_851, %reduce_sum3A_852 [2] : vector<256x48x128xf32> to vector<256x48xf32>
    %mul3A_854 = arith.constant 128 : i32
    %mul3A_855 = vector.broadcast %mul3A_854 : i32 to vector<256x48xi32>
    %mul3A_856 = arith.muli %min3A_740, %mul3A_855 : vector<256x48xi32>
    %convert_element_type3A_857 = arith.fptosi %reduce_sum3A_853 : vector<256x48xf32> to vector<256x48xi32>
    %add3A_858 = arith.addi %mul3A_856, %convert_element_type3A_857 : vector<256x48xi32>
    %lt3A_859 = vector.broadcast %slice3A : vector<256x1xf32> to vector<256x48xf32>
    %lt3A_860 = arith.cmpf olt, %convert_element_type3A_353, %lt3A_859 : vector<256x48xf32>
    %slice3A_861 = vector.extract_strided_slice %add3A_858 {offsets = [0, 0], sizes = [256, 1], strides = [1, 1]} : vector<256x48xi32> to vector<256x1xi32>
    %broadcast_in_dim3A_862 = vector.shape_cast %slice3A_861 : vector<256x1xi32> to vector<256x1xi32>
    %broadcast_in_dim3A_863 = vector.broadcast %broadcast_in_dim3A_862 : vector<256x1xi32> to vector<256x48xi32>
    %gt3A = arith.constant 0.000000e+00 : f32
    %gt3A_864 = vector.broadcast %gt3A : f32 to vector<256x1xf32>
    %gt3A_865 = arith.cmpf ogt, %slice3A, %gt3A_864 : vector<256x1xf32>
    %jit3A_866 = arith.constant 0 : i32
    %broadcast_in_dim3A_867 = vector.shape_cast %gt3A_865 : vector<256x1xi1> to vector<256x1xi1>
    %broadcast_in_dim3A_868 = vector.broadcast %broadcast_in_dim3A_867 : vector<256x1xi1> to vector<256x48xi1>
    %broadcast_in_dim3A_869 = vector.broadcast %jit3A_866 : i32 to vector<256x48xi32>
    %select_n3A_870 = arith.select %broadcast_in_dim3A_868, %broadcast_in_dim3A_863, %broadcast_in_dim3A_869 : vector<256x48xi1>, vector<256x48xi32>
    %select_n3A_871 = arith.select %lt3A_860, %add3A_858, %select_n3A_870 : vector<256x48xi1>, vector<256x48xi32>
    %mul3A_872 = arith.constant 4096 : i32
    %mul3A_873 = arith.muli %arg0, %mul3A_872 : i32
    %add3A_874 = vector.broadcast %mul3A_873 : i32 to vector<256x48xi32>
    %add3A_875 = arith.addi %select_n3A_871, %add3A_874 : vector<256x48xi32>
    %swap3A_876 = arith.constant 0 : index
    %swap3A_877 = arith.constant 0 : index
    %swap3A_878 = arith.constant 0 : index
    %swap3A_879 = vector.load %arg4[%swap3A_876, %swap3A_877, %swap3A_878] : memref<1x256x48xi32, #tpu.memory_space<vmem>>, vector<1x256x48xi32>
    %swap3A_880 = vector.shape_cast %swap3A_879 : vector<1x256x48xi32> to vector<256x48xi32>
    %swap3A_881 = vector.shape_cast %add3A_875 : vector<256x48xi32> to vector<1x256x48xi32>
    tpu.vector_store %arg4[%swap3A_876, %swap3A_877, %swap3A_878], %swap3A_881 {strides = array<i32>} : memref<1x256x48xi32, #tpu.memory_space<vmem>>, vector<1x256x48xi32>,
    return
  }
  func.func @transform_0(%arg0: i32, %arg1: i32) -> (i32, i32, i32) {
    %c0_i32 = arith.constant 0 : i32
    %c0_i32_0 = arith.constant 0 : i32
    %c0_i32_1 = arith.constant 0 : i32
    return %arg0, %c0_i32, %c0_i32_0 : i32, i32, i32
  }
  func.func @transform_1(%arg0: i32, %arg1: i32) -> (i32, i32, i32) {
    %c0_i32 = arith.constant 0 : i32
    %c0_i32_0 = arith.constant 0 : i32
    return %arg0, %c0_i32, %arg1 : i32, i32, i32
  }
  func.func @transform_2(%arg0: i32, %arg1: i32) -> (i32, i32, i32) {
    %c0_i32 = arith.constant 0 : i32
    %c0_i32_0 = arith.constant 0 : i32
    return %arg0, %arg1, %c0_i32 : i32, i32, i32
  }
}

module attributes {stable_mosaic.version = 14 : i64} {
  func.func @_fps_kernel(%arg0: memref<16x3x4096xf32, #tpu.memory_space<vmem>>, %arg1: memref<16x3x1024xf32, #tpu.memory_space<vmem>>, %arg2: memref<16x3x512xf32, #tpu.memory_space<vmem>>, %arg3: memref<16x3x256xf32, #tpu.memory_space<vmem>>, %arg4: memref<16x512xi32, #tpu.memory_space<vmem>>, %arg5: memref<16x256xi32, #tpu.memory_space<vmem>>) attributes {dimension_semantics = [], scalar_prefetch = 0 : i64, scratch_operands = 0 : i64, tpu.core_type = #tpu.core_type<tc>} {
    %get3A = arith.constant 0 : index
    %get3A_0 = arith.constant 0 : index
    %get3A_1 = arith.constant 0 : index
    %get3A_2 = vector.load %arg0[%get3A, %get3A_0, %get3A_1] : memref<16x3x4096xf32, #tpu.memory_space<vmem>>, vector<16x1x4096xf32>
    %get3A_3 = vector.shape_cast %get3A_2 : vector<16x1x4096xf32> to vector<16x4096xf32>
    %get3A_4 = arith.constant 0 : index
    %get3A_5 = arith.constant 1 : index
    %get3A_6 = arith.constant 0 : index
    %get3A_7 = vector.load %arg0[%get3A_4, %get3A_5, %get3A_6] : memref<16x3x4096xf32, #tpu.memory_space<vmem>>, vector<16x1x4096xf32>
    %get3A_8 = vector.shape_cast %get3A_7 : vector<16x1x4096xf32> to vector<16x4096xf32>
    %get3A_9 = arith.constant 0 : index
    %get3A_10 = arith.constant 2 : index
    %get3A_11 = arith.constant 0 : index
    %get3A_12 = vector.load %arg0[%get3A_9, %get3A_10, %get3A_11] : memref<16x3x4096xf32, #tpu.memory_space<vmem>>, vector<16x1x4096xf32>
    %get3A_13 = vector.shape_cast %get3A_12 : vector<16x1x4096xf32> to vector<16x4096xf32>
    %iota3A = tpu.iota {dimensions = array<i32: 1>} : vector<16x4096xi32>
    %iota3A_14 = tpu.iota {dimensions = array<i32: 1>} : vector<16x1024xi32>
    %broadcast_in_dim3A = arith.constant 1.000000e+10 : f32
    %broadcast_in_dim3A_15 = vector.broadcast %broadcast_in_dim3A : f32 to vector<16x4096xf32>
    %broadcast_in_dim3A_16 = arith.constant 0 : i32
    %broadcast_in_dim3A_17 = vector.broadcast %broadcast_in_dim3A_16 : i32 to vector<16x1xi32>
    %broadcast_in_dim3A_18 = arith.constant 0.000000e+00 : f32
    %broadcast_in_dim3A_19 = vector.broadcast %broadcast_in_dim3A_18 : f32 to vector<16x1024xf32>
    %broadcast_in_dim3A_20 = arith.constant 0.000000e+00 : f32
    %broadcast_in_dim3A_21 = vector.broadcast %broadcast_in_dim3A_20 : f32 to vector<16x1024xf32>
    %broadcast_in_dim3A_22 = arith.constant 0.000000e+00 : f32
    %broadcast_in_dim3A_23 = vector.broadcast %broadcast_in_dim3A_22 : f32 to vector<16x1024xf32>
    %scan3A = arith.constant 1 : i32
    %scan3A_24 = arith.constant 1023 : i32
    %scan3A_25 = arith.addi %scan3A, %scan3A_24 : i32
    %scan3A_26 = arith.constant 1 : i32
    %scan3A_27:5 = scf.for %scan3A_220 = %scan3A to %scan3A_25 step %scan3A_26 iter_args(%scan3A_221 = %broadcast_in_dim3A_15, %scan3A_222 = %broadcast_in_dim3A_17, %scan3A_223 = %broadcast_in_dim3A_19, %scan3A_224 = %broadcast_in_dim3A_21, %scan3A_225 = %broadcast_in_dim3A_23) -> (vector<16x4096xf32>, vector<16x1xi32>, vector<16x1024xf32>, vector<16x1024xf32>, vector<16x1024xf32>)  : i32 {
      %eq3A_226 = vector.broadcast %scan3A_222 : vector<16x1xi32> to vector<16x4096xi32>
      %eq3A_227 = arith.cmpi eq, %iota3A, %eq3A_226 : vector<16x4096xi32>
      %jit3A_228 = arith.constant 0.000000e+00 : f32
      %broadcast_in_dim3A_229 = vector.broadcast %jit3A_228 : f32 to vector<16x4096xf32>
      %select_n3A_230 = arith.select %eq3A_227, %get3A_3, %broadcast_in_dim3A_229 : vector<16x4096xi1>, vector<16x4096xf32>
      %reduce_sum3A_231 = arith.constant dense<0.000000e+00> : vector<16xf32>
      %reduce_sum3A_232 = vector.multi_reduction <add>, %select_n3A_230, %reduce_sum3A_231 [1] : vector<16x4096xf32> to vector<16xf32>
      %broadcast_in_dim3A_233 = vector.shape_cast %reduce_sum3A_232 : vector<16xf32> to vector<16x1xf32>
      %jit3A_234 = arith.constant 0.000000e+00 : f32
      %broadcast_in_dim3A_235 = vector.broadcast %jit3A_234 : f32 to vector<16x4096xf32>
      %select_n3A_236 = arith.select %eq3A_227, %get3A_8, %broadcast_in_dim3A_235 : vector<16x4096xi1>, vector<16x4096xf32>
      %reduce_sum3A_237 = arith.constant dense<0.000000e+00> : vector<16xf32>
      %reduce_sum3A_238 = vector.multi_reduction <add>, %select_n3A_236, %reduce_sum3A_237 [1] : vector<16x4096xf32> to vector<16xf32>
      %broadcast_in_dim3A_239 = vector.shape_cast %reduce_sum3A_238 : vector<16xf32> to vector<16x1xf32>
      %jit3A_240 = arith.constant 0.000000e+00 : f32
      %broadcast_in_dim3A_241 = vector.broadcast %jit3A_240 : f32 to vector<16x4096xf32>
      %select_n3A_242 = arith.select %eq3A_227, %get3A_13, %broadcast_in_dim3A_241 : vector<16x4096xi1>, vector<16x4096xf32>
      %reduce_sum3A_243 = arith.constant dense<0.000000e+00> : vector<16xf32>
      %reduce_sum3A_244 = vector.multi_reduction <add>, %select_n3A_242, %reduce_sum3A_243 [1] : vector<16x4096xf32> to vector<16xf32>
      %broadcast_in_dim3A_245 = vector.shape_cast %reduce_sum3A_244 : vector<16xf32> to vector<16x1xf32>
      %sub3A = arith.constant 1 : i32
      %sub3A_246 = arith.subi %scan3A_220, %sub3A : i32
      %eq3A_247 = vector.broadcast %sub3A_246 : i32 to vector<16x1024xi32>
      %eq3A_248 = arith.cmpi eq, %iota3A_14, %eq3A_247 : vector<16x1024xi32>
      %broadcast_in_dim3A_249 = vector.shape_cast %broadcast_in_dim3A_233 : vector<16x1xf32> to vector<16x1xf32>
      %broadcast_in_dim3A_250 = vector.broadcast %broadcast_in_dim3A_249 : vector<16x1xf32> to vector<16x1024xf32>
      %select_n3A_251 = arith.select %eq3A_248, %broadcast_in_dim3A_250, %scan3A_223 : vector<16x1024xi1>, vector<16x1024xf32>
      %broadcast_in_dim3A_252 = vector.shape_cast %broadcast_in_dim3A_239 : vector<16x1xf32> to vector<16x1xf32>
      %broadcast_in_dim3A_253 = vector.broadcast %broadcast_in_dim3A_252 : vector<16x1xf32> to vector<16x1024xf32>
      %select_n3A_254 = arith.select %eq3A_248, %broadcast_in_dim3A_253, %scan3A_224 : vector<16x1024xi1>, vector<16x1024xf32>
      %broadcast_in_dim3A_255 = vector.shape_cast %broadcast_in_dim3A_245 : vector<16x1xf32> to vector<16x1xf32>
      %broadcast_in_dim3A_256 = vector.broadcast %broadcast_in_dim3A_255 : vector<16x1xf32> to vector<16x1024xf32>
      %select_n3A_257 = arith.select %eq3A_248, %broadcast_in_dim3A_256, %scan3A_225 : vector<16x1024xi1>, vector<16x1024xf32>
      %sub3A_258 = vector.broadcast %broadcast_in_dim3A_233 : vector<16x1xf32> to vector<16x4096xf32>
      %sub3A_259 = arith.subf %get3A_3, %sub3A_258 : vector<16x4096xf32>
      %integer_pow3A = arith.mulf %sub3A_259, %sub3A_259 : vector<16x4096xf32>
      %sub3A_260 = vector.broadcast %broadcast_in_dim3A_239 : vector<16x1xf32> to vector<16x4096xf32>
      %sub3A_261 = arith.subf %get3A_8, %sub3A_260 : vector<16x4096xf32>
      %integer_pow3A_262 = arith.mulf %sub3A_261, %sub3A_261 : vector<16x4096xf32>
      %add3A = arith.addf %integer_pow3A, %integer_pow3A_262 : vector<16x4096xf32>
      %sub3A_263 = vector.broadcast %broadcast_in_dim3A_245 : vector<16x1xf32> to vector<16x4096xf32>
      %sub3A_264 = arith.subf %get3A_13, %sub3A_263 : vector<16x4096xf32>
      %integer_pow3A_265 = arith.mulf %sub3A_264, %sub3A_264 : vector<16x4096xf32>
      %add3A_266 = arith.addf %add3A, %integer_pow3A_265 : vector<16x4096xf32>
      %min3A = arith.minimumf %scan3A_221, %add3A_266 : vector<16x4096xf32>
      %reduce_max3A = arith.constant dense<0xFF800000> : vector<16xf32>
      %reduce_max3A_267 = vector.multi_reduction <maximumf>, %min3A, %reduce_max3A [1] : vector<16x4096xf32> to vector<16xf32>
      %broadcast_in_dim3A_268 = vector.shape_cast %reduce_max3A_267 : vector<16xf32> to vector<16x1xf32>
      %ge3A = vector.broadcast %broadcast_in_dim3A_268 : vector<16x1xf32> to vector<16x4096xf32>
      %ge3A_269 = arith.cmpf oge, %min3A, %ge3A : vector<16x4096xf32>
      %jit3A_270 = arith.constant 4096 : i32
      %broadcast_in_dim3A_271 = vector.broadcast %jit3A_270 : i32 to vector<16x4096xi32>
      %select_n3A_272 = arith.select %ge3A_269, %iota3A, %broadcast_in_dim3A_271 : vector<16x4096xi1>, vector<16x4096xi32>
      %reduce_min3A = arith.constant dense<2147483647> : vector<16xi32>
      %reduce_min3A_273 = vector.multi_reduction <minsi>, %select_n3A_272, %reduce_min3A [1] : vector<16x4096xi32> to vector<16xi32>
      %broadcast_in_dim3A_274 = vector.shape_cast %reduce_min3A_273 : vector<16xi32> to vector<16x1xi32>
      scf.yield %min3A, %broadcast_in_dim3A_274, %select_n3A_251, %select_n3A_254, %select_n3A_257 : vector<16x4096xf32>, vector<16x1xi32>, vector<16x1024xf32>, vector<16x1024xf32>, vector<16x1024xf32>
    }
    %scan3A_28 = arith.constant 1023 : i32
    %eq3A = vector.broadcast %scan3A_27#1 : vector<16x1xi32> to vector<16x4096xi32>
    %eq3A_29 = arith.cmpi eq, %iota3A, %eq3A : vector<16x4096xi32>
    %jit3A = arith.constant 0.000000e+00 : f32
    %broadcast_in_dim3A_30 = vector.broadcast %jit3A : f32 to vector<16x4096xf32>
    %select_n3A = arith.select %eq3A_29, %get3A_3, %broadcast_in_dim3A_30 : vector<16x4096xi1>, vector<16x4096xf32>
    %reduce_sum3A = arith.constant dense<0.000000e+00> : vector<16xf32>
    %reduce_sum3A_31 = vector.multi_reduction <add>, %select_n3A, %reduce_sum3A [1] : vector<16x4096xf32> to vector<16xf32>
    %broadcast_in_dim3A_32 = vector.shape_cast %reduce_sum3A_31 : vector<16xf32> to vector<16x1xf32>
    %jit3A_33 = arith.constant 0.000000e+00 : f32
    %broadcast_in_dim3A_34 = vector.broadcast %jit3A_33 : f32 to vector<16x4096xf32>
    %select_n3A_35 = arith.select %eq3A_29, %get3A_8, %broadcast_in_dim3A_34 : vector<16x4096xi1>, vector<16x4096xf32>
    %reduce_sum3A_36 = arith.constant dense<0.000000e+00> : vector<16xf32>
    %reduce_sum3A_37 = vector.multi_reduction <add>, %select_n3A_35, %reduce_sum3A_36 [1] : vector<16x4096xf32> to vector<16xf32>
    %broadcast_in_dim3A_38 = vector.shape_cast %reduce_sum3A_37 : vector<16xf32> to vector<16x1xf32>
    %jit3A_39 = arith.constant 0.000000e+00 : f32
    %broadcast_in_dim3A_40 = vector.broadcast %jit3A_39 : f32 to vector<16x4096xf32>
    %select_n3A_41 = arith.select %eq3A_29, %get3A_13, %broadcast_in_dim3A_40 : vector<16x4096xi1>, vector<16x4096xf32>
    %reduce_sum3A_42 = arith.constant dense<0.000000e+00> : vector<16xf32>
    %reduce_sum3A_43 = vector.multi_reduction <add>, %select_n3A_41, %reduce_sum3A_42 [1] : vector<16x4096xf32> to vector<16xf32>
    %broadcast_in_dim3A_44 = vector.shape_cast %reduce_sum3A_43 : vector<16xf32> to vector<16x1xf32>
    %eq3A_45 = arith.constant 1023 : i32
    %eq3A_46 = vector.broadcast %eq3A_45 : i32 to vector<16x1024xi32>
    %eq3A_47 = arith.cmpi eq, %iota3A_14, %eq3A_46 : vector<16x1024xi32>
    %broadcast_in_dim3A_48 = vector.shape_cast %broadcast_in_dim3A_32 : vector<16x1xf32> to vector<16x1xf32>
    %broadcast_in_dim3A_49 = vector.broadcast %broadcast_in_dim3A_48 : vector<16x1xf32> to vector<16x1024xf32>
    %select_n3A_50 = arith.select %eq3A_47, %broadcast_in_dim3A_49, %scan3A_27#2 : vector<16x1024xi1>, vector<16x1024xf32>
    %broadcast_in_dim3A_51 = vector.shape_cast %broadcast_in_dim3A_38 : vector<16x1xf32> to vector<16x1xf32>
    %broadcast_in_dim3A_52 = vector.broadcast %broadcast_in_dim3A_51 : vector<16x1xf32> to vector<16x1024xf32>
    %select_n3A_53 = arith.select %eq3A_47, %broadcast_in_dim3A_52, %scan3A_27#3 : vector<16x1024xi1>, vector<16x1024xf32>
    %broadcast_in_dim3A_54 = vector.shape_cast %broadcast_in_dim3A_44 : vector<16x1xf32> to vector<16x1xf32>
    %broadcast_in_dim3A_55 = vector.broadcast %broadcast_in_dim3A_54 : vector<16x1xf32> to vector<16x1024xf32>
    %select_n3A_56 = arith.select %eq3A_47, %broadcast_in_dim3A_55, %scan3A_27#4 : vector<16x1024xi1>, vector<16x1024xf32>
    %iota3A_57 = tpu.iota {dimensions = array<i32: 1>} : vector<16x1024xi32>
    %iota3A_58 = tpu.iota {dimensions = array<i32: 1>} : vector<16x512xi32>
    %broadcast_in_dim3A_59 = arith.constant 1.000000e+10 : f32
    %broadcast_in_dim3A_60 = vector.broadcast %broadcast_in_dim3A_59 : f32 to vector<16x1024xf32>
    %broadcast_in_dim3A_61 = arith.constant 0 : i32
    %broadcast_in_dim3A_62 = vector.broadcast %broadcast_in_dim3A_61 : i32 to vector<16x1xi32>
    %broadcast_in_dim3A_63 = arith.constant 0 : i32
    %broadcast_in_dim3A_64 = vector.broadcast %broadcast_in_dim3A_63 : i32 to vector<16x512xi32>
    %broadcast_in_dim3A_65 = arith.constant 0.000000e+00 : f32
    %broadcast_in_dim3A_66 = vector.broadcast %broadcast_in_dim3A_65 : f32 to vector<16x512xf32>
    %broadcast_in_dim3A_67 = arith.constant 0.000000e+00 : f32
    %broadcast_in_dim3A_68 = vector.broadcast %broadcast_in_dim3A_67 : f32 to vector<16x512xf32>
    %broadcast_in_dim3A_69 = arith.constant 0.000000e+00 : f32
    %broadcast_in_dim3A_70 = vector.broadcast %broadcast_in_dim3A_69 : f32 to vector<16x512xf32>
    %scan3A_71 = arith.constant 1 : i32
    %scan3A_72 = arith.constant 511 : i32
    %scan3A_73 = arith.addi %scan3A_71, %scan3A_72 : i32
    %scan3A_74 = arith.constant 1 : i32
    %scan3A_75:6 = scf.for %scan3A_220 = %scan3A_71 to %scan3A_73 step %scan3A_74 iter_args(%scan3A_221 = %broadcast_in_dim3A_60, %scan3A_222 = %broadcast_in_dim3A_62, %scan3A_223 = %broadcast_in_dim3A_64, %scan3A_224 = %broadcast_in_dim3A_66, %scan3A_225 = %broadcast_in_dim3A_68, %scan3A_226 = %broadcast_in_dim3A_70) -> (vector<16x1024xf32>, vector<16x1xi32>, vector<16x512xi32>, vector<16x512xf32>, vector<16x512xf32>, vector<16x512xf32>)  : i32 {
      %eq3A_227 = vector.broadcast %scan3A_222 : vector<16x1xi32> to vector<16x1024xi32>
      %eq3A_228 = arith.cmpi eq, %iota3A_57, %eq3A_227 : vector<16x1024xi32>
      %jit3A_229 = arith.constant 0.000000e+00 : f32
      %broadcast_in_dim3A_230 = vector.broadcast %jit3A_229 : f32 to vector<16x1024xf32>
      %select_n3A_231 = arith.select %eq3A_228, %select_n3A_50, %broadcast_in_dim3A_230 : vector<16x1024xi1>, vector<16x1024xf32>
      %reduce_sum3A_232 = arith.constant dense<0.000000e+00> : vector<16xf32>
      %reduce_sum3A_233 = vector.multi_reduction <add>, %select_n3A_231, %reduce_sum3A_232 [1] : vector<16x1024xf32> to vector<16xf32>
      %broadcast_in_dim3A_234 = vector.shape_cast %reduce_sum3A_233 : vector<16xf32> to vector<16x1xf32>
      %jit3A_235 = arith.constant 0.000000e+00 : f32
      %broadcast_in_dim3A_236 = vector.broadcast %jit3A_235 : f32 to vector<16x1024xf32>
      %select_n3A_237 = arith.select %eq3A_228, %select_n3A_53, %broadcast_in_dim3A_236 : vector<16x1024xi1>, vector<16x1024xf32>
      %reduce_sum3A_238 = arith.constant dense<0.000000e+00> : vector<16xf32>
      %reduce_sum3A_239 = vector.multi_reduction <add>, %select_n3A_237, %reduce_sum3A_238 [1] : vector<16x1024xf32> to vector<16xf32>
      %broadcast_in_dim3A_240 = vector.shape_cast %reduce_sum3A_239 : vector<16xf32> to vector<16x1xf32>
      %jit3A_241 = arith.constant 0.000000e+00 : f32
      %broadcast_in_dim3A_242 = vector.broadcast %jit3A_241 : f32 to vector<16x1024xf32>
      %select_n3A_243 = arith.select %eq3A_228, %select_n3A_56, %broadcast_in_dim3A_242 : vector<16x1024xi1>, vector<16x1024xf32>
      %reduce_sum3A_244 = arith.constant dense<0.000000e+00> : vector<16xf32>
      %reduce_sum3A_245 = vector.multi_reduction <add>, %select_n3A_243, %reduce_sum3A_244 [1] : vector<16x1024xf32> to vector<16xf32>
      %broadcast_in_dim3A_246 = vector.shape_cast %reduce_sum3A_245 : vector<16xf32> to vector<16x1xf32>
      %sub3A = arith.constant 1 : i32
      %sub3A_247 = arith.subi %scan3A_220, %sub3A : i32
      %eq3A_248 = vector.broadcast %sub3A_247 : i32 to vector<16x512xi32>
      %eq3A_249 = arith.cmpi eq, %iota3A_58, %eq3A_248 : vector<16x512xi32>
      %broadcast_in_dim3A_250 = vector.shape_cast %broadcast_in_dim3A_234 : vector<16x1xf32> to vector<16x1xf32>
      %broadcast_in_dim3A_251 = vector.broadcast %broadcast_in_dim3A_250 : vector<16x1xf32> to vector<16x512xf32>
      %select_n3A_252 = arith.select %eq3A_249, %broadcast_in_dim3A_251, %scan3A_224 : vector<16x512xi1>, vector<16x512xf32>
      %broadcast_in_dim3A_253 = vector.shape_cast %broadcast_in_dim3A_240 : vector<16x1xf32> to vector<16x1xf32>
      %broadcast_in_dim3A_254 = vector.broadcast %broadcast_in_dim3A_253 : vector<16x1xf32> to vector<16x512xf32>
      %select_n3A_255 = arith.select %eq3A_249, %broadcast_in_dim3A_254, %scan3A_225 : vector<16x512xi1>, vector<16x512xf32>
      %broadcast_in_dim3A_256 = vector.shape_cast %broadcast_in_dim3A_246 : vector<16x1xf32> to vector<16x1xf32>
      %broadcast_in_dim3A_257 = vector.broadcast %broadcast_in_dim3A_256 : vector<16x1xf32> to vector<16x512xf32>
      %select_n3A_258 = arith.select %eq3A_249, %broadcast_in_dim3A_257, %scan3A_226 : vector<16x512xi1>, vector<16x512xf32>
      %sub3A_259 = vector.broadcast %broadcast_in_dim3A_234 : vector<16x1xf32> to vector<16x1024xf32>
      %sub3A_260 = arith.subf %select_n3A_50, %sub3A_259 : vector<16x1024xf32>
      %integer_pow3A = arith.mulf %sub3A_260, %sub3A_260 : vector<16x1024xf32>
      %sub3A_261 = vector.broadcast %broadcast_in_dim3A_240 : vector<16x1xf32> to vector<16x1024xf32>
      %sub3A_262 = arith.subf %select_n3A_53, %sub3A_261 : vector<16x1024xf32>
      %integer_pow3A_263 = arith.mulf %sub3A_262, %sub3A_262 : vector<16x1024xf32>
      %add3A = arith.addf %integer_pow3A, %integer_pow3A_263 : vector<16x1024xf32>
      %sub3A_264 = vector.broadcast %broadcast_in_dim3A_246 : vector<16x1xf32> to vector<16x1024xf32>
      %sub3A_265 = arith.subf %select_n3A_56, %sub3A_264 : vector<16x1024xf32>
      %integer_pow3A_266 = arith.mulf %sub3A_265, %sub3A_265 : vector<16x1024xf32>
      %add3A_267 = arith.addf %add3A, %integer_pow3A_266 : vector<16x1024xf32>
      %min3A = arith.minimumf %scan3A_221, %add3A_267 : vector<16x1024xf32>
      %reduce_max3A = arith.constant dense<0xFF800000> : vector<16xf32>
      %reduce_max3A_268 = vector.multi_reduction <maximumf>, %min3A, %reduce_max3A [1] : vector<16x1024xf32> to vector<16xf32>
      %broadcast_in_dim3A_269 = vector.shape_cast %reduce_max3A_268 : vector<16xf32> to vector<16x1xf32>
      %ge3A = vector.broadcast %broadcast_in_dim3A_269 : vector<16x1xf32> to vector<16x1024xf32>
      %ge3A_270 = arith.cmpf oge, %min3A, %ge3A : vector<16x1024xf32>
      %jit3A_271 = arith.constant 1024 : i32
      %broadcast_in_dim3A_272 = vector.broadcast %jit3A_271 : i32 to vector<16x1024xi32>
      %select_n3A_273 = arith.select %ge3A_270, %iota3A_57, %broadcast_in_dim3A_272 : vector<16x1024xi1>, vector<16x1024xi32>
      %reduce_min3A = arith.constant dense<2147483647> : vector<16xi32>
      %reduce_min3A_274 = vector.multi_reduction <minsi>, %select_n3A_273, %reduce_min3A [1] : vector<16x1024xi32> to vector<16xi32>
      %broadcast_in_dim3A_275 = vector.shape_cast %reduce_min3A_274 : vector<16xi32> to vector<16x1xi32>
      %eq3A_276 = vector.broadcast %scan3A_220 : i32 to vector<16x512xi32>
      %eq3A_277 = arith.cmpi eq, %iota3A_58, %eq3A_276 : vector<16x512xi32>
      %broadcast_in_dim3A_278 = vector.shape_cast %broadcast_in_dim3A_275 : vector<16x1xi32> to vector<16x1xi32>
      %broadcast_in_dim3A_279 = vector.broadcast %broadcast_in_dim3A_278 : vector<16x1xi32> to vector<16x512xi32>
      %select_n3A_280 = arith.select %eq3A_277, %broadcast_in_dim3A_279, %scan3A_223 : vector<16x512xi1>, vector<16x512xi32>
      scf.yield %min3A, %broadcast_in_dim3A_275, %select_n3A_280, %select_n3A_252, %select_n3A_255, %select_n3A_258 : vector<16x1024xf32>, vector<16x1xi32>, vector<16x512xi32>, vector<16x512xf32>, vector<16x512xf32>, vector<16x512xf32>
    }
    %scan3A_76 = arith.constant 511 : i32
    %eq3A_77 = vector.broadcast %scan3A_75#1 : vector<16x1xi32> to vector<16x1024xi32>
    %eq3A_78 = arith.cmpi eq, %iota3A_57, %eq3A_77 : vector<16x1024xi32>
    %jit3A_79 = arith.constant 0.000000e+00 : f32
    %broadcast_in_dim3A_80 = vector.broadcast %jit3A_79 : f32 to vector<16x1024xf32>
    %select_n3A_81 = arith.select %eq3A_78, %select_n3A_50, %broadcast_in_dim3A_80 : vector<16x1024xi1>, vector<16x1024xf32>
    %reduce_sum3A_82 = arith.constant dense<0.000000e+00> : vector<16xf32>
    %reduce_sum3A_83 = vector.multi_reduction <add>, %select_n3A_81, %reduce_sum3A_82 [1] : vector<16x1024xf32> to vector<16xf32>
    %broadcast_in_dim3A_84 = vector.shape_cast %reduce_sum3A_83 : vector<16xf32> to vector<16x1xf32>
    %jit3A_85 = arith.constant 0.000000e+00 : f32
    %broadcast_in_dim3A_86 = vector.broadcast %jit3A_85 : f32 to vector<16x1024xf32>
    %select_n3A_87 = arith.select %eq3A_78, %select_n3A_53, %broadcast_in_dim3A_86 : vector<16x1024xi1>, vector<16x1024xf32>
    %reduce_sum3A_88 = arith.constant dense<0.000000e+00> : vector<16xf32>
    %reduce_sum3A_89 = vector.multi_reduction <add>, %select_n3A_87, %reduce_sum3A_88 [1] : vector<16x1024xf32> to vector<16xf32>
    %broadcast_in_dim3A_90 = vector.shape_cast %reduce_sum3A_89 : vector<16xf32> to vector<16x1xf32>
    %jit3A_91 = arith.constant 0.000000e+00 : f32
    %broadcast_in_dim3A_92 = vector.broadcast %jit3A_91 : f32 to vector<16x1024xf32>
    %select_n3A_93 = arith.select %eq3A_78, %select_n3A_56, %broadcast_in_dim3A_92 : vector<16x1024xi1>, vector<16x1024xf32>
    %reduce_sum3A_94 = arith.constant dense<0.000000e+00> : vector<16xf32>
    %reduce_sum3A_95 = vector.multi_reduction <add>, %select_n3A_93, %reduce_sum3A_94 [1] : vector<16x1024xf32> to vector<16xf32>
    %broadcast_in_dim3A_96 = vector.shape_cast %reduce_sum3A_95 : vector<16xf32> to vector<16x1xf32>
    %eq3A_97 = arith.constant 511 : i32
    %eq3A_98 = vector.broadcast %eq3A_97 : i32 to vector<16x512xi32>
    %eq3A_99 = arith.cmpi eq, %iota3A_58, %eq3A_98 : vector<16x512xi32>
    %broadcast_in_dim3A_100 = vector.shape_cast %broadcast_in_dim3A_84 : vector<16x1xf32> to vector<16x1xf32>
    %broadcast_in_dim3A_101 = vector.broadcast %broadcast_in_dim3A_100 : vector<16x1xf32> to vector<16x512xf32>
    %select_n3A_102 = arith.select %eq3A_99, %broadcast_in_dim3A_101, %scan3A_75#3 : vector<16x512xi1>, vector<16x512xf32>
    %broadcast_in_dim3A_103 = vector.shape_cast %broadcast_in_dim3A_90 : vector<16x1xf32> to vector<16x1xf32>
    %broadcast_in_dim3A_104 = vector.broadcast %broadcast_in_dim3A_103 : vector<16x1xf32> to vector<16x512xf32>
    %select_n3A_105 = arith.select %eq3A_99, %broadcast_in_dim3A_104, %scan3A_75#4 : vector<16x512xi1>, vector<16x512xf32>
    %broadcast_in_dim3A_106 = vector.shape_cast %broadcast_in_dim3A_96 : vector<16x1xf32> to vector<16x1xf32>
    %broadcast_in_dim3A_107 = vector.broadcast %broadcast_in_dim3A_106 : vector<16x1xf32> to vector<16x512xf32>
    %select_n3A_108 = arith.select %eq3A_99, %broadcast_in_dim3A_107, %scan3A_75#5 : vector<16x512xi1>, vector<16x512xf32>
    %iota3A_109 = tpu.iota {dimensions = array<i32: 1>} : vector<16x512xi32>
    %iota3A_110 = tpu.iota {dimensions = array<i32: 1>} : vector<16x256xi32>
    %broadcast_in_dim3A_111 = arith.constant 1.000000e+10 : f32
    %broadcast_in_dim3A_112 = vector.broadcast %broadcast_in_dim3A_111 : f32 to vector<16x512xf32>
    %broadcast_in_dim3A_113 = arith.constant 0 : i32
    %broadcast_in_dim3A_114 = vector.broadcast %broadcast_in_dim3A_113 : i32 to vector<16x1xi32>
    %broadcast_in_dim3A_115 = arith.constant 0 : i32
    %broadcast_in_dim3A_116 = vector.broadcast %broadcast_in_dim3A_115 : i32 to vector<16x256xi32>
    %broadcast_in_dim3A_117 = arith.constant 0.000000e+00 : f32
    %broadcast_in_dim3A_118 = vector.broadcast %broadcast_in_dim3A_117 : f32 to vector<16x256xf32>
    %broadcast_in_dim3A_119 = arith.constant 0.000000e+00 : f32
    %broadcast_in_dim3A_120 = vector.broadcast %broadcast_in_dim3A_119 : f32 to vector<16x256xf32>
    %broadcast_in_dim3A_121 = arith.constant 0.000000e+00 : f32
    %broadcast_in_dim3A_122 = vector.broadcast %broadcast_in_dim3A_121 : f32 to vector<16x256xf32>
    %scan3A_123 = arith.constant 1 : i32
    %scan3A_124 = arith.constant 255 : i32
    %scan3A_125 = arith.addi %scan3A_123, %scan3A_124 : i32
    %scan3A_126 = arith.constant 1 : i32
    %scan3A_127:6 = scf.for %scan3A_220 = %scan3A_123 to %scan3A_125 step %scan3A_126 iter_args(%scan3A_221 = %broadcast_in_dim3A_112, %scan3A_222 = %broadcast_in_dim3A_114, %scan3A_223 = %broadcast_in_dim3A_116, %scan3A_224 = %broadcast_in_dim3A_118, %scan3A_225 = %broadcast_in_dim3A_120, %scan3A_226 = %broadcast_in_dim3A_122) -> (vector<16x512xf32>, vector<16x1xi32>, vector<16x256xi32>, vector<16x256xf32>, vector<16x256xf32>, vector<16x256xf32>)  : i32 {
      %eq3A_227 = vector.broadcast %scan3A_222 : vector<16x1xi32> to vector<16x512xi32>
      %eq3A_228 = arith.cmpi eq, %iota3A_109, %eq3A_227 : vector<16x512xi32>
      %jit3A_229 = arith.constant 0.000000e+00 : f32
      %broadcast_in_dim3A_230 = vector.broadcast %jit3A_229 : f32 to vector<16x512xf32>
      %select_n3A_231 = arith.select %eq3A_228, %select_n3A_102, %broadcast_in_dim3A_230 : vector<16x512xi1>, vector<16x512xf32>
      %reduce_sum3A_232 = arith.constant dense<0.000000e+00> : vector<16xf32>
      %reduce_sum3A_233 = vector.multi_reduction <add>, %select_n3A_231, %reduce_sum3A_232 [1] : vector<16x512xf32> to vector<16xf32>
      %broadcast_in_dim3A_234 = vector.shape_cast %reduce_sum3A_233 : vector<16xf32> to vector<16x1xf32>
      %jit3A_235 = arith.constant 0.000000e+00 : f32
      %broadcast_in_dim3A_236 = vector.broadcast %jit3A_235 : f32 to vector<16x512xf32>
      %select_n3A_237 = arith.select %eq3A_228, %select_n3A_105, %broadcast_in_dim3A_236 : vector<16x512xi1>, vector<16x512xf32>
      %reduce_sum3A_238 = arith.constant dense<0.000000e+00> : vector<16xf32>
      %reduce_sum3A_239 = vector.multi_reduction <add>, %select_n3A_237, %reduce_sum3A_238 [1] : vector<16x512xf32> to vector<16xf32>
      %broadcast_in_dim3A_240 = vector.shape_cast %reduce_sum3A_239 : vector<16xf32> to vector<16x1xf32>
      %jit3A_241 = arith.constant 0.000000e+00 : f32
      %broadcast_in_dim3A_242 = vector.broadcast %jit3A_241 : f32 to vector<16x512xf32>
      %select_n3A_243 = arith.select %eq3A_228, %select_n3A_108, %broadcast_in_dim3A_242 : vector<16x512xi1>, vector<16x512xf32>
      %reduce_sum3A_244 = arith.constant dense<0.000000e+00> : vector<16xf32>
      %reduce_sum3A_245 = vector.multi_reduction <add>, %select_n3A_243, %reduce_sum3A_244 [1] : vector<16x512xf32> to vector<16xf32>
      %broadcast_in_dim3A_246 = vector.shape_cast %reduce_sum3A_245 : vector<16xf32> to vector<16x1xf32>
      %sub3A = arith.constant 1 : i32
      %sub3A_247 = arith.subi %scan3A_220, %sub3A : i32
      %eq3A_248 = vector.broadcast %sub3A_247 : i32 to vector<16x256xi32>
      %eq3A_249 = arith.cmpi eq, %iota3A_110, %eq3A_248 : vector<16x256xi32>
      %broadcast_in_dim3A_250 = vector.shape_cast %broadcast_in_dim3A_234 : vector<16x1xf32> to vector<16x1xf32>
      %broadcast_in_dim3A_251 = vector.broadcast %broadcast_in_dim3A_250 : vector<16x1xf32> to vector<16x256xf32>
      %select_n3A_252 = arith.select %eq3A_249, %broadcast_in_dim3A_251, %scan3A_224 : vector<16x256xi1>, vector<16x256xf32>
      %broadcast_in_dim3A_253 = vector.shape_cast %broadcast_in_dim3A_240 : vector<16x1xf32> to vector<16x1xf32>
      %broadcast_in_dim3A_254 = vector.broadcast %broadcast_in_dim3A_253 : vector<16x1xf32> to vector<16x256xf32>
      %select_n3A_255 = arith.select %eq3A_249, %broadcast_in_dim3A_254, %scan3A_225 : vector<16x256xi1>, vector<16x256xf32>
      %broadcast_in_dim3A_256 = vector.shape_cast %broadcast_in_dim3A_246 : vector<16x1xf32> to vector<16x1xf32>
      %broadcast_in_dim3A_257 = vector.broadcast %broadcast_in_dim3A_256 : vector<16x1xf32> to vector<16x256xf32>
      %select_n3A_258 = arith.select %eq3A_249, %broadcast_in_dim3A_257, %scan3A_226 : vector<16x256xi1>, vector<16x256xf32>
      %sub3A_259 = vector.broadcast %broadcast_in_dim3A_234 : vector<16x1xf32> to vector<16x512xf32>
      %sub3A_260 = arith.subf %select_n3A_102, %sub3A_259 : vector<16x512xf32>
      %integer_pow3A = arith.mulf %sub3A_260, %sub3A_260 : vector<16x512xf32>
      %sub3A_261 = vector.broadcast %broadcast_in_dim3A_240 : vector<16x1xf32> to vector<16x512xf32>
      %sub3A_262 = arith.subf %select_n3A_105, %sub3A_261 : vector<16x512xf32>
      %integer_pow3A_263 = arith.mulf %sub3A_262, %sub3A_262 : vector<16x512xf32>
      %add3A = arith.addf %integer_pow3A, %integer_pow3A_263 : vector<16x512xf32>
      %sub3A_264 = vector.broadcast %broadcast_in_dim3A_246 : vector<16x1xf32> to vector<16x512xf32>
      %sub3A_265 = arith.subf %select_n3A_108, %sub3A_264 : vector<16x512xf32>
      %integer_pow3A_266 = arith.mulf %sub3A_265, %sub3A_265 : vector<16x512xf32>
      %add3A_267 = arith.addf %add3A, %integer_pow3A_266 : vector<16x512xf32>
      %min3A = arith.minimumf %scan3A_221, %add3A_267 : vector<16x512xf32>
      %reduce_max3A = arith.constant dense<0xFF800000> : vector<16xf32>
      %reduce_max3A_268 = vector.multi_reduction <maximumf>, %min3A, %reduce_max3A [1] : vector<16x512xf32> to vector<16xf32>
      %broadcast_in_dim3A_269 = vector.shape_cast %reduce_max3A_268 : vector<16xf32> to vector<16x1xf32>
      %ge3A = vector.broadcast %broadcast_in_dim3A_269 : vector<16x1xf32> to vector<16x512xf32>
      %ge3A_270 = arith.cmpf oge, %min3A, %ge3A : vector<16x512xf32>
      %jit3A_271 = arith.constant 512 : i32
      %broadcast_in_dim3A_272 = vector.broadcast %jit3A_271 : i32 to vector<16x512xi32>
      %select_n3A_273 = arith.select %ge3A_270, %iota3A_109, %broadcast_in_dim3A_272 : vector<16x512xi1>, vector<16x512xi32>
      %reduce_min3A = arith.constant dense<2147483647> : vector<16xi32>
      %reduce_min3A_274 = vector.multi_reduction <minsi>, %select_n3A_273, %reduce_min3A [1] : vector<16x512xi32> to vector<16xi32>
      %broadcast_in_dim3A_275 = vector.shape_cast %reduce_min3A_274 : vector<16xi32> to vector<16x1xi32>
      %eq3A_276 = vector.broadcast %scan3A_220 : i32 to vector<16x256xi32>
      %eq3A_277 = arith.cmpi eq, %iota3A_110, %eq3A_276 : vector<16x256xi32>
      %broadcast_in_dim3A_278 = vector.shape_cast %broadcast_in_dim3A_275 : vector<16x1xi32> to vector<16x1xi32>
      %broadcast_in_dim3A_279 = vector.broadcast %broadcast_in_dim3A_278 : vector<16x1xi32> to vector<16x256xi32>
      %select_n3A_280 = arith.select %eq3A_277, %broadcast_in_dim3A_279, %scan3A_223 : vector<16x256xi1>, vector<16x256xi32>
      scf.yield %min3A, %broadcast_in_dim3A_275, %select_n3A_280, %select_n3A_252, %select_n3A_255, %select_n3A_258 : vector<16x512xf32>, vector<16x1xi32>, vector<16x256xi32>, vector<16x256xf32>, vector<16x256xf32>, vector<16x256xf32>
    }
    %scan3A_128 = arith.constant 255 : i32
    %eq3A_129 = vector.broadcast %scan3A_127#1 : vector<16x1xi32> to vector<16x512xi32>
    %eq3A_130 = arith.cmpi eq, %iota3A_109, %eq3A_129 : vector<16x512xi32>
    %jit3A_131 = arith.constant 0.000000e+00 : f32
    %broadcast_in_dim3A_132 = vector.broadcast %jit3A_131 : f32 to vector<16x512xf32>
    %select_n3A_133 = arith.select %eq3A_130, %select_n3A_102, %broadcast_in_dim3A_132 : vector<16x512xi1>, vector<16x512xf32>
    %reduce_sum3A_134 = arith.constant dense<0.000000e+00> : vector<16xf32>
    %reduce_sum3A_135 = vector.multi_reduction <add>, %select_n3A_133, %reduce_sum3A_134 [1] : vector<16x512xf32> to vector<16xf32>
    %broadcast_in_dim3A_136 = vector.shape_cast %reduce_sum3A_135 : vector<16xf32> to vector<16x1xf32>
    %jit3A_137 = arith.constant 0.000000e+00 : f32
    %broadcast_in_dim3A_138 = vector.broadcast %jit3A_137 : f32 to vector<16x512xf32>
    %select_n3A_139 = arith.select %eq3A_130, %select_n3A_105, %broadcast_in_dim3A_138 : vector<16x512xi1>, vector<16x512xf32>
    %reduce_sum3A_140 = arith.constant dense<0.000000e+00> : vector<16xf32>
    %reduce_sum3A_141 = vector.multi_reduction <add>, %select_n3A_139, %reduce_sum3A_140 [1] : vector<16x512xf32> to vector<16xf32>
    %broadcast_in_dim3A_142 = vector.shape_cast %reduce_sum3A_141 : vector<16xf32> to vector<16x1xf32>
    %jit3A_143 = arith.constant 0.000000e+00 : f32
    %broadcast_in_dim3A_144 = vector.broadcast %jit3A_143 : f32 to vector<16x512xf32>
    %select_n3A_145 = arith.select %eq3A_130, %select_n3A_108, %broadcast_in_dim3A_144 : vector<16x512xi1>, vector<16x512xf32>
    %reduce_sum3A_146 = arith.constant dense<0.000000e+00> : vector<16xf32>
    %reduce_sum3A_147 = vector.multi_reduction <add>, %select_n3A_145, %reduce_sum3A_146 [1] : vector<16x512xf32> to vector<16xf32>
    %broadcast_in_dim3A_148 = vector.shape_cast %reduce_sum3A_147 : vector<16xf32> to vector<16x1xf32>
    %eq3A_149 = arith.constant 255 : i32
    %eq3A_150 = vector.broadcast %eq3A_149 : i32 to vector<16x256xi32>
    %eq3A_151 = arith.cmpi eq, %iota3A_110, %eq3A_150 : vector<16x256xi32>
    %broadcast_in_dim3A_152 = vector.shape_cast %broadcast_in_dim3A_136 : vector<16x1xf32> to vector<16x1xf32>
    %broadcast_in_dim3A_153 = vector.broadcast %broadcast_in_dim3A_152 : vector<16x1xf32> to vector<16x256xf32>
    %select_n3A_154 = arith.select %eq3A_151, %broadcast_in_dim3A_153, %scan3A_127#3 : vector<16x256xi1>, vector<16x256xf32>
    %broadcast_in_dim3A_155 = vector.shape_cast %broadcast_in_dim3A_142 : vector<16x1xf32> to vector<16x1xf32>
    %broadcast_in_dim3A_156 = vector.broadcast %broadcast_in_dim3A_155 : vector<16x1xf32> to vector<16x256xf32>
    %select_n3A_157 = arith.select %eq3A_151, %broadcast_in_dim3A_156, %scan3A_127#4 : vector<16x256xi1>, vector<16x256xf32>
    %broadcast_in_dim3A_158 = vector.shape_cast %broadcast_in_dim3A_148 : vector<16x1xf32> to vector<16x1xf32>
    %broadcast_in_dim3A_159 = vector.broadcast %broadcast_in_dim3A_158 : vector<16x1xf32> to vector<16x256xf32>
    %select_n3A_160 = arith.select %eq3A_151, %broadcast_in_dim3A_159, %scan3A_127#5 : vector<16x256xi1>, vector<16x256xf32>
    %swap3A = arith.constant 0 : index
    %swap3A_161 = arith.constant 0 : index
    %swap3A_162 = arith.constant 0 : index
    %swap3A_163 = vector.load %arg1[%swap3A, %swap3A_161, %swap3A_162] : memref<16x3x1024xf32, #tpu.memory_space<vmem>>, vector<16x1x1024xf32>
    %swap3A_164 = vector.shape_cast %swap3A_163 : vector<16x1x1024xf32> to vector<16x1024xf32>
    %swap3A_165 = vector.shape_cast %select_n3A_50 : vector<16x1024xf32> to vector<16x1x1024xf32>
    tpu.vector_store %arg1[%swap3A, %swap3A_161, %swap3A_162], %swap3A_165 {strides = array<i32>} : memref<16x3x1024xf32, #tpu.memory_space<vmem>>, vector<16x1x1024xf32>,
    %swap3A_166 = arith.constant 0 : index
    %swap3A_167 = arith.constant 1 : index
    %swap3A_168 = arith.constant 0 : index
    %swap3A_169 = vector.load %arg1[%swap3A_166, %swap3A_167, %swap3A_168] : memref<16x3x1024xf32, #tpu.memory_space<vmem>>, vector<16x1x1024xf32>
    %swap3A_170 = vector.shape_cast %swap3A_169 : vector<16x1x1024xf32> to vector<16x1024xf32>
    %swap3A_171 = vector.shape_cast %select_n3A_53 : vector<16x1024xf32> to vector<16x1x1024xf32>
    tpu.vector_store %arg1[%swap3A_166, %swap3A_167, %swap3A_168], %swap3A_171 {strides = array<i32>} : memref<16x3x1024xf32, #tpu.memory_space<vmem>>, vector<16x1x1024xf32>,
    %swap3A_172 = arith.constant 0 : index
    %swap3A_173 = arith.constant 2 : index
    %swap3A_174 = arith.constant 0 : index
    %swap3A_175 = vector.load %arg1[%swap3A_172, %swap3A_173, %swap3A_174] : memref<16x3x1024xf32, #tpu.memory_space<vmem>>, vector<16x1x1024xf32>
    %swap3A_176 = vector.shape_cast %swap3A_175 : vector<16x1x1024xf32> to vector<16x1024xf32>
    %swap3A_177 = vector.shape_cast %select_n3A_56 : vector<16x1024xf32> to vector<16x1x1024xf32>
    tpu.vector_store %arg1[%swap3A_172, %swap3A_173, %swap3A_174], %swap3A_177 {strides = array<i32>} : memref<16x3x1024xf32, #tpu.memory_space<vmem>>, vector<16x1x1024xf32>,
    %swap3A_178 = arith.constant 0 : index
    %swap3A_179 = arith.constant 0 : index
    %swap3A_180 = arith.constant 0 : index
    %swap3A_181 = vector.load %arg2[%swap3A_178, %swap3A_179, %swap3A_180] : memref<16x3x512xf32, #tpu.memory_space<vmem>>, vector<16x1x512xf32>
    %swap3A_182 = vector.shape_cast %swap3A_181 : vector<16x1x512xf32> to vector<16x512xf32>
    %swap3A_183 = vector.shape_cast %select_n3A_102 : vector<16x512xf32> to vector<16x1x512xf32>
    tpu.vector_store %arg2[%swap3A_178, %swap3A_179, %swap3A_180], %swap3A_183 {strides = array<i32>} : memref<16x3x512xf32, #tpu.memory_space<vmem>>, vector<16x1x512xf32>,
    %swap3A_184 = arith.constant 0 : index
    %swap3A_185 = arith.constant 1 : index
    %swap3A_186 = arith.constant 0 : index
    %swap3A_187 = vector.load %arg2[%swap3A_184, %swap3A_185, %swap3A_186] : memref<16x3x512xf32, #tpu.memory_space<vmem>>, vector<16x1x512xf32>
    %swap3A_188 = vector.shape_cast %swap3A_187 : vector<16x1x512xf32> to vector<16x512xf32>
    %swap3A_189 = vector.shape_cast %select_n3A_105 : vector<16x512xf32> to vector<16x1x512xf32>
    tpu.vector_store %arg2[%swap3A_184, %swap3A_185, %swap3A_186], %swap3A_189 {strides = array<i32>} : memref<16x3x512xf32, #tpu.memory_space<vmem>>, vector<16x1x512xf32>,
    %swap3A_190 = arith.constant 0 : index
    %swap3A_191 = arith.constant 2 : index
    %swap3A_192 = arith.constant 0 : index
    %swap3A_193 = vector.load %arg2[%swap3A_190, %swap3A_191, %swap3A_192] : memref<16x3x512xf32, #tpu.memory_space<vmem>>, vector<16x1x512xf32>
    %swap3A_194 = vector.shape_cast %swap3A_193 : vector<16x1x512xf32> to vector<16x512xf32>
    %swap3A_195 = vector.shape_cast %select_n3A_108 : vector<16x512xf32> to vector<16x1x512xf32>
    tpu.vector_store %arg2[%swap3A_190, %swap3A_191, %swap3A_192], %swap3A_195 {strides = array<i32>} : memref<16x3x512xf32, #tpu.memory_space<vmem>>, vector<16x1x512xf32>,
    %swap3A_196 = arith.constant 0 : index
    %swap3A_197 = arith.constant 0 : index
    %swap3A_198 = arith.constant 0 : index
    %swap3A_199 = vector.load %arg3[%swap3A_196, %swap3A_197, %swap3A_198] : memref<16x3x256xf32, #tpu.memory_space<vmem>>, vector<16x1x256xf32>
    %swap3A_200 = vector.shape_cast %swap3A_199 : vector<16x1x256xf32> to vector<16x256xf32>
    %swap3A_201 = vector.shape_cast %select_n3A_154 : vector<16x256xf32> to vector<16x1x256xf32>
    tpu.vector_store %arg3[%swap3A_196, %swap3A_197, %swap3A_198], %swap3A_201 {strides = array<i32>} : memref<16x3x256xf32, #tpu.memory_space<vmem>>, vector<16x1x256xf32>,
    %swap3A_202 = arith.constant 0 : index
    %swap3A_203 = arith.constant 1 : index
    %swap3A_204 = arith.constant 0 : index
    %swap3A_205 = vector.load %arg3[%swap3A_202, %swap3A_203, %swap3A_204] : memref<16x3x256xf32, #tpu.memory_space<vmem>>, vector<16x1x256xf32>
    %swap3A_206 = vector.shape_cast %swap3A_205 : vector<16x1x256xf32> to vector<16x256xf32>
    %swap3A_207 = vector.shape_cast %select_n3A_157 : vector<16x256xf32> to vector<16x1x256xf32>
    tpu.vector_store %arg3[%swap3A_202, %swap3A_203, %swap3A_204], %swap3A_207 {strides = array<i32>} : memref<16x3x256xf32, #tpu.memory_space<vmem>>, vector<16x1x256xf32>,
    %swap3A_208 = arith.constant 0 : index
    %swap3A_209 = arith.constant 2 : index
    %swap3A_210 = arith.constant 0 : index
    %swap3A_211 = vector.load %arg3[%swap3A_208, %swap3A_209, %swap3A_210] : memref<16x3x256xf32, #tpu.memory_space<vmem>>, vector<16x1x256xf32>
    %swap3A_212 = vector.shape_cast %swap3A_211 : vector<16x1x256xf32> to vector<16x256xf32>
    %swap3A_213 = vector.shape_cast %select_n3A_160 : vector<16x256xf32> to vector<16x1x256xf32>
    tpu.vector_store %arg3[%swap3A_208, %swap3A_209, %swap3A_210], %swap3A_213 {strides = array<i32>} : memref<16x3x256xf32, #tpu.memory_space<vmem>>, vector<16x1x256xf32>,
    %swap3A_214 = arith.constant 0 : index
    %swap3A_215 = arith.constant 0 : index
    %swap3A_216 = vector.load %arg4[%swap3A_214, %swap3A_215] : memref<16x512xi32, #tpu.memory_space<vmem>>, vector<16x512xi32>
    tpu.vector_store %arg4[%swap3A_214, %swap3A_215], %scan3A_75#2 {strides = array<i32>} : memref<16x512xi32, #tpu.memory_space<vmem>>, vector<16x512xi32>,
    %swap3A_217 = arith.constant 0 : index
    %swap3A_218 = arith.constant 0 : index
    %swap3A_219 = vector.load %arg5[%swap3A_217, %swap3A_218] : memref<16x256xi32, #tpu.memory_space<vmem>>, vector<16x256xi32>
    tpu.vector_store %arg5[%swap3A_217, %swap3A_218], %scan3A_127#2 {strides = array<i32>} : memref<16x256xi32, #tpu.memory_space<vmem>>, vector<16x256xi32>,
    return
  }
}

module attributes {stable_mosaic.version = 14 : i64} {
  func.func @_ballquery_kernel(%arg0: i32, %arg1: i32, %arg2: memref<1x3x1024xf32, #tpu.memory_space<vmem>>, %arg3: memref<1x3x256xf32, #tpu.memory_space<vmem>>, %arg4: memref<1x256x64xi32, #tpu.memory_space<vmem>>, %arg5: memref<256x8x128xf32, #tpu.memory_space<vmem>>) attributes {dimension_semantics = [#tpu.dimension_semantics<arbitrary>, #tpu.dimension_semantics<arbitrary>], iteration_bounds = array<i64: 16, 2>, scalar_prefetch = 0 : i64, scratch_operands = 1 : i64, tpu.core_type = #tpu.core_type<tc>, window_params = [{transform_indices = @transform_0, window_bounds = array<i64: 1, 3, 1024>}, {transform_indices = @transform_1, window_bounds = array<i64: 1, 3, 256>}, {transform_indices = @transform_2, window_bounds = array<i64: 1, 256, 64>}]} {
    %get3A = arith.constant 0 : index
    %get3A_0 = arith.constant 0 : index
    %get3A_1 = arith.constant 0 : index
    %get3A_2 = vector.load %arg2[%get3A, %get3A_0, %get3A_1] : memref<1x3x1024xf32, #tpu.memory_space<vmem>>, vector<1x3x1024xf32>
    %get3A_3 = vector.shape_cast %get3A_2 : vector<1x3x1024xf32> to vector<3x1024xf32>
    %get3A_4 = arith.constant 0 : index
    %get3A_5 = arith.constant 0 : index
    %get3A_6 = arith.constant 0 : index
    %get3A_7 = vector.load %arg3[%get3A_4, %get3A_5, %get3A_6] : memref<1x3x256xf32, #tpu.memory_space<vmem>>, vector<1x3x256xf32>
    %get3A_8 = vector.shape_cast %get3A_7 : vector<1x3x256xf32> to vector<3x256xf32>
    %mul3A = arith.mulf %get3A_8, %get3A_8 : vector<3x256xf32>
    %reduce_sum3A = arith.constant dense<0.000000e+00> : vector<256xf32>
    %reduce_sum3A_9 = vector.multi_reduction <add>, %mul3A, %reduce_sum3A [0] : vector<3x256xf32> to vector<256xf32>
    %broadcast_in_dim3A = vector.shape_cast %reduce_sum3A_9 : vector<256xf32> to vector<256x1xf32>
    %mul3A_10 = arith.mulf %get3A_3, %get3A_3 : vector<3x1024xf32>
    %reduce_sum3A_11 = arith.constant dense<0.000000e+00> : vector<1024xf32>
    %reduce_sum3A_12 = vector.multi_reduction <add>, %mul3A_10, %reduce_sum3A_11 [0] : vector<3x1024xf32> to vector<1024xf32>
    %broadcast_in_dim3A_13 = vector.shape_cast %reduce_sum3A_12 : vector<1024xf32> to vector<1x1024xf32>
    %dot_general3A = arith.constant dense<0.000000e+00> : vector<256x1024xf32>
    %dot_general3A_14 = tpu.matmul %get3A_8, %get3A_3, %dot_general3A {dimension_numbers = #tpu.dot_dimension_numbers<[0], [0], [1], [1], [0, 1, 1, 1], [], []>, transpose_lhs_hint = false} : vector<3x256xf32>, vector<3x1024xf32>, vector<256x1024xf32> -> vector<256x1024xf32>
    %add3A = vector.broadcast %broadcast_in_dim3A : vector<256x1xf32> to vector<256x1024xf32>
    %add3A_15 = vector.broadcast %broadcast_in_dim3A_13 : vector<1x1024xf32> to vector<256x1024xf32>
    %add3A_16 = arith.addf %add3A, %add3A_15 : vector<256x1024xf32>
    %mul3A_17 = arith.constant 2.000000e+00 : f32
    %mul3A_18 = vector.broadcast %mul3A_17 : f32 to vector<256x1024xf32>
    %mul3A_19 = arith.mulf %mul3A_18, %dot_general3A_14 : vector<256x1024xf32>
    %sub3A = arith.subf %add3A_16, %mul3A_19 : vector<256x1024xf32>
    %le3A = arith.constant 1.024000e-01 : f32
    %le3A_20 = vector.broadcast %le3A : f32 to vector<256x1024xf32>
    %le3A_21 = arith.cmpf ole, %sub3A, %le3A_20 : vector<256x1024xf32>
    %convert_element_type3A = arith.extui %le3A_21 : vector<256x1024xi1> to vector<256x1024xi32>
    %convert_element_type3A_22 = arith.sitofp %convert_element_type3A : vector<256x1024xi32> to vector<256x1024xf32>
    %iota3A = tpu.iota {dimensions = array<i32: 0>} : vector<1024x8xi32>
    %iota3A_23 = tpu.iota {dimensions = array<i32: 1>} : vector<1024x8xi32>
    %jit3A = arith.constant 128 : i32
    %div3A = vector.broadcast %jit3A : i32 to vector<1024x8xi32>
    %div3A_24 = arith.divsi %iota3A, %div3A : vector<1024x8xi32>
    %sign3A = arith.constant 0 : i32
    %sign3A_25 = vector.broadcast %sign3A : i32 to vector<1024x8xi32>
    %sign3A_26 = arith.cmpi sgt, %iota3A, %sign3A_25 : vector<1024x8xi32>
    %sign3A_27 = arith.extui %sign3A_26 : vector<1024x8xi1> to vector<1024x8xi32>
    %sign3A_28 = arith.constant 0 : i32
    %sign3A_29 = vector.broadcast %sign3A_28 : i32 to vector<1024x8xi32>
    %sign3A_30 = arith.cmpi slt, %iota3A, %sign3A_29 : vector<1024x8xi32>
    %sign3A_31 = arith.extui %sign3A_30 : vector<1024x8xi1> to vector<1024x8xi32>
    %sign3A_32 = arith.subi %sign3A_27, %sign3A_31 : vector<1024x8xi32>
    %sign3A_33 = arith.constant 0 : i32
    %sign3A_34 = arith.cmpi sgt, %jit3A, %sign3A_33 : i32
    %sign3A_35 = arith.extui %sign3A_34 : i1 to i32
    %sign3A_36 = arith.constant 0 : i32
    %sign3A_37 = arith.cmpi slt, %jit3A, %sign3A_36 : i32
    %sign3A_38 = arith.extui %sign3A_37 : i1 to i32
    %sign3A_39 = arith.subi %sign3A_35, %sign3A_38 : i32
    %ne3A = vector.broadcast %sign3A_39 : i32 to vector<1024x8xi32>
    %ne3A_40 = arith.cmpi ne, %sign3A_32, %ne3A : vector<1024x8xi32>
    %rem3A = vector.broadcast %jit3A : i32 to vector<1024x8xi32>
    %rem3A_41 = arith.remsi %iota3A, %rem3A : vector<1024x8xi32>
    %ne3A_42 = arith.constant 0 : i32
    %ne3A_43 = vector.broadcast %ne3A_42 : i32 to vector<1024x8xi32>
    %ne3A_44 = arith.cmpi ne, %rem3A_41, %ne3A_43 : vector<1024x8xi32>
    %and3A = arith.andi %ne3A_40, %ne3A_44 : vector<1024x8xi1>
    %sub3A_45 = arith.constant 1 : i32
    %sub3A_46 = vector.broadcast %sub3A_45 : i32 to vector<1024x8xi32>
    %sub3A_47 = arith.subi %div3A_24, %sub3A_46 : vector<1024x8xi32>
    %select_n3A = arith.select %and3A, %sub3A_47, %div3A_24 : vector<1024x8xi1>, vector<1024x8xi32>
    %eq3A = arith.cmpi eq, %select_n3A, %iota3A_23 : vector<1024x8xi32>
    %convert_element_type3A_48 = arith.extui %eq3A : vector<1024x8xi1> to vector<1024x8xi32>
    %convert_element_type3A_49 = arith.sitofp %convert_element_type3A_48 : vector<1024x8xi32> to vector<1024x8xf32>
    %dot_general3A_50 = arith.constant dense<0.000000e+00> : vector<256x8xf32>
    %dot_general3A_51 = tpu.matmul %convert_element_type3A_22, %convert_element_type3A_49, %dot_general3A_50 {dimension_numbers = #tpu.dot_dimension_numbers<[1], [0], [0], [1], [0, 0, 1, 1], [], []>, transpose_lhs_hint = false} : vector<256x1024xf32>, vector<1024x8xf32>, vector<256x8xf32> -> vector<256x8xf32>
    %iota3A_52 = tpu.iota {dimensions = array<i32: 0>} : vector<8x8xi32>
    %iota3A_53 = tpu.iota {dimensions = array<i32: 1>} : vector<8x8xi32>
    %le3A_54 = arith.cmpi sle, %iota3A_52, %iota3A_53 : vector<8x8xi32>
    %convert_element_type3A_55 = arith.extui %le3A_54 : vector<8x8xi1> to vector<8x8xi32>
    %convert_element_type3A_56 = arith.sitofp %convert_element_type3A_55 : vector<8x8xi32> to vector<8x8xf32>
    %dot_general3A_57 = arith.constant dense<0.000000e+00> : vector<256x8xf32>
    %dot_general3A_58 = tpu.matmul %dot_general3A_51, %convert_element_type3A_56, %dot_general3A_57 {dimension_numbers = #tpu.dot_dimension_numbers<[1], [0], [0], [1], [0, 0, 1, 1], [], []>, transpose_lhs_hint = false} : vector<256x8xf32>, vector<8x8xf32>, vector<256x8xf32> -> vector<256x8xf32>
    %sub3A_59 = arith.subf %dot_general3A_58, %dot_general3A_51 : vector<256x8xf32>
    %slice3A = vector.extract_strided_slice %dot_general3A_58 {offsets = [0, 7], sizes = [256, 1], strides = [1, 1]} : vector<256x8xf32> to vector<256x1xf32>
    %iota3A_60 = tpu.iota {dimensions = array<i32: 0>} : vector<128x128xi32>
    %iota3A_61 = tpu.iota {dimensions = array<i32: 1>} : vector<128x128xi32>
    %le3A_62 = arith.cmpi sle, %iota3A_60, %iota3A_61 : vector<128x128xi32>
    %convert_element_type3A_63 = arith.extui %le3A_62 : vector<128x128xi1> to vector<128x128xi32>
    %convert_element_type3A_64 = arith.sitofp %convert_element_type3A_63 : vector<128x128xi32> to vector<128x128xf32>
    %slice3A_65 = vector.extract_strided_slice %convert_element_type3A_22 {offsets = [0, 0], sizes = [256, 128], strides = [1, 1]} : vector<256x1024xf32> to vector<256x128xf32>
    %dot_general3A_66 = arith.constant dense<0.000000e+00> : vector<256x128xf32>
    %dot_general3A_67 = tpu.matmul %slice3A_65, %convert_element_type3A_64, %dot_general3A_66 {dimension_numbers = #tpu.dot_dimension_numbers<[1], [0], [0], [1], [0, 0, 1, 1], [], []>, transpose_lhs_hint = false} : vector<256x128xf32>, vector<128x128xf32>, vector<256x128xf32> -> vector<256x128xf32>
    %swap3A = arith.constant 0 : index
    %swap3A_68 = arith.constant 0 : index
    %swap3A_69 = arith.constant 0 : index
    %swap3A_70 = vector.load %arg5[%swap3A, %swap3A_68, %swap3A_69] : memref<256x8x128xf32, #tpu.memory_space<vmem>>, vector<256x1x128xf32>
    %swap3A_71 = vector.shape_cast %swap3A_70 : vector<256x1x128xf32> to vector<256x128xf32>
    %swap3A_72 = vector.shape_cast %dot_general3A_67 : vector<256x128xf32> to vector<256x1x128xf32>
    tpu.vector_store %arg5[%swap3A, %swap3A_68, %swap3A_69], %swap3A_72 {strides = array<i32>} : memref<256x8x128xf32, #tpu.memory_space<vmem>>, vector<256x1x128xf32>,
    %slice3A_73 = vector.extract_strided_slice %convert_element_type3A_22 {offsets = [0, 128], sizes = [256, 128], strides = [1, 1]} : vector<256x1024xf32> to vector<256x128xf32>
    %dot_general3A_74 = arith.constant dense<0.000000e+00> : vector<256x128xf32>
    %dot_general3A_75 = tpu.matmul %slice3A_73, %convert_element_type3A_64, %dot_general3A_74 {dimension_numbers = #tpu.dot_dimension_numbers<[1], [0], [0], [1], [0, 0, 1, 1], [], []>, transpose_lhs_hint = false} : vector<256x128xf32>, vector<128x128xf32>, vector<256x128xf32> -> vector<256x128xf32>
    %swap3A_76 = arith.constant 0 : index
    %swap3A_77 = arith.constant 1 : index
    %swap3A_78 = arith.constant 0 : index
    %swap3A_79 = vector.load %arg5[%swap3A_76, %swap3A_77, %swap3A_78] : memref<256x8x128xf32, #tpu.memory_space<vmem>>, vector<256x1x128xf32>
    %swap3A_80 = vector.shape_cast %swap3A_79 : vector<256x1x128xf32> to vector<256x128xf32>
    %swap3A_81 = vector.shape_cast %dot_general3A_75 : vector<256x128xf32> to vector<256x1x128xf32>
    tpu.vector_store %arg5[%swap3A_76, %swap3A_77, %swap3A_78], %swap3A_81 {strides = array<i32>} : memref<256x8x128xf32, #tpu.memory_space<vmem>>, vector<256x1x128xf32>,
    %slice3A_82 = vector.extract_strided_slice %convert_element_type3A_22 {offsets = [0, 256], sizes = [256, 128], strides = [1, 1]} : vector<256x1024xf32> to vector<256x128xf32>
    %dot_general3A_83 = arith.constant dense<0.000000e+00> : vector<256x128xf32>
    %dot_general3A_84 = tpu.matmul %slice3A_82, %convert_element_type3A_64, %dot_general3A_83 {dimension_numbers = #tpu.dot_dimension_numbers<[1], [0], [0], [1], [0, 0, 1, 1], [], []>, transpose_lhs_hint = false} : vector<256x128xf32>, vector<128x128xf32>, vector<256x128xf32> -> vector<256x128xf32>
    %swap3A_85 = arith.constant 0 : index
    %swap3A_86 = arith.constant 2 : index
    %swap3A_87 = arith.constant 0 : index
    %swap3A_88 = vector.load %arg5[%swap3A_85, %swap3A_86, %swap3A_87] : memref<256x8x128xf32, #tpu.memory_space<vmem>>, vector<256x1x128xf32>
    %swap3A_89 = vector.shape_cast %swap3A_88 : vector<256x1x128xf32> to vector<256x128xf32>
    %swap3A_90 = vector.shape_cast %dot_general3A_84 : vector<256x128xf32> to vector<256x1x128xf32>
    tpu.vector_store %arg5[%swap3A_85, %swap3A_86, %swap3A_87], %swap3A_90 {strides = array<i32>} : memref<256x8x128xf32, #tpu.memory_space<vmem>>, vector<256x1x128xf32>,
    %slice3A_91 = vector.extract_strided_slice %convert_element_type3A_22 {offsets = [0, 384], sizes = [256, 128], strides = [1, 1]} : vector<256x1024xf32> to vector<256x128xf32>
    %dot_general3A_92 = arith.constant dense<0.000000e+00> : vector<256x128xf32>
    %dot_general3A_93 = tpu.matmul %slice3A_91, %convert_element_type3A_64, %dot_general3A_92 {dimension_numbers = #tpu.dot_dimension_numbers<[1], [0], [0], [1], [0, 0, 1, 1], [], []>, transpose_lhs_hint = false} : vector<256x128xf32>, vector<128x128xf32>, vector<256x128xf32> -> vector<256x128xf32>
    %swap3A_94 = arith.constant 0 : index
    %swap3A_95 = arith.constant 3 : index
    %swap3A_96 = arith.constant 0 : index
    %swap3A_97 = vector.load %arg5[%swap3A_94, %swap3A_95, %swap3A_96] : memref<256x8x128xf32, #tpu.memory_space<vmem>>, vector<256x1x128xf32>
    %swap3A_98 = vector.shape_cast %swap3A_97 : vector<256x1x128xf32> to vector<256x128xf32>
    %swap3A_99 = vector.shape_cast %dot_general3A_93 : vector<256x128xf32> to vector<256x1x128xf32>
    tpu.vector_store %arg5[%swap3A_94, %swap3A_95, %swap3A_96], %swap3A_99 {strides = array<i32>} : memref<256x8x128xf32, #tpu.memory_space<vmem>>, vector<256x1x128xf32>,
    %slice3A_100 = vector.extract_strided_slice %convert_element_type3A_22 {offsets = [0, 512], sizes = [256, 128], strides = [1, 1]} : vector<256x1024xf32> to vector<256x128xf32>
    %dot_general3A_101 = arith.constant dense<0.000000e+00> : vector<256x128xf32>
    %dot_general3A_102 = tpu.matmul %slice3A_100, %convert_element_type3A_64, %dot_general3A_101 {dimension_numbers = #tpu.dot_dimension_numbers<[1], [0], [0], [1], [0, 0, 1, 1], [], []>, transpose_lhs_hint = false} : vector<256x128xf32>, vector<128x128xf32>, vector<256x128xf32> -> vector<256x128xf32>
    %swap3A_103 = arith.constant 0 : index
    %swap3A_104 = arith.constant 4 : index
    %swap3A_105 = arith.constant 0 : index
    %swap3A_106 = vector.load %arg5[%swap3A_103, %swap3A_104, %swap3A_105] : memref<256x8x128xf32, #tpu.memory_space<vmem>>, vector<256x1x128xf32>
    %swap3A_107 = vector.shape_cast %swap3A_106 : vector<256x1x128xf32> to vector<256x128xf32>
    %swap3A_108 = vector.shape_cast %dot_general3A_102 : vector<256x128xf32> to vector<256x1x128xf32>
    tpu.vector_store %arg5[%swap3A_103, %swap3A_104, %swap3A_105], %swap3A_108 {strides = array<i32>} : memref<256x8x128xf32, #tpu.memory_space<vmem>>, vector<256x1x128xf32>,
    %slice3A_109 = vector.extract_strided_slice %convert_element_type3A_22 {offsets = [0, 640], sizes = [256, 128], strides = [1, 1]} : vector<256x1024xf32> to vector<256x128xf32>
    %dot_general3A_110 = arith.constant dense<0.000000e+00> : vector<256x128xf32>
    %dot_general3A_111 = tpu.matmul %slice3A_109, %convert_element_type3A_64, %dot_general3A_110 {dimension_numbers = #tpu.dot_dimension_numbers<[1], [0], [0], [1], [0, 0, 1, 1], [], []>, transpose_lhs_hint = false} : vector<256x128xf32>, vector<128x128xf32>, vector<256x128xf32> -> vector<256x128xf32>
    %swap3A_112 = arith.constant 0 : index
    %swap3A_113 = arith.constant 5 : index
    %swap3A_114 = arith.constant 0 : index
    %swap3A_115 = vector.load %arg5[%swap3A_112, %swap3A_113, %swap3A_114] : memref<256x8x128xf32, #tpu.memory_space<vmem>>, vector<256x1x128xf32>
    %swap3A_116 = vector.shape_cast %swap3A_115 : vector<256x1x128xf32> to vector<256x128xf32>
    %swap3A_117 = vector.shape_cast %dot_general3A_111 : vector<256x128xf32> to vector<256x1x128xf32>
    tpu.vector_store %arg5[%swap3A_112, %swap3A_113, %swap3A_114], %swap3A_117 {strides = array<i32>} : memref<256x8x128xf32, #tpu.memory_space<vmem>>, vector<256x1x128xf32>,
    %slice3A_118 = vector.extract_strided_slice %convert_element_type3A_22 {offsets = [0, 768], sizes = [256, 128], strides = [1, 1]} : vector<256x1024xf32> to vector<256x128xf32>
    %dot_general3A_119 = arith.constant dense<0.000000e+00> : vector<256x128xf32>
    %dot_general3A_120 = tpu.matmul %slice3A_118, %convert_element_type3A_64, %dot_general3A_119 {dimension_numbers = #tpu.dot_dimension_numbers<[1], [0], [0], [1], [0, 0, 1, 1], [], []>, transpose_lhs_hint = false} : vector<256x128xf32>, vector<128x128xf32>, vector<256x128xf32> -> vector<256x128xf32>
    %swap3A_121 = arith.constant 0 : index
    %swap3A_122 = arith.constant 6 : index
    %swap3A_123 = arith.constant 0 : index
    %swap3A_124 = vector.load %arg5[%swap3A_121, %swap3A_122, %swap3A_123] : memref<256x8x128xf32, #tpu.memory_space<vmem>>, vector<256x1x128xf32>
    %swap3A_125 = vector.shape_cast %swap3A_124 : vector<256x1x128xf32> to vector<256x128xf32>
    %swap3A_126 = vector.shape_cast %dot_general3A_120 : vector<256x128xf32> to vector<256x1x128xf32>
    tpu.vector_store %arg5[%swap3A_121, %swap3A_122, %swap3A_123], %swap3A_126 {strides = array<i32>} : memref<256x8x128xf32, #tpu.memory_space<vmem>>, vector<256x1x128xf32>,
    %slice3A_127 = vector.extract_strided_slice %convert_element_type3A_22 {offsets = [0, 896], sizes = [256, 128], strides = [1, 1]} : vector<256x1024xf32> to vector<256x128xf32>
    %dot_general3A_128 = arith.constant dense<0.000000e+00> : vector<256x128xf32>
    %dot_general3A_129 = tpu.matmul %slice3A_127, %convert_element_type3A_64, %dot_general3A_128 {dimension_numbers = #tpu.dot_dimension_numbers<[1], [0], [0], [1], [0, 0, 1, 1], [], []>, transpose_lhs_hint = false} : vector<256x128xf32>, vector<128x128xf32>, vector<256x128xf32> -> vector<256x128xf32>
    %swap3A_130 = arith.constant 0 : index
    %swap3A_131 = arith.constant 7 : index
    %swap3A_132 = arith.constant 0 : index
    %swap3A_133 = vector.load %arg5[%swap3A_130, %swap3A_131, %swap3A_132] : memref<256x8x128xf32, #tpu.memory_space<vmem>>, vector<256x1x128xf32>
    %swap3A_134 = vector.shape_cast %swap3A_133 : vector<256x1x128xf32> to vector<256x128xf32>
    %swap3A_135 = vector.shape_cast %dot_general3A_129 : vector<256x128xf32> to vector<256x1x128xf32>
    tpu.vector_store %arg5[%swap3A_130, %swap3A_131, %swap3A_132], %swap3A_135 {strides = array<i32>} : memref<256x8x128xf32, #tpu.memory_space<vmem>>, vector<256x1x128xf32>,
    %iota3A_136 = tpu.iota {dimensions = array<i32: 1>} : vector<256x64xi32>
    %convert_element_type3A_137 = arith.sitofp %iota3A_136 : vector<256x64xi32> to vector<256x64xf32>
    %le3A_138 = arith.constant 0.000000e+00 : f32
    %le3A_139 = vector.broadcast %le3A_138 : f32 to vector<256x8xf32>
    %le3A_140 = arith.cmpf ole, %dot_general3A_58, %le3A_139 : vector<256x8xf32>
    %convert_element_type3A_141 = arith.extui %le3A_140 : vector<256x8xi1> to vector<256x8xi32>
    %convert_element_type3A_142 = arith.sitofp %convert_element_type3A_141 : vector<256x8xi32> to vector<256x8xf32>
    %reduce_sum3A_143 = arith.constant dense<0.000000e+00> : vector<256xf32>
    %reduce_sum3A_144 = vector.multi_reduction <add>, %convert_element_type3A_142, %reduce_sum3A_143 [1] : vector<256x8xf32> to vector<256xf32>
    %broadcast_in_dim3A_145 = vector.shape_cast %reduce_sum3A_144 : vector<256xf32> to vector<256x1xf32>
    %le3A_146 = arith.constant 1.000000e+00 : f32
    %le3A_147 = vector.broadcast %le3A_146 : f32 to vector<256x8xf32>
    %le3A_148 = arith.cmpf ole, %dot_general3A_58, %le3A_147 : vector<256x8xf32>
    %convert_element_type3A_149 = arith.extui %le3A_148 : vector<256x8xi1> to vector<256x8xi32>
    %convert_element_type3A_150 = arith.sitofp %convert_element_type3A_149 : vector<256x8xi32> to vector<256x8xf32>
    %reduce_sum3A_151 = arith.constant dense<0.000000e+00> : vector<256xf32>
    %reduce_sum3A_152 = vector.multi_reduction <add>, %convert_element_type3A_150, %reduce_sum3A_151 [1] : vector<256x8xf32> to vector<256xf32>
    %broadcast_in_dim3A_153 = vector.shape_cast %reduce_sum3A_152 : vector<256xf32> to vector<256x1xf32>
    %le3A_154 = arith.constant 2.000000e+00 : f32
    %le3A_155 = vector.broadcast %le3A_154 : f32 to vector<256x8xf32>
    %le3A_156 = arith.cmpf ole, %dot_general3A_58, %le3A_155 : vector<256x8xf32>
    %convert_element_type3A_157 = arith.extui %le3A_156 : vector<256x8xi1> to vector<256x8xi32>
    %convert_element_type3A_158 = arith.sitofp %convert_element_type3A_157 : vector<256x8xi32> to vector<256x8xf32>
    %reduce_sum3A_159 = arith.constant dense<0.000000e+00> : vector<256xf32>
    %reduce_sum3A_160 = vector.multi_reduction <add>, %convert_element_type3A_158, %reduce_sum3A_159 [1] : vector<256x8xf32> to vector<256xf32>
    %broadcast_in_dim3A_161 = vector.shape_cast %reduce_sum3A_160 : vector<256xf32> to vector<256x1xf32>
    %le3A_162 = arith.constant 3.000000e+00 : f32
    %le3A_163 = vector.broadcast %le3A_162 : f32 to vector<256x8xf32>
    %le3A_164 = arith.cmpf ole, %dot_general3A_58, %le3A_163 : vector<256x8xf32>
    %convert_element_type3A_165 = arith.extui %le3A_164 : vector<256x8xi1> to vector<256x8xi32>
    %convert_element_type3A_166 = arith.sitofp %convert_element_type3A_165 : vector<256x8xi32> to vector<256x8xf32>
    %reduce_sum3A_167 = arith.constant dense<0.000000e+00> : vector<256xf32>
    %reduce_sum3A_168 = vector.multi_reduction <add>, %convert_element_type3A_166, %reduce_sum3A_167 [1] : vector<256x8xf32> to vector<256xf32>
    %broadcast_in_dim3A_169 = vector.shape_cast %reduce_sum3A_168 : vector<256xf32> to vector<256x1xf32>
    %le3A_170 = arith.constant 4.000000e+00 : f32
    %le3A_171 = vector.broadcast %le3A_170 : f32 to vector<256x8xf32>
    %le3A_172 = arith.cmpf ole, %dot_general3A_58, %le3A_171 : vector<256x8xf32>
    %convert_element_type3A_173 = arith.extui %le3A_172 : vector<256x8xi1> to vector<256x8xi32>
    %convert_element_type3A_174 = arith.sitofp %convert_element_type3A_173 : vector<256x8xi32> to vector<256x8xf32>
    %reduce_sum3A_175 = arith.constant dense<0.000000e+00> : vector<256xf32>
    %reduce_sum3A_176 = vector.multi_reduction <add>, %convert_element_type3A_174, %reduce_sum3A_175 [1] : vector<256x8xf32> to vector<256xf32>
    %broadcast_in_dim3A_177 = vector.shape_cast %reduce_sum3A_176 : vector<256xf32> to vector<256x1xf32>
    %le3A_178 = arith.constant 5.000000e+00 : f32
    %le3A_179 = vector.broadcast %le3A_178 : f32 to vector<256x8xf32>
    %le3A_180 = arith.cmpf ole, %dot_general3A_58, %le3A_179 : vector<256x8xf32>
    %convert_element_type3A_181 = arith.extui %le3A_180 : vector<256x8xi1> to vector<256x8xi32>
    %convert_element_type3A_182 = arith.sitofp %convert_element_type3A_181 : vector<256x8xi32> to vector<256x8xf32>
    %reduce_sum3A_183 = arith.constant dense<0.000000e+00> : vector<256xf32>
    %reduce_sum3A_184 = vector.multi_reduction <add>, %convert_element_type3A_182, %reduce_sum3A_183 [1] : vector<256x8xf32> to vector<256xf32>
    %broadcast_in_dim3A_185 = vector.shape_cast %reduce_sum3A_184 : vector<256xf32> to vector<256x1xf32>
    %le3A_186 = arith.constant 6.000000e+00 : f32
    %le3A_187 = vector.broadcast %le3A_186 : f32 to vector<256x8xf32>
    %le3A_188 = arith.cmpf ole, %dot_general3A_58, %le3A_187 : vector<256x8xf32>
    %convert_element_type3A_189 = arith.extui %le3A_188 : vector<256x8xi1> to vector<256x8xi32>
    %convert_element_type3A_190 = arith.sitofp %convert_element_type3A_189 : vector<256x8xi32> to vector<256x8xf32>
    %reduce_sum3A_191 = arith.constant dense<0.000000e+00> : vector<256xf32>
    %reduce_sum3A_192 = vector.multi_reduction <add>, %convert_element_type3A_190, %reduce_sum3A_191 [1] : vector<256x8xf32> to vector<256xf32>
    %broadcast_in_dim3A_193 = vector.shape_cast %reduce_sum3A_192 : vector<256xf32> to vector<256x1xf32>
    %le3A_194 = arith.constant 7.000000e+00 : f32
    %le3A_195 = vector.broadcast %le3A_194 : f32 to vector<256x8xf32>
    %le3A_196 = arith.cmpf ole, %dot_general3A_58, %le3A_195 : vector<256x8xf32>
    %convert_element_type3A_197 = arith.extui %le3A_196 : vector<256x8xi1> to vector<256x8xi32>
    %convert_element_type3A_198 = arith.sitofp %convert_element_type3A_197 : vector<256x8xi32> to vector<256x8xf32>
    %reduce_sum3A_199 = arith.constant dense<0.000000e+00> : vector<256xf32>
    %reduce_sum3A_200 = vector.multi_reduction <add>, %convert_element_type3A_198, %reduce_sum3A_199 [1] : vector<256x8xf32> to vector<256xf32>
    %broadcast_in_dim3A_201 = vector.shape_cast %reduce_sum3A_200 : vector<256xf32> to vector<256x1xf32>
    %le3A_202 = arith.constant 8.000000e+00 : f32
    %le3A_203 = vector.broadcast %le3A_202 : f32 to vector<256x8xf32>
    %le3A_204 = arith.cmpf ole, %dot_general3A_58, %le3A_203 : vector<256x8xf32>
    %convert_element_type3A_205 = arith.extui %le3A_204 : vector<256x8xi1> to vector<256x8xi32>
    %convert_element_type3A_206 = arith.sitofp %convert_element_type3A_205 : vector<256x8xi32> to vector<256x8xf32>
    %reduce_sum3A_207 = arith.constant dense<0.000000e+00> : vector<256xf32>
    %reduce_sum3A_208 = vector.multi_reduction <add>, %convert_element_type3A_206, %reduce_sum3A_207 [1] : vector<256x8xf32> to vector<256xf32>
    %broadcast_in_dim3A_209 = vector.shape_cast %reduce_sum3A_208 : vector<256xf32> to vector<256x1xf32>
    %le3A_210 = arith.constant 9.000000e+00 : f32
    %le3A_211 = vector.broadcast %le3A_210 : f32 to vector<256x8xf32>
    %le3A_212 = arith.cmpf ole, %dot_general3A_58, %le3A_211 : vector<256x8xf32>
    %convert_element_type3A_213 = arith.extui %le3A_212 : vector<256x8xi1> to vector<256x8xi32>
    %convert_element_type3A_214 = arith.sitofp %convert_element_type3A_213 : vector<256x8xi32> to vector<256x8xf32>
    %reduce_sum3A_215 = arith.constant dense<0.000000e+00> : vector<256xf32>
    %reduce_sum3A_216 = vector.multi_reduction <add>, %convert_element_type3A_214, %reduce_sum3A_215 [1] : vector<256x8xf32> to vector<256xf32>
    %broadcast_in_dim3A_217 = vector.shape_cast %reduce_sum3A_216 : vector<256xf32> to vector<256x1xf32>
    %le3A_218 = arith.constant 1.000000e+01 : f32
    %le3A_219 = vector.broadcast %le3A_218 : f32 to vector<256x8xf32>
    %le3A_220 = arith.cmpf ole, %dot_general3A_58, %le3A_219 : vector<256x8xf32>
    %convert_element_type3A_221 = arith.extui %le3A_220 : vector<256x8xi1> to vector<256x8xi32>
    %convert_element_type3A_222 = arith.sitofp %convert_element_type3A_221 : vector<256x8xi32> to vector<256x8xf32>
    %reduce_sum3A_223 = arith.constant dense<0.000000e+00> : vector<256xf32>
    %reduce_sum3A_224 = vector.multi_reduction <add>, %convert_element_type3A_222, %reduce_sum3A_223 [1] : vector<256x8xf32> to vector<256xf32>
    %broadcast_in_dim3A_225 = vector.shape_cast %reduce_sum3A_224 : vector<256xf32> to vector<256x1xf32>
    %le3A_226 = arith.constant 1.100000e+01 : f32
    %le3A_227 = vector.broadcast %le3A_226 : f32 to vector<256x8xf32>
    %le3A_228 = arith.cmpf ole, %dot_general3A_58, %le3A_227 : vector<256x8xf32>
    %convert_element_type3A_229 = arith.extui %le3A_228 : vector<256x8xi1> to vector<256x8xi32>
    %convert_element_type3A_230 = arith.sitofp %convert_element_type3A_229 : vector<256x8xi32> to vector<256x8xf32>
    %reduce_sum3A_231 = arith.constant dense<0.000000e+00> : vector<256xf32>
    %reduce_sum3A_232 = vector.multi_reduction <add>, %convert_element_type3A_230, %reduce_sum3A_231 [1] : vector<256x8xf32> to vector<256xf32>
    %broadcast_in_dim3A_233 = vector.shape_cast %reduce_sum3A_232 : vector<256xf32> to vector<256x1xf32>
    %le3A_234 = arith.constant 1.200000e+01 : f32
    %le3A_235 = vector.broadcast %le3A_234 : f32 to vector<256x8xf32>
    %le3A_236 = arith.cmpf ole, %dot_general3A_58, %le3A_235 : vector<256x8xf32>
    %convert_element_type3A_237 = arith.extui %le3A_236 : vector<256x8xi1> to vector<256x8xi32>
    %convert_element_type3A_238 = arith.sitofp %convert_element_type3A_237 : vector<256x8xi32> to vector<256x8xf32>
    %reduce_sum3A_239 = arith.constant dense<0.000000e+00> : vector<256xf32>
    %reduce_sum3A_240 = vector.multi_reduction <add>, %convert_element_type3A_238, %reduce_sum3A_239 [1] : vector<256x8xf32> to vector<256xf32>
    %broadcast_in_dim3A_241 = vector.shape_cast %reduce_sum3A_240 : vector<256xf32> to vector<256x1xf32>
    %le3A_242 = arith.constant 1.300000e+01 : f32
    %le3A_243 = vector.broadcast %le3A_242 : f32 to vector<256x8xf32>
    %le3A_244 = arith.cmpf ole, %dot_general3A_58, %le3A_243 : vector<256x8xf32>
    %convert_element_type3A_245 = arith.extui %le3A_244 : vector<256x8xi1> to vector<256x8xi32>
    %convert_element_type3A_246 = arith.sitofp %convert_element_type3A_245 : vector<256x8xi32> to vector<256x8xf32>
    %reduce_sum3A_247 = arith.constant dense<0.000000e+00> : vector<256xf32>
    %reduce_sum3A_248 = vector.multi_reduction <add>, %convert_element_type3A_246, %reduce_sum3A_247 [1] : vector<256x8xf32> to vector<256xf32>
    %broadcast_in_dim3A_249 = vector.shape_cast %reduce_sum3A_248 : vector<256xf32> to vector<256x1xf32>
    %le3A_250 = arith.constant 1.400000e+01 : f32
    %le3A_251 = vector.broadcast %le3A_250 : f32 to vector<256x8xf32>
    %le3A_252 = arith.cmpf ole, %dot_general3A_58, %le3A_251 : vector<256x8xf32>
    %convert_element_type3A_253 = arith.extui %le3A_252 : vector<256x8xi1> to vector<256x8xi32>
    %convert_element_type3A_254 = arith.sitofp %convert_element_type3A_253 : vector<256x8xi32> to vector<256x8xf32>
    %reduce_sum3A_255 = arith.constant dense<0.000000e+00> : vector<256xf32>
    %reduce_sum3A_256 = vector.multi_reduction <add>, %convert_element_type3A_254, %reduce_sum3A_255 [1] : vector<256x8xf32> to vector<256xf32>
    %broadcast_in_dim3A_257 = vector.shape_cast %reduce_sum3A_256 : vector<256xf32> to vector<256x1xf32>
    %le3A_258 = arith.constant 1.500000e+01 : f32
    %le3A_259 = vector.broadcast %le3A_258 : f32 to vector<256x8xf32>
    %le3A_260 = arith.cmpf ole, %dot_general3A_58, %le3A_259 : vector<256x8xf32>
    %convert_element_type3A_261 = arith.extui %le3A_260 : vector<256x8xi1> to vector<256x8xi32>
    %convert_element_type3A_262 = arith.sitofp %convert_element_type3A_261 : vector<256x8xi32> to vector<256x8xf32>
    %reduce_sum3A_263 = arith.constant dense<0.000000e+00> : vector<256xf32>
    %reduce_sum3A_264 = vector.multi_reduction <add>, %convert_element_type3A_262, %reduce_sum3A_263 [1] : vector<256x8xf32> to vector<256xf32>
    %broadcast_in_dim3A_265 = vector.shape_cast %reduce_sum3A_264 : vector<256xf32> to vector<256x1xf32>
    %le3A_266 = arith.constant 1.600000e+01 : f32
    %le3A_267 = vector.broadcast %le3A_266 : f32 to vector<256x8xf32>
    %le3A_268 = arith.cmpf ole, %dot_general3A_58, %le3A_267 : vector<256x8xf32>
    %convert_element_type3A_269 = arith.extui %le3A_268 : vector<256x8xi1> to vector<256x8xi32>
    %convert_element_type3A_270 = arith.sitofp %convert_element_type3A_269 : vector<256x8xi32> to vector<256x8xf32>
    %reduce_sum3A_271 = arith.constant dense<0.000000e+00> : vector<256xf32>
    %reduce_sum3A_272 = vector.multi_reduction <add>, %convert_element_type3A_270, %reduce_sum3A_271 [1] : vector<256x8xf32> to vector<256xf32>
    %broadcast_in_dim3A_273 = vector.shape_cast %reduce_sum3A_272 : vector<256xf32> to vector<256x1xf32>
    %le3A_274 = arith.constant 1.700000e+01 : f32
    %le3A_275 = vector.broadcast %le3A_274 : f32 to vector<256x8xf32>
    %le3A_276 = arith.cmpf ole, %dot_general3A_58, %le3A_275 : vector<256x8xf32>
    %convert_element_type3A_277 = arith.extui %le3A_276 : vector<256x8xi1> to vector<256x8xi32>
    %convert_element_type3A_278 = arith.sitofp %convert_element_type3A_277 : vector<256x8xi32> to vector<256x8xf32>
    %reduce_sum3A_279 = arith.constant dense<0.000000e+00> : vector<256xf32>
    %reduce_sum3A_280 = vector.multi_reduction <add>, %convert_element_type3A_278, %reduce_sum3A_279 [1] : vector<256x8xf32> to vector<256xf32>
    %broadcast_in_dim3A_281 = vector.shape_cast %reduce_sum3A_280 : vector<256xf32> to vector<256x1xf32>
    %le3A_282 = arith.constant 1.800000e+01 : f32
    %le3A_283 = vector.broadcast %le3A_282 : f32 to vector<256x8xf32>
    %le3A_284 = arith.cmpf ole, %dot_general3A_58, %le3A_283 : vector<256x8xf32>
    %convert_element_type3A_285 = arith.extui %le3A_284 : vector<256x8xi1> to vector<256x8xi32>
    %convert_element_type3A_286 = arith.sitofp %convert_element_type3A_285 : vector<256x8xi32> to vector<256x8xf32>
    %reduce_sum3A_287 = arith.constant dense<0.000000e+00> : vector<256xf32>
    %reduce_sum3A_288 = vector.multi_reduction <add>, %convert_element_type3A_286, %reduce_sum3A_287 [1] : vector<256x8xf32> to vector<256xf32>
    %broadcast_in_dim3A_289 = vector.shape_cast %reduce_sum3A_288 : vector<256xf32> to vector<256x1xf32>
    %le3A_290 = arith.constant 1.900000e+01 : f32
    %le3A_291 = vector.broadcast %le3A_290 : f32 to vector<256x8xf32>
    %le3A_292 = arith.cmpf ole, %dot_general3A_58, %le3A_291 : vector<256x8xf32>
    %convert_element_type3A_293 = arith.extui %le3A_292 : vector<256x8xi1> to vector<256x8xi32>
    %convert_element_type3A_294 = arith.sitofp %convert_element_type3A_293 : vector<256x8xi32> to vector<256x8xf32>
    %reduce_sum3A_295 = arith.constant dense<0.000000e+00> : vector<256xf32>
    %reduce_sum3A_296 = vector.multi_reduction <add>, %convert_element_type3A_294, %reduce_sum3A_295 [1] : vector<256x8xf32> to vector<256xf32>
    %broadcast_in_dim3A_297 = vector.shape_cast %reduce_sum3A_296 : vector<256xf32> to vector<256x1xf32>
    %le3A_298 = arith.constant 2.000000e+01 : f32
    %le3A_299 = vector.broadcast %le3A_298 : f32 to vector<256x8xf32>
    %le3A_300 = arith.cmpf ole, %dot_general3A_58, %le3A_299 : vector<256x8xf32>
    %convert_element_type3A_301 = arith.extui %le3A_300 : vector<256x8xi1> to vector<256x8xi32>
    %convert_element_type3A_302 = arith.sitofp %convert_element_type3A_301 : vector<256x8xi32> to vector<256x8xf32>
    %reduce_sum3A_303 = arith.constant dense<0.000000e+00> : vector<256xf32>
    %reduce_sum3A_304 = vector.multi_reduction <add>, %convert_element_type3A_302, %reduce_sum3A_303 [1] : vector<256x8xf32> to vector<256xf32>
    %broadcast_in_dim3A_305 = vector.shape_cast %reduce_sum3A_304 : vector<256xf32> to vector<256x1xf32>
    %le3A_306 = arith.constant 2.100000e+01 : f32
    %le3A_307 = vector.broadcast %le3A_306 : f32 to vector<256x8xf32>
    %le3A_308 = arith.cmpf ole, %dot_general3A_58, %le3A_307 : vector<256x8xf32>
    %convert_element_type3A_309 = arith.extui %le3A_308 : vector<256x8xi1> to vector<256x8xi32>
    %convert_element_type3A_310 = arith.sitofp %convert_element_type3A_309 : vector<256x8xi32> to vector<256x8xf32>
    %reduce_sum3A_311 = arith.constant dense<0.000000e+00> : vector<256xf32>
    %reduce_sum3A_312 = vector.multi_reduction <add>, %convert_element_type3A_310, %reduce_sum3A_311 [1] : vector<256x8xf32> to vector<256xf32>
    %broadcast_in_dim3A_313 = vector.shape_cast %reduce_sum3A_312 : vector<256xf32> to vector<256x1xf32>
    %le3A_314 = arith.constant 2.200000e+01 : f32
    %le3A_315 = vector.broadcast %le3A_314 : f32 to vector<256x8xf32>
    %le3A_316 = arith.cmpf ole, %dot_general3A_58, %le3A_315 : vector<256x8xf32>
    %convert_element_type3A_317 = arith.extui %le3A_316 : vector<256x8xi1> to vector<256x8xi32>
    %convert_element_type3A_318 = arith.sitofp %convert_element_type3A_317 : vector<256x8xi32> to vector<256x8xf32>
    %reduce_sum3A_319 = arith.constant dense<0.000000e+00> : vector<256xf32>
    %reduce_sum3A_320 = vector.multi_reduction <add>, %convert_element_type3A_318, %reduce_sum3A_319 [1] : vector<256x8xf32> to vector<256xf32>
    %broadcast_in_dim3A_321 = vector.shape_cast %reduce_sum3A_320 : vector<256xf32> to vector<256x1xf32>
    %le3A_322 = arith.constant 2.300000e+01 : f32
    %le3A_323 = vector.broadcast %le3A_322 : f32 to vector<256x8xf32>
    %le3A_324 = arith.cmpf ole, %dot_general3A_58, %le3A_323 : vector<256x8xf32>
    %convert_element_type3A_325 = arith.extui %le3A_324 : vector<256x8xi1> to vector<256x8xi32>
    %convert_element_type3A_326 = arith.sitofp %convert_element_type3A_325 : vector<256x8xi32> to vector<256x8xf32>
    %reduce_sum3A_327 = arith.constant dense<0.000000e+00> : vector<256xf32>
    %reduce_sum3A_328 = vector.multi_reduction <add>, %convert_element_type3A_326, %reduce_sum3A_327 [1] : vector<256x8xf32> to vector<256xf32>
    %broadcast_in_dim3A_329 = vector.shape_cast %reduce_sum3A_328 : vector<256xf32> to vector<256x1xf32>
    %le3A_330 = arith.constant 2.400000e+01 : f32
    %le3A_331 = vector.broadcast %le3A_330 : f32 to vector<256x8xf32>
    %le3A_332 = arith.cmpf ole, %dot_general3A_58, %le3A_331 : vector<256x8xf32>
    %convert_element_type3A_333 = arith.extui %le3A_332 : vector<256x8xi1> to vector<256x8xi32>
    %convert_element_type3A_334 = arith.sitofp %convert_element_type3A_333 : vector<256x8xi32> to vector<256x8xf32>
    %reduce_sum3A_335 = arith.constant dense<0.000000e+00> : vector<256xf32>
    %reduce_sum3A_336 = vector.multi_reduction <add>, %convert_element_type3A_334, %reduce_sum3A_335 [1] : vector<256x8xf32> to vector<256xf32>
    %broadcast_in_dim3A_337 = vector.shape_cast %reduce_sum3A_336 : vector<256xf32> to vector<256x1xf32>
    %le3A_338 = arith.constant 2.500000e+01 : f32
    %le3A_339 = vector.broadcast %le3A_338 : f32 to vector<256x8xf32>
    %le3A_340 = arith.cmpf ole, %dot_general3A_58, %le3A_339 : vector<256x8xf32>
    %convert_element_type3A_341 = arith.extui %le3A_340 : vector<256x8xi1> to vector<256x8xi32>
    %convert_element_type3A_342 = arith.sitofp %convert_element_type3A_341 : vector<256x8xi32> to vector<256x8xf32>
    %reduce_sum3A_343 = arith.constant dense<0.000000e+00> : vector<256xf32>
    %reduce_sum3A_344 = vector.multi_reduction <add>, %convert_element_type3A_342, %reduce_sum3A_343 [1] : vector<256x8xf32> to vector<256xf32>
    %broadcast_in_dim3A_345 = vector.shape_cast %reduce_sum3A_344 : vector<256xf32> to vector<256x1xf32>
    %le3A_346 = arith.constant 2.600000e+01 : f32
    %le3A_347 = vector.broadcast %le3A_346 : f32 to vector<256x8xf32>
    %le3A_348 = arith.cmpf ole, %dot_general3A_58, %le3A_347 : vector<256x8xf32>
    %convert_element_type3A_349 = arith.extui %le3A_348 : vector<256x8xi1> to vector<256x8xi32>
    %convert_element_type3A_350 = arith.sitofp %convert_element_type3A_349 : vector<256x8xi32> to vector<256x8xf32>
    %reduce_sum3A_351 = arith.constant dense<0.000000e+00> : vector<256xf32>
    %reduce_sum3A_352 = vector.multi_reduction <add>, %convert_element_type3A_350, %reduce_sum3A_351 [1] : vector<256x8xf32> to vector<256xf32>
    %broadcast_in_dim3A_353 = vector.shape_cast %reduce_sum3A_352 : vector<256xf32> to vector<256x1xf32>
    %le3A_354 = arith.constant 2.700000e+01 : f32
    %le3A_355 = vector.broadcast %le3A_354 : f32 to vector<256x8xf32>
    %le3A_356 = arith.cmpf ole, %dot_general3A_58, %le3A_355 : vector<256x8xf32>
    %convert_element_type3A_357 = arith.extui %le3A_356 : vector<256x8xi1> to vector<256x8xi32>
    %convert_element_type3A_358 = arith.sitofp %convert_element_type3A_357 : vector<256x8xi32> to vector<256x8xf32>
    %reduce_sum3A_359 = arith.constant dense<0.000000e+00> : vector<256xf32>
    %reduce_sum3A_360 = vector.multi_reduction <add>, %convert_element_type3A_358, %reduce_sum3A_359 [1] : vector<256x8xf32> to vector<256xf32>
    %broadcast_in_dim3A_361 = vector.shape_cast %reduce_sum3A_360 : vector<256xf32> to vector<256x1xf32>
    %le3A_362 = arith.constant 2.800000e+01 : f32
    %le3A_363 = vector.broadcast %le3A_362 : f32 to vector<256x8xf32>
    %le3A_364 = arith.cmpf ole, %dot_general3A_58, %le3A_363 : vector<256x8xf32>
    %convert_element_type3A_365 = arith.extui %le3A_364 : vector<256x8xi1> to vector<256x8xi32>
    %convert_element_type3A_366 = arith.sitofp %convert_element_type3A_365 : vector<256x8xi32> to vector<256x8xf32>
    %reduce_sum3A_367 = arith.constant dense<0.000000e+00> : vector<256xf32>
    %reduce_sum3A_368 = vector.multi_reduction <add>, %convert_element_type3A_366, %reduce_sum3A_367 [1] : vector<256x8xf32> to vector<256xf32>
    %broadcast_in_dim3A_369 = vector.shape_cast %reduce_sum3A_368 : vector<256xf32> to vector<256x1xf32>
    %le3A_370 = arith.constant 2.900000e+01 : f32
    %le3A_371 = vector.broadcast %le3A_370 : f32 to vector<256x8xf32>
    %le3A_372 = arith.cmpf ole, %dot_general3A_58, %le3A_371 : vector<256x8xf32>
    %convert_element_type3A_373 = arith.extui %le3A_372 : vector<256x8xi1> to vector<256x8xi32>
    %convert_element_type3A_374 = arith.sitofp %convert_element_type3A_373 : vector<256x8xi32> to vector<256x8xf32>
    %reduce_sum3A_375 = arith.constant dense<0.000000e+00> : vector<256xf32>
    %reduce_sum3A_376 = vector.multi_reduction <add>, %convert_element_type3A_374, %reduce_sum3A_375 [1] : vector<256x8xf32> to vector<256xf32>
    %broadcast_in_dim3A_377 = vector.shape_cast %reduce_sum3A_376 : vector<256xf32> to vector<256x1xf32>
    %le3A_378 = arith.constant 3.000000e+01 : f32
    %le3A_379 = vector.broadcast %le3A_378 : f32 to vector<256x8xf32>
    %le3A_380 = arith.cmpf ole, %dot_general3A_58, %le3A_379 : vector<256x8xf32>
    %convert_element_type3A_381 = arith.extui %le3A_380 : vector<256x8xi1> to vector<256x8xi32>
    %convert_element_type3A_382 = arith.sitofp %convert_element_type3A_381 : vector<256x8xi32> to vector<256x8xf32>
    %reduce_sum3A_383 = arith.constant dense<0.000000e+00> : vector<256xf32>
    %reduce_sum3A_384 = vector.multi_reduction <add>, %convert_element_type3A_382, %reduce_sum3A_383 [1] : vector<256x8xf32> to vector<256xf32>
    %broadcast_in_dim3A_385 = vector.shape_cast %reduce_sum3A_384 : vector<256xf32> to vector<256x1xf32>
    %le3A_386 = arith.constant 3.100000e+01 : f32
    %le3A_387 = vector.broadcast %le3A_386 : f32 to vector<256x8xf32>
    %le3A_388 = arith.cmpf ole, %dot_general3A_58, %le3A_387 : vector<256x8xf32>
    %convert_element_type3A_389 = arith.extui %le3A_388 : vector<256x8xi1> to vector<256x8xi32>
    %convert_element_type3A_390 = arith.sitofp %convert_element_type3A_389 : vector<256x8xi32> to vector<256x8xf32>
    %reduce_sum3A_391 = arith.constant dense<0.000000e+00> : vector<256xf32>
    %reduce_sum3A_392 = vector.multi_reduction <add>, %convert_element_type3A_390, %reduce_sum3A_391 [1] : vector<256x8xf32> to vector<256xf32>
    %broadcast_in_dim3A_393 = vector.shape_cast %reduce_sum3A_392 : vector<256xf32> to vector<256x1xf32>
    %le3A_394 = arith.constant 3.200000e+01 : f32
    %le3A_395 = vector.broadcast %le3A_394 : f32 to vector<256x8xf32>
    %le3A_396 = arith.cmpf ole, %dot_general3A_58, %le3A_395 : vector<256x8xf32>
    %convert_element_type3A_397 = arith.extui %le3A_396 : vector<256x8xi1> to vector<256x8xi32>
    %convert_element_type3A_398 = arith.sitofp %convert_element_type3A_397 : vector<256x8xi32> to vector<256x8xf32>
    %reduce_sum3A_399 = arith.constant dense<0.000000e+00> : vector<256xf32>
    %reduce_sum3A_400 = vector.multi_reduction <add>, %convert_element_type3A_398, %reduce_sum3A_399 [1] : vector<256x8xf32> to vector<256xf32>
    %broadcast_in_dim3A_401 = vector.shape_cast %reduce_sum3A_400 : vector<256xf32> to vector<256x1xf32>
    %le3A_402 = arith.constant 3.300000e+01 : f32
    %le3A_403 = vector.broadcast %le3A_402 : f32 to vector<256x8xf32>
    %le3A_404 = arith.cmpf ole, %dot_general3A_58, %le3A_403 : vector<256x8xf32>
    %convert_element_type3A_405 = arith.extui %le3A_404 : vector<256x8xi1> to vector<256x8xi32>
    %convert_element_type3A_406 = arith.sitofp %convert_element_type3A_405 : vector<256x8xi32> to vector<256x8xf32>
    %reduce_sum3A_407 = arith.constant dense<0.000000e+00> : vector<256xf32>
    %reduce_sum3A_408 = vector.multi_reduction <add>, %convert_element_type3A_406, %reduce_sum3A_407 [1] : vector<256x8xf32> to vector<256xf32>
    %broadcast_in_dim3A_409 = vector.shape_cast %reduce_sum3A_408 : vector<256xf32> to vector<256x1xf32>
    %le3A_410 = arith.constant 3.400000e+01 : f32
    %le3A_411 = vector.broadcast %le3A_410 : f32 to vector<256x8xf32>
    %le3A_412 = arith.cmpf ole, %dot_general3A_58, %le3A_411 : vector<256x8xf32>
    %convert_element_type3A_413 = arith.extui %le3A_412 : vector<256x8xi1> to vector<256x8xi32>
    %convert_element_type3A_414 = arith.sitofp %convert_element_type3A_413 : vector<256x8xi32> to vector<256x8xf32>
    %reduce_sum3A_415 = arith.constant dense<0.000000e+00> : vector<256xf32>
    %reduce_sum3A_416 = vector.multi_reduction <add>, %convert_element_type3A_414, %reduce_sum3A_415 [1] : vector<256x8xf32> to vector<256xf32>
    %broadcast_in_dim3A_417 = vector.shape_cast %reduce_sum3A_416 : vector<256xf32> to vector<256x1xf32>
    %le3A_418 = arith.constant 3.500000e+01 : f32
    %le3A_419 = vector.broadcast %le3A_418 : f32 to vector<256x8xf32>
    %le3A_420 = arith.cmpf ole, %dot_general3A_58, %le3A_419 : vector<256x8xf32>
    %convert_element_type3A_421 = arith.extui %le3A_420 : vector<256x8xi1> to vector<256x8xi32>
    %convert_element_type3A_422 = arith.sitofp %convert_element_type3A_421 : vector<256x8xi32> to vector<256x8xf32>
    %reduce_sum3A_423 = arith.constant dense<0.000000e+00> : vector<256xf32>
    %reduce_sum3A_424 = vector.multi_reduction <add>, %convert_element_type3A_422, %reduce_sum3A_423 [1] : vector<256x8xf32> to vector<256xf32>
    %broadcast_in_dim3A_425 = vector.shape_cast %reduce_sum3A_424 : vector<256xf32> to vector<256x1xf32>
    %le3A_426 = arith.constant 3.600000e+01 : f32
    %le3A_427 = vector.broadcast %le3A_426 : f32 to vector<256x8xf32>
    %le3A_428 = arith.cmpf ole, %dot_general3A_58, %le3A_427 : vector<256x8xf32>
    %convert_element_type3A_429 = arith.extui %le3A_428 : vector<256x8xi1> to vector<256x8xi32>
    %convert_element_type3A_430 = arith.sitofp %convert_element_type3A_429 : vector<256x8xi32> to vector<256x8xf32>
    %reduce_sum3A_431 = arith.constant dense<0.000000e+00> : vector<256xf32>
    %reduce_sum3A_432 = vector.multi_reduction <add>, %convert_element_type3A_430, %reduce_sum3A_431 [1] : vector<256x8xf32> to vector<256xf32>
    %broadcast_in_dim3A_433 = vector.shape_cast %reduce_sum3A_432 : vector<256xf32> to vector<256x1xf32>
    %le3A_434 = arith.constant 3.700000e+01 : f32
    %le3A_435 = vector.broadcast %le3A_434 : f32 to vector<256x8xf32>
    %le3A_436 = arith.cmpf ole, %dot_general3A_58, %le3A_435 : vector<256x8xf32>
    %convert_element_type3A_437 = arith.extui %le3A_436 : vector<256x8xi1> to vector<256x8xi32>
    %convert_element_type3A_438 = arith.sitofp %convert_element_type3A_437 : vector<256x8xi32> to vector<256x8xf32>
    %reduce_sum3A_439 = arith.constant dense<0.000000e+00> : vector<256xf32>
    %reduce_sum3A_440 = vector.multi_reduction <add>, %convert_element_type3A_438, %reduce_sum3A_439 [1] : vector<256x8xf32> to vector<256xf32>
    %broadcast_in_dim3A_441 = vector.shape_cast %reduce_sum3A_440 : vector<256xf32> to vector<256x1xf32>
    %le3A_442 = arith.constant 3.800000e+01 : f32
    %le3A_443 = vector.broadcast %le3A_442 : f32 to vector<256x8xf32>
    %le3A_444 = arith.cmpf ole, %dot_general3A_58, %le3A_443 : vector<256x8xf32>
    %convert_element_type3A_445 = arith.extui %le3A_444 : vector<256x8xi1> to vector<256x8xi32>
    %convert_element_type3A_446 = arith.sitofp %convert_element_type3A_445 : vector<256x8xi32> to vector<256x8xf32>
    %reduce_sum3A_447 = arith.constant dense<0.000000e+00> : vector<256xf32>
    %reduce_sum3A_448 = vector.multi_reduction <add>, %convert_element_type3A_446, %reduce_sum3A_447 [1] : vector<256x8xf32> to vector<256xf32>
    %broadcast_in_dim3A_449 = vector.shape_cast %reduce_sum3A_448 : vector<256xf32> to vector<256x1xf32>
    %le3A_450 = arith.constant 3.900000e+01 : f32
    %le3A_451 = vector.broadcast %le3A_450 : f32 to vector<256x8xf32>
    %le3A_452 = arith.cmpf ole, %dot_general3A_58, %le3A_451 : vector<256x8xf32>
    %convert_element_type3A_453 = arith.extui %le3A_452 : vector<256x8xi1> to vector<256x8xi32>
    %convert_element_type3A_454 = arith.sitofp %convert_element_type3A_453 : vector<256x8xi32> to vector<256x8xf32>
    %reduce_sum3A_455 = arith.constant dense<0.000000e+00> : vector<256xf32>
    %reduce_sum3A_456 = vector.multi_reduction <add>, %convert_element_type3A_454, %reduce_sum3A_455 [1] : vector<256x8xf32> to vector<256xf32>
    %broadcast_in_dim3A_457 = vector.shape_cast %reduce_sum3A_456 : vector<256xf32> to vector<256x1xf32>
    %le3A_458 = arith.constant 4.000000e+01 : f32
    %le3A_459 = vector.broadcast %le3A_458 : f32 to vector<256x8xf32>
    %le3A_460 = arith.cmpf ole, %dot_general3A_58, %le3A_459 : vector<256x8xf32>
    %convert_element_type3A_461 = arith.extui %le3A_460 : vector<256x8xi1> to vector<256x8xi32>
    %convert_element_type3A_462 = arith.sitofp %convert_element_type3A_461 : vector<256x8xi32> to vector<256x8xf32>
    %reduce_sum3A_463 = arith.constant dense<0.000000e+00> : vector<256xf32>
    %reduce_sum3A_464 = vector.multi_reduction <add>, %convert_element_type3A_462, %reduce_sum3A_463 [1] : vector<256x8xf32> to vector<256xf32>
    %broadcast_in_dim3A_465 = vector.shape_cast %reduce_sum3A_464 : vector<256xf32> to vector<256x1xf32>
    %le3A_466 = arith.constant 4.100000e+01 : f32
    %le3A_467 = vector.broadcast %le3A_466 : f32 to vector<256x8xf32>
    %le3A_468 = arith.cmpf ole, %dot_general3A_58, %le3A_467 : vector<256x8xf32>
    %convert_element_type3A_469 = arith.extui %le3A_468 : vector<256x8xi1> to vector<256x8xi32>
    %convert_element_type3A_470 = arith.sitofp %convert_element_type3A_469 : vector<256x8xi32> to vector<256x8xf32>
    %reduce_sum3A_471 = arith.constant dense<0.000000e+00> : vector<256xf32>
    %reduce_sum3A_472 = vector.multi_reduction <add>, %convert_element_type3A_470, %reduce_sum3A_471 [1] : vector<256x8xf32> to vector<256xf32>
    %broadcast_in_dim3A_473 = vector.shape_cast %reduce_sum3A_472 : vector<256xf32> to vector<256x1xf32>
    %le3A_474 = arith.constant 4.200000e+01 : f32
    %le3A_475 = vector.broadcast %le3A_474 : f32 to vector<256x8xf32>
    %le3A_476 = arith.cmpf ole, %dot_general3A_58, %le3A_475 : vector<256x8xf32>
    %convert_element_type3A_477 = arith.extui %le3A_476 : vector<256x8xi1> to vector<256x8xi32>
    %convert_element_type3A_478 = arith.sitofp %convert_element_type3A_477 : vector<256x8xi32> to vector<256x8xf32>
    %reduce_sum3A_479 = arith.constant dense<0.000000e+00> : vector<256xf32>
    %reduce_sum3A_480 = vector.multi_reduction <add>, %convert_element_type3A_478, %reduce_sum3A_479 [1] : vector<256x8xf32> to vector<256xf32>
    %broadcast_in_dim3A_481 = vector.shape_cast %reduce_sum3A_480 : vector<256xf32> to vector<256x1xf32>
    %le3A_482 = arith.constant 4.300000e+01 : f32
    %le3A_483 = vector.broadcast %le3A_482 : f32 to vector<256x8xf32>
    %le3A_484 = arith.cmpf ole, %dot_general3A_58, %le3A_483 : vector<256x8xf32>
    %convert_element_type3A_485 = arith.extui %le3A_484 : vector<256x8xi1> to vector<256x8xi32>
    %convert_element_type3A_486 = arith.sitofp %convert_element_type3A_485 : vector<256x8xi32> to vector<256x8xf32>
    %reduce_sum3A_487 = arith.constant dense<0.000000e+00> : vector<256xf32>
    %reduce_sum3A_488 = vector.multi_reduction <add>, %convert_element_type3A_486, %reduce_sum3A_487 [1] : vector<256x8xf32> to vector<256xf32>
    %broadcast_in_dim3A_489 = vector.shape_cast %reduce_sum3A_488 : vector<256xf32> to vector<256x1xf32>
    %le3A_490 = arith.constant 4.400000e+01 : f32
    %le3A_491 = vector.broadcast %le3A_490 : f32 to vector<256x8xf32>
    %le3A_492 = arith.cmpf ole, %dot_general3A_58, %le3A_491 : vector<256x8xf32>
    %convert_element_type3A_493 = arith.extui %le3A_492 : vector<256x8xi1> to vector<256x8xi32>
    %convert_element_type3A_494 = arith.sitofp %convert_element_type3A_493 : vector<256x8xi32> to vector<256x8xf32>
    %reduce_sum3A_495 = arith.constant dense<0.000000e+00> : vector<256xf32>
    %reduce_sum3A_496 = vector.multi_reduction <add>, %convert_element_type3A_494, %reduce_sum3A_495 [1] : vector<256x8xf32> to vector<256xf32>
    %broadcast_in_dim3A_497 = vector.shape_cast %reduce_sum3A_496 : vector<256xf32> to vector<256x1xf32>
    %le3A_498 = arith.constant 4.500000e+01 : f32
    %le3A_499 = vector.broadcast %le3A_498 : f32 to vector<256x8xf32>
    %le3A_500 = arith.cmpf ole, %dot_general3A_58, %le3A_499 : vector<256x8xf32>
    %convert_element_type3A_501 = arith.extui %le3A_500 : vector<256x8xi1> to vector<256x8xi32>
    %convert_element_type3A_502 = arith.sitofp %convert_element_type3A_501 : vector<256x8xi32> to vector<256x8xf32>
    %reduce_sum3A_503 = arith.constant dense<0.000000e+00> : vector<256xf32>
    %reduce_sum3A_504 = vector.multi_reduction <add>, %convert_element_type3A_502, %reduce_sum3A_503 [1] : vector<256x8xf32> to vector<256xf32>
    %broadcast_in_dim3A_505 = vector.shape_cast %reduce_sum3A_504 : vector<256xf32> to vector<256x1xf32>
    %le3A_506 = arith.constant 4.600000e+01 : f32
    %le3A_507 = vector.broadcast %le3A_506 : f32 to vector<256x8xf32>
    %le3A_508 = arith.cmpf ole, %dot_general3A_58, %le3A_507 : vector<256x8xf32>
    %convert_element_type3A_509 = arith.extui %le3A_508 : vector<256x8xi1> to vector<256x8xi32>
    %convert_element_type3A_510 = arith.sitofp %convert_element_type3A_509 : vector<256x8xi32> to vector<256x8xf32>
    %reduce_sum3A_511 = arith.constant dense<0.000000e+00> : vector<256xf32>
    %reduce_sum3A_512 = vector.multi_reduction <add>, %convert_element_type3A_510, %reduce_sum3A_511 [1] : vector<256x8xf32> to vector<256xf32>
    %broadcast_in_dim3A_513 = vector.shape_cast %reduce_sum3A_512 : vector<256xf32> to vector<256x1xf32>
    %le3A_514 = arith.constant 4.700000e+01 : f32
    %le3A_515 = vector.broadcast %le3A_514 : f32 to vector<256x8xf32>
    %le3A_516 = arith.cmpf ole, %dot_general3A_58, %le3A_515 : vector<256x8xf32>
    %convert_element_type3A_517 = arith.extui %le3A_516 : vector<256x8xi1> to vector<256x8xi32>
    %convert_element_type3A_518 = arith.sitofp %convert_element_type3A_517 : vector<256x8xi32> to vector<256x8xf32>
    %reduce_sum3A_519 = arith.constant dense<0.000000e+00> : vector<256xf32>
    %reduce_sum3A_520 = vector.multi_reduction <add>, %convert_element_type3A_518, %reduce_sum3A_519 [1] : vector<256x8xf32> to vector<256xf32>
    %broadcast_in_dim3A_521 = vector.shape_cast %reduce_sum3A_520 : vector<256xf32> to vector<256x1xf32>
    %le3A_522 = arith.constant 4.800000e+01 : f32
    %le3A_523 = vector.broadcast %le3A_522 : f32 to vector<256x8xf32>
    %le3A_524 = arith.cmpf ole, %dot_general3A_58, %le3A_523 : vector<256x8xf32>
    %convert_element_type3A_525 = arith.extui %le3A_524 : vector<256x8xi1> to vector<256x8xi32>
    %convert_element_type3A_526 = arith.sitofp %convert_element_type3A_525 : vector<256x8xi32> to vector<256x8xf32>
    %reduce_sum3A_527 = arith.constant dense<0.000000e+00> : vector<256xf32>
    %reduce_sum3A_528 = vector.multi_reduction <add>, %convert_element_type3A_526, %reduce_sum3A_527 [1] : vector<256x8xf32> to vector<256xf32>
    %broadcast_in_dim3A_529 = vector.shape_cast %reduce_sum3A_528 : vector<256xf32> to vector<256x1xf32>
    %le3A_530 = arith.constant 4.900000e+01 : f32
    %le3A_531 = vector.broadcast %le3A_530 : f32 to vector<256x8xf32>
    %le3A_532 = arith.cmpf ole, %dot_general3A_58, %le3A_531 : vector<256x8xf32>
    %convert_element_type3A_533 = arith.extui %le3A_532 : vector<256x8xi1> to vector<256x8xi32>
    %convert_element_type3A_534 = arith.sitofp %convert_element_type3A_533 : vector<256x8xi32> to vector<256x8xf32>
    %reduce_sum3A_535 = arith.constant dense<0.000000e+00> : vector<256xf32>
    %reduce_sum3A_536 = vector.multi_reduction <add>, %convert_element_type3A_534, %reduce_sum3A_535 [1] : vector<256x8xf32> to vector<256xf32>
    %broadcast_in_dim3A_537 = vector.shape_cast %reduce_sum3A_536 : vector<256xf32> to vector<256x1xf32>
    %le3A_538 = arith.constant 5.000000e+01 : f32
    %le3A_539 = vector.broadcast %le3A_538 : f32 to vector<256x8xf32>
    %le3A_540 = arith.cmpf ole, %dot_general3A_58, %le3A_539 : vector<256x8xf32>
    %convert_element_type3A_541 = arith.extui %le3A_540 : vector<256x8xi1> to vector<256x8xi32>
    %convert_element_type3A_542 = arith.sitofp %convert_element_type3A_541 : vector<256x8xi32> to vector<256x8xf32>
    %reduce_sum3A_543 = arith.constant dense<0.000000e+00> : vector<256xf32>
    %reduce_sum3A_544 = vector.multi_reduction <add>, %convert_element_type3A_542, %reduce_sum3A_543 [1] : vector<256x8xf32> to vector<256xf32>
    %broadcast_in_dim3A_545 = vector.shape_cast %reduce_sum3A_544 : vector<256xf32> to vector<256x1xf32>
    %le3A_546 = arith.constant 5.100000e+01 : f32
    %le3A_547 = vector.broadcast %le3A_546 : f32 to vector<256x8xf32>
    %le3A_548 = arith.cmpf ole, %dot_general3A_58, %le3A_547 : vector<256x8xf32>
    %convert_element_type3A_549 = arith.extui %le3A_548 : vector<256x8xi1> to vector<256x8xi32>
    %convert_element_type3A_550 = arith.sitofp %convert_element_type3A_549 : vector<256x8xi32> to vector<256x8xf32>
    %reduce_sum3A_551 = arith.constant dense<0.000000e+00> : vector<256xf32>
    %reduce_sum3A_552 = vector.multi_reduction <add>, %convert_element_type3A_550, %reduce_sum3A_551 [1] : vector<256x8xf32> to vector<256xf32>
    %broadcast_in_dim3A_553 = vector.shape_cast %reduce_sum3A_552 : vector<256xf32> to vector<256x1xf32>
    %le3A_554 = arith.constant 5.200000e+01 : f32
    %le3A_555 = vector.broadcast %le3A_554 : f32 to vector<256x8xf32>
    %le3A_556 = arith.cmpf ole, %dot_general3A_58, %le3A_555 : vector<256x8xf32>
    %convert_element_type3A_557 = arith.extui %le3A_556 : vector<256x8xi1> to vector<256x8xi32>
    %convert_element_type3A_558 = arith.sitofp %convert_element_type3A_557 : vector<256x8xi32> to vector<256x8xf32>
    %reduce_sum3A_559 = arith.constant dense<0.000000e+00> : vector<256xf32>
    %reduce_sum3A_560 = vector.multi_reduction <add>, %convert_element_type3A_558, %reduce_sum3A_559 [1] : vector<256x8xf32> to vector<256xf32>
    %broadcast_in_dim3A_561 = vector.shape_cast %reduce_sum3A_560 : vector<256xf32> to vector<256x1xf32>
    %le3A_562 = arith.constant 5.300000e+01 : f32
    %le3A_563 = vector.broadcast %le3A_562 : f32 to vector<256x8xf32>
    %le3A_564 = arith.cmpf ole, %dot_general3A_58, %le3A_563 : vector<256x8xf32>
    %convert_element_type3A_565 = arith.extui %le3A_564 : vector<256x8xi1> to vector<256x8xi32>
    %convert_element_type3A_566 = arith.sitofp %convert_element_type3A_565 : vector<256x8xi32> to vector<256x8xf32>
    %reduce_sum3A_567 = arith.constant dense<0.000000e+00> : vector<256xf32>
    %reduce_sum3A_568 = vector.multi_reduction <add>, %convert_element_type3A_566, %reduce_sum3A_567 [1] : vector<256x8xf32> to vector<256xf32>
    %broadcast_in_dim3A_569 = vector.shape_cast %reduce_sum3A_568 : vector<256xf32> to vector<256x1xf32>
    %le3A_570 = arith.constant 5.400000e+01 : f32
    %le3A_571 = vector.broadcast %le3A_570 : f32 to vector<256x8xf32>
    %le3A_572 = arith.cmpf ole, %dot_general3A_58, %le3A_571 : vector<256x8xf32>
    %convert_element_type3A_573 = arith.extui %le3A_572 : vector<256x8xi1> to vector<256x8xi32>
    %convert_element_type3A_574 = arith.sitofp %convert_element_type3A_573 : vector<256x8xi32> to vector<256x8xf32>
    %reduce_sum3A_575 = arith.constant dense<0.000000e+00> : vector<256xf32>
    %reduce_sum3A_576 = vector.multi_reduction <add>, %convert_element_type3A_574, %reduce_sum3A_575 [1] : vector<256x8xf32> to vector<256xf32>
    %broadcast_in_dim3A_577 = vector.shape_cast %reduce_sum3A_576 : vector<256xf32> to vector<256x1xf32>
    %le3A_578 = arith.constant 5.500000e+01 : f32
    %le3A_579 = vector.broadcast %le3A_578 : f32 to vector<256x8xf32>
    %le3A_580 = arith.cmpf ole, %dot_general3A_58, %le3A_579 : vector<256x8xf32>
    %convert_element_type3A_581 = arith.extui %le3A_580 : vector<256x8xi1> to vector<256x8xi32>
    %convert_element_type3A_582 = arith.sitofp %convert_element_type3A_581 : vector<256x8xi32> to vector<256x8xf32>
    %reduce_sum3A_583 = arith.constant dense<0.000000e+00> : vector<256xf32>
    %reduce_sum3A_584 = vector.multi_reduction <add>, %convert_element_type3A_582, %reduce_sum3A_583 [1] : vector<256x8xf32> to vector<256xf32>
    %broadcast_in_dim3A_585 = vector.shape_cast %reduce_sum3A_584 : vector<256xf32> to vector<256x1xf32>
    %le3A_586 = arith.constant 5.600000e+01 : f32
    %le3A_587 = vector.broadcast %le3A_586 : f32 to vector<256x8xf32>
    %le3A_588 = arith.cmpf ole, %dot_general3A_58, %le3A_587 : vector<256x8xf32>
    %convert_element_type3A_589 = arith.extui %le3A_588 : vector<256x8xi1> to vector<256x8xi32>
    %convert_element_type3A_590 = arith.sitofp %convert_element_type3A_589 : vector<256x8xi32> to vector<256x8xf32>
    %reduce_sum3A_591 = arith.constant dense<0.000000e+00> : vector<256xf32>
    %reduce_sum3A_592 = vector.multi_reduction <add>, %convert_element_type3A_590, %reduce_sum3A_591 [1] : vector<256x8xf32> to vector<256xf32>
    %broadcast_in_dim3A_593 = vector.shape_cast %reduce_sum3A_592 : vector<256xf32> to vector<256x1xf32>
    %le3A_594 = arith.constant 5.700000e+01 : f32
    %le3A_595 = vector.broadcast %le3A_594 : f32 to vector<256x8xf32>
    %le3A_596 = arith.cmpf ole, %dot_general3A_58, %le3A_595 : vector<256x8xf32>
    %convert_element_type3A_597 = arith.extui %le3A_596 : vector<256x8xi1> to vector<256x8xi32>
    %convert_element_type3A_598 = arith.sitofp %convert_element_type3A_597 : vector<256x8xi32> to vector<256x8xf32>
    %reduce_sum3A_599 = arith.constant dense<0.000000e+00> : vector<256xf32>
    %reduce_sum3A_600 = vector.multi_reduction <add>, %convert_element_type3A_598, %reduce_sum3A_599 [1] : vector<256x8xf32> to vector<256xf32>
    %broadcast_in_dim3A_601 = vector.shape_cast %reduce_sum3A_600 : vector<256xf32> to vector<256x1xf32>
    %le3A_602 = arith.constant 5.800000e+01 : f32
    %le3A_603 = vector.broadcast %le3A_602 : f32 to vector<256x8xf32>
    %le3A_604 = arith.cmpf ole, %dot_general3A_58, %le3A_603 : vector<256x8xf32>
    %convert_element_type3A_605 = arith.extui %le3A_604 : vector<256x8xi1> to vector<256x8xi32>
    %convert_element_type3A_606 = arith.sitofp %convert_element_type3A_605 : vector<256x8xi32> to vector<256x8xf32>
    %reduce_sum3A_607 = arith.constant dense<0.000000e+00> : vector<256xf32>
    %reduce_sum3A_608 = vector.multi_reduction <add>, %convert_element_type3A_606, %reduce_sum3A_607 [1] : vector<256x8xf32> to vector<256xf32>
    %broadcast_in_dim3A_609 = vector.shape_cast %reduce_sum3A_608 : vector<256xf32> to vector<256x1xf32>
    %le3A_610 = arith.constant 5.900000e+01 : f32
    %le3A_611 = vector.broadcast %le3A_610 : f32 to vector<256x8xf32>
    %le3A_612 = arith.cmpf ole, %dot_general3A_58, %le3A_611 : vector<256x8xf32>
    %convert_element_type3A_613 = arith.extui %le3A_612 : vector<256x8xi1> to vector<256x8xi32>
    %convert_element_type3A_614 = arith.sitofp %convert_element_type3A_613 : vector<256x8xi32> to vector<256x8xf32>
    %reduce_sum3A_615 = arith.constant dense<0.000000e+00> : vector<256xf32>
    %reduce_sum3A_616 = vector.multi_reduction <add>, %convert_element_type3A_614, %reduce_sum3A_615 [1] : vector<256x8xf32> to vector<256xf32>
    %broadcast_in_dim3A_617 = vector.shape_cast %reduce_sum3A_616 : vector<256xf32> to vector<256x1xf32>
    %le3A_618 = arith.constant 6.000000e+01 : f32
    %le3A_619 = vector.broadcast %le3A_618 : f32 to vector<256x8xf32>
    %le3A_620 = arith.cmpf ole, %dot_general3A_58, %le3A_619 : vector<256x8xf32>
    %convert_element_type3A_621 = arith.extui %le3A_620 : vector<256x8xi1> to vector<256x8xi32>
    %convert_element_type3A_622 = arith.sitofp %convert_element_type3A_621 : vector<256x8xi32> to vector<256x8xf32>
    %reduce_sum3A_623 = arith.constant dense<0.000000e+00> : vector<256xf32>
    %reduce_sum3A_624 = vector.multi_reduction <add>, %convert_element_type3A_622, %reduce_sum3A_623 [1] : vector<256x8xf32> to vector<256xf32>
    %broadcast_in_dim3A_625 = vector.shape_cast %reduce_sum3A_624 : vector<256xf32> to vector<256x1xf32>
    %le3A_626 = arith.constant 6.100000e+01 : f32
    %le3A_627 = vector.broadcast %le3A_626 : f32 to vector<256x8xf32>
    %le3A_628 = arith.cmpf ole, %dot_general3A_58, %le3A_627 : vector<256x8xf32>
    %convert_element_type3A_629 = arith.extui %le3A_628 : vector<256x8xi1> to vector<256x8xi32>
    %convert_element_type3A_630 = arith.sitofp %convert_element_type3A_629 : vector<256x8xi32> to vector<256x8xf32>
    %reduce_sum3A_631 = arith.constant dense<0.000000e+00> : vector<256xf32>
    %reduce_sum3A_632 = vector.multi_reduction <add>, %convert_element_type3A_630, %reduce_sum3A_631 [1] : vector<256x8xf32> to vector<256xf32>
    %broadcast_in_dim3A_633 = vector.shape_cast %reduce_sum3A_632 : vector<256xf32> to vector<256x1xf32>
    %le3A_634 = arith.constant 6.200000e+01 : f32
    %le3A_635 = vector.broadcast %le3A_634 : f32 to vector<256x8xf32>
    %le3A_636 = arith.cmpf ole, %dot_general3A_58, %le3A_635 : vector<256x8xf32>
    %convert_element_type3A_637 = arith.extui %le3A_636 : vector<256x8xi1> to vector<256x8xi32>
    %convert_element_type3A_638 = arith.sitofp %convert_element_type3A_637 : vector<256x8xi32> to vector<256x8xf32>
    %reduce_sum3A_639 = arith.constant dense<0.000000e+00> : vector<256xf32>
    %reduce_sum3A_640 = vector.multi_reduction <add>, %convert_element_type3A_638, %reduce_sum3A_639 [1] : vector<256x8xf32> to vector<256xf32>
    %broadcast_in_dim3A_641 = vector.shape_cast %reduce_sum3A_640 : vector<256xf32> to vector<256x1xf32>
    %le3A_642 = arith.constant 6.300000e+01 : f32
    %le3A_643 = vector.broadcast %le3A_642 : f32 to vector<256x8xf32>
    %le3A_644 = arith.cmpf ole, %dot_general3A_58, %le3A_643 : vector<256x8xf32>
    %convert_element_type3A_645 = arith.extui %le3A_644 : vector<256x8xi1> to vector<256x8xi32>
    %convert_element_type3A_646 = arith.sitofp %convert_element_type3A_645 : vector<256x8xi32> to vector<256x8xf32>
    %reduce_sum3A_647 = arith.constant dense<0.000000e+00> : vector<256xf32>
    %reduce_sum3A_648 = vector.multi_reduction <add>, %convert_element_type3A_646, %reduce_sum3A_647 [1] : vector<256x8xf32> to vector<256xf32>
    %broadcast_in_dim3A_649 = vector.shape_cast %reduce_sum3A_648 : vector<256xf32> to vector<256x1xf32>
    %concatenate3A = tpu.concatenate %broadcast_in_dim3A_145, %broadcast_in_dim3A_153, %broadcast_in_dim3A_161, %broadcast_in_dim3A_169, %broadcast_in_dim3A_177, %broadcast_in_dim3A_185, %broadcast_in_dim3A_193, %broadcast_in_dim3A_201, %broadcast_in_dim3A_209, %broadcast_in_dim3A_217, %broadcast_in_dim3A_225, %broadcast_in_dim3A_233, %broadcast_in_dim3A_241, %broadcast_in_dim3A_249, %broadcast_in_dim3A_257, %broadcast_in_dim3A_265, %broadcast_in_dim3A_273, %broadcast_in_dim3A_281, %broadcast_in_dim3A_289, %broadcast_in_dim3A_297, %broadcast_in_dim3A_305, %broadcast_in_dim3A_313, %broadcast_in_dim3A_321, %broadcast_in_dim3A_329, %broadcast_in_dim3A_337, %broadcast_in_dim3A_345, %broadcast_in_dim3A_353, %broadcast_in_dim3A_361, %broadcast_in_dim3A_369, %broadcast_in_dim3A_377, %broadcast_in_dim3A_385, %broadcast_in_dim3A_393, %broadcast_in_dim3A_401, %broadcast_in_dim3A_409, %broadcast_in_dim3A_417, %broadcast_in_dim3A_425, %broadcast_in_dim3A_433, %broadcast_in_dim3A_441, %broadcast_in_dim3A_449, %broadcast_in_dim3A_457, %broadcast_in_dim3A_465, %broadcast_in_dim3A_473, %broadcast_in_dim3A_481, %broadcast_in_dim3A_489, %broadcast_in_dim3A_497, %broadcast_in_dim3A_505, %broadcast_in_dim3A_513, %broadcast_in_dim3A_521, %broadcast_in_dim3A_529, %broadcast_in_dim3A_537, %broadcast_in_dim3A_545, %broadcast_in_dim3A_553, %broadcast_in_dim3A_561, %broadcast_in_dim3A_569, %broadcast_in_dim3A_577, %broadcast_in_dim3A_585, %broadcast_in_dim3A_593, %broadcast_in_dim3A_601, %broadcast_in_dim3A_609, %broadcast_in_dim3A_617, %broadcast_in_dim3A_625, %broadcast_in_dim3A_633, %broadcast_in_dim3A_641, %broadcast_in_dim3A_649 in 1 : vector<256x1xf32>, vector<256x1xf32>, vector<256x1xf32>, vector<256x1xf32>, vector<256x1xf32>, vector<256x1xf32>, vector<256x1xf32>, vector<256x1xf32>, vector<256x1xf32>, vector<256x1xf32>, vector<256x1xf32>, vector<256x1xf32>, vector<256x1xf32>, vector<256x1xf32>, vector<256x1xf32>, vector<256x1xf32>, vector<256x1xf32>, vector<256x1xf32>, vector<256x1xf32>, vector<256x1xf32>, vector<256x1xf32>, vector<256x1xf32>, vector<256x1xf32>, vector<256x1xf32>, vector<256x1xf32>, vector<256x1xf32>, vector<256x1xf32>, vector<256x1xf32>, vector<256x1xf32>, vector<256x1xf32>, vector<256x1xf32>, vector<256x1xf32>, vector<256x1xf32>, vector<256x1xf32>, vector<256x1xf32>, vector<256x1xf32>, vector<256x1xf32>, vector<256x1xf32>, vector<256x1xf32>, vector<256x1xf32>, vector<256x1xf32>, vector<256x1xf32>, vector<256x1xf32>, vector<256x1xf32>, vector<256x1xf32>, vector<256x1xf32>, vector<256x1xf32>, vector<256x1xf32>, vector<256x1xf32>, vector<256x1xf32>, vector<256x1xf32>, vector<256x1xf32>, vector<256x1xf32>, vector<256x1xf32>, vector<256x1xf32>, vector<256x1xf32>, vector<256x1xf32>, vector<256x1xf32>, vector<256x1xf32>, vector<256x1xf32>, vector<256x1xf32>, vector<256x1xf32>, vector<256x1xf32>, vector<256x1xf32> -> vector<256x64xf32>
    %convert_element_type3A_650 = arith.fptosi %concatenate3A : vector<256x64xf32> to vector<256x64xi32>
    %min3A = arith.constant 7 : i32
    %min3A_651 = vector.broadcast %min3A : i32 to vector<256x64xi32>
    %min3A_652 = arith.minsi %convert_element_type3A_650, %min3A_651 : vector<256x64xi32>
    %reshape3A = vector.shape_cast %min3A_652 : vector<256x64xi32> to vector<256x64x1xi32>
    %gather3A = vector.shape_cast %reshape3A : vector<256x64x1xi32> to vector<256x64xi32>
    %gather3A_653 = tpu.dynamic_gather %sub3A_59[%gather3A] in [1] : vector<256x8xf32>, vector<256x64xi32> -> vector<256x64xf32>
    %sub3A_654 = arith.subf %convert_element_type3A_137, %gather3A_653 : vector<256x64xf32>
    %jit3A_655 = arith.constant 8 : i32
    %eq3A_656 = arith.constant 0 : i32
    %eq3A_657 = arith.cmpi eq, %jit3A_655, %eq3A_656 : i32
    %jit3A_658 = arith.constant 1 : i32
    %select_n3A_659 = arith.select %eq3A_657, %jit3A_658, %jit3A_655 : i32
    %rem3A_660 = vector.broadcast %select_n3A_659 : i32 to vector<256x64xi32>
    %rem3A_661 = arith.remsi %min3A_652, %rem3A_660 : vector<256x64xi32>
    %ne3A_662 = arith.constant 0 : i32
    %ne3A_663 = vector.broadcast %ne3A_662 : i32 to vector<256x64xi32>
    %ne3A_664 = arith.cmpi ne, %rem3A_661, %ne3A_663 : vector<256x64xi32>
    %lt3A = arith.constant 0 : i32
    %lt3A_665 = vector.broadcast %lt3A : i32 to vector<256x64xi32>
    %lt3A_666 = arith.cmpi slt, %rem3A_661, %lt3A_665 : vector<256x64xi32>
    %lt3A_667 = arith.constant 0 : i32
    %lt3A_668 = arith.cmpi slt, %select_n3A_659, %lt3A_667 : i32
    %ne3A_669 = vector.broadcast %lt3A_668 : i1 to vector<256x64xi1>
    %ne3A_670 = vector.broadcast %ne3A_669 : vector<256x64xi1> to vector<256x64xi1>
    %ne3A_671 = arith.xori %lt3A_666, %ne3A_670 : vector<256x64xi1>
    %and3A_672 = arith.andi %ne3A_671, %ne3A_664 : vector<256x64xi1>
    %add3A_673 = vector.broadcast %select_n3A_659 : i32 to vector<256x64xi32>
    %add3A_674 = arith.addi %rem3A_661, %add3A_673 : vector<256x64xi32>
    %select_n3A_675 = arith.select %and3A_672, %add3A_674, %rem3A_661 : vector<256x64xi1>, vector<256x64xi32>
    %broadcast_in_dim3A_676 = vector.shape_cast %select_n3A_675 : vector<256x64xi32> to vector<256x64x1xi32>
    %broadcast_in_dim3A_677 = vector.shape_cast %broadcast_in_dim3A_676 : vector<256x64x1xi32> to vector<256x64x1xi32>
    %broadcast_in_dim3A_678 = vector.broadcast %broadcast_in_dim3A_677 : vector<256x64x1xi32> to vector<256x64x128xi32>
    %jit3A_679 = arith.constant 8 : i32
    %div3A_680 = vector.broadcast %jit3A_679 : i32 to vector<256x64xi32>
    %div3A_681 = arith.divsi %min3A_652, %div3A_680 : vector<256x64xi32>
    %sign3A_682 = arith.constant 0 : i32
    %sign3A_683 = vector.broadcast %sign3A_682 : i32 to vector<256x64xi32>
    %sign3A_684 = arith.cmpi sgt, %min3A_652, %sign3A_683 : vector<256x64xi32>
    %sign3A_685 = arith.extui %sign3A_684 : vector<256x64xi1> to vector<256x64xi32>
    %sign3A_686 = arith.constant 0 : i32
    %sign3A_687 = vector.broadcast %sign3A_686 : i32 to vector<256x64xi32>
    %sign3A_688 = arith.cmpi slt, %min3A_652, %sign3A_687 : vector<256x64xi32>
    %sign3A_689 = arith.extui %sign3A_688 : vector<256x64xi1> to vector<256x64xi32>
    %sign3A_690 = arith.subi %sign3A_685, %sign3A_689 : vector<256x64xi32>
    %sign3A_691 = arith.constant 0 : i32
    %sign3A_692 = arith.cmpi sgt, %jit3A_679, %sign3A_691 : i32
    %sign3A_693 = arith.extui %sign3A_692 : i1 to i32
    %sign3A_694 = arith.constant 0 : i32
    %sign3A_695 = arith.cmpi slt, %jit3A_679, %sign3A_694 : i32
    %sign3A_696 = arith.extui %sign3A_695 : i1 to i32
    %sign3A_697 = arith.subi %sign3A_693, %sign3A_696 : i32
    %ne3A_698 = vector.broadcast %sign3A_697 : i32 to vector<256x64xi32>
    %ne3A_699 = arith.cmpi ne, %sign3A_690, %ne3A_698 : vector<256x64xi32>
    %rem3A_700 = vector.broadcast %jit3A_679 : i32 to vector<256x64xi32>
    %rem3A_701 = arith.remsi %min3A_652, %rem3A_700 : vector<256x64xi32>
    %ne3A_702 = arith.constant 0 : i32
    %ne3A_703 = vector.broadcast %ne3A_702 : i32 to vector<256x64xi32>
    %ne3A_704 = arith.cmpi ne, %rem3A_701, %ne3A_703 : vector<256x64xi32>
    %and3A_705 = arith.andi %ne3A_699, %ne3A_704 : vector<256x64xi1>
    %sub3A_706 = arith.constant 1 : i32
    %sub3A_707 = vector.broadcast %sub3A_706 : i32 to vector<256x64xi32>
    %sub3A_708 = arith.subi %div3A_681, %sub3A_707 : vector<256x64xi32>
    %select_n3A_709 = arith.select %and3A_705, %sub3A_708, %div3A_681 : vector<256x64xi1>, vector<256x64xi32>
    %broadcast_in_dim3A_710 = vector.shape_cast %select_n3A_709 : vector<256x64xi32> to vector<256x64x1xi32>
    %broadcast_in_dim3A_711 = vector.shape_cast %broadcast_in_dim3A_710 : vector<256x64x1xi32> to vector<256x64x1xi32>
    %broadcast_in_dim3A_712 = vector.broadcast %broadcast_in_dim3A_711 : vector<256x64x1xi32> to vector<256x64x128xi32>
    %broadcast_in_dim3A_713 = arith.constant 0.000000e+00 : f32
    %broadcast_in_dim3A_714 = vector.broadcast %broadcast_in_dim3A_713 : f32 to vector<256x64x128xf32>
    %get3A_715 = arith.constant 0 : index
    %get3A_716 = arith.constant 0 : index
    %get3A_717 = arith.constant 0 : index
    %get3A_718 = vector.load %arg5[%get3A_715, %get3A_716, %get3A_717] : memref<256x8x128xf32, #tpu.memory_space<vmem>>, vector<256x8x128xf32>
    %reshape3A_719 = vector.shape_cast %broadcast_in_dim3A_678 : vector<256x64x128xi32> to vector<256x64x128x1xi32>
    %gather3A_720 = vector.shape_cast %reshape3A_719 : vector<256x64x128x1xi32> to vector<256x64x128xi32>
    %gather3A_721 = tpu.dynamic_gather %get3A_718[%gather3A_720] in [1] : vector<256x8x128xf32>, vector<256x64x128xi32> -> vector<256x64x128xf32>
    %eq3A_722 = arith.constant 0 : i32
    %eq3A_723 = vector.broadcast %eq3A_722 : i32 to vector<256x64x128xi32>
    %eq3A_724 = arith.cmpi eq, %broadcast_in_dim3A_712, %eq3A_723 : vector<256x64x128xi32>
    %select_n3A_725 = arith.select %eq3A_724, %gather3A_721, %broadcast_in_dim3A_714 : vector<256x64x128xi1>, vector<256x64x128xf32>
    %broadcast_in_dim3A_726 = vector.shape_cast %sub3A_654 : vector<256x64xf32> to vector<256x64x1xf32>
    %le3A_727 = vector.broadcast %broadcast_in_dim3A_726 : vector<256x64x1xf32> to vector<256x64x128xf32>
    %le3A_728 = arith.cmpf ole, %select_n3A_725, %le3A_727 : vector<256x64x128xf32>
    %convert_element_type3A_729 = arith.extui %le3A_728 : vector<256x64x128xi1> to vector<256x64x128xi32>
    %convert_element_type3A_730 = arith.sitofp %convert_element_type3A_729 : vector<256x64x128xi32> to vector<256x64x128xf32>
    %reduce_sum3A_731 = arith.constant dense<0.000000e+00> : vector<256x64xf32>
    %reduce_sum3A_732 = vector.multi_reduction <add>, %convert_element_type3A_730, %reduce_sum3A_731 [2] : vector<256x64x128xf32> to vector<256x64xf32>
    %mul3A_733 = arith.constant 128 : i32
    %mul3A_734 = vector.broadcast %mul3A_733 : i32 to vector<256x64xi32>
    %mul3A_735 = arith.muli %min3A_652, %mul3A_734 : vector<256x64xi32>
    %convert_element_type3A_736 = arith.fptosi %reduce_sum3A_732 : vector<256x64xf32> to vector<256x64xi32>
    %add3A_737 = arith.addi %mul3A_735, %convert_element_type3A_736 : vector<256x64xi32>
    %lt3A_738 = vector.broadcast %slice3A : vector<256x1xf32> to vector<256x64xf32>
    %lt3A_739 = arith.cmpf olt, %convert_element_type3A_137, %lt3A_738 : vector<256x64xf32>
    %slice3A_740 = vector.extract_strided_slice %add3A_737 {offsets = [0, 0], sizes = [256, 1], strides = [1, 1]} : vector<256x64xi32> to vector<256x1xi32>
    %broadcast_in_dim3A_741 = vector.shape_cast %slice3A_740 : vector<256x1xi32> to vector<256x1xi32>
    %broadcast_in_dim3A_742 = vector.broadcast %broadcast_in_dim3A_741 : vector<256x1xi32> to vector<256x64xi32>
    %gt3A = arith.constant 0.000000e+00 : f32
    %gt3A_743 = vector.broadcast %gt3A : f32 to vector<256x1xf32>
    %gt3A_744 = arith.cmpf ogt, %slice3A, %gt3A_743 : vector<256x1xf32>
    %jit3A_745 = arith.constant 0 : i32
    %broadcast_in_dim3A_746 = vector.shape_cast %gt3A_744 : vector<256x1xi1> to vector<256x1xi1>
    %broadcast_in_dim3A_747 = vector.broadcast %broadcast_in_dim3A_746 : vector<256x1xi1> to vector<256x64xi1>
    %broadcast_in_dim3A_748 = vector.broadcast %jit3A_745 : i32 to vector<256x64xi32>
    %select_n3A_749 = arith.select %broadcast_in_dim3A_747, %broadcast_in_dim3A_742, %broadcast_in_dim3A_748 : vector<256x64xi1>, vector<256x64xi32>
    %select_n3A_750 = arith.select %lt3A_739, %add3A_737, %select_n3A_749 : vector<256x64xi1>, vector<256x64xi32>
    %mul3A_751 = arith.constant 1024 : i32
    %mul3A_752 = arith.muli %arg0, %mul3A_751 : i32
    %add3A_753 = vector.broadcast %mul3A_752 : i32 to vector<256x64xi32>
    %add3A_754 = arith.addi %select_n3A_750, %add3A_753 : vector<256x64xi32>
    %swap3A_755 = arith.constant 0 : index
    %swap3A_756 = arith.constant 0 : index
    %swap3A_757 = arith.constant 0 : index
    %swap3A_758 = vector.load %arg4[%swap3A_755, %swap3A_756, %swap3A_757] : memref<1x256x64xi32, #tpu.memory_space<vmem>>, vector<1x256x64xi32>
    %swap3A_759 = vector.shape_cast %swap3A_758 : vector<1x256x64xi32> to vector<256x64xi32>
    %swap3A_760 = vector.shape_cast %add3A_754 : vector<256x64xi32> to vector<1x256x64xi32>
    tpu.vector_store %arg4[%swap3A_755, %swap3A_756, %swap3A_757], %swap3A_760 {strides = array<i32>} : memref<1x256x64xi32, #tpu.memory_space<vmem>>, vector<1x256x64xi32>,
    return
  }
  func.func @transform_0(%arg0: i32, %arg1: i32) -> (i32, i32, i32) {
    %c0_i32 = arith.constant 0 : i32
    %c0_i32_0 = arith.constant 0 : i32
    %c0_i32_1 = arith.constant 0 : i32
    return %arg0, %c0_i32, %c0_i32_0 : i32, i32, i32
  }
  func.func @transform_1(%arg0: i32, %arg1: i32) -> (i32, i32, i32) {
    %c0_i32 = arith.constant 0 : i32
    %c0_i32_0 = arith.constant 0 : i32
    return %arg0, %c0_i32, %arg1 : i32, i32, i32
  }
  func.func @transform_2(%arg0: i32, %arg1: i32) -> (i32, i32, i32) {
    %c0_i32 = arith.constant 0 : i32
    %c0_i32_0 = arith.constant 0 : i32
    return %arg0, %arg1, %c0_i32 : i32, i32, i32
  }
}

module attributes {stable_mosaic.version = 14 : i64} {
  func.func @_stats_kernel(%arg0: i32, %arg1: i32, %arg2: memref<1x6144x128xf32, #tpu.memory_space<vmem>>, %arg3: memref<1x128x128xf32, #tpu.memory_space<vmem>>, %arg4: memref<128x128xf32, #tpu.memory_space<vmem>>, %arg5: memref<1x128xf32, #tpu.memory_space<vmem>>, %arg6: memref<1x128xf32, #tpu.memory_space<vmem>>) attributes {dimension_semantics = [#tpu.dimension_semantics<arbitrary>, #tpu.dimension_semantics<arbitrary>], iteration_bounds = array<i64: 16, 8>, scalar_prefetch = 0 : i64, scratch_operands = 0 : i64, tpu.core_type = #tpu.core_type<tc>, window_params = [{transform_indices = @transform_0, window_bounds = array<i64: 1, 6144, 128>}, {transform_indices = @transform_1, window_bounds = array<i64: 1, 128, 128>}, {pipeline_mode = #tpu.pipeline_mode<synchronous>, transform_indices = @transform_2, window_bounds = array<i64: 128, 128>}, {pipeline_mode = #tpu.pipeline_mode<synchronous>, transform_indices = @transform_3, window_bounds = array<i64: 1, 128>}, {pipeline_mode = #tpu.pipeline_mode<synchronous>, transform_indices = @transform_4, window_bounds = array<i64: 1, 128>}]} {
    %mul3A = arith.constant 8 : i32
    %mul3A_0 = arith.muli %arg0, %mul3A : i32
    %add3A = arith.addi %mul3A_0, %arg1 : i32
    %eq3A = arith.constant 0 : i32
    %eq3A_1 = arith.cmpi eq, %add3A, %eq3A : i32
    %convert_element_type3A = arith.extui %eq3A_1 : i1 to i32
    %cond3A = arith.constant 0 : i32
    %cond3A_2 = arith.cmpi ne, %convert_element_type3A, %cond3A : i32
    scf.if %cond3A_2 {
      %broadcast_in_dim3A_37 = arith.constant 0.000000e+00 : f32
      %broadcast_in_dim3A_38 = vector.broadcast %broadcast_in_dim3A_37 : f32 to vector<1x128xf32>
      %swap3A_39 = arith.constant 0 : index
      %swap3A_40 = arith.constant 0 : index
      %swap3A_41 = vector.load %arg5[%swap3A_39, %swap3A_40] : memref<1x128xf32, #tpu.memory_space<vmem>>, vector<1x128xf32>
      tpu.vector_store %arg5[%swap3A_39, %swap3A_40], %broadcast_in_dim3A_38 {strides = array<i32>} : memref<1x128xf32, #tpu.memory_space<vmem>>, vector<1x128xf32>,
      %broadcast_in_dim3A_42 = arith.constant 0.000000e+00 : f32
      %broadcast_in_dim3A_43 = vector.broadcast %broadcast_in_dim3A_42 : f32 to vector<1x128xf32>
      %swap3A_44 = arith.constant 0 : index
      %swap3A_45 = arith.constant 0 : index
      %swap3A_46 = vector.load %arg6[%swap3A_44, %swap3A_45] : memref<1x128xf32, #tpu.memory_space<vmem>>, vector<1x128xf32>
      tpu.vector_store %arg6[%swap3A_44, %swap3A_45], %broadcast_in_dim3A_43 {strides = array<i32>} : memref<1x128xf32, #tpu.memory_space<vmem>>, vector<1x128xf32>,
    } else {
    }
    %get3A = arith.constant 0 : index
    %get3A_3 = arith.constant 0 : index
    %get3A_4 = arith.constant 0 : index
    %get3A_5 = vector.load %arg2[%get3A, %get3A_3, %get3A_4] : memref<1x6144x128xf32, #tpu.memory_space<vmem>>, vector<1x6144x128xf32>
    %get3A_6 = vector.shape_cast %get3A_5 : vector<1x6144x128xf32> to vector<6144x128xf32>
    %reshape3A = vector.shape_cast %get3A_6 : vector<6144x128xf32> to vector<128x48x128xf32>
    %get3A_7 = arith.constant 0 : index
    %get3A_8 = arith.constant 0 : index
    %get3A_9 = arith.constant 0 : index
    %get3A_10 = vector.load %arg3[%get3A_7, %get3A_8, %get3A_9] : memref<1x128x128xf32, #tpu.memory_space<vmem>>, vector<1x128x128xf32>
    %get3A_11 = vector.shape_cast %get3A_10 : vector<1x128x128xf32> to vector<128x128xf32>
    %broadcast_in_dim3A = vector.shape_cast %get3A_11 : vector<128x128xf32> to vector<128x1x128xf32>
    %sub3A = vector.broadcast %broadcast_in_dim3A : vector<128x1x128xf32> to vector<128x48x128xf32>
    %sub3A_12 = arith.subf %reshape3A, %sub3A : vector<128x48x128xf32>
    %reshape3A_13 = vector.shape_cast %sub3A_12 : vector<128x48x128xf32> to vector<6144x128xf32>
    %get3A_14 = arith.constant 0 : index
    %get3A_15 = arith.constant 0 : index
    %get3A_16 = vector.load %arg4[%get3A_14, %get3A_15] : memref<128x128xf32, #tpu.memory_space<vmem>>, vector<128x128xf32>
    %dot_general3A = arith.constant dense<0.000000e+00> : vector<6144x128xf32>
    %dot_general3A_17 = tpu.matmul %reshape3A_13, %get3A_16, %dot_general3A {dimension_numbers = #tpu.dot_dimension_numbers<[1], [1], [0], [0], [0, 0, 1, 0], [], []>, transpose_lhs_hint = false} : vector<6144x128xf32>, vector<128x128xf32>, vector<6144x128xf32> -> vector<6144x128xf32>
    %get3A_18 = arith.constant 0 : index
    %get3A_19 = arith.constant 0 : index
    %get3A_20 = vector.load %arg5[%get3A_18, %get3A_19] : memref<1x128xf32, #tpu.memory_space<vmem>>, vector<1x128xf32>
    %reduce_sum3A = arith.constant dense<0.000000e+00> : vector<128xf32>
    %reduce_sum3A_21 = vector.multi_reduction <add>, %dot_general3A_17, %reduce_sum3A [0] : vector<6144x128xf32> to vector<128xf32>
    %broadcast_in_dim3A_22 = vector.shape_cast %reduce_sum3A_21 : vector<128xf32> to vector<1x128xf32>
    %add3A_23 = arith.addf %get3A_20, %broadcast_in_dim3A_22 : vector<1x128xf32>
    %swap3A = arith.constant 0 : index
    %swap3A_24 = arith.constant 0 : index
    %swap3A_25 = vector.load %arg5[%swap3A, %swap3A_24] : memref<1x128xf32, #tpu.memory_space<vmem>>, vector<1x128xf32>
    tpu.vector_store %arg5[%swap3A, %swap3A_24], %add3A_23 {strides = array<i32>} : memref<1x128xf32, #tpu.memory_space<vmem>>, vector<1x128xf32>,
    %get3A_26 = arith.constant 0 : index
    %get3A_27 = arith.constant 0 : index
    %get3A_28 = vector.load %arg6[%get3A_26, %get3A_27] : memref<1x128xf32, #tpu.memory_space<vmem>>, vector<1x128xf32>
    %mul3A_29 = arith.mulf %dot_general3A_17, %dot_general3A_17 : vector<6144x128xf32>
    %reduce_sum3A_30 = arith.constant dense<0.000000e+00> : vector<128xf32>
    %reduce_sum3A_31 = vector.multi_reduction <add>, %mul3A_29, %reduce_sum3A_30 [0] : vector<6144x128xf32> to vector<128xf32>
    %broadcast_in_dim3A_32 = vector.shape_cast %reduce_sum3A_31 : vector<128xf32> to vector<1x128xf32>
    %add3A_33 = arith.addf %get3A_28, %broadcast_in_dim3A_32 : vector<1x128xf32>
    %swap3A_34 = arith.constant 0 : index
    %swap3A_35 = arith.constant 0 : index
    %swap3A_36 = vector.load %arg6[%swap3A_34, %swap3A_35] : memref<1x128xf32, #tpu.memory_space<vmem>>, vector<1x128xf32>
    tpu.vector_store %arg6[%swap3A_34, %swap3A_35], %add3A_33 {strides = array<i32>} : memref<1x128xf32, #tpu.memory_space<vmem>>, vector<1x128xf32>,
    return
  }
  func.func @transform_0(%arg0: i32, %arg1: i32) -> (i32, i32, i32) {
    %c0_i32 = arith.constant 0 : i32
    %c0_i32_0 = arith.constant 0 : i32
    return %arg0, %arg1, %c0_i32 : i32, i32, i32
  }
  func.func @transform_1(%arg0: i32, %arg1: i32) -> (i32, i32, i32) {
    %c0_i32 = arith.constant 0 : i32
    %c0_i32_0 = arith.constant 0 : i32
    return %arg0, %arg1, %c0_i32 : i32, i32, i32
  }
  func.func @transform_2(%arg0: i32, %arg1: i32) -> (i32, i32) {
    %c0_i32 = arith.constant 0 : i32
    %c0_i32_0 = arith.constant 0 : i32
    %c0_i32_1 = arith.constant 0 : i32
    return %c0_i32, %c0_i32_0 : i32, i32
  }
  func.func @transform_3(%arg0: i32, %arg1: i32) -> (i32, i32) {
    %c0_i32 = arith.constant 0 : i32
    %c0_i32_0 = arith.constant 0 : i32
    %c0_i32_1 = arith.constant 0 : i32
    return %c0_i32, %c0_i32_0 : i32, i32
  }
  func.func @transform_4(%arg0: i32, %arg1: i32) -> (i32, i32) {
    %c0_i32 = arith.constant 0 : i32
    %c0_i32_0 = arith.constant 0 : i32
    %c0_i32_1 = arith.constant 0 : i32
    return %c0_i32, %c0_i32_0 : i32, i32
  }
}

module attributes {stable_mosaic.version = 14 : i64} {
  func.func @_layer2_kernel(%arg0: i32, %arg1: i32, %arg2: memref<1x6144x128xf32, #tpu.memory_space<vmem>>, %arg3: memref<1x128x128xf32, #tpu.memory_space<vmem>>, %arg4: memref<128x128xf32, #tpu.memory_space<vmem>>, %arg5: memref<1x128xf32, #tpu.memory_space<vmem>>, %arg6: memref<1x128xf32, #tpu.memory_space<vmem>>, %arg7: memref<128x128xf32, #tpu.memory_space<vmem>>, %arg8: memref<1x128x128xf32, #tpu.memory_space<vmem>>, %arg9: memref<1x128xf32, #tpu.memory_space<vmem>>, %arg10: memref<1x128xf32, #tpu.memory_space<vmem>>) attributes {dimension_semantics = [#tpu.dimension_semantics<arbitrary>, #tpu.dimension_semantics<arbitrary>], iteration_bounds = array<i64: 16, 8>, scalar_prefetch = 0 : i64, scratch_operands = 0 : i64, tpu.core_type = #tpu.core_type<tc>, window_params = [{transform_indices = @transform_0, window_bounds = array<i64: 1, 6144, 128>}, {transform_indices = @transform_1, window_bounds = array<i64: 1, 128, 128>}, {pipeline_mode = #tpu.pipeline_mode<synchronous>, transform_indices = @transform_2, window_bounds = array<i64: 128, 128>}, {pipeline_mode = #tpu.pipeline_mode<synchronous>, transform_indices = @transform_3, window_bounds = array<i64: 1, 128>}, {pipeline_mode = #tpu.pipeline_mode<synchronous>, transform_indices = @transform_4, window_bounds = array<i64: 1, 128>}, {pipeline_mode = #tpu.pipeline_mode<synchronous>, transform_indices = @transform_5, window_bounds = array<i64: 128, 128>}, {transform_indices = @transform_6, window_bounds = array<i64: 1, 128, 128>}, {pipeline_mode = #tpu.pipeline_mode<synchronous>, transform_indices = @transform_7, window_bounds = array<i64: 1, 128>}, {pipeline_mode = #tpu.pipeline_mode<synchronous>, transform_indices = @transform_8, window_bounds = array<i64: 1, 128>}]} {
    %mul3A = arith.constant 8 : i32
    %mul3A_0 = arith.muli %arg0, %mul3A : i32
    %add3A = arith.addi %mul3A_0, %arg1 : i32
    %eq3A = arith.constant 0 : i32
    %eq3A_1 = arith.cmpi eq, %add3A, %eq3A : i32
    %convert_element_type3A = arith.extui %eq3A_1 : i1 to i32
    %cond3A = arith.constant 0 : i32
    %cond3A_2 = arith.cmpi ne, %convert_element_type3A, %cond3A : i32
    scf.if %cond3A_2 {
      %broadcast_in_dim3A_72 = arith.constant 0.000000e+00 : f32
      %broadcast_in_dim3A_73 = vector.broadcast %broadcast_in_dim3A_72 : f32 to vector<1x128xf32>
      %swap3A_74 = arith.constant 0 : index
      %swap3A_75 = arith.constant 0 : index
      %swap3A_76 = vector.load %arg9[%swap3A_74, %swap3A_75] : memref<1x128xf32, #tpu.memory_space<vmem>>, vector<1x128xf32>
      tpu.vector_store %arg9[%swap3A_74, %swap3A_75], %broadcast_in_dim3A_73 {strides = array<i32>} : memref<1x128xf32, #tpu.memory_space<vmem>>, vector<1x128xf32>,
      %broadcast_in_dim3A_77 = arith.constant 0.000000e+00 : f32
      %broadcast_in_dim3A_78 = vector.broadcast %broadcast_in_dim3A_77 : f32 to vector<1x128xf32>
      %swap3A_79 = arith.constant 0 : index
      %swap3A_80 = arith.constant 0 : index
      %swap3A_81 = vector.load %arg10[%swap3A_79, %swap3A_80] : memref<1x128xf32, #tpu.memory_space<vmem>>, vector<1x128xf32>
      tpu.vector_store %arg10[%swap3A_79, %swap3A_80], %broadcast_in_dim3A_78 {strides = array<i32>} : memref<1x128xf32, #tpu.memory_space<vmem>>, vector<1x128xf32>,
    } else {
    }
    %get3A = arith.constant 0 : index
    %get3A_3 = arith.constant 0 : index
    %get3A_4 = vector.load %arg5[%get3A, %get3A_3] : memref<1x128xf32, #tpu.memory_space<vmem>>, vector<1x128xf32>
    %div3A = arith.constant 7.864320e+05 : f32
    %div3A_5 = vector.broadcast %div3A : f32 to vector<1x128xf32>
    %div3A_6 = arith.divf %get3A_4, %div3A_5 : vector<1x128xf32>
    %get3A_7 = arith.constant 0 : index
    %get3A_8 = arith.constant 0 : index
    %get3A_9 = vector.load %arg6[%get3A_7, %get3A_8] : memref<1x128xf32, #tpu.memory_space<vmem>>, vector<1x128xf32>
    %div3A_10 = arith.constant 7.864320e+05 : f32
    %div3A_11 = vector.broadcast %div3A_10 : f32 to vector<1x128xf32>
    %div3A_12 = arith.divf %get3A_9, %div3A_11 : vector<1x128xf32>
    %mul3A_13 = arith.mulf %div3A_6, %div3A_6 : vector<1x128xf32>
    %sub3A = arith.subf %div3A_12, %mul3A_13 : vector<1x128xf32>
    %get3A_14 = arith.constant 0 : index
    %get3A_15 = arith.constant 0 : index
    %get3A_16 = arith.constant 0 : index
    %get3A_17 = vector.load %arg2[%get3A_14, %get3A_15, %get3A_16] : memref<1x6144x128xf32, #tpu.memory_space<vmem>>, vector<1x6144x128xf32>
    %get3A_18 = vector.shape_cast %get3A_17 : vector<1x6144x128xf32> to vector<6144x128xf32>
    %reshape3A = vector.shape_cast %get3A_18 : vector<6144x128xf32> to vector<128x48x128xf32>
    %get3A_19 = arith.constant 0 : index
    %get3A_20 = arith.constant 0 : index
    %get3A_21 = arith.constant 0 : index
    %get3A_22 = vector.load %arg3[%get3A_19, %get3A_20, %get3A_21] : memref<1x128x128xf32, #tpu.memory_space<vmem>>, vector<1x128x128xf32>
    %get3A_23 = vector.shape_cast %get3A_22 : vector<1x128x128xf32> to vector<128x128xf32>
    %broadcast_in_dim3A = vector.shape_cast %get3A_23 : vector<128x128xf32> to vector<128x1x128xf32>
    %sub3A_24 = vector.broadcast %broadcast_in_dim3A : vector<128x1x128xf32> to vector<128x48x128xf32>
    %sub3A_25 = arith.subf %reshape3A, %sub3A_24 : vector<128x48x128xf32>
    %reshape3A_26 = vector.shape_cast %sub3A_25 : vector<128x48x128xf32> to vector<6144x128xf32>
    %get3A_27 = arith.constant 0 : index
    %get3A_28 = arith.constant 0 : index
    %get3A_29 = vector.load %arg4[%get3A_27, %get3A_28] : memref<128x128xf32, #tpu.memory_space<vmem>>, vector<128x128xf32>
    %dot_general3A = arith.constant dense<0.000000e+00> : vector<6144x128xf32>
    %dot_general3A_30 = tpu.matmul %reshape3A_26, %get3A_29, %dot_general3A {dimension_numbers = #tpu.dot_dimension_numbers<[1], [1], [0], [0], [0, 0, 1, 0], [], []>, transpose_lhs_hint = false} : vector<6144x128xf32>, vector<128x128xf32>, vector<6144x128xf32> -> vector<6144x128xf32>
    %sub3A_31 = vector.broadcast %div3A_6 : vector<1x128xf32> to vector<6144x128xf32>
    %sub3A_32 = arith.subf %dot_general3A_30, %sub3A_31 : vector<6144x128xf32>
    %add3A_33 = arith.constant 9.99999974E-6 : f32
    %add3A_34 = vector.broadcast %add3A_33 : f32 to vector<1x128xf32>
    %add3A_35 = arith.addf %sub3A, %add3A_34 : vector<1x128xf32>
    %sqrt3A = math.sqrt %add3A_35 : vector<1x128xf32>
    %div3A_36 = vector.broadcast %sqrt3A : vector<1x128xf32> to vector<6144x128xf32>
    %div3A_37 = arith.divf %sub3A_32, %div3A_36 : vector<6144x128xf32>
    %max3A = arith.constant 0.000000e+00 : f32
    %max3A_38 = vector.broadcast %max3A : f32 to vector<6144x128xf32>
    %max3A_39 = arith.maximumf %div3A_37, %max3A_38 : vector<6144x128xf32>
    %get3A_40 = arith.constant 0 : index
    %get3A_41 = arith.constant 0 : index
    %get3A_42 = vector.load %arg7[%get3A_40, %get3A_41] : memref<128x128xf32, #tpu.memory_space<vmem>>, vector<128x128xf32>
    %dot_general3A_43 = arith.constant dense<0.000000e+00> : vector<6144x128xf32>
    %dot_general3A_44 = tpu.matmul %max3A_39, %get3A_42, %dot_general3A_43 {dimension_numbers = #tpu.dot_dimension_numbers<[1], [1], [0], [0], [0, 0, 1, 0], [], []>, transpose_lhs_hint = false} : vector<6144x128xf32>, vector<128x128xf32>, vector<6144x128xf32> -> vector<6144x128xf32>
    %get3A_45 = arith.constant 0 : index
    %get3A_46 = arith.constant 0 : index
    %get3A_47 = vector.load %arg9[%get3A_45, %get3A_46] : memref<1x128xf32, #tpu.memory_space<vmem>>, vector<1x128xf32>
    %reduce_sum3A = arith.constant dense<0.000000e+00> : vector<128xf32>
    %reduce_sum3A_48 = vector.multi_reduction <add>, %dot_general3A_44, %reduce_sum3A [0] : vector<6144x128xf32> to vector<128xf32>
    %broadcast_in_dim3A_49 = vector.shape_cast %reduce_sum3A_48 : vector<128xf32> to vector<1x128xf32>
    %add3A_50 = arith.addf %get3A_47, %broadcast_in_dim3A_49 : vector<1x128xf32>
    %swap3A = arith.constant 0 : index
    %swap3A_51 = arith.constant 0 : index
    %swap3A_52 = vector.load %arg9[%swap3A, %swap3A_51] : memref<1x128xf32, #tpu.memory_space<vmem>>, vector<1x128xf32>
    tpu.vector_store %arg9[%swap3A, %swap3A_51], %add3A_50 {strides = array<i32>} : memref<1x128xf32, #tpu.memory_space<vmem>>, vector<1x128xf32>,
    %get3A_53 = arith.constant 0 : index
    %get3A_54 = arith.constant 0 : index
    %get3A_55 = vector.load %arg10[%get3A_53, %get3A_54] : memref<1x128xf32, #tpu.memory_space<vmem>>, vector<1x128xf32>
    %mul3A_56 = arith.mulf %dot_general3A_44, %dot_general3A_44 : vector<6144x128xf32>
    %reduce_sum3A_57 = arith.constant dense<0.000000e+00> : vector<128xf32>
    %reduce_sum3A_58 = vector.multi_reduction <add>, %mul3A_56, %reduce_sum3A_57 [0] : vector<6144x128xf32> to vector<128xf32>
    %broadcast_in_dim3A_59 = vector.shape_cast %reduce_sum3A_58 : vector<128xf32> to vector<1x128xf32>
    %add3A_60 = arith.addf %get3A_55, %broadcast_in_dim3A_59 : vector<1x128xf32>
    %swap3A_61 = arith.constant 0 : index
    %swap3A_62 = arith.constant 0 : index
    %swap3A_63 = vector.load %arg10[%swap3A_61, %swap3A_62] : memref<1x128xf32, #tpu.memory_space<vmem>>, vector<1x128xf32>
    tpu.vector_store %arg10[%swap3A_61, %swap3A_62], %add3A_60 {strides = array<i32>} : memref<1x128xf32, #tpu.memory_space<vmem>>, vector<1x128xf32>,
    %reshape3A_64 = vector.shape_cast %dot_general3A_44 : vector<6144x128xf32> to vector<128x48x128xf32>
    %reduce_max3A = arith.constant dense<0xFF800000> : vector<128x128xf32>
    %reduce_max3A_65 = vector.multi_reduction <maximumf>, %reshape3A_64, %reduce_max3A [1] : vector<128x48x128xf32> to vector<128x128xf32>
    %swap3A_66 = arith.constant 0 : index
    %swap3A_67 = arith.constant 0 : index
    %swap3A_68 = arith.constant 0 : index
    %swap3A_69 = vector.load %arg8[%swap3A_66, %swap3A_67, %swap3A_68] : memref<1x128x128xf32, #tpu.memory_space<vmem>>, vector<1x128x128xf32>
    %swap3A_70 = vector.shape_cast %swap3A_69 : vector<1x128x128xf32> to vector<128x128xf32>
    %swap3A_71 = vector.shape_cast %reduce_max3A_65 : vector<128x128xf32> to vector<1x128x128xf32>
    tpu.vector_store %arg8[%swap3A_66, %swap3A_67, %swap3A_68], %swap3A_71 {strides = array<i32>} : memref<1x128x128xf32, #tpu.memory_space<vmem>>, vector<1x128x128xf32>,
    return
  }
  func.func @transform_0(%arg0: i32, %arg1: i32) -> (i32, i32, i32) {
    %c0_i32 = arith.constant 0 : i32
    %c0_i32_0 = arith.constant 0 : i32
    return %arg0, %arg1, %c0_i32 : i32, i32, i32
  }
  func.func @transform_1(%arg0: i32, %arg1: i32) -> (i32, i32, i32) {
    %c0_i32 = arith.constant 0 : i32
    %c0_i32_0 = arith.constant 0 : i32
    return %arg0, %arg1, %c0_i32 : i32, i32, i32
  }
  func.func @transform_2(%arg0: i32, %arg1: i32) -> (i32, i32) {
    %c0_i32 = arith.constant 0 : i32
    %c0_i32_0 = arith.constant 0 : i32
    %c0_i32_1 = arith.constant 0 : i32
    return %c0_i32, %c0_i32_0 : i32, i32
  }
  func.func @transform_3(%arg0: i32, %arg1: i32) -> (i32, i32) {
    %c0_i32 = arith.constant 0 : i32
    %c0_i32_0 = arith.constant 0 : i32
    %c0_i32_1 = arith.constant 0 : i32
    return %c0_i32, %c0_i32_0 : i32, i32
  }
  func.func @transform_4(%arg0: i32, %arg1: i32) -> (i32, i32) {
    %c0_i32 = arith.constant 0 : i32
    %c0_i32_0 = arith.constant 0 : i32
    %c0_i32_1 = arith.constant 0 : i32
    return %c0_i32, %c0_i32_0 : i32, i32
  }
  func.func @transform_5(%arg0: i32, %arg1: i32) -> (i32, i32) {
    %c0_i32 = arith.constant 0 : i32
    %c0_i32_0 = arith.constant 0 : i32
    %c0_i32_1 = arith.constant 0 : i32
    return %c0_i32, %c0_i32_0 : i32, i32
  }
  func.func @transform_6(%arg0: i32, %arg1: i32) -> (i32, i32, i32) {
    %c0_i32 = arith.constant 0 : i32
    %c0_i32_0 = arith.constant 0 : i32
    return %arg0, %arg1, %c0_i32 : i32, i32, i32
  }
  func.func @transform_7(%arg0: i32, %arg1: i32) -> (i32, i32) {
    %c0_i32 = arith.constant 0 : i32
    %c0_i32_0 = arith.constant 0 : i32
    %c0_i32_1 = arith.constant 0 : i32
    return %c0_i32, %c0_i32_0 : i32, i32
  }
  func.func @transform_8(%arg0: i32, %arg1: i32) -> (i32, i32) {
    %c0_i32 = arith.constant 0 : i32
    %c0_i32_0 = arith.constant 0 : i32
    %c0_i32_1 = arith.constant 0 : i32
    return %c0_i32, %c0_i32_0 : i32, i32
  }
}

module attributes {stable_mosaic.version = 14 : i64} {
  func.func @_finalize_kernel(%arg0: i32, %arg1: memref<1x1024x128xf32, #tpu.memory_space<vmem>>, %arg2: memref<1x128xf32, #tpu.memory_space<vmem>>, %arg3: memref<1x128xf32, #tpu.memory_space<vmem>>, %arg4: memref<1x1024x128xf32, #tpu.memory_space<vmem>>) attributes {dimension_semantics = [#tpu.dimension_semantics<arbitrary>], iteration_bounds = array<i64: 16>, scalar_prefetch = 0 : i64, scratch_operands = 0 : i64, tpu.core_type = #tpu.core_type<tc>, window_params = [{transform_indices = @transform_0, window_bounds = array<i64: 1, 1024, 128>}, {pipeline_mode = #tpu.pipeline_mode<synchronous>, transform_indices = @transform_1, window_bounds = array<i64: 1, 128>}, {pipeline_mode = #tpu.pipeline_mode<synchronous>, transform_indices = @transform_2, window_bounds = array<i64: 1, 128>}, {transform_indices = @transform_3, window_bounds = array<i64: 1, 1024, 128>}]} {
    %get3A = arith.constant 0 : index
    %get3A_0 = arith.constant 0 : index
    %get3A_1 = arith.constant 0 : index
    %get3A_2 = vector.load %arg1[%get3A, %get3A_0, %get3A_1] : memref<1x1024x128xf32, #tpu.memory_space<vmem>>, vector<1x1024x128xf32>
    %get3A_3 = vector.shape_cast %get3A_2 : vector<1x1024x128xf32> to vector<1024x128xf32>
    %get3A_4 = arith.constant 0 : index
    %get3A_5 = arith.constant 0 : index
    %get3A_6 = vector.load %arg2[%get3A_4, %get3A_5] : memref<1x128xf32, #tpu.memory_space<vmem>>, vector<1x128xf32>
    %div3A = arith.constant 7.864320e+05 : f32
    %div3A_7 = vector.broadcast %div3A : f32 to vector<1x128xf32>
    %div3A_8 = arith.divf %get3A_6, %div3A_7 : vector<1x128xf32>
    %get3A_9 = arith.constant 0 : index
    %get3A_10 = arith.constant 0 : index
    %get3A_11 = vector.load %arg3[%get3A_9, %get3A_10] : memref<1x128xf32, #tpu.memory_space<vmem>>, vector<1x128xf32>
    %div3A_12 = arith.constant 7.864320e+05 : f32
    %div3A_13 = vector.broadcast %div3A_12 : f32 to vector<1x128xf32>
    %div3A_14 = arith.divf %get3A_11, %div3A_13 : vector<1x128xf32>
    %mul3A = arith.mulf %div3A_8, %div3A_8 : vector<1x128xf32>
    %sub3A = arith.subf %div3A_14, %mul3A : vector<1x128xf32>
    %sub3A_15 = vector.broadcast %div3A_8 : vector<1x128xf32> to vector<1024x128xf32>
    %sub3A_16 = arith.subf %get3A_3, %sub3A_15 : vector<1024x128xf32>
    %add3A = arith.constant 9.99999974E-6 : f32
    %add3A_17 = vector.broadcast %add3A : f32 to vector<1x128xf32>
    %add3A_18 = arith.addf %sub3A, %add3A_17 : vector<1x128xf32>
    %sqrt3A = math.sqrt %add3A_18 : vector<1x128xf32>
    %div3A_19 = vector.broadcast %sqrt3A : vector<1x128xf32> to vector<1024x128xf32>
    %div3A_20 = arith.divf %sub3A_16, %div3A_19 : vector<1024x128xf32>
    %max3A = arith.constant 0.000000e+00 : f32
    %max3A_21 = vector.broadcast %max3A : f32 to vector<1024x128xf32>
    %max3A_22 = arith.maximumf %div3A_20, %max3A_21 : vector<1024x128xf32>
    %swap3A = arith.constant 0 : index
    %swap3A_23 = arith.constant 0 : index
    %swap3A_24 = arith.constant 0 : index
    %swap3A_25 = vector.load %arg4[%swap3A, %swap3A_23, %swap3A_24] : memref<1x1024x128xf32, #tpu.memory_space<vmem>>, vector<1x1024x128xf32>
    %swap3A_26 = vector.shape_cast %swap3A_25 : vector<1x1024x128xf32> to vector<1024x128xf32>
    %swap3A_27 = vector.shape_cast %max3A_22 : vector<1024x128xf32> to vector<1x1024x128xf32>
    tpu.vector_store %arg4[%swap3A, %swap3A_23, %swap3A_24], %swap3A_27 {strides = array<i32>} : memref<1x1024x128xf32, #tpu.memory_space<vmem>>, vector<1x1024x128xf32>,
    return
  }
  func.func @transform_0(%arg0: i32) -> (i32, i32, i32) {
    %c0_i32 = arith.constant 0 : i32
    %c0_i32_0 = arith.constant 0 : i32
    %c0_i32_1 = arith.constant 0 : i32
    return %arg0, %c0_i32, %c0_i32_0 : i32, i32, i32
  }
  func.func @transform_1(%arg0: i32) -> (i32, i32) {
    %c0_i32 = arith.constant 0 : i32
    %c0_i32_0 = arith.constant 0 : i32
    %c0_i32_1 = arith.constant 0 : i32
    return %c0_i32, %c0_i32_0 : i32, i32
  }
  func.func @transform_2(%arg0: i32) -> (i32, i32) {
    %c0_i32 = arith.constant 0 : i32
    %c0_i32_0 = arith.constant 0 : i32
    %c0_i32_1 = arith.constant 0 : i32
    return %c0_i32, %c0_i32_0 : i32, i32
  }
  func.func @transform_3(%arg0: i32) -> (i32, i32, i32) {
    %c0_i32 = arith.constant 0 : i32
    %c0_i32_0 = arith.constant 0 : i32
    %c0_i32_1 = arith.constant 0 : i32
    return %arg0, %c0_i32, %c0_i32_0 : i32, i32, i32
  }
}

module attributes {stable_mosaic.version = 14 : i64} {
  func.func @_ballquery_kernel(%arg0: i32, %arg1: i32, %arg2: memref<1x3x512xf32, #tpu.memory_space<vmem>>, %arg3: memref<1x3x256xf32, #tpu.memory_space<vmem>>, %arg4: memref<1x256x64xi32, #tpu.memory_space<vmem>>, %arg5: memref<256x8x128xf32, #tpu.memory_space<vmem>>) attributes {dimension_semantics = [#tpu.dimension_semantics<arbitrary>, #tpu.dimension_semantics<arbitrary>], iteration_bounds = array<i64: 16, 1>, scalar_prefetch = 0 : i64, scratch_operands = 1 : i64, tpu.core_type = #tpu.core_type<tc>, window_params = [{transform_indices = @transform_0, window_bounds = array<i64: 1, 3, 512>}, {transform_indices = @transform_1, window_bounds = array<i64: 1, 3, 256>}, {transform_indices = @transform_2, window_bounds = array<i64: 1, 256, 64>}]} {
    %get3A = arith.constant 0 : index
    %get3A_0 = arith.constant 0 : index
    %get3A_1 = arith.constant 0 : index
    %get3A_2 = vector.load %arg2[%get3A, %get3A_0, %get3A_1] : memref<1x3x512xf32, #tpu.memory_space<vmem>>, vector<1x3x512xf32>
    %get3A_3 = vector.shape_cast %get3A_2 : vector<1x3x512xf32> to vector<3x512xf32>
    %get3A_4 = arith.constant 0 : index
    %get3A_5 = arith.constant 0 : index
    %get3A_6 = arith.constant 0 : index
    %get3A_7 = vector.load %arg3[%get3A_4, %get3A_5, %get3A_6] : memref<1x3x256xf32, #tpu.memory_space<vmem>>, vector<1x3x256xf32>
    %get3A_8 = vector.shape_cast %get3A_7 : vector<1x3x256xf32> to vector<3x256xf32>
    %mul3A = arith.mulf %get3A_8, %get3A_8 : vector<3x256xf32>
    %reduce_sum3A = arith.constant dense<0.000000e+00> : vector<256xf32>
    %reduce_sum3A_9 = vector.multi_reduction <add>, %mul3A, %reduce_sum3A [0] : vector<3x256xf32> to vector<256xf32>
    %broadcast_in_dim3A = vector.shape_cast %reduce_sum3A_9 : vector<256xf32> to vector<256x1xf32>
    %mul3A_10 = arith.mulf %get3A_3, %get3A_3 : vector<3x512xf32>
    %reduce_sum3A_11 = arith.constant dense<0.000000e+00> : vector<512xf32>
    %reduce_sum3A_12 = vector.multi_reduction <add>, %mul3A_10, %reduce_sum3A_11 [0] : vector<3x512xf32> to vector<512xf32>
    %broadcast_in_dim3A_13 = vector.shape_cast %reduce_sum3A_12 : vector<512xf32> to vector<1x512xf32>
    %dot_general3A = arith.constant dense<0.000000e+00> : vector<256x512xf32>
    %dot_general3A_14 = tpu.matmul %get3A_8, %get3A_3, %dot_general3A {dimension_numbers = #tpu.dot_dimension_numbers<[0], [0], [1], [1], [0, 1, 1, 1], [], []>, transpose_lhs_hint = false} : vector<3x256xf32>, vector<3x512xf32>, vector<256x512xf32> -> vector<256x512xf32>
    %add3A = vector.broadcast %broadcast_in_dim3A : vector<256x1xf32> to vector<256x512xf32>
    %add3A_15 = vector.broadcast %broadcast_in_dim3A_13 : vector<1x512xf32> to vector<256x512xf32>
    %add3A_16 = arith.addf %add3A, %add3A_15 : vector<256x512xf32>
    %mul3A_17 = arith.constant 2.000000e+00 : f32
    %mul3A_18 = vector.broadcast %mul3A_17 : f32 to vector<256x512xf32>
    %mul3A_19 = arith.mulf %mul3A_18, %dot_general3A_14 : vector<256x512xf32>
    %sub3A = arith.subf %add3A_16, %mul3A_19 : vector<256x512xf32>
    %le3A = arith.constant 1.024000e-01 : f32
    %le3A_20 = vector.broadcast %le3A : f32 to vector<256x512xf32>
    %le3A_21 = arith.cmpf ole, %sub3A, %le3A_20 : vector<256x512xf32>
    %convert_element_type3A = arith.extui %le3A_21 : vector<256x512xi1> to vector<256x512xi32>
    %convert_element_type3A_22 = arith.sitofp %convert_element_type3A : vector<256x512xi32> to vector<256x512xf32>
    %iota3A = tpu.iota {dimensions = array<i32: 0>} : vector<512x4xi32>
    %iota3A_23 = tpu.iota {dimensions = array<i32: 1>} : vector<512x4xi32>
    %jit3A = arith.constant 128 : i32
    %div3A = vector.broadcast %jit3A : i32 to vector<512x4xi32>
    %div3A_24 = arith.divsi %iota3A, %div3A : vector<512x4xi32>
    %sign3A = arith.constant 0 : i32
    %sign3A_25 = vector.broadcast %sign3A : i32 to vector<512x4xi32>
    %sign3A_26 = arith.cmpi sgt, %iota3A, %sign3A_25 : vector<512x4xi32>
    %sign3A_27 = arith.extui %sign3A_26 : vector<512x4xi1> to vector<512x4xi32>
    %sign3A_28 = arith.constant 0 : i32
    %sign3A_29 = vector.broadcast %sign3A_28 : i32 to vector<512x4xi32>
    %sign3A_30 = arith.cmpi slt, %iota3A, %sign3A_29 : vector<512x4xi32>
    %sign3A_31 = arith.extui %sign3A_30 : vector<512x4xi1> to vector<512x4xi32>
    %sign3A_32 = arith.subi %sign3A_27, %sign3A_31 : vector<512x4xi32>
    %sign3A_33 = arith.constant 0 : i32
    %sign3A_34 = arith.cmpi sgt, %jit3A, %sign3A_33 : i32
    %sign3A_35 = arith.extui %sign3A_34 : i1 to i32
    %sign3A_36 = arith.constant 0 : i32
    %sign3A_37 = arith.cmpi slt, %jit3A, %sign3A_36 : i32
    %sign3A_38 = arith.extui %sign3A_37 : i1 to i32
    %sign3A_39 = arith.subi %sign3A_35, %sign3A_38 : i32
    %ne3A = vector.broadcast %sign3A_39 : i32 to vector<512x4xi32>
    %ne3A_40 = arith.cmpi ne, %sign3A_32, %ne3A : vector<512x4xi32>
    %rem3A = vector.broadcast %jit3A : i32 to vector<512x4xi32>
    %rem3A_41 = arith.remsi %iota3A, %rem3A : vector<512x4xi32>
    %ne3A_42 = arith.constant 0 : i32
    %ne3A_43 = vector.broadcast %ne3A_42 : i32 to vector<512x4xi32>
    %ne3A_44 = arith.cmpi ne, %rem3A_41, %ne3A_43 : vector<512x4xi32>
    %and3A = arith.andi %ne3A_40, %ne3A_44 : vector<512x4xi1>
    %sub3A_45 = arith.constant 1 : i32
    %sub3A_46 = vector.broadcast %sub3A_45 : i32 to vector<512x4xi32>
    %sub3A_47 = arith.subi %div3A_24, %sub3A_46 : vector<512x4xi32>
    %select_n3A = arith.select %and3A, %sub3A_47, %div3A_24 : vector<512x4xi1>, vector<512x4xi32>
    %eq3A = arith.cmpi eq, %select_n3A, %iota3A_23 : vector<512x4xi32>
    %convert_element_type3A_48 = arith.extui %eq3A : vector<512x4xi1> to vector<512x4xi32>
    %convert_element_type3A_49 = arith.sitofp %convert_element_type3A_48 : vector<512x4xi32> to vector<512x4xf32>
    %dot_general3A_50 = arith.constant dense<0.000000e+00> : vector<256x4xf32>
    %dot_general3A_51 = tpu.matmul %convert_element_type3A_22, %convert_element_type3A_49, %dot_general3A_50 {dimension_numbers = #tpu.dot_dimension_numbers<[1], [0], [0], [1], [0, 0, 1, 1], [], []>, transpose_lhs_hint = false} : vector<256x512xf32>, vector<512x4xf32>, vector<256x4xf32> -> vector<256x4xf32>
    %iota3A_52 = tpu.iota {dimensions = array<i32: 0>} : vector<4x4xi32>
    %iota3A_53 = tpu.iota {dimensions = array<i32: 1>} : vector<4x4xi32>
    %le3A_54 = arith.cmpi sle, %iota3A_52, %iota3A_53 : vector<4x4xi32>
    %convert_element_type3A_55 = arith.extui %le3A_54 : vector<4x4xi1> to vector<4x4xi32>
    %convert_element_type3A_56 = arith.sitofp %convert_element_type3A_55 : vector<4x4xi32> to vector<4x4xf32>
    %dot_general3A_57 = arith.constant dense<0.000000e+00> : vector<256x4xf32>
    %dot_general3A_58 = tpu.matmul %dot_general3A_51, %convert_element_type3A_56, %dot_general3A_57 {dimension_numbers = #tpu.dot_dimension_numbers<[1], [0], [0], [1], [0, 0, 1, 1], [], []>, transpose_lhs_hint = false} : vector<256x4xf32>, vector<4x4xf32>, vector<256x4xf32> -> vector<256x4xf32>
    %sub3A_59 = arith.subf %dot_general3A_58, %dot_general3A_51 : vector<256x4xf32>
    %slice3A = vector.extract_strided_slice %dot_general3A_58 {offsets = [0, 3], sizes = [256, 1], strides = [1, 1]} : vector<256x4xf32> to vector<256x1xf32>
    %iota3A_60 = tpu.iota {dimensions = array<i32: 0>} : vector<128x128xi32>
    %iota3A_61 = tpu.iota {dimensions = array<i32: 1>} : vector<128x128xi32>
    %le3A_62 = arith.cmpi sle, %iota3A_60, %iota3A_61 : vector<128x128xi32>
    %convert_element_type3A_63 = arith.extui %le3A_62 : vector<128x128xi1> to vector<128x128xi32>
    %convert_element_type3A_64 = arith.sitofp %convert_element_type3A_63 : vector<128x128xi32> to vector<128x128xf32>
    %broadcast_in_dim3A_65 = arith.constant 0.000000e+00 : f32
    %broadcast_in_dim3A_66 = vector.broadcast %broadcast_in_dim3A_65 : f32 to vector<256x8x128xf32>
    %swap3A = arith.constant 0 : index
    %swap3A_67 = arith.constant 0 : index
    %swap3A_68 = arith.constant 0 : index
    %swap3A_69 = vector.load %arg5[%swap3A, %swap3A_67, %swap3A_68] : memref<256x8x128xf32, #tpu.memory_space<vmem>>, vector<256x8x128xf32>
    tpu.vector_store %arg5[%swap3A, %swap3A_67, %swap3A_68], %broadcast_in_dim3A_66 {strides = array<i32>} : memref<256x8x128xf32, #tpu.memory_space<vmem>>, vector<256x8x128xf32>,
    %slice3A_70 = vector.extract_strided_slice %convert_element_type3A_22 {offsets = [0, 0], sizes = [256, 128], strides = [1, 1]} : vector<256x512xf32> to vector<256x128xf32>
    %dot_general3A_71 = arith.constant dense<0.000000e+00> : vector<256x128xf32>
    %dot_general3A_72 = tpu.matmul %slice3A_70, %convert_element_type3A_64, %dot_general3A_71 {dimension_numbers = #tpu.dot_dimension_numbers<[1], [0], [0], [1], [0, 0, 1, 1], [], []>, transpose_lhs_hint = false} : vector<256x128xf32>, vector<128x128xf32>, vector<256x128xf32> -> vector<256x128xf32>
    %swap3A_73 = arith.constant 0 : index
    %swap3A_74 = arith.constant 0 : index
    %swap3A_75 = arith.constant 0 : index
    %swap3A_76 = vector.load %arg5[%swap3A_73, %swap3A_74, %swap3A_75] : memref<256x8x128xf32, #tpu.memory_space<vmem>>, vector<256x1x128xf32>
    %swap3A_77 = vector.shape_cast %swap3A_76 : vector<256x1x128xf32> to vector<256x128xf32>
    %swap3A_78 = vector.shape_cast %dot_general3A_72 : vector<256x128xf32> to vector<256x1x128xf32>
    tpu.vector_store %arg5[%swap3A_73, %swap3A_74, %swap3A_75], %swap3A_78 {strides = array<i32>} : memref<256x8x128xf32, #tpu.memory_space<vmem>>, vector<256x1x128xf32>,
    %slice3A_79 = vector.extract_strided_slice %convert_element_type3A_22 {offsets = [0, 128], sizes = [256, 128], strides = [1, 1]} : vector<256x512xf32> to vector<256x128xf32>
    %dot_general3A_80 = arith.constant dense<0.000000e+00> : vector<256x128xf32>
    %dot_general3A_81 = tpu.matmul %slice3A_79, %convert_element_type3A_64, %dot_general3A_80 {dimension_numbers = #tpu.dot_dimension_numbers<[1], [0], [0], [1], [0, 0, 1, 1], [], []>, transpose_lhs_hint = false} : vector<256x128xf32>, vector<128x128xf32>, vector<256x128xf32> -> vector<256x128xf32>
    %swap3A_82 = arith.constant 0 : index
    %swap3A_83 = arith.constant 1 : index
    %swap3A_84 = arith.constant 0 : index
    %swap3A_85 = vector.load %arg5[%swap3A_82, %swap3A_83, %swap3A_84] : memref<256x8x128xf32, #tpu.memory_space<vmem>>, vector<256x1x128xf32>
    %swap3A_86 = vector.shape_cast %swap3A_85 : vector<256x1x128xf32> to vector<256x128xf32>
    %swap3A_87 = vector.shape_cast %dot_general3A_81 : vector<256x128xf32> to vector<256x1x128xf32>
    tpu.vector_store %arg5[%swap3A_82, %swap3A_83, %swap3A_84], %swap3A_87 {strides = array<i32>} : memref<256x8x128xf32, #tpu.memory_space<vmem>>, vector<256x1x128xf32>,
    %slice3A_88 = vector.extract_strided_slice %convert_element_type3A_22 {offsets = [0, 256], sizes = [256, 128], strides = [1, 1]} : vector<256x512xf32> to vector<256x128xf32>
    %dot_general3A_89 = arith.constant dense<0.000000e+00> : vector<256x128xf32>
    %dot_general3A_90 = tpu.matmul %slice3A_88, %convert_element_type3A_64, %dot_general3A_89 {dimension_numbers = #tpu.dot_dimension_numbers<[1], [0], [0], [1], [0, 0, 1, 1], [], []>, transpose_lhs_hint = false} : vector<256x128xf32>, vector<128x128xf32>, vector<256x128xf32> -> vector<256x128xf32>
    %swap3A_91 = arith.constant 0 : index
    %swap3A_92 = arith.constant 2 : index
    %swap3A_93 = arith.constant 0 : index
    %swap3A_94 = vector.load %arg5[%swap3A_91, %swap3A_92, %swap3A_93] : memref<256x8x128xf32, #tpu.memory_space<vmem>>, vector<256x1x128xf32>
    %swap3A_95 = vector.shape_cast %swap3A_94 : vector<256x1x128xf32> to vector<256x128xf32>
    %swap3A_96 = vector.shape_cast %dot_general3A_90 : vector<256x128xf32> to vector<256x1x128xf32>
    tpu.vector_store %arg5[%swap3A_91, %swap3A_92, %swap3A_93], %swap3A_96 {strides = array<i32>} : memref<256x8x128xf32, #tpu.memory_space<vmem>>, vector<256x1x128xf32>,
    %slice3A_97 = vector.extract_strided_slice %convert_element_type3A_22 {offsets = [0, 384], sizes = [256, 128], strides = [1, 1]} : vector<256x512xf32> to vector<256x128xf32>
    %dot_general3A_98 = arith.constant dense<0.000000e+00> : vector<256x128xf32>
    %dot_general3A_99 = tpu.matmul %slice3A_97, %convert_element_type3A_64, %dot_general3A_98 {dimension_numbers = #tpu.dot_dimension_numbers<[1], [0], [0], [1], [0, 0, 1, 1], [], []>, transpose_lhs_hint = false} : vector<256x128xf32>, vector<128x128xf32>, vector<256x128xf32> -> vector<256x128xf32>
    %swap3A_100 = arith.constant 0 : index
    %swap3A_101 = arith.constant 3 : index
    %swap3A_102 = arith.constant 0 : index
    %swap3A_103 = vector.load %arg5[%swap3A_100, %swap3A_101, %swap3A_102] : memref<256x8x128xf32, #tpu.memory_space<vmem>>, vector<256x1x128xf32>
    %swap3A_104 = vector.shape_cast %swap3A_103 : vector<256x1x128xf32> to vector<256x128xf32>
    %swap3A_105 = vector.shape_cast %dot_general3A_99 : vector<256x128xf32> to vector<256x1x128xf32>
    tpu.vector_store %arg5[%swap3A_100, %swap3A_101, %swap3A_102], %swap3A_105 {strides = array<i32>} : memref<256x8x128xf32, #tpu.memory_space<vmem>>, vector<256x1x128xf32>,
    %iota3A_106 = tpu.iota {dimensions = array<i32: 1>} : vector<256x64xi32>
    %convert_element_type3A_107 = arith.sitofp %iota3A_106 : vector<256x64xi32> to vector<256x64xf32>
    %le3A_108 = arith.constant 0.000000e+00 : f32
    %le3A_109 = vector.broadcast %le3A_108 : f32 to vector<256x4xf32>
    %le3A_110 = arith.cmpf ole, %dot_general3A_58, %le3A_109 : vector<256x4xf32>
    %convert_element_type3A_111 = arith.extui %le3A_110 : vector<256x4xi1> to vector<256x4xi32>
    %convert_element_type3A_112 = arith.sitofp %convert_element_type3A_111 : vector<256x4xi32> to vector<256x4xf32>
    %reduce_sum3A_113 = arith.constant dense<0.000000e+00> : vector<256xf32>
    %reduce_sum3A_114 = vector.multi_reduction <add>, %convert_element_type3A_112, %reduce_sum3A_113 [1] : vector<256x4xf32> to vector<256xf32>
    %broadcast_in_dim3A_115 = vector.shape_cast %reduce_sum3A_114 : vector<256xf32> to vector<256x1xf32>
    %le3A_116 = arith.constant 1.000000e+00 : f32
    %le3A_117 = vector.broadcast %le3A_116 : f32 to vector<256x4xf32>
    %le3A_118 = arith.cmpf ole, %dot_general3A_58, %le3A_117 : vector<256x4xf32>
    %convert_element_type3A_119 = arith.extui %le3A_118 : vector<256x4xi1> to vector<256x4xi32>
    %convert_element_type3A_120 = arith.sitofp %convert_element_type3A_119 : vector<256x4xi32> to vector<256x4xf32>
    %reduce_sum3A_121 = arith.constant dense<0.000000e+00> : vector<256xf32>
    %reduce_sum3A_122 = vector.multi_reduction <add>, %convert_element_type3A_120, %reduce_sum3A_121 [1] : vector<256x4xf32> to vector<256xf32>
    %broadcast_in_dim3A_123 = vector.shape_cast %reduce_sum3A_122 : vector<256xf32> to vector<256x1xf32>
    %le3A_124 = arith.constant 2.000000e+00 : f32
    %le3A_125 = vector.broadcast %le3A_124 : f32 to vector<256x4xf32>
    %le3A_126 = arith.cmpf ole, %dot_general3A_58, %le3A_125 : vector<256x4xf32>
    %convert_element_type3A_127 = arith.extui %le3A_126 : vector<256x4xi1> to vector<256x4xi32>
    %convert_element_type3A_128 = arith.sitofp %convert_element_type3A_127 : vector<256x4xi32> to vector<256x4xf32>
    %reduce_sum3A_129 = arith.constant dense<0.000000e+00> : vector<256xf32>
    %reduce_sum3A_130 = vector.multi_reduction <add>, %convert_element_type3A_128, %reduce_sum3A_129 [1] : vector<256x4xf32> to vector<256xf32>
    %broadcast_in_dim3A_131 = vector.shape_cast %reduce_sum3A_130 : vector<256xf32> to vector<256x1xf32>
    %le3A_132 = arith.constant 3.000000e+00 : f32
    %le3A_133 = vector.broadcast %le3A_132 : f32 to vector<256x4xf32>
    %le3A_134 = arith.cmpf ole, %dot_general3A_58, %le3A_133 : vector<256x4xf32>
    %convert_element_type3A_135 = arith.extui %le3A_134 : vector<256x4xi1> to vector<256x4xi32>
    %convert_element_type3A_136 = arith.sitofp %convert_element_type3A_135 : vector<256x4xi32> to vector<256x4xf32>
    %reduce_sum3A_137 = arith.constant dense<0.000000e+00> : vector<256xf32>
    %reduce_sum3A_138 = vector.multi_reduction <add>, %convert_element_type3A_136, %reduce_sum3A_137 [1] : vector<256x4xf32> to vector<256xf32>
    %broadcast_in_dim3A_139 = vector.shape_cast %reduce_sum3A_138 : vector<256xf32> to vector<256x1xf32>
    %le3A_140 = arith.constant 4.000000e+00 : f32
    %le3A_141 = vector.broadcast %le3A_140 : f32 to vector<256x4xf32>
    %le3A_142 = arith.cmpf ole, %dot_general3A_58, %le3A_141 : vector<256x4xf32>
    %convert_element_type3A_143 = arith.extui %le3A_142 : vector<256x4xi1> to vector<256x4xi32>
    %convert_element_type3A_144 = arith.sitofp %convert_element_type3A_143 : vector<256x4xi32> to vector<256x4xf32>
    %reduce_sum3A_145 = arith.constant dense<0.000000e+00> : vector<256xf32>
    %reduce_sum3A_146 = vector.multi_reduction <add>, %convert_element_type3A_144, %reduce_sum3A_145 [1] : vector<256x4xf32> to vector<256xf32>
    %broadcast_in_dim3A_147 = vector.shape_cast %reduce_sum3A_146 : vector<256xf32> to vector<256x1xf32>
    %le3A_148 = arith.constant 5.000000e+00 : f32
    %le3A_149 = vector.broadcast %le3A_148 : f32 to vector<256x4xf32>
    %le3A_150 = arith.cmpf ole, %dot_general3A_58, %le3A_149 : vector<256x4xf32>
    %convert_element_type3A_151 = arith.extui %le3A_150 : vector<256x4xi1> to vector<256x4xi32>
    %convert_element_type3A_152 = arith.sitofp %convert_element_type3A_151 : vector<256x4xi32> to vector<256x4xf32>
    %reduce_sum3A_153 = arith.constant dense<0.000000e+00> : vector<256xf32>
    %reduce_sum3A_154 = vector.multi_reduction <add>, %convert_element_type3A_152, %reduce_sum3A_153 [1] : vector<256x4xf32> to vector<256xf32>
    %broadcast_in_dim3A_155 = vector.shape_cast %reduce_sum3A_154 : vector<256xf32> to vector<256x1xf32>
    %le3A_156 = arith.constant 6.000000e+00 : f32
    %le3A_157 = vector.broadcast %le3A_156 : f32 to vector<256x4xf32>
    %le3A_158 = arith.cmpf ole, %dot_general3A_58, %le3A_157 : vector<256x4xf32>
    %convert_element_type3A_159 = arith.extui %le3A_158 : vector<256x4xi1> to vector<256x4xi32>
    %convert_element_type3A_160 = arith.sitofp %convert_element_type3A_159 : vector<256x4xi32> to vector<256x4xf32>
    %reduce_sum3A_161 = arith.constant dense<0.000000e+00> : vector<256xf32>
    %reduce_sum3A_162 = vector.multi_reduction <add>, %convert_element_type3A_160, %reduce_sum3A_161 [1] : vector<256x4xf32> to vector<256xf32>
    %broadcast_in_dim3A_163 = vector.shape_cast %reduce_sum3A_162 : vector<256xf32> to vector<256x1xf32>
    %le3A_164 = arith.constant 7.000000e+00 : f32
    %le3A_165 = vector.broadcast %le3A_164 : f32 to vector<256x4xf32>
    %le3A_166 = arith.cmpf ole, %dot_general3A_58, %le3A_165 : vector<256x4xf32>
    %convert_element_type3A_167 = arith.extui %le3A_166 : vector<256x4xi1> to vector<256x4xi32>
    %convert_element_type3A_168 = arith.sitofp %convert_element_type3A_167 : vector<256x4xi32> to vector<256x4xf32>
    %reduce_sum3A_169 = arith.constant dense<0.000000e+00> : vector<256xf32>
    %reduce_sum3A_170 = vector.multi_reduction <add>, %convert_element_type3A_168, %reduce_sum3A_169 [1] : vector<256x4xf32> to vector<256xf32>
    %broadcast_in_dim3A_171 = vector.shape_cast %reduce_sum3A_170 : vector<256xf32> to vector<256x1xf32>
    %le3A_172 = arith.constant 8.000000e+00 : f32
    %le3A_173 = vector.broadcast %le3A_172 : f32 to vector<256x4xf32>
    %le3A_174 = arith.cmpf ole, %dot_general3A_58, %le3A_173 : vector<256x4xf32>
    %convert_element_type3A_175 = arith.extui %le3A_174 : vector<256x4xi1> to vector<256x4xi32>
    %convert_element_type3A_176 = arith.sitofp %convert_element_type3A_175 : vector<256x4xi32> to vector<256x4xf32>
    %reduce_sum3A_177 = arith.constant dense<0.000000e+00> : vector<256xf32>
    %reduce_sum3A_178 = vector.multi_reduction <add>, %convert_element_type3A_176, %reduce_sum3A_177 [1] : vector<256x4xf32> to vector<256xf32>
    %broadcast_in_dim3A_179 = vector.shape_cast %reduce_sum3A_178 : vector<256xf32> to vector<256x1xf32>
    %le3A_180 = arith.constant 9.000000e+00 : f32
    %le3A_181 = vector.broadcast %le3A_180 : f32 to vector<256x4xf32>
    %le3A_182 = arith.cmpf ole, %dot_general3A_58, %le3A_181 : vector<256x4xf32>
    %convert_element_type3A_183 = arith.extui %le3A_182 : vector<256x4xi1> to vector<256x4xi32>
    %convert_element_type3A_184 = arith.sitofp %convert_element_type3A_183 : vector<256x4xi32> to vector<256x4xf32>
    %reduce_sum3A_185 = arith.constant dense<0.000000e+00> : vector<256xf32>
    %reduce_sum3A_186 = vector.multi_reduction <add>, %convert_element_type3A_184, %reduce_sum3A_185 [1] : vector<256x4xf32> to vector<256xf32>
    %broadcast_in_dim3A_187 = vector.shape_cast %reduce_sum3A_186 : vector<256xf32> to vector<256x1xf32>
    %le3A_188 = arith.constant 1.000000e+01 : f32
    %le3A_189 = vector.broadcast %le3A_188 : f32 to vector<256x4xf32>
    %le3A_190 = arith.cmpf ole, %dot_general3A_58, %le3A_189 : vector<256x4xf32>
    %convert_element_type3A_191 = arith.extui %le3A_190 : vector<256x4xi1> to vector<256x4xi32>
    %convert_element_type3A_192 = arith.sitofp %convert_element_type3A_191 : vector<256x4xi32> to vector<256x4xf32>
    %reduce_sum3A_193 = arith.constant dense<0.000000e+00> : vector<256xf32>
    %reduce_sum3A_194 = vector.multi_reduction <add>, %convert_element_type3A_192, %reduce_sum3A_193 [1] : vector<256x4xf32> to vector<256xf32>
    %broadcast_in_dim3A_195 = vector.shape_cast %reduce_sum3A_194 : vector<256xf32> to vector<256x1xf32>
    %le3A_196 = arith.constant 1.100000e+01 : f32
    %le3A_197 = vector.broadcast %le3A_196 : f32 to vector<256x4xf32>
    %le3A_198 = arith.cmpf ole, %dot_general3A_58, %le3A_197 : vector<256x4xf32>
    %convert_element_type3A_199 = arith.extui %le3A_198 : vector<256x4xi1> to vector<256x4xi32>
    %convert_element_type3A_200 = arith.sitofp %convert_element_type3A_199 : vector<256x4xi32> to vector<256x4xf32>
    %reduce_sum3A_201 = arith.constant dense<0.000000e+00> : vector<256xf32>
    %reduce_sum3A_202 = vector.multi_reduction <add>, %convert_element_type3A_200, %reduce_sum3A_201 [1] : vector<256x4xf32> to vector<256xf32>
    %broadcast_in_dim3A_203 = vector.shape_cast %reduce_sum3A_202 : vector<256xf32> to vector<256x1xf32>
    %le3A_204 = arith.constant 1.200000e+01 : f32
    %le3A_205 = vector.broadcast %le3A_204 : f32 to vector<256x4xf32>
    %le3A_206 = arith.cmpf ole, %dot_general3A_58, %le3A_205 : vector<256x4xf32>
    %convert_element_type3A_207 = arith.extui %le3A_206 : vector<256x4xi1> to vector<256x4xi32>
    %convert_element_type3A_208 = arith.sitofp %convert_element_type3A_207 : vector<256x4xi32> to vector<256x4xf32>
    %reduce_sum3A_209 = arith.constant dense<0.000000e+00> : vector<256xf32>
    %reduce_sum3A_210 = vector.multi_reduction <add>, %convert_element_type3A_208, %reduce_sum3A_209 [1] : vector<256x4xf32> to vector<256xf32>
    %broadcast_in_dim3A_211 = vector.shape_cast %reduce_sum3A_210 : vector<256xf32> to vector<256x1xf32>
    %le3A_212 = arith.constant 1.300000e+01 : f32
    %le3A_213 = vector.broadcast %le3A_212 : f32 to vector<256x4xf32>
    %le3A_214 = arith.cmpf ole, %dot_general3A_58, %le3A_213 : vector<256x4xf32>
    %convert_element_type3A_215 = arith.extui %le3A_214 : vector<256x4xi1> to vector<256x4xi32>
    %convert_element_type3A_216 = arith.sitofp %convert_element_type3A_215 : vector<256x4xi32> to vector<256x4xf32>
    %reduce_sum3A_217 = arith.constant dense<0.000000e+00> : vector<256xf32>
    %reduce_sum3A_218 = vector.multi_reduction <add>, %convert_element_type3A_216, %reduce_sum3A_217 [1] : vector<256x4xf32> to vector<256xf32>
    %broadcast_in_dim3A_219 = vector.shape_cast %reduce_sum3A_218 : vector<256xf32> to vector<256x1xf32>
    %le3A_220 = arith.constant 1.400000e+01 : f32
    %le3A_221 = vector.broadcast %le3A_220 : f32 to vector<256x4xf32>
    %le3A_222 = arith.cmpf ole, %dot_general3A_58, %le3A_221 : vector<256x4xf32>
    %convert_element_type3A_223 = arith.extui %le3A_222 : vector<256x4xi1> to vector<256x4xi32>
    %convert_element_type3A_224 = arith.sitofp %convert_element_type3A_223 : vector<256x4xi32> to vector<256x4xf32>
    %reduce_sum3A_225 = arith.constant dense<0.000000e+00> : vector<256xf32>
    %reduce_sum3A_226 = vector.multi_reduction <add>, %convert_element_type3A_224, %reduce_sum3A_225 [1] : vector<256x4xf32> to vector<256xf32>
    %broadcast_in_dim3A_227 = vector.shape_cast %reduce_sum3A_226 : vector<256xf32> to vector<256x1xf32>
    %le3A_228 = arith.constant 1.500000e+01 : f32
    %le3A_229 = vector.broadcast %le3A_228 : f32 to vector<256x4xf32>
    %le3A_230 = arith.cmpf ole, %dot_general3A_58, %le3A_229 : vector<256x4xf32>
    %convert_element_type3A_231 = arith.extui %le3A_230 : vector<256x4xi1> to vector<256x4xi32>
    %convert_element_type3A_232 = arith.sitofp %convert_element_type3A_231 : vector<256x4xi32> to vector<256x4xf32>
    %reduce_sum3A_233 = arith.constant dense<0.000000e+00> : vector<256xf32>
    %reduce_sum3A_234 = vector.multi_reduction <add>, %convert_element_type3A_232, %reduce_sum3A_233 [1] : vector<256x4xf32> to vector<256xf32>
    %broadcast_in_dim3A_235 = vector.shape_cast %reduce_sum3A_234 : vector<256xf32> to vector<256x1xf32>
    %le3A_236 = arith.constant 1.600000e+01 : f32
    %le3A_237 = vector.broadcast %le3A_236 : f32 to vector<256x4xf32>
    %le3A_238 = arith.cmpf ole, %dot_general3A_58, %le3A_237 : vector<256x4xf32>
    %convert_element_type3A_239 = arith.extui %le3A_238 : vector<256x4xi1> to vector<256x4xi32>
    %convert_element_type3A_240 = arith.sitofp %convert_element_type3A_239 : vector<256x4xi32> to vector<256x4xf32>
    %reduce_sum3A_241 = arith.constant dense<0.000000e+00> : vector<256xf32>
    %reduce_sum3A_242 = vector.multi_reduction <add>, %convert_element_type3A_240, %reduce_sum3A_241 [1] : vector<256x4xf32> to vector<256xf32>
    %broadcast_in_dim3A_243 = vector.shape_cast %reduce_sum3A_242 : vector<256xf32> to vector<256x1xf32>
    %le3A_244 = arith.constant 1.700000e+01 : f32
    %le3A_245 = vector.broadcast %le3A_244 : f32 to vector<256x4xf32>
    %le3A_246 = arith.cmpf ole, %dot_general3A_58, %le3A_245 : vector<256x4xf32>
    %convert_element_type3A_247 = arith.extui %le3A_246 : vector<256x4xi1> to vector<256x4xi32>
    %convert_element_type3A_248 = arith.sitofp %convert_element_type3A_247 : vector<256x4xi32> to vector<256x4xf32>
    %reduce_sum3A_249 = arith.constant dense<0.000000e+00> : vector<256xf32>
    %reduce_sum3A_250 = vector.multi_reduction <add>, %convert_element_type3A_248, %reduce_sum3A_249 [1] : vector<256x4xf32> to vector<256xf32>
    %broadcast_in_dim3A_251 = vector.shape_cast %reduce_sum3A_250 : vector<256xf32> to vector<256x1xf32>
    %le3A_252 = arith.constant 1.800000e+01 : f32
    %le3A_253 = vector.broadcast %le3A_252 : f32 to vector<256x4xf32>
    %le3A_254 = arith.cmpf ole, %dot_general3A_58, %le3A_253 : vector<256x4xf32>
    %convert_element_type3A_255 = arith.extui %le3A_254 : vector<256x4xi1> to vector<256x4xi32>
    %convert_element_type3A_256 = arith.sitofp %convert_element_type3A_255 : vector<256x4xi32> to vector<256x4xf32>
    %reduce_sum3A_257 = arith.constant dense<0.000000e+00> : vector<256xf32>
    %reduce_sum3A_258 = vector.multi_reduction <add>, %convert_element_type3A_256, %reduce_sum3A_257 [1] : vector<256x4xf32> to vector<256xf32>
    %broadcast_in_dim3A_259 = vector.shape_cast %reduce_sum3A_258 : vector<256xf32> to vector<256x1xf32>
    %le3A_260 = arith.constant 1.900000e+01 : f32
    %le3A_261 = vector.broadcast %le3A_260 : f32 to vector<256x4xf32>
    %le3A_262 = arith.cmpf ole, %dot_general3A_58, %le3A_261 : vector<256x4xf32>
    %convert_element_type3A_263 = arith.extui %le3A_262 : vector<256x4xi1> to vector<256x4xi32>
    %convert_element_type3A_264 = arith.sitofp %convert_element_type3A_263 : vector<256x4xi32> to vector<256x4xf32>
    %reduce_sum3A_265 = arith.constant dense<0.000000e+00> : vector<256xf32>
    %reduce_sum3A_266 = vector.multi_reduction <add>, %convert_element_type3A_264, %reduce_sum3A_265 [1] : vector<256x4xf32> to vector<256xf32>
    %broadcast_in_dim3A_267 = vector.shape_cast %reduce_sum3A_266 : vector<256xf32> to vector<256x1xf32>
    %le3A_268 = arith.constant 2.000000e+01 : f32
    %le3A_269 = vector.broadcast %le3A_268 : f32 to vector<256x4xf32>
    %le3A_270 = arith.cmpf ole, %dot_general3A_58, %le3A_269 : vector<256x4xf32>
    %convert_element_type3A_271 = arith.extui %le3A_270 : vector<256x4xi1> to vector<256x4xi32>
    %convert_element_type3A_272 = arith.sitofp %convert_element_type3A_271 : vector<256x4xi32> to vector<256x4xf32>
    %reduce_sum3A_273 = arith.constant dense<0.000000e+00> : vector<256xf32>
    %reduce_sum3A_274 = vector.multi_reduction <add>, %convert_element_type3A_272, %reduce_sum3A_273 [1] : vector<256x4xf32> to vector<256xf32>
    %broadcast_in_dim3A_275 = vector.shape_cast %reduce_sum3A_274 : vector<256xf32> to vector<256x1xf32>
    %le3A_276 = arith.constant 2.100000e+01 : f32
    %le3A_277 = vector.broadcast %le3A_276 : f32 to vector<256x4xf32>
    %le3A_278 = arith.cmpf ole, %dot_general3A_58, %le3A_277 : vector<256x4xf32>
    %convert_element_type3A_279 = arith.extui %le3A_278 : vector<256x4xi1> to vector<256x4xi32>
    %convert_element_type3A_280 = arith.sitofp %convert_element_type3A_279 : vector<256x4xi32> to vector<256x4xf32>
    %reduce_sum3A_281 = arith.constant dense<0.000000e+00> : vector<256xf32>
    %reduce_sum3A_282 = vector.multi_reduction <add>, %convert_element_type3A_280, %reduce_sum3A_281 [1] : vector<256x4xf32> to vector<256xf32>
    %broadcast_in_dim3A_283 = vector.shape_cast %reduce_sum3A_282 : vector<256xf32> to vector<256x1xf32>
    %le3A_284 = arith.constant 2.200000e+01 : f32
    %le3A_285 = vector.broadcast %le3A_284 : f32 to vector<256x4xf32>
    %le3A_286 = arith.cmpf ole, %dot_general3A_58, %le3A_285 : vector<256x4xf32>
    %convert_element_type3A_287 = arith.extui %le3A_286 : vector<256x4xi1> to vector<256x4xi32>
    %convert_element_type3A_288 = arith.sitofp %convert_element_type3A_287 : vector<256x4xi32> to vector<256x4xf32>
    %reduce_sum3A_289 = arith.constant dense<0.000000e+00> : vector<256xf32>
    %reduce_sum3A_290 = vector.multi_reduction <add>, %convert_element_type3A_288, %reduce_sum3A_289 [1] : vector<256x4xf32> to vector<256xf32>
    %broadcast_in_dim3A_291 = vector.shape_cast %reduce_sum3A_290 : vector<256xf32> to vector<256x1xf32>
    %le3A_292 = arith.constant 2.300000e+01 : f32
    %le3A_293 = vector.broadcast %le3A_292 : f32 to vector<256x4xf32>
    %le3A_294 = arith.cmpf ole, %dot_general3A_58, %le3A_293 : vector<256x4xf32>
    %convert_element_type3A_295 = arith.extui %le3A_294 : vector<256x4xi1> to vector<256x4xi32>
    %convert_element_type3A_296 = arith.sitofp %convert_element_type3A_295 : vector<256x4xi32> to vector<256x4xf32>
    %reduce_sum3A_297 = arith.constant dense<0.000000e+00> : vector<256xf32>
    %reduce_sum3A_298 = vector.multi_reduction <add>, %convert_element_type3A_296, %reduce_sum3A_297 [1] : vector<256x4xf32> to vector<256xf32>
    %broadcast_in_dim3A_299 = vector.shape_cast %reduce_sum3A_298 : vector<256xf32> to vector<256x1xf32>
    %le3A_300 = arith.constant 2.400000e+01 : f32
    %le3A_301 = vector.broadcast %le3A_300 : f32 to vector<256x4xf32>
    %le3A_302 = arith.cmpf ole, %dot_general3A_58, %le3A_301 : vector<256x4xf32>
    %convert_element_type3A_303 = arith.extui %le3A_302 : vector<256x4xi1> to vector<256x4xi32>
    %convert_element_type3A_304 = arith.sitofp %convert_element_type3A_303 : vector<256x4xi32> to vector<256x4xf32>
    %reduce_sum3A_305 = arith.constant dense<0.000000e+00> : vector<256xf32>
    %reduce_sum3A_306 = vector.multi_reduction <add>, %convert_element_type3A_304, %reduce_sum3A_305 [1] : vector<256x4xf32> to vector<256xf32>
    %broadcast_in_dim3A_307 = vector.shape_cast %reduce_sum3A_306 : vector<256xf32> to vector<256x1xf32>
    %le3A_308 = arith.constant 2.500000e+01 : f32
    %le3A_309 = vector.broadcast %le3A_308 : f32 to vector<256x4xf32>
    %le3A_310 = arith.cmpf ole, %dot_general3A_58, %le3A_309 : vector<256x4xf32>
    %convert_element_type3A_311 = arith.extui %le3A_310 : vector<256x4xi1> to vector<256x4xi32>
    %convert_element_type3A_312 = arith.sitofp %convert_element_type3A_311 : vector<256x4xi32> to vector<256x4xf32>
    %reduce_sum3A_313 = arith.constant dense<0.000000e+00> : vector<256xf32>
    %reduce_sum3A_314 = vector.multi_reduction <add>, %convert_element_type3A_312, %reduce_sum3A_313 [1] : vector<256x4xf32> to vector<256xf32>
    %broadcast_in_dim3A_315 = vector.shape_cast %reduce_sum3A_314 : vector<256xf32> to vector<256x1xf32>
    %le3A_316 = arith.constant 2.600000e+01 : f32
    %le3A_317 = vector.broadcast %le3A_316 : f32 to vector<256x4xf32>
    %le3A_318 = arith.cmpf ole, %dot_general3A_58, %le3A_317 : vector<256x4xf32>
    %convert_element_type3A_319 = arith.extui %le3A_318 : vector<256x4xi1> to vector<256x4xi32>
    %convert_element_type3A_320 = arith.sitofp %convert_element_type3A_319 : vector<256x4xi32> to vector<256x4xf32>
    %reduce_sum3A_321 = arith.constant dense<0.000000e+00> : vector<256xf32>
    %reduce_sum3A_322 = vector.multi_reduction <add>, %convert_element_type3A_320, %reduce_sum3A_321 [1] : vector<256x4xf32> to vector<256xf32>
    %broadcast_in_dim3A_323 = vector.shape_cast %reduce_sum3A_322 : vector<256xf32> to vector<256x1xf32>
    %le3A_324 = arith.constant 2.700000e+01 : f32
    %le3A_325 = vector.broadcast %le3A_324 : f32 to vector<256x4xf32>
    %le3A_326 = arith.cmpf ole, %dot_general3A_58, %le3A_325 : vector<256x4xf32>
    %convert_element_type3A_327 = arith.extui %le3A_326 : vector<256x4xi1> to vector<256x4xi32>
    %convert_element_type3A_328 = arith.sitofp %convert_element_type3A_327 : vector<256x4xi32> to vector<256x4xf32>
    %reduce_sum3A_329 = arith.constant dense<0.000000e+00> : vector<256xf32>
    %reduce_sum3A_330 = vector.multi_reduction <add>, %convert_element_type3A_328, %reduce_sum3A_329 [1] : vector<256x4xf32> to vector<256xf32>
    %broadcast_in_dim3A_331 = vector.shape_cast %reduce_sum3A_330 : vector<256xf32> to vector<256x1xf32>
    %le3A_332 = arith.constant 2.800000e+01 : f32
    %le3A_333 = vector.broadcast %le3A_332 : f32 to vector<256x4xf32>
    %le3A_334 = arith.cmpf ole, %dot_general3A_58, %le3A_333 : vector<256x4xf32>
    %convert_element_type3A_335 = arith.extui %le3A_334 : vector<256x4xi1> to vector<256x4xi32>
    %convert_element_type3A_336 = arith.sitofp %convert_element_type3A_335 : vector<256x4xi32> to vector<256x4xf32>
    %reduce_sum3A_337 = arith.constant dense<0.000000e+00> : vector<256xf32>
    %reduce_sum3A_338 = vector.multi_reduction <add>, %convert_element_type3A_336, %reduce_sum3A_337 [1] : vector<256x4xf32> to vector<256xf32>
    %broadcast_in_dim3A_339 = vector.shape_cast %reduce_sum3A_338 : vector<256xf32> to vector<256x1xf32>
    %le3A_340 = arith.constant 2.900000e+01 : f32
    %le3A_341 = vector.broadcast %le3A_340 : f32 to vector<256x4xf32>
    %le3A_342 = arith.cmpf ole, %dot_general3A_58, %le3A_341 : vector<256x4xf32>
    %convert_element_type3A_343 = arith.extui %le3A_342 : vector<256x4xi1> to vector<256x4xi32>
    %convert_element_type3A_344 = arith.sitofp %convert_element_type3A_343 : vector<256x4xi32> to vector<256x4xf32>
    %reduce_sum3A_345 = arith.constant dense<0.000000e+00> : vector<256xf32>
    %reduce_sum3A_346 = vector.multi_reduction <add>, %convert_element_type3A_344, %reduce_sum3A_345 [1] : vector<256x4xf32> to vector<256xf32>
    %broadcast_in_dim3A_347 = vector.shape_cast %reduce_sum3A_346 : vector<256xf32> to vector<256x1xf32>
    %le3A_348 = arith.constant 3.000000e+01 : f32
    %le3A_349 = vector.broadcast %le3A_348 : f32 to vector<256x4xf32>
    %le3A_350 = arith.cmpf ole, %dot_general3A_58, %le3A_349 : vector<256x4xf32>
    %convert_element_type3A_351 = arith.extui %le3A_350 : vector<256x4xi1> to vector<256x4xi32>
    %convert_element_type3A_352 = arith.sitofp %convert_element_type3A_351 : vector<256x4xi32> to vector<256x4xf32>
    %reduce_sum3A_353 = arith.constant dense<0.000000e+00> : vector<256xf32>
    %reduce_sum3A_354 = vector.multi_reduction <add>, %convert_element_type3A_352, %reduce_sum3A_353 [1] : vector<256x4xf32> to vector<256xf32>
    %broadcast_in_dim3A_355 = vector.shape_cast %reduce_sum3A_354 : vector<256xf32> to vector<256x1xf32>
    %le3A_356 = arith.constant 3.100000e+01 : f32
    %le3A_357 = vector.broadcast %le3A_356 : f32 to vector<256x4xf32>
    %le3A_358 = arith.cmpf ole, %dot_general3A_58, %le3A_357 : vector<256x4xf32>
    %convert_element_type3A_359 = arith.extui %le3A_358 : vector<256x4xi1> to vector<256x4xi32>
    %convert_element_type3A_360 = arith.sitofp %convert_element_type3A_359 : vector<256x4xi32> to vector<256x4xf32>
    %reduce_sum3A_361 = arith.constant dense<0.000000e+00> : vector<256xf32>
    %reduce_sum3A_362 = vector.multi_reduction <add>, %convert_element_type3A_360, %reduce_sum3A_361 [1] : vector<256x4xf32> to vector<256xf32>
    %broadcast_in_dim3A_363 = vector.shape_cast %reduce_sum3A_362 : vector<256xf32> to vector<256x1xf32>
    %le3A_364 = arith.constant 3.200000e+01 : f32
    %le3A_365 = vector.broadcast %le3A_364 : f32 to vector<256x4xf32>
    %le3A_366 = arith.cmpf ole, %dot_general3A_58, %le3A_365 : vector<256x4xf32>
    %convert_element_type3A_367 = arith.extui %le3A_366 : vector<256x4xi1> to vector<256x4xi32>
    %convert_element_type3A_368 = arith.sitofp %convert_element_type3A_367 : vector<256x4xi32> to vector<256x4xf32>
    %reduce_sum3A_369 = arith.constant dense<0.000000e+00> : vector<256xf32>
    %reduce_sum3A_370 = vector.multi_reduction <add>, %convert_element_type3A_368, %reduce_sum3A_369 [1] : vector<256x4xf32> to vector<256xf32>
    %broadcast_in_dim3A_371 = vector.shape_cast %reduce_sum3A_370 : vector<256xf32> to vector<256x1xf32>
    %le3A_372 = arith.constant 3.300000e+01 : f32
    %le3A_373 = vector.broadcast %le3A_372 : f32 to vector<256x4xf32>
    %le3A_374 = arith.cmpf ole, %dot_general3A_58, %le3A_373 : vector<256x4xf32>
    %convert_element_type3A_375 = arith.extui %le3A_374 : vector<256x4xi1> to vector<256x4xi32>
    %convert_element_type3A_376 = arith.sitofp %convert_element_type3A_375 : vector<256x4xi32> to vector<256x4xf32>
    %reduce_sum3A_377 = arith.constant dense<0.000000e+00> : vector<256xf32>
    %reduce_sum3A_378 = vector.multi_reduction <add>, %convert_element_type3A_376, %reduce_sum3A_377 [1] : vector<256x4xf32> to vector<256xf32>
    %broadcast_in_dim3A_379 = vector.shape_cast %reduce_sum3A_378 : vector<256xf32> to vector<256x1xf32>
    %le3A_380 = arith.constant 3.400000e+01 : f32
    %le3A_381 = vector.broadcast %le3A_380 : f32 to vector<256x4xf32>
    %le3A_382 = arith.cmpf ole, %dot_general3A_58, %le3A_381 : vector<256x4xf32>
    %convert_element_type3A_383 = arith.extui %le3A_382 : vector<256x4xi1> to vector<256x4xi32>
    %convert_element_type3A_384 = arith.sitofp %convert_element_type3A_383 : vector<256x4xi32> to vector<256x4xf32>
    %reduce_sum3A_385 = arith.constant dense<0.000000e+00> : vector<256xf32>
    %reduce_sum3A_386 = vector.multi_reduction <add>, %convert_element_type3A_384, %reduce_sum3A_385 [1] : vector<256x4xf32> to vector<256xf32>
    %broadcast_in_dim3A_387 = vector.shape_cast %reduce_sum3A_386 : vector<256xf32> to vector<256x1xf32>
    %le3A_388 = arith.constant 3.500000e+01 : f32
    %le3A_389 = vector.broadcast %le3A_388 : f32 to vector<256x4xf32>
    %le3A_390 = arith.cmpf ole, %dot_general3A_58, %le3A_389 : vector<256x4xf32>
    %convert_element_type3A_391 = arith.extui %le3A_390 : vector<256x4xi1> to vector<256x4xi32>
    %convert_element_type3A_392 = arith.sitofp %convert_element_type3A_391 : vector<256x4xi32> to vector<256x4xf32>
    %reduce_sum3A_393 = arith.constant dense<0.000000e+00> : vector<256xf32>
    %reduce_sum3A_394 = vector.multi_reduction <add>, %convert_element_type3A_392, %reduce_sum3A_393 [1] : vector<256x4xf32> to vector<256xf32>
    %broadcast_in_dim3A_395 = vector.shape_cast %reduce_sum3A_394 : vector<256xf32> to vector<256x1xf32>
    %le3A_396 = arith.constant 3.600000e+01 : f32
    %le3A_397 = vector.broadcast %le3A_396 : f32 to vector<256x4xf32>
    %le3A_398 = arith.cmpf ole, %dot_general3A_58, %le3A_397 : vector<256x4xf32>
    %convert_element_type3A_399 = arith.extui %le3A_398 : vector<256x4xi1> to vector<256x4xi32>
    %convert_element_type3A_400 = arith.sitofp %convert_element_type3A_399 : vector<256x4xi32> to vector<256x4xf32>
    %reduce_sum3A_401 = arith.constant dense<0.000000e+00> : vector<256xf32>
    %reduce_sum3A_402 = vector.multi_reduction <add>, %convert_element_type3A_400, %reduce_sum3A_401 [1] : vector<256x4xf32> to vector<256xf32>
    %broadcast_in_dim3A_403 = vector.shape_cast %reduce_sum3A_402 : vector<256xf32> to vector<256x1xf32>
    %le3A_404 = arith.constant 3.700000e+01 : f32
    %le3A_405 = vector.broadcast %le3A_404 : f32 to vector<256x4xf32>
    %le3A_406 = arith.cmpf ole, %dot_general3A_58, %le3A_405 : vector<256x4xf32>
    %convert_element_type3A_407 = arith.extui %le3A_406 : vector<256x4xi1> to vector<256x4xi32>
    %convert_element_type3A_408 = arith.sitofp %convert_element_type3A_407 : vector<256x4xi32> to vector<256x4xf32>
    %reduce_sum3A_409 = arith.constant dense<0.000000e+00> : vector<256xf32>
    %reduce_sum3A_410 = vector.multi_reduction <add>, %convert_element_type3A_408, %reduce_sum3A_409 [1] : vector<256x4xf32> to vector<256xf32>
    %broadcast_in_dim3A_411 = vector.shape_cast %reduce_sum3A_410 : vector<256xf32> to vector<256x1xf32>
    %le3A_412 = arith.constant 3.800000e+01 : f32
    %le3A_413 = vector.broadcast %le3A_412 : f32 to vector<256x4xf32>
    %le3A_414 = arith.cmpf ole, %dot_general3A_58, %le3A_413 : vector<256x4xf32>
    %convert_element_type3A_415 = arith.extui %le3A_414 : vector<256x4xi1> to vector<256x4xi32>
    %convert_element_type3A_416 = arith.sitofp %convert_element_type3A_415 : vector<256x4xi32> to vector<256x4xf32>
    %reduce_sum3A_417 = arith.constant dense<0.000000e+00> : vector<256xf32>
    %reduce_sum3A_418 = vector.multi_reduction <add>, %convert_element_type3A_416, %reduce_sum3A_417 [1] : vector<256x4xf32> to vector<256xf32>
    %broadcast_in_dim3A_419 = vector.shape_cast %reduce_sum3A_418 : vector<256xf32> to vector<256x1xf32>
    %le3A_420 = arith.constant 3.900000e+01 : f32
    %le3A_421 = vector.broadcast %le3A_420 : f32 to vector<256x4xf32>
    %le3A_422 = arith.cmpf ole, %dot_general3A_58, %le3A_421 : vector<256x4xf32>
    %convert_element_type3A_423 = arith.extui %le3A_422 : vector<256x4xi1> to vector<256x4xi32>
    %convert_element_type3A_424 = arith.sitofp %convert_element_type3A_423 : vector<256x4xi32> to vector<256x4xf32>
    %reduce_sum3A_425 = arith.constant dense<0.000000e+00> : vector<256xf32>
    %reduce_sum3A_426 = vector.multi_reduction <add>, %convert_element_type3A_424, %reduce_sum3A_425 [1] : vector<256x4xf32> to vector<256xf32>
    %broadcast_in_dim3A_427 = vector.shape_cast %reduce_sum3A_426 : vector<256xf32> to vector<256x1xf32>
    %le3A_428 = arith.constant 4.000000e+01 : f32
    %le3A_429 = vector.broadcast %le3A_428 : f32 to vector<256x4xf32>
    %le3A_430 = arith.cmpf ole, %dot_general3A_58, %le3A_429 : vector<256x4xf32>
    %convert_element_type3A_431 = arith.extui %le3A_430 : vector<256x4xi1> to vector<256x4xi32>
    %convert_element_type3A_432 = arith.sitofp %convert_element_type3A_431 : vector<256x4xi32> to vector<256x4xf32>
    %reduce_sum3A_433 = arith.constant dense<0.000000e+00> : vector<256xf32>
    %reduce_sum3A_434 = vector.multi_reduction <add>, %convert_element_type3A_432, %reduce_sum3A_433 [1] : vector<256x4xf32> to vector<256xf32>
    %broadcast_in_dim3A_435 = vector.shape_cast %reduce_sum3A_434 : vector<256xf32> to vector<256x1xf32>
    %le3A_436 = arith.constant 4.100000e+01 : f32
    %le3A_437 = vector.broadcast %le3A_436 : f32 to vector<256x4xf32>
    %le3A_438 = arith.cmpf ole, %dot_general3A_58, %le3A_437 : vector<256x4xf32>
    %convert_element_type3A_439 = arith.extui %le3A_438 : vector<256x4xi1> to vector<256x4xi32>
    %convert_element_type3A_440 = arith.sitofp %convert_element_type3A_439 : vector<256x4xi32> to vector<256x4xf32>
    %reduce_sum3A_441 = arith.constant dense<0.000000e+00> : vector<256xf32>
    %reduce_sum3A_442 = vector.multi_reduction <add>, %convert_element_type3A_440, %reduce_sum3A_441 [1] : vector<256x4xf32> to vector<256xf32>
    %broadcast_in_dim3A_443 = vector.shape_cast %reduce_sum3A_442 : vector<256xf32> to vector<256x1xf32>
    %le3A_444 = arith.constant 4.200000e+01 : f32
    %le3A_445 = vector.broadcast %le3A_444 : f32 to vector<256x4xf32>
    %le3A_446 = arith.cmpf ole, %dot_general3A_58, %le3A_445 : vector<256x4xf32>
    %convert_element_type3A_447 = arith.extui %le3A_446 : vector<256x4xi1> to vector<256x4xi32>
    %convert_element_type3A_448 = arith.sitofp %convert_element_type3A_447 : vector<256x4xi32> to vector<256x4xf32>
    %reduce_sum3A_449 = arith.constant dense<0.000000e+00> : vector<256xf32>
    %reduce_sum3A_450 = vector.multi_reduction <add>, %convert_element_type3A_448, %reduce_sum3A_449 [1] : vector<256x4xf32> to vector<256xf32>
    %broadcast_in_dim3A_451 = vector.shape_cast %reduce_sum3A_450 : vector<256xf32> to vector<256x1xf32>
    %le3A_452 = arith.constant 4.300000e+01 : f32
    %le3A_453 = vector.broadcast %le3A_452 : f32 to vector<256x4xf32>
    %le3A_454 = arith.cmpf ole, %dot_general3A_58, %le3A_453 : vector<256x4xf32>
    %convert_element_type3A_455 = arith.extui %le3A_454 : vector<256x4xi1> to vector<256x4xi32>
    %convert_element_type3A_456 = arith.sitofp %convert_element_type3A_455 : vector<256x4xi32> to vector<256x4xf32>
    %reduce_sum3A_457 = arith.constant dense<0.000000e+00> : vector<256xf32>
    %reduce_sum3A_458 = vector.multi_reduction <add>, %convert_element_type3A_456, %reduce_sum3A_457 [1] : vector<256x4xf32> to vector<256xf32>
    %broadcast_in_dim3A_459 = vector.shape_cast %reduce_sum3A_458 : vector<256xf32> to vector<256x1xf32>
    %le3A_460 = arith.constant 4.400000e+01 : f32
    %le3A_461 = vector.broadcast %le3A_460 : f32 to vector<256x4xf32>
    %le3A_462 = arith.cmpf ole, %dot_general3A_58, %le3A_461 : vector<256x4xf32>
    %convert_element_type3A_463 = arith.extui %le3A_462 : vector<256x4xi1> to vector<256x4xi32>
    %convert_element_type3A_464 = arith.sitofp %convert_element_type3A_463 : vector<256x4xi32> to vector<256x4xf32>
    %reduce_sum3A_465 = arith.constant dense<0.000000e+00> : vector<256xf32>
    %reduce_sum3A_466 = vector.multi_reduction <add>, %convert_element_type3A_464, %reduce_sum3A_465 [1] : vector<256x4xf32> to vector<256xf32>
    %broadcast_in_dim3A_467 = vector.shape_cast %reduce_sum3A_466 : vector<256xf32> to vector<256x1xf32>
    %le3A_468 = arith.constant 4.500000e+01 : f32
    %le3A_469 = vector.broadcast %le3A_468 : f32 to vector<256x4xf32>
    %le3A_470 = arith.cmpf ole, %dot_general3A_58, %le3A_469 : vector<256x4xf32>
    %convert_element_type3A_471 = arith.extui %le3A_470 : vector<256x4xi1> to vector<256x4xi32>
    %convert_element_type3A_472 = arith.sitofp %convert_element_type3A_471 : vector<256x4xi32> to vector<256x4xf32>
    %reduce_sum3A_473 = arith.constant dense<0.000000e+00> : vector<256xf32>
    %reduce_sum3A_474 = vector.multi_reduction <add>, %convert_element_type3A_472, %reduce_sum3A_473 [1] : vector<256x4xf32> to vector<256xf32>
    %broadcast_in_dim3A_475 = vector.shape_cast %reduce_sum3A_474 : vector<256xf32> to vector<256x1xf32>
    %le3A_476 = arith.constant 4.600000e+01 : f32
    %le3A_477 = vector.broadcast %le3A_476 : f32 to vector<256x4xf32>
    %le3A_478 = arith.cmpf ole, %dot_general3A_58, %le3A_477 : vector<256x4xf32>
    %convert_element_type3A_479 = arith.extui %le3A_478 : vector<256x4xi1> to vector<256x4xi32>
    %convert_element_type3A_480 = arith.sitofp %convert_element_type3A_479 : vector<256x4xi32> to vector<256x4xf32>
    %reduce_sum3A_481 = arith.constant dense<0.000000e+00> : vector<256xf32>
    %reduce_sum3A_482 = vector.multi_reduction <add>, %convert_element_type3A_480, %reduce_sum3A_481 [1] : vector<256x4xf32> to vector<256xf32>
    %broadcast_in_dim3A_483 = vector.shape_cast %reduce_sum3A_482 : vector<256xf32> to vector<256x1xf32>
    %le3A_484 = arith.constant 4.700000e+01 : f32
    %le3A_485 = vector.broadcast %le3A_484 : f32 to vector<256x4xf32>
    %le3A_486 = arith.cmpf ole, %dot_general3A_58, %le3A_485 : vector<256x4xf32>
    %convert_element_type3A_487 = arith.extui %le3A_486 : vector<256x4xi1> to vector<256x4xi32>
    %convert_element_type3A_488 = arith.sitofp %convert_element_type3A_487 : vector<256x4xi32> to vector<256x4xf32>
    %reduce_sum3A_489 = arith.constant dense<0.000000e+00> : vector<256xf32>
    %reduce_sum3A_490 = vector.multi_reduction <add>, %convert_element_type3A_488, %reduce_sum3A_489 [1] : vector<256x4xf32> to vector<256xf32>
    %broadcast_in_dim3A_491 = vector.shape_cast %reduce_sum3A_490 : vector<256xf32> to vector<256x1xf32>
    %le3A_492 = arith.constant 4.800000e+01 : f32
    %le3A_493 = vector.broadcast %le3A_492 : f32 to vector<256x4xf32>
    %le3A_494 = arith.cmpf ole, %dot_general3A_58, %le3A_493 : vector<256x4xf32>
    %convert_element_type3A_495 = arith.extui %le3A_494 : vector<256x4xi1> to vector<256x4xi32>
    %convert_element_type3A_496 = arith.sitofp %convert_element_type3A_495 : vector<256x4xi32> to vector<256x4xf32>
    %reduce_sum3A_497 = arith.constant dense<0.000000e+00> : vector<256xf32>
    %reduce_sum3A_498 = vector.multi_reduction <add>, %convert_element_type3A_496, %reduce_sum3A_497 [1] : vector<256x4xf32> to vector<256xf32>
    %broadcast_in_dim3A_499 = vector.shape_cast %reduce_sum3A_498 : vector<256xf32> to vector<256x1xf32>
    %le3A_500 = arith.constant 4.900000e+01 : f32
    %le3A_501 = vector.broadcast %le3A_500 : f32 to vector<256x4xf32>
    %le3A_502 = arith.cmpf ole, %dot_general3A_58, %le3A_501 : vector<256x4xf32>
    %convert_element_type3A_503 = arith.extui %le3A_502 : vector<256x4xi1> to vector<256x4xi32>
    %convert_element_type3A_504 = arith.sitofp %convert_element_type3A_503 : vector<256x4xi32> to vector<256x4xf32>
    %reduce_sum3A_505 = arith.constant dense<0.000000e+00> : vector<256xf32>
    %reduce_sum3A_506 = vector.multi_reduction <add>, %convert_element_type3A_504, %reduce_sum3A_505 [1] : vector<256x4xf32> to vector<256xf32>
    %broadcast_in_dim3A_507 = vector.shape_cast %reduce_sum3A_506 : vector<256xf32> to vector<256x1xf32>
    %le3A_508 = arith.constant 5.000000e+01 : f32
    %le3A_509 = vector.broadcast %le3A_508 : f32 to vector<256x4xf32>
    %le3A_510 = arith.cmpf ole, %dot_general3A_58, %le3A_509 : vector<256x4xf32>
    %convert_element_type3A_511 = arith.extui %le3A_510 : vector<256x4xi1> to vector<256x4xi32>
    %convert_element_type3A_512 = arith.sitofp %convert_element_type3A_511 : vector<256x4xi32> to vector<256x4xf32>
    %reduce_sum3A_513 = arith.constant dense<0.000000e+00> : vector<256xf32>
    %reduce_sum3A_514 = vector.multi_reduction <add>, %convert_element_type3A_512, %reduce_sum3A_513 [1] : vector<256x4xf32> to vector<256xf32>
    %broadcast_in_dim3A_515 = vector.shape_cast %reduce_sum3A_514 : vector<256xf32> to vector<256x1xf32>
    %le3A_516 = arith.constant 5.100000e+01 : f32
    %le3A_517 = vector.broadcast %le3A_516 : f32 to vector<256x4xf32>
    %le3A_518 = arith.cmpf ole, %dot_general3A_58, %le3A_517 : vector<256x4xf32>
    %convert_element_type3A_519 = arith.extui %le3A_518 : vector<256x4xi1> to vector<256x4xi32>
    %convert_element_type3A_520 = arith.sitofp %convert_element_type3A_519 : vector<256x4xi32> to vector<256x4xf32>
    %reduce_sum3A_521 = arith.constant dense<0.000000e+00> : vector<256xf32>
    %reduce_sum3A_522 = vector.multi_reduction <add>, %convert_element_type3A_520, %reduce_sum3A_521 [1] : vector<256x4xf32> to vector<256xf32>
    %broadcast_in_dim3A_523 = vector.shape_cast %reduce_sum3A_522 : vector<256xf32> to vector<256x1xf32>
    %le3A_524 = arith.constant 5.200000e+01 : f32
    %le3A_525 = vector.broadcast %le3A_524 : f32 to vector<256x4xf32>
    %le3A_526 = arith.cmpf ole, %dot_general3A_58, %le3A_525 : vector<256x4xf32>
    %convert_element_type3A_527 = arith.extui %le3A_526 : vector<256x4xi1> to vector<256x4xi32>
    %convert_element_type3A_528 = arith.sitofp %convert_element_type3A_527 : vector<256x4xi32> to vector<256x4xf32>
    %reduce_sum3A_529 = arith.constant dense<0.000000e+00> : vector<256xf32>
    %reduce_sum3A_530 = vector.multi_reduction <add>, %convert_element_type3A_528, %reduce_sum3A_529 [1] : vector<256x4xf32> to vector<256xf32>
    %broadcast_in_dim3A_531 = vector.shape_cast %reduce_sum3A_530 : vector<256xf32> to vector<256x1xf32>
    %le3A_532 = arith.constant 5.300000e+01 : f32
    %le3A_533 = vector.broadcast %le3A_532 : f32 to vector<256x4xf32>
    %le3A_534 = arith.cmpf ole, %dot_general3A_58, %le3A_533 : vector<256x4xf32>
    %convert_element_type3A_535 = arith.extui %le3A_534 : vector<256x4xi1> to vector<256x4xi32>
    %convert_element_type3A_536 = arith.sitofp %convert_element_type3A_535 : vector<256x4xi32> to vector<256x4xf32>
    %reduce_sum3A_537 = arith.constant dense<0.000000e+00> : vector<256xf32>
    %reduce_sum3A_538 = vector.multi_reduction <add>, %convert_element_type3A_536, %reduce_sum3A_537 [1] : vector<256x4xf32> to vector<256xf32>
    %broadcast_in_dim3A_539 = vector.shape_cast %reduce_sum3A_538 : vector<256xf32> to vector<256x1xf32>
    %le3A_540 = arith.constant 5.400000e+01 : f32
    %le3A_541 = vector.broadcast %le3A_540 : f32 to vector<256x4xf32>
    %le3A_542 = arith.cmpf ole, %dot_general3A_58, %le3A_541 : vector<256x4xf32>
    %convert_element_type3A_543 = arith.extui %le3A_542 : vector<256x4xi1> to vector<256x4xi32>
    %convert_element_type3A_544 = arith.sitofp %convert_element_type3A_543 : vector<256x4xi32> to vector<256x4xf32>
    %reduce_sum3A_545 = arith.constant dense<0.000000e+00> : vector<256xf32>
    %reduce_sum3A_546 = vector.multi_reduction <add>, %convert_element_type3A_544, %reduce_sum3A_545 [1] : vector<256x4xf32> to vector<256xf32>
    %broadcast_in_dim3A_547 = vector.shape_cast %reduce_sum3A_546 : vector<256xf32> to vector<256x1xf32>
    %le3A_548 = arith.constant 5.500000e+01 : f32
    %le3A_549 = vector.broadcast %le3A_548 : f32 to vector<256x4xf32>
    %le3A_550 = arith.cmpf ole, %dot_general3A_58, %le3A_549 : vector<256x4xf32>
    %convert_element_type3A_551 = arith.extui %le3A_550 : vector<256x4xi1> to vector<256x4xi32>
    %convert_element_type3A_552 = arith.sitofp %convert_element_type3A_551 : vector<256x4xi32> to vector<256x4xf32>
    %reduce_sum3A_553 = arith.constant dense<0.000000e+00> : vector<256xf32>
    %reduce_sum3A_554 = vector.multi_reduction <add>, %convert_element_type3A_552, %reduce_sum3A_553 [1] : vector<256x4xf32> to vector<256xf32>
    %broadcast_in_dim3A_555 = vector.shape_cast %reduce_sum3A_554 : vector<256xf32> to vector<256x1xf32>
    %le3A_556 = arith.constant 5.600000e+01 : f32
    %le3A_557 = vector.broadcast %le3A_556 : f32 to vector<256x4xf32>
    %le3A_558 = arith.cmpf ole, %dot_general3A_58, %le3A_557 : vector<256x4xf32>
    %convert_element_type3A_559 = arith.extui %le3A_558 : vector<256x4xi1> to vector<256x4xi32>
    %convert_element_type3A_560 = arith.sitofp %convert_element_type3A_559 : vector<256x4xi32> to vector<256x4xf32>
    %reduce_sum3A_561 = arith.constant dense<0.000000e+00> : vector<256xf32>
    %reduce_sum3A_562 = vector.multi_reduction <add>, %convert_element_type3A_560, %reduce_sum3A_561 [1] : vector<256x4xf32> to vector<256xf32>
    %broadcast_in_dim3A_563 = vector.shape_cast %reduce_sum3A_562 : vector<256xf32> to vector<256x1xf32>
    %le3A_564 = arith.constant 5.700000e+01 : f32
    %le3A_565 = vector.broadcast %le3A_564 : f32 to vector<256x4xf32>
    %le3A_566 = arith.cmpf ole, %dot_general3A_58, %le3A_565 : vector<256x4xf32>
    %convert_element_type3A_567 = arith.extui %le3A_566 : vector<256x4xi1> to vector<256x4xi32>
    %convert_element_type3A_568 = arith.sitofp %convert_element_type3A_567 : vector<256x4xi32> to vector<256x4xf32>
    %reduce_sum3A_569 = arith.constant dense<0.000000e+00> : vector<256xf32>
    %reduce_sum3A_570 = vector.multi_reduction <add>, %convert_element_type3A_568, %reduce_sum3A_569 [1] : vector<256x4xf32> to vector<256xf32>
    %broadcast_in_dim3A_571 = vector.shape_cast %reduce_sum3A_570 : vector<256xf32> to vector<256x1xf32>
    %le3A_572 = arith.constant 5.800000e+01 : f32
    %le3A_573 = vector.broadcast %le3A_572 : f32 to vector<256x4xf32>
    %le3A_574 = arith.cmpf ole, %dot_general3A_58, %le3A_573 : vector<256x4xf32>
    %convert_element_type3A_575 = arith.extui %le3A_574 : vector<256x4xi1> to vector<256x4xi32>
    %convert_element_type3A_576 = arith.sitofp %convert_element_type3A_575 : vector<256x4xi32> to vector<256x4xf32>
    %reduce_sum3A_577 = arith.constant dense<0.000000e+00> : vector<256xf32>
    %reduce_sum3A_578 = vector.multi_reduction <add>, %convert_element_type3A_576, %reduce_sum3A_577 [1] : vector<256x4xf32> to vector<256xf32>
    %broadcast_in_dim3A_579 = vector.shape_cast %reduce_sum3A_578 : vector<256xf32> to vector<256x1xf32>
    %le3A_580 = arith.constant 5.900000e+01 : f32
    %le3A_581 = vector.broadcast %le3A_580 : f32 to vector<256x4xf32>
    %le3A_582 = arith.cmpf ole, %dot_general3A_58, %le3A_581 : vector<256x4xf32>
    %convert_element_type3A_583 = arith.extui %le3A_582 : vector<256x4xi1> to vector<256x4xi32>
    %convert_element_type3A_584 = arith.sitofp %convert_element_type3A_583 : vector<256x4xi32> to vector<256x4xf32>
    %reduce_sum3A_585 = arith.constant dense<0.000000e+00> : vector<256xf32>
    %reduce_sum3A_586 = vector.multi_reduction <add>, %convert_element_type3A_584, %reduce_sum3A_585 [1] : vector<256x4xf32> to vector<256xf32>
    %broadcast_in_dim3A_587 = vector.shape_cast %reduce_sum3A_586 : vector<256xf32> to vector<256x1xf32>
    %le3A_588 = arith.constant 6.000000e+01 : f32
    %le3A_589 = vector.broadcast %le3A_588 : f32 to vector<256x4xf32>
    %le3A_590 = arith.cmpf ole, %dot_general3A_58, %le3A_589 : vector<256x4xf32>
    %convert_element_type3A_591 = arith.extui %le3A_590 : vector<256x4xi1> to vector<256x4xi32>
    %convert_element_type3A_592 = arith.sitofp %convert_element_type3A_591 : vector<256x4xi32> to vector<256x4xf32>
    %reduce_sum3A_593 = arith.constant dense<0.000000e+00> : vector<256xf32>
    %reduce_sum3A_594 = vector.multi_reduction <add>, %convert_element_type3A_592, %reduce_sum3A_593 [1] : vector<256x4xf32> to vector<256xf32>
    %broadcast_in_dim3A_595 = vector.shape_cast %reduce_sum3A_594 : vector<256xf32> to vector<256x1xf32>
    %le3A_596 = arith.constant 6.100000e+01 : f32
    %le3A_597 = vector.broadcast %le3A_596 : f32 to vector<256x4xf32>
    %le3A_598 = arith.cmpf ole, %dot_general3A_58, %le3A_597 : vector<256x4xf32>
    %convert_element_type3A_599 = arith.extui %le3A_598 : vector<256x4xi1> to vector<256x4xi32>
    %convert_element_type3A_600 = arith.sitofp %convert_element_type3A_599 : vector<256x4xi32> to vector<256x4xf32>
    %reduce_sum3A_601 = arith.constant dense<0.000000e+00> : vector<256xf32>
    %reduce_sum3A_602 = vector.multi_reduction <add>, %convert_element_type3A_600, %reduce_sum3A_601 [1] : vector<256x4xf32> to vector<256xf32>
    %broadcast_in_dim3A_603 = vector.shape_cast %reduce_sum3A_602 : vector<256xf32> to vector<256x1xf32>
    %le3A_604 = arith.constant 6.200000e+01 : f32
    %le3A_605 = vector.broadcast %le3A_604 : f32 to vector<256x4xf32>
    %le3A_606 = arith.cmpf ole, %dot_general3A_58, %le3A_605 : vector<256x4xf32>
    %convert_element_type3A_607 = arith.extui %le3A_606 : vector<256x4xi1> to vector<256x4xi32>
    %convert_element_type3A_608 = arith.sitofp %convert_element_type3A_607 : vector<256x4xi32> to vector<256x4xf32>
    %reduce_sum3A_609 = arith.constant dense<0.000000e+00> : vector<256xf32>
    %reduce_sum3A_610 = vector.multi_reduction <add>, %convert_element_type3A_608, %reduce_sum3A_609 [1] : vector<256x4xf32> to vector<256xf32>
    %broadcast_in_dim3A_611 = vector.shape_cast %reduce_sum3A_610 : vector<256xf32> to vector<256x1xf32>
    %le3A_612 = arith.constant 6.300000e+01 : f32
    %le3A_613 = vector.broadcast %le3A_612 : f32 to vector<256x4xf32>
    %le3A_614 = arith.cmpf ole, %dot_general3A_58, %le3A_613 : vector<256x4xf32>
    %convert_element_type3A_615 = arith.extui %le3A_614 : vector<256x4xi1> to vector<256x4xi32>
    %convert_element_type3A_616 = arith.sitofp %convert_element_type3A_615 : vector<256x4xi32> to vector<256x4xf32>
    %reduce_sum3A_617 = arith.constant dense<0.000000e+00> : vector<256xf32>
    %reduce_sum3A_618 = vector.multi_reduction <add>, %convert_element_type3A_616, %reduce_sum3A_617 [1] : vector<256x4xf32> to vector<256xf32>
    %broadcast_in_dim3A_619 = vector.shape_cast %reduce_sum3A_618 : vector<256xf32> to vector<256x1xf32>
    %concatenate3A = tpu.concatenate %broadcast_in_dim3A_115, %broadcast_in_dim3A_123, %broadcast_in_dim3A_131, %broadcast_in_dim3A_139, %broadcast_in_dim3A_147, %broadcast_in_dim3A_155, %broadcast_in_dim3A_163, %broadcast_in_dim3A_171, %broadcast_in_dim3A_179, %broadcast_in_dim3A_187, %broadcast_in_dim3A_195, %broadcast_in_dim3A_203, %broadcast_in_dim3A_211, %broadcast_in_dim3A_219, %broadcast_in_dim3A_227, %broadcast_in_dim3A_235, %broadcast_in_dim3A_243, %broadcast_in_dim3A_251, %broadcast_in_dim3A_259, %broadcast_in_dim3A_267, %broadcast_in_dim3A_275, %broadcast_in_dim3A_283, %broadcast_in_dim3A_291, %broadcast_in_dim3A_299, %broadcast_in_dim3A_307, %broadcast_in_dim3A_315, %broadcast_in_dim3A_323, %broadcast_in_dim3A_331, %broadcast_in_dim3A_339, %broadcast_in_dim3A_347, %broadcast_in_dim3A_355, %broadcast_in_dim3A_363, %broadcast_in_dim3A_371, %broadcast_in_dim3A_379, %broadcast_in_dim3A_387, %broadcast_in_dim3A_395, %broadcast_in_dim3A_403, %broadcast_in_dim3A_411, %broadcast_in_dim3A_419, %broadcast_in_dim3A_427, %broadcast_in_dim3A_435, %broadcast_in_dim3A_443, %broadcast_in_dim3A_451, %broadcast_in_dim3A_459, %broadcast_in_dim3A_467, %broadcast_in_dim3A_475, %broadcast_in_dim3A_483, %broadcast_in_dim3A_491, %broadcast_in_dim3A_499, %broadcast_in_dim3A_507, %broadcast_in_dim3A_515, %broadcast_in_dim3A_523, %broadcast_in_dim3A_531, %broadcast_in_dim3A_539, %broadcast_in_dim3A_547, %broadcast_in_dim3A_555, %broadcast_in_dim3A_563, %broadcast_in_dim3A_571, %broadcast_in_dim3A_579, %broadcast_in_dim3A_587, %broadcast_in_dim3A_595, %broadcast_in_dim3A_603, %broadcast_in_dim3A_611, %broadcast_in_dim3A_619 in 1 : vector<256x1xf32>, vector<256x1xf32>, vector<256x1xf32>, vector<256x1xf32>, vector<256x1xf32>, vector<256x1xf32>, vector<256x1xf32>, vector<256x1xf32>, vector<256x1xf32>, vector<256x1xf32>, vector<256x1xf32>, vector<256x1xf32>, vector<256x1xf32>, vector<256x1xf32>, vector<256x1xf32>, vector<256x1xf32>, vector<256x1xf32>, vector<256x1xf32>, vector<256x1xf32>, vector<256x1xf32>, vector<256x1xf32>, vector<256x1xf32>, vector<256x1xf32>, vector<256x1xf32>, vector<256x1xf32>, vector<256x1xf32>, vector<256x1xf32>, vector<256x1xf32>, vector<256x1xf32>, vector<256x1xf32>, vector<256x1xf32>, vector<256x1xf32>, vector<256x1xf32>, vector<256x1xf32>, vector<256x1xf32>, vector<256x1xf32>, vector<256x1xf32>, vector<256x1xf32>, vector<256x1xf32>, vector<256x1xf32>, vector<256x1xf32>, vector<256x1xf32>, vector<256x1xf32>, vector<256x1xf32>, vector<256x1xf32>, vector<256x1xf32>, vector<256x1xf32>, vector<256x1xf32>, vector<256x1xf32>, vector<256x1xf32>, vector<256x1xf32>, vector<256x1xf32>, vector<256x1xf32>, vector<256x1xf32>, vector<256x1xf32>, vector<256x1xf32>, vector<256x1xf32>, vector<256x1xf32>, vector<256x1xf32>, vector<256x1xf32>, vector<256x1xf32>, vector<256x1xf32>, vector<256x1xf32>, vector<256x1xf32> -> vector<256x64xf32>
    %convert_element_type3A_620 = arith.fptosi %concatenate3A : vector<256x64xf32> to vector<256x64xi32>
    %min3A = arith.constant 3 : i32
    %min3A_621 = vector.broadcast %min3A : i32 to vector<256x64xi32>
    %min3A_622 = arith.minsi %convert_element_type3A_620, %min3A_621 : vector<256x64xi32>
    %reshape3A = vector.shape_cast %min3A_622 : vector<256x64xi32> to vector<256x64x1xi32>
    %gather3A = vector.shape_cast %reshape3A : vector<256x64x1xi32> to vector<256x64xi32>
    %gather3A_623 = tpu.dynamic_gather %sub3A_59[%gather3A] in [1] : vector<256x4xf32>, vector<256x64xi32> -> vector<256x64xf32>
    %sub3A_624 = arith.subf %convert_element_type3A_107, %gather3A_623 : vector<256x64xf32>
    %jit3A_625 = arith.constant 8 : i32
    %eq3A_626 = arith.constant 0 : i32
    %eq3A_627 = arith.cmpi eq, %jit3A_625, %eq3A_626 : i32
    %jit3A_628 = arith.constant 1 : i32
    %select_n3A_629 = arith.select %eq3A_627, %jit3A_628, %jit3A_625 : i32
    %rem3A_630 = vector.broadcast %select_n3A_629 : i32 to vector<256x64xi32>
    %rem3A_631 = arith.remsi %min3A_622, %rem3A_630 : vector<256x64xi32>
    %ne3A_632 = arith.constant 0 : i32
    %ne3A_633 = vector.broadcast %ne3A_632 : i32 to vector<256x64xi32>
    %ne3A_634 = arith.cmpi ne, %rem3A_631, %ne3A_633 : vector<256x64xi32>
    %lt3A = arith.constant 0 : i32
    %lt3A_635 = vector.broadcast %lt3A : i32 to vector<256x64xi32>
    %lt3A_636 = arith.cmpi slt, %rem3A_631, %lt3A_635 : vector<256x64xi32>
    %lt3A_637 = arith.constant 0 : i32
    %lt3A_638 = arith.cmpi slt, %select_n3A_629, %lt3A_637 : i32
    %ne3A_639 = vector.broadcast %lt3A_638 : i1 to vector<256x64xi1>
    %ne3A_640 = vector.broadcast %ne3A_639 : vector<256x64xi1> to vector<256x64xi1>
    %ne3A_641 = arith.xori %lt3A_636, %ne3A_640 : vector<256x64xi1>
    %and3A_642 = arith.andi %ne3A_641, %ne3A_634 : vector<256x64xi1>
    %add3A_643 = vector.broadcast %select_n3A_629 : i32 to vector<256x64xi32>
    %add3A_644 = arith.addi %rem3A_631, %add3A_643 : vector<256x64xi32>
    %select_n3A_645 = arith.select %and3A_642, %add3A_644, %rem3A_631 : vector<256x64xi1>, vector<256x64xi32>
    %broadcast_in_dim3A_646 = vector.shape_cast %select_n3A_645 : vector<256x64xi32> to vector<256x64x1xi32>
    %broadcast_in_dim3A_647 = vector.shape_cast %broadcast_in_dim3A_646 : vector<256x64x1xi32> to vector<256x64x1xi32>
    %broadcast_in_dim3A_648 = vector.broadcast %broadcast_in_dim3A_647 : vector<256x64x1xi32> to vector<256x64x128xi32>
    %jit3A_649 = arith.constant 8 : i32
    %div3A_650 = vector.broadcast %jit3A_649 : i32 to vector<256x64xi32>
    %div3A_651 = arith.divsi %min3A_622, %div3A_650 : vector<256x64xi32>
    %sign3A_652 = arith.constant 0 : i32
    %sign3A_653 = vector.broadcast %sign3A_652 : i32 to vector<256x64xi32>
    %sign3A_654 = arith.cmpi sgt, %min3A_622, %sign3A_653 : vector<256x64xi32>
    %sign3A_655 = arith.extui %sign3A_654 : vector<256x64xi1> to vector<256x64xi32>
    %sign3A_656 = arith.constant 0 : i32
    %sign3A_657 = vector.broadcast %sign3A_656 : i32 to vector<256x64xi32>
    %sign3A_658 = arith.cmpi slt, %min3A_622, %sign3A_657 : vector<256x64xi32>
    %sign3A_659 = arith.extui %sign3A_658 : vector<256x64xi1> to vector<256x64xi32>
    %sign3A_660 = arith.subi %sign3A_655, %sign3A_659 : vector<256x64xi32>
    %sign3A_661 = arith.constant 0 : i32
    %sign3A_662 = arith.cmpi sgt, %jit3A_649, %sign3A_661 : i32
    %sign3A_663 = arith.extui %sign3A_662 : i1 to i32
    %sign3A_664 = arith.constant 0 : i32
    %sign3A_665 = arith.cmpi slt, %jit3A_649, %sign3A_664 : i32
    %sign3A_666 = arith.extui %sign3A_665 : i1 to i32
    %sign3A_667 = arith.subi %sign3A_663, %sign3A_666 : i32
    %ne3A_668 = vector.broadcast %sign3A_667 : i32 to vector<256x64xi32>
    %ne3A_669 = arith.cmpi ne, %sign3A_660, %ne3A_668 : vector<256x64xi32>
    %rem3A_670 = vector.broadcast %jit3A_649 : i32 to vector<256x64xi32>
    %rem3A_671 = arith.remsi %min3A_622, %rem3A_670 : vector<256x64xi32>
    %ne3A_672 = arith.constant 0 : i32
    %ne3A_673 = vector.broadcast %ne3A_672 : i32 to vector<256x64xi32>
    %ne3A_674 = arith.cmpi ne, %rem3A_671, %ne3A_673 : vector<256x64xi32>
    %and3A_675 = arith.andi %ne3A_669, %ne3A_674 : vector<256x64xi1>
    %sub3A_676 = arith.constant 1 : i32
    %sub3A_677 = vector.broadcast %sub3A_676 : i32 to vector<256x64xi32>
    %sub3A_678 = arith.subi %div3A_651, %sub3A_677 : vector<256x64xi32>
    %select_n3A_679 = arith.select %and3A_675, %sub3A_678, %div3A_651 : vector<256x64xi1>, vector<256x64xi32>
    %broadcast_in_dim3A_680 = vector.shape_cast %select_n3A_679 : vector<256x64xi32> to vector<256x64x1xi32>
    %broadcast_in_dim3A_681 = vector.shape_cast %broadcast_in_dim3A_680 : vector<256x64x1xi32> to vector<256x64x1xi32>
    %broadcast_in_dim3A_682 = vector.broadcast %broadcast_in_dim3A_681 : vector<256x64x1xi32> to vector<256x64x128xi32>
    %broadcast_in_dim3A_683 = arith.constant 0.000000e+00 : f32
    %broadcast_in_dim3A_684 = vector.broadcast %broadcast_in_dim3A_683 : f32 to vector<256x64x128xf32>
    %get3A_685 = arith.constant 0 : index
    %get3A_686 = arith.constant 0 : index
    %get3A_687 = arith.constant 0 : index
    %get3A_688 = vector.load %arg5[%get3A_685, %get3A_686, %get3A_687] : memref<256x8x128xf32, #tpu.memory_space<vmem>>, vector<256x8x128xf32>
    %reshape3A_689 = vector.shape_cast %broadcast_in_dim3A_648 : vector<256x64x128xi32> to vector<256x64x128x1xi32>
    %gather3A_690 = vector.shape_cast %reshape3A_689 : vector<256x64x128x1xi32> to vector<256x64x128xi32>
    %gather3A_691 = tpu.dynamic_gather %get3A_688[%gather3A_690] in [1] : vector<256x8x128xf32>, vector<256x64x128xi32> -> vector<256x64x128xf32>
    %eq3A_692 = arith.constant 0 : i32
    %eq3A_693 = vector.broadcast %eq3A_692 : i32 to vector<256x64x128xi32>
    %eq3A_694 = arith.cmpi eq, %broadcast_in_dim3A_682, %eq3A_693 : vector<256x64x128xi32>
    %select_n3A_695 = arith.select %eq3A_694, %gather3A_691, %broadcast_in_dim3A_684 : vector<256x64x128xi1>, vector<256x64x128xf32>
    %broadcast_in_dim3A_696 = vector.shape_cast %sub3A_624 : vector<256x64xf32> to vector<256x64x1xf32>
    %le3A_697 = vector.broadcast %broadcast_in_dim3A_696 : vector<256x64x1xf32> to vector<256x64x128xf32>
    %le3A_698 = arith.cmpf ole, %select_n3A_695, %le3A_697 : vector<256x64x128xf32>
    %convert_element_type3A_699 = arith.extui %le3A_698 : vector<256x64x128xi1> to vector<256x64x128xi32>
    %convert_element_type3A_700 = arith.sitofp %convert_element_type3A_699 : vector<256x64x128xi32> to vector<256x64x128xf32>
    %reduce_sum3A_701 = arith.constant dense<0.000000e+00> : vector<256x64xf32>
    %reduce_sum3A_702 = vector.multi_reduction <add>, %convert_element_type3A_700, %reduce_sum3A_701 [2] : vector<256x64x128xf32> to vector<256x64xf32>
    %mul3A_703 = arith.constant 128 : i32
    %mul3A_704 = vector.broadcast %mul3A_703 : i32 to vector<256x64xi32>
    %mul3A_705 = arith.muli %min3A_622, %mul3A_704 : vector<256x64xi32>
    %convert_element_type3A_706 = arith.fptosi %reduce_sum3A_702 : vector<256x64xf32> to vector<256x64xi32>
    %add3A_707 = arith.addi %mul3A_705, %convert_element_type3A_706 : vector<256x64xi32>
    %lt3A_708 = vector.broadcast %slice3A : vector<256x1xf32> to vector<256x64xf32>
    %lt3A_709 = arith.cmpf olt, %convert_element_type3A_107, %lt3A_708 : vector<256x64xf32>
    %slice3A_710 = vector.extract_strided_slice %add3A_707 {offsets = [0, 0], sizes = [256, 1], strides = [1, 1]} : vector<256x64xi32> to vector<256x1xi32>
    %broadcast_in_dim3A_711 = vector.shape_cast %slice3A_710 : vector<256x1xi32> to vector<256x1xi32>
    %broadcast_in_dim3A_712 = vector.broadcast %broadcast_in_dim3A_711 : vector<256x1xi32> to vector<256x64xi32>
    %gt3A = arith.constant 0.000000e+00 : f32
    %gt3A_713 = vector.broadcast %gt3A : f32 to vector<256x1xf32>
    %gt3A_714 = arith.cmpf ogt, %slice3A, %gt3A_713 : vector<256x1xf32>
    %jit3A_715 = arith.constant 0 : i32
    %broadcast_in_dim3A_716 = vector.shape_cast %gt3A_714 : vector<256x1xi1> to vector<256x1xi1>
    %broadcast_in_dim3A_717 = vector.broadcast %broadcast_in_dim3A_716 : vector<256x1xi1> to vector<256x64xi1>
    %broadcast_in_dim3A_718 = vector.broadcast %jit3A_715 : i32 to vector<256x64xi32>
    %select_n3A_719 = arith.select %broadcast_in_dim3A_717, %broadcast_in_dim3A_712, %broadcast_in_dim3A_718 : vector<256x64xi1>, vector<256x64xi32>
    %select_n3A_720 = arith.select %lt3A_709, %add3A_707, %select_n3A_719 : vector<256x64xi1>, vector<256x64xi32>
    %mul3A_721 = arith.constant 512 : i32
    %mul3A_722 = arith.muli %arg0, %mul3A_721 : i32
    %add3A_723 = vector.broadcast %mul3A_722 : i32 to vector<256x64xi32>
    %add3A_724 = arith.addi %select_n3A_720, %add3A_723 : vector<256x64xi32>
    %swap3A_725 = arith.constant 0 : index
    %swap3A_726 = arith.constant 0 : index
    %swap3A_727 = arith.constant 0 : index
    %swap3A_728 = vector.load %arg4[%swap3A_725, %swap3A_726, %swap3A_727] : memref<1x256x64xi32, #tpu.memory_space<vmem>>, vector<1x256x64xi32>
    %swap3A_729 = vector.shape_cast %swap3A_728 : vector<1x256x64xi32> to vector<256x64xi32>
    %swap3A_730 = vector.shape_cast %add3A_724 : vector<256x64xi32> to vector<1x256x64xi32>
    tpu.vector_store %arg4[%swap3A_725, %swap3A_726, %swap3A_727], %swap3A_730 {strides = array<i32>} : memref<1x256x64xi32, #tpu.memory_space<vmem>>, vector<1x256x64xi32>,
    return
  }
  func.func @transform_0(%arg0: i32, %arg1: i32) -> (i32, i32, i32) {
    %c0_i32 = arith.constant 0 : i32
    %c0_i32_0 = arith.constant 0 : i32
    %c0_i32_1 = arith.constant 0 : i32
    return %arg0, %c0_i32, %c0_i32_0 : i32, i32, i32
  }
  func.func @transform_1(%arg0: i32, %arg1: i32) -> (i32, i32, i32) {
    %c0_i32 = arith.constant 0 : i32
    %c0_i32_0 = arith.constant 0 : i32
    return %arg0, %c0_i32, %arg1 : i32, i32, i32
  }
  func.func @transform_2(%arg0: i32, %arg1: i32) -> (i32, i32, i32) {
    %c0_i32 = arith.constant 0 : i32
    %c0_i32_0 = arith.constant 0 : i32
    return %arg0, %arg1, %c0_i32 : i32, i32, i32
  }
}

module attributes {stable_mosaic.version = 14 : i64} {
  func.func @_stats_kernel(%arg0: i32, %arg1: i32, %arg2: memref<1x4096x256xf32, #tpu.memory_space<vmem>>, %arg3: memref<1x64x256xf32, #tpu.memory_space<vmem>>, %arg4: memref<256x256xf32, #tpu.memory_space<vmem>>, %arg5: memref<1x256xf32, #tpu.memory_space<vmem>>, %arg6: memref<1x256xf32, #tpu.memory_space<vmem>>) attributes {dimension_semantics = [#tpu.dimension_semantics<arbitrary>, #tpu.dimension_semantics<arbitrary>], iteration_bounds = array<i64: 16, 8>, scalar_prefetch = 0 : i64, scratch_operands = 0 : i64, tpu.core_type = #tpu.core_type<tc>, window_params = [{transform_indices = @transform_0, window_bounds = array<i64: 1, 4096, 256>}, {transform_indices = @transform_1, window_bounds = array<i64: 1, 64, 256>}, {pipeline_mode = #tpu.pipeline_mode<synchronous>, transform_indices = @transform_2, window_bounds = array<i64: 256, 256>}, {pipeline_mode = #tpu.pipeline_mode<synchronous>, transform_indices = @transform_3, window_bounds = array<i64: 1, 256>}, {pipeline_mode = #tpu.pipeline_mode<synchronous>, transform_indices = @transform_4, window_bounds = array<i64: 1, 256>}]} {
    %mul3A = arith.constant 8 : i32
    %mul3A_0 = arith.muli %arg0, %mul3A : i32
    %add3A = arith.addi %mul3A_0, %arg1 : i32
    %eq3A = arith.constant 0 : i32
    %eq3A_1 = arith.cmpi eq, %add3A, %eq3A : i32
    %convert_element_type3A = arith.extui %eq3A_1 : i1 to i32
    %cond3A = arith.constant 0 : i32
    %cond3A_2 = arith.cmpi ne, %convert_element_type3A, %cond3A : i32
    scf.if %cond3A_2 {
      %broadcast_in_dim3A_37 = arith.constant 0.000000e+00 : f32
      %broadcast_in_dim3A_38 = vector.broadcast %broadcast_in_dim3A_37 : f32 to vector<1x256xf32>
      %swap3A_39 = arith.constant 0 : index
      %swap3A_40 = arith.constant 0 : index
      %swap3A_41 = vector.load %arg5[%swap3A_39, %swap3A_40] : memref<1x256xf32, #tpu.memory_space<vmem>>, vector<1x256xf32>
      tpu.vector_store %arg5[%swap3A_39, %swap3A_40], %broadcast_in_dim3A_38 {strides = array<i32>} : memref<1x256xf32, #tpu.memory_space<vmem>>, vector<1x256xf32>,
      %broadcast_in_dim3A_42 = arith.constant 0.000000e+00 : f32
      %broadcast_in_dim3A_43 = vector.broadcast %broadcast_in_dim3A_42 : f32 to vector<1x256xf32>
      %swap3A_44 = arith.constant 0 : index
      %swap3A_45 = arith.constant 0 : index
      %swap3A_46 = vector.load %arg6[%swap3A_44, %swap3A_45] : memref<1x256xf32, #tpu.memory_space<vmem>>, vector<1x256xf32>
      tpu.vector_store %arg6[%swap3A_44, %swap3A_45], %broadcast_in_dim3A_43 {strides = array<i32>} : memref<1x256xf32, #tpu.memory_space<vmem>>, vector<1x256xf32>,
    } else {
    }
    %get3A = arith.constant 0 : index
    %get3A_3 = arith.constant 0 : index
    %get3A_4 = arith.constant 0 : index
    %get3A_5 = vector.load %arg2[%get3A, %get3A_3, %get3A_4] : memref<1x4096x256xf32, #tpu.memory_space<vmem>>, vector<1x4096x256xf32>
    %get3A_6 = vector.shape_cast %get3A_5 : vector<1x4096x256xf32> to vector<4096x256xf32>
    %reshape3A = vector.shape_cast %get3A_6 : vector<4096x256xf32> to vector<64x64x256xf32>
    %get3A_7 = arith.constant 0 : index
    %get3A_8 = arith.constant 0 : index
    %get3A_9 = arith.constant 0 : index
    %get3A_10 = vector.load %arg3[%get3A_7, %get3A_8, %get3A_9] : memref<1x64x256xf32, #tpu.memory_space<vmem>>, vector<1x64x256xf32>
    %get3A_11 = vector.shape_cast %get3A_10 : vector<1x64x256xf32> to vector<64x256xf32>
    %broadcast_in_dim3A = vector.shape_cast %get3A_11 : vector<64x256xf32> to vector<64x1x256xf32>
    %sub3A = vector.broadcast %broadcast_in_dim3A : vector<64x1x256xf32> to vector<64x64x256xf32>
    %sub3A_12 = arith.subf %reshape3A, %sub3A : vector<64x64x256xf32>
    %reshape3A_13 = vector.shape_cast %sub3A_12 : vector<64x64x256xf32> to vector<4096x256xf32>
    %get3A_14 = arith.constant 0 : index
    %get3A_15 = arith.constant 0 : index
    %get3A_16 = vector.load %arg4[%get3A_14, %get3A_15] : memref<256x256xf32, #tpu.memory_space<vmem>>, vector<256x256xf32>
    %dot_general3A = arith.constant dense<0.000000e+00> : vector<4096x256xf32>
    %dot_general3A_17 = tpu.matmul %reshape3A_13, %get3A_16, %dot_general3A {dimension_numbers = #tpu.dot_dimension_numbers<[1], [1], [0], [0], [0, 0, 1, 0], [], []>, transpose_lhs_hint = false} : vector<4096x256xf32>, vector<256x256xf32>, vector<4096x256xf32> -> vector<4096x256xf32>
    %get3A_18 = arith.constant 0 : index
    %get3A_19 = arith.constant 0 : index
    %get3A_20 = vector.load %arg5[%get3A_18, %get3A_19] : memref<1x256xf32, #tpu.memory_space<vmem>>, vector<1x256xf32>
    %reduce_sum3A = arith.constant dense<0.000000e+00> : vector<256xf32>
    %reduce_sum3A_21 = vector.multi_reduction <add>, %dot_general3A_17, %reduce_sum3A [0] : vector<4096x256xf32> to vector<256xf32>
    %broadcast_in_dim3A_22 = vector.shape_cast %reduce_sum3A_21 : vector<256xf32> to vector<1x256xf32>
    %add3A_23 = arith.addf %get3A_20, %broadcast_in_dim3A_22 : vector<1x256xf32>
    %swap3A = arith.constant 0 : index
    %swap3A_24 = arith.constant 0 : index
    %swap3A_25 = vector.load %arg5[%swap3A, %swap3A_24] : memref<1x256xf32, #tpu.memory_space<vmem>>, vector<1x256xf32>
    tpu.vector_store %arg5[%swap3A, %swap3A_24], %add3A_23 {strides = array<i32>} : memref<1x256xf32, #tpu.memory_space<vmem>>, vector<1x256xf32>,
    %get3A_26 = arith.constant 0 : index
    %get3A_27 = arith.constant 0 : index
    %get3A_28 = vector.load %arg6[%get3A_26, %get3A_27] : memref<1x256xf32, #tpu.memory_space<vmem>>, vector<1x256xf32>
    %mul3A_29 = arith.mulf %dot_general3A_17, %dot_general3A_17 : vector<4096x256xf32>
    %reduce_sum3A_30 = arith.constant dense<0.000000e+00> : vector<256xf32>
    %reduce_sum3A_31 = vector.multi_reduction <add>, %mul3A_29, %reduce_sum3A_30 [0] : vector<4096x256xf32> to vector<256xf32>
    %broadcast_in_dim3A_32 = vector.shape_cast %reduce_sum3A_31 : vector<256xf32> to vector<1x256xf32>
    %add3A_33 = arith.addf %get3A_28, %broadcast_in_dim3A_32 : vector<1x256xf32>
    %swap3A_34 = arith.constant 0 : index
    %swap3A_35 = arith.constant 0 : index
    %swap3A_36 = vector.load %arg6[%swap3A_34, %swap3A_35] : memref<1x256xf32, #tpu.memory_space<vmem>>, vector<1x256xf32>
    tpu.vector_store %arg6[%swap3A_34, %swap3A_35], %add3A_33 {strides = array<i32>} : memref<1x256xf32, #tpu.memory_space<vmem>>, vector<1x256xf32>,
    return
  }
  func.func @transform_0(%arg0: i32, %arg1: i32) -> (i32, i32, i32) {
    %c0_i32 = arith.constant 0 : i32
    %c0_i32_0 = arith.constant 0 : i32
    return %arg0, %arg1, %c0_i32 : i32, i32, i32
  }
  func.func @transform_1(%arg0: i32, %arg1: i32) -> (i32, i32, i32) {
    %c0_i32 = arith.constant 0 : i32
    %c0_i32_0 = arith.constant 0 : i32
    return %arg0, %arg1, %c0_i32 : i32, i32, i32
  }
  func.func @transform_2(%arg0: i32, %arg1: i32) -> (i32, i32) {
    %c0_i32 = arith.constant 0 : i32
    %c0_i32_0 = arith.constant 0 : i32
    %c0_i32_1 = arith.constant 0 : i32
    return %c0_i32, %c0_i32_0 : i32, i32
  }
  func.func @transform_3(%arg0: i32, %arg1: i32) -> (i32, i32) {
    %c0_i32 = arith.constant 0 : i32
    %c0_i32_0 = arith.constant 0 : i32
    %c0_i32_1 = arith.constant 0 : i32
    return %c0_i32, %c0_i32_0 : i32, i32
  }
  func.func @transform_4(%arg0: i32, %arg1: i32) -> (i32, i32) {
    %c0_i32 = arith.constant 0 : i32
    %c0_i32_0 = arith.constant 0 : i32
    %c0_i32_1 = arith.constant 0 : i32
    return %c0_i32, %c0_i32_0 : i32, i32
  }
}

module attributes {stable_mosaic.version = 14 : i64} {
  func.func @_layer2_kernel(%arg0: i32, %arg1: i32, %arg2: memref<1x4096x256xf32, #tpu.memory_space<vmem>>, %arg3: memref<1x64x256xf32, #tpu.memory_space<vmem>>, %arg4: memref<256x256xf32, #tpu.memory_space<vmem>>, %arg5: memref<1x256xf32, #tpu.memory_space<vmem>>, %arg6: memref<1x256xf32, #tpu.memory_space<vmem>>, %arg7: memref<256x256xf32, #tpu.memory_space<vmem>>, %arg8: memref<1x64x256xf32, #tpu.memory_space<vmem>>, %arg9: memref<1x256xf32, #tpu.memory_space<vmem>>, %arg10: memref<1x256xf32, #tpu.memory_space<vmem>>) attributes {dimension_semantics = [#tpu.dimension_semantics<arbitrary>, #tpu.dimension_semantics<arbitrary>], iteration_bounds = array<i64: 16, 8>, scalar_prefetch = 0 : i64, scratch_operands = 0 : i64, tpu.core_type = #tpu.core_type<tc>, window_params = [{transform_indices = @transform_0, window_bounds = array<i64: 1, 4096, 256>}, {transform_indices = @transform_1, window_bounds = array<i64: 1, 64, 256>}, {pipeline_mode = #tpu.pipeline_mode<synchronous>, transform_indices = @transform_2, window_bounds = array<i64: 256, 256>}, {pipeline_mode = #tpu.pipeline_mode<synchronous>, transform_indices = @transform_3, window_bounds = array<i64: 1, 256>}, {pipeline_mode = #tpu.pipeline_mode<synchronous>, transform_indices = @transform_4, window_bounds = array<i64: 1, 256>}, {pipeline_mode = #tpu.pipeline_mode<synchronous>, transform_indices = @transform_5, window_bounds = array<i64: 256, 256>}, {transform_indices = @transform_6, window_bounds = array<i64: 1, 64, 256>}, {pipeline_mode = #tpu.pipeline_mode<synchronous>, transform_indices = @transform_7, window_bounds = array<i64: 1, 256>}, {pipeline_mode = #tpu.pipeline_mode<synchronous>, transform_indices = @transform_8, window_bounds = array<i64: 1, 256>}]} {
    %mul3A = arith.constant 8 : i32
    %mul3A_0 = arith.muli %arg0, %mul3A : i32
    %add3A = arith.addi %mul3A_0, %arg1 : i32
    %eq3A = arith.constant 0 : i32
    %eq3A_1 = arith.cmpi eq, %add3A, %eq3A : i32
    %convert_element_type3A = arith.extui %eq3A_1 : i1 to i32
    %cond3A = arith.constant 0 : i32
    %cond3A_2 = arith.cmpi ne, %convert_element_type3A, %cond3A : i32
    scf.if %cond3A_2 {
      %broadcast_in_dim3A_72 = arith.constant 0.000000e+00 : f32
      %broadcast_in_dim3A_73 = vector.broadcast %broadcast_in_dim3A_72 : f32 to vector<1x256xf32>
      %swap3A_74 = arith.constant 0 : index
      %swap3A_75 = arith.constant 0 : index
      %swap3A_76 = vector.load %arg9[%swap3A_74, %swap3A_75] : memref<1x256xf32, #tpu.memory_space<vmem>>, vector<1x256xf32>
      tpu.vector_store %arg9[%swap3A_74, %swap3A_75], %broadcast_in_dim3A_73 {strides = array<i32>} : memref<1x256xf32, #tpu.memory_space<vmem>>, vector<1x256xf32>,
      %broadcast_in_dim3A_77 = arith.constant 0.000000e+00 : f32
      %broadcast_in_dim3A_78 = vector.broadcast %broadcast_in_dim3A_77 : f32 to vector<1x256xf32>
      %swap3A_79 = arith.constant 0 : index
      %swap3A_80 = arith.constant 0 : index
      %swap3A_81 = vector.load %arg10[%swap3A_79, %swap3A_80] : memref<1x256xf32, #tpu.memory_space<vmem>>, vector<1x256xf32>
      tpu.vector_store %arg10[%swap3A_79, %swap3A_80], %broadcast_in_dim3A_78 {strides = array<i32>} : memref<1x256xf32, #tpu.memory_space<vmem>>, vector<1x256xf32>,
    } else {
    }
    %get3A = arith.constant 0 : index
    %get3A_3 = arith.constant 0 : index
    %get3A_4 = vector.load %arg5[%get3A, %get3A_3] : memref<1x256xf32, #tpu.memory_space<vmem>>, vector<1x256xf32>
    %div3A = arith.constant 5.242880e+05 : f32
    %div3A_5 = vector.broadcast %div3A : f32 to vector<1x256xf32>
    %div3A_6 = arith.divf %get3A_4, %div3A_5 : vector<1x256xf32>
    %get3A_7 = arith.constant 0 : index
    %get3A_8 = arith.constant 0 : index
    %get3A_9 = vector.load %arg6[%get3A_7, %get3A_8] : memref<1x256xf32, #tpu.memory_space<vmem>>, vector<1x256xf32>
    %div3A_10 = arith.constant 5.242880e+05 : f32
    %div3A_11 = vector.broadcast %div3A_10 : f32 to vector<1x256xf32>
    %div3A_12 = arith.divf %get3A_9, %div3A_11 : vector<1x256xf32>
    %mul3A_13 = arith.mulf %div3A_6, %div3A_6 : vector<1x256xf32>
    %sub3A = arith.subf %div3A_12, %mul3A_13 : vector<1x256xf32>
    %get3A_14 = arith.constant 0 : index
    %get3A_15 = arith.constant 0 : index
    %get3A_16 = arith.constant 0 : index
    %get3A_17 = vector.load %arg2[%get3A_14, %get3A_15, %get3A_16] : memref<1x4096x256xf32, #tpu.memory_space<vmem>>, vector<1x4096x256xf32>
    %get3A_18 = vector.shape_cast %get3A_17 : vector<1x4096x256xf32> to vector<4096x256xf32>
    %reshape3A = vector.shape_cast %get3A_18 : vector<4096x256xf32> to vector<64x64x256xf32>
    %get3A_19 = arith.constant 0 : index
    %get3A_20 = arith.constant 0 : index
    %get3A_21 = arith.constant 0 : index
    %get3A_22 = vector.load %arg3[%get3A_19, %get3A_20, %get3A_21] : memref<1x64x256xf32, #tpu.memory_space<vmem>>, vector<1x64x256xf32>
    %get3A_23 = vector.shape_cast %get3A_22 : vector<1x64x256xf32> to vector<64x256xf32>
    %broadcast_in_dim3A = vector.shape_cast %get3A_23 : vector<64x256xf32> to vector<64x1x256xf32>
    %sub3A_24 = vector.broadcast %broadcast_in_dim3A : vector<64x1x256xf32> to vector<64x64x256xf32>
    %sub3A_25 = arith.subf %reshape3A, %sub3A_24 : vector<64x64x256xf32>
    %reshape3A_26 = vector.shape_cast %sub3A_25 : vector<64x64x256xf32> to vector<4096x256xf32>
    %get3A_27 = arith.constant 0 : index
    %get3A_28 = arith.constant 0 : index
    %get3A_29 = vector.load %arg4[%get3A_27, %get3A_28] : memref<256x256xf32, #tpu.memory_space<vmem>>, vector<256x256xf32>
    %dot_general3A = arith.constant dense<0.000000e+00> : vector<4096x256xf32>
    %dot_general3A_30 = tpu.matmul %reshape3A_26, %get3A_29, %dot_general3A {dimension_numbers = #tpu.dot_dimension_numbers<[1], [1], [0], [0], [0, 0, 1, 0], [], []>, transpose_lhs_hint = false} : vector<4096x256xf32>, vector<256x256xf32>, vector<4096x256xf32> -> vector<4096x256xf32>
    %sub3A_31 = vector.broadcast %div3A_6 : vector<1x256xf32> to vector<4096x256xf32>
    %sub3A_32 = arith.subf %dot_general3A_30, %sub3A_31 : vector<4096x256xf32>
    %add3A_33 = arith.constant 9.99999974E-6 : f32
    %add3A_34 = vector.broadcast %add3A_33 : f32 to vector<1x256xf32>
    %add3A_35 = arith.addf %sub3A, %add3A_34 : vector<1x256xf32>
    %sqrt3A = math.sqrt %add3A_35 : vector<1x256xf32>
    %div3A_36 = vector.broadcast %sqrt3A : vector<1x256xf32> to vector<4096x256xf32>
    %div3A_37 = arith.divf %sub3A_32, %div3A_36 : vector<4096x256xf32>
    %max3A = arith.constant 0.000000e+00 : f32
    %max3A_38 = vector.broadcast %max3A : f32 to vector<4096x256xf32>
    %max3A_39 = arith.maximumf %div3A_37, %max3A_38 : vector<4096x256xf32>
    %get3A_40 = arith.constant 0 : index
    %get3A_41 = arith.constant 0 : index
    %get3A_42 = vector.load %arg7[%get3A_40, %get3A_41] : memref<256x256xf32, #tpu.memory_space<vmem>>, vector<256x256xf32>
    %dot_general3A_43 = arith.constant dense<0.000000e+00> : vector<4096x256xf32>
    %dot_general3A_44 = tpu.matmul %max3A_39, %get3A_42, %dot_general3A_43 {dimension_numbers = #tpu.dot_dimension_numbers<[1], [1], [0], [0], [0, 0, 1, 0], [], []>, transpose_lhs_hint = false} : vector<4096x256xf32>, vector<256x256xf32>, vector<4096x256xf32> -> vector<4096x256xf32>
    %get3A_45 = arith.constant 0 : index
    %get3A_46 = arith.constant 0 : index
    %get3A_47 = vector.load %arg9[%get3A_45, %get3A_46] : memref<1x256xf32, #tpu.memory_space<vmem>>, vector<1x256xf32>
    %reduce_sum3A = arith.constant dense<0.000000e+00> : vector<256xf32>
    %reduce_sum3A_48 = vector.multi_reduction <add>, %dot_general3A_44, %reduce_sum3A [0] : vector<4096x256xf32> to vector<256xf32>
    %broadcast_in_dim3A_49 = vector.shape_cast %reduce_sum3A_48 : vector<256xf32> to vector<1x256xf32>
    %add3A_50 = arith.addf %get3A_47, %broadcast_in_dim3A_49 : vector<1x256xf32>
    %swap3A = arith.constant 0 : index
    %swap3A_51 = arith.constant 0 : index
    %swap3A_52 = vector.load %arg9[%swap3A, %swap3A_51] : memref<1x256xf32, #tpu.memory_space<vmem>>, vector<1x256xf32>
    tpu.vector_store %arg9[%swap3A, %swap3A_51], %add3A_50 {strides = array<i32>} : memref<1x256xf32, #tpu.memory_space<vmem>>, vector<1x256xf32>,
    %get3A_53 = arith.constant 0 : index
    %get3A_54 = arith.constant 0 : index
    %get3A_55 = vector.load %arg10[%get3A_53, %get3A_54] : memref<1x256xf32, #tpu.memory_space<vmem>>, vector<1x256xf32>
    %mul3A_56 = arith.mulf %dot_general3A_44, %dot_general3A_44 : vector<4096x256xf32>
    %reduce_sum3A_57 = arith.constant dense<0.000000e+00> : vector<256xf32>
    %reduce_sum3A_58 = vector.multi_reduction <add>, %mul3A_56, %reduce_sum3A_57 [0] : vector<4096x256xf32> to vector<256xf32>
    %broadcast_in_dim3A_59 = vector.shape_cast %reduce_sum3A_58 : vector<256xf32> to vector<1x256xf32>
    %add3A_60 = arith.addf %get3A_55, %broadcast_in_dim3A_59 : vector<1x256xf32>
    %swap3A_61 = arith.constant 0 : index
    %swap3A_62 = arith.constant 0 : index
    %swap3A_63 = vector.load %arg10[%swap3A_61, %swap3A_62] : memref<1x256xf32, #tpu.memory_space<vmem>>, vector<1x256xf32>
    tpu.vector_store %arg10[%swap3A_61, %swap3A_62], %add3A_60 {strides = array<i32>} : memref<1x256xf32, #tpu.memory_space<vmem>>, vector<1x256xf32>,
    %reshape3A_64 = vector.shape_cast %dot_general3A_44 : vector<4096x256xf32> to vector<64x64x256xf32>
    %reduce_max3A = arith.constant dense<0xFF800000> : vector<64x256xf32>
    %reduce_max3A_65 = vector.multi_reduction <maximumf>, %reshape3A_64, %reduce_max3A [1] : vector<64x64x256xf32> to vector<64x256xf32>
    %swap3A_66 = arith.constant 0 : index
    %swap3A_67 = arith.constant 0 : index
    %swap3A_68 = arith.constant 0 : index
    %swap3A_69 = vector.load %arg8[%swap3A_66, %swap3A_67, %swap3A_68] : memref<1x64x256xf32, #tpu.memory_space<vmem>>, vector<1x64x256xf32>
    %swap3A_70 = vector.shape_cast %swap3A_69 : vector<1x64x256xf32> to vector<64x256xf32>
    %swap3A_71 = vector.shape_cast %reduce_max3A_65 : vector<64x256xf32> to vector<1x64x256xf32>
    tpu.vector_store %arg8[%swap3A_66, %swap3A_67, %swap3A_68], %swap3A_71 {strides = array<i32>} : memref<1x64x256xf32, #tpu.memory_space<vmem>>, vector<1x64x256xf32>,
    return
  }
  func.func @transform_0(%arg0: i32, %arg1: i32) -> (i32, i32, i32) {
    %c0_i32 = arith.constant 0 : i32
    %c0_i32_0 = arith.constant 0 : i32
    return %arg0, %arg1, %c0_i32 : i32, i32, i32
  }
  func.func @transform_1(%arg0: i32, %arg1: i32) -> (i32, i32, i32) {
    %c0_i32 = arith.constant 0 : i32
    %c0_i32_0 = arith.constant 0 : i32
    return %arg0, %arg1, %c0_i32 : i32, i32, i32
  }
  func.func @transform_2(%arg0: i32, %arg1: i32) -> (i32, i32) {
    %c0_i32 = arith.constant 0 : i32
    %c0_i32_0 = arith.constant 0 : i32
    %c0_i32_1 = arith.constant 0 : i32
    return %c0_i32, %c0_i32_0 : i32, i32
  }
  func.func @transform_3(%arg0: i32, %arg1: i32) -> (i32, i32) {
    %c0_i32 = arith.constant 0 : i32
    %c0_i32_0 = arith.constant 0 : i32
    %c0_i32_1 = arith.constant 0 : i32
    return %c0_i32, %c0_i32_0 : i32, i32
  }
  func.func @transform_4(%arg0: i32, %arg1: i32) -> (i32, i32) {
    %c0_i32 = arith.constant 0 : i32
    %c0_i32_0 = arith.constant 0 : i32
    %c0_i32_1 = arith.constant 0 : i32
    return %c0_i32, %c0_i32_0 : i32, i32
  }
  func.func @transform_5(%arg0: i32, %arg1: i32) -> (i32, i32) {
    %c0_i32 = arith.constant 0 : i32
    %c0_i32_0 = arith.constant 0 : i32
    %c0_i32_1 = arith.constant 0 : i32
    return %c0_i32, %c0_i32_0 : i32, i32
  }
  func.func @transform_6(%arg0: i32, %arg1: i32) -> (i32, i32, i32) {
    %c0_i32 = arith.constant 0 : i32
    %c0_i32_0 = arith.constant 0 : i32
    return %arg0, %arg1, %c0_i32 : i32, i32, i32
  }
  func.func @transform_7(%arg0: i32, %arg1: i32) -> (i32, i32) {
    %c0_i32 = arith.constant 0 : i32
    %c0_i32_0 = arith.constant 0 : i32
    %c0_i32_1 = arith.constant 0 : i32
    return %c0_i32, %c0_i32_0 : i32, i32
  }
  func.func @transform_8(%arg0: i32, %arg1: i32) -> (i32, i32) {
    %c0_i32 = arith.constant 0 : i32
    %c0_i32_0 = arith.constant 0 : i32
    %c0_i32_1 = arith.constant 0 : i32
    return %c0_i32, %c0_i32_0 : i32, i32
  }
}

module attributes {stable_mosaic.version = 14 : i64} {
  func.func @_finalize_kernel(%arg0: i32, %arg1: memref<1x512x256xf32, #tpu.memory_space<vmem>>, %arg2: memref<1x256xf32, #tpu.memory_space<vmem>>, %arg3: memref<1x256xf32, #tpu.memory_space<vmem>>, %arg4: memref<1x512x256xf32, #tpu.memory_space<vmem>>) attributes {dimension_semantics = [#tpu.dimension_semantics<arbitrary>], iteration_bounds = array<i64: 16>, scalar_prefetch = 0 : i64, scratch_operands = 0 : i64, tpu.core_type = #tpu.core_type<tc>, window_params = [{transform_indices = @transform_0, window_bounds = array<i64: 1, 512, 256>}, {pipeline_mode = #tpu.pipeline_mode<synchronous>, transform_indices = @transform_1, window_bounds = array<i64: 1, 256>}, {pipeline_mode = #tpu.pipeline_mode<synchronous>, transform_indices = @transform_2, window_bounds = array<i64: 1, 256>}, {transform_indices = @transform_3, window_bounds = array<i64: 1, 512, 256>}]} {
    %get3A = arith.constant 0 : index
    %get3A_0 = arith.constant 0 : index
    %get3A_1 = arith.constant 0 : index
    %get3A_2 = vector.load %arg1[%get3A, %get3A_0, %get3A_1] : memref<1x512x256xf32, #tpu.memory_space<vmem>>, vector<1x512x256xf32>
    %get3A_3 = vector.shape_cast %get3A_2 : vector<1x512x256xf32> to vector<512x256xf32>
    %get3A_4 = arith.constant 0 : index
    %get3A_5 = arith.constant 0 : index
    %get3A_6 = vector.load %arg2[%get3A_4, %get3A_5] : memref<1x256xf32, #tpu.memory_space<vmem>>, vector<1x256xf32>
    %div3A = arith.constant 5.242880e+05 : f32
    %div3A_7 = vector.broadcast %div3A : f32 to vector<1x256xf32>
    %div3A_8 = arith.divf %get3A_6, %div3A_7 : vector<1x256xf32>
    %get3A_9 = arith.constant 0 : index
    %get3A_10 = arith.constant 0 : index
    %get3A_11 = vector.load %arg3[%get3A_9, %get3A_10] : memref<1x256xf32, #tpu.memory_space<vmem>>, vector<1x256xf32>
    %div3A_12 = arith.constant 5.242880e+05 : f32
    %div3A_13 = vector.broadcast %div3A_12 : f32 to vector<1x256xf32>
    %div3A_14 = arith.divf %get3A_11, %div3A_13 : vector<1x256xf32>
    %mul3A = arith.mulf %div3A_8, %div3A_8 : vector<1x256xf32>
    %sub3A = arith.subf %div3A_14, %mul3A : vector<1x256xf32>
    %sub3A_15 = vector.broadcast %div3A_8 : vector<1x256xf32> to vector<512x256xf32>
    %sub3A_16 = arith.subf %get3A_3, %sub3A_15 : vector<512x256xf32>
    %add3A = arith.constant 9.99999974E-6 : f32
    %add3A_17 = vector.broadcast %add3A : f32 to vector<1x256xf32>
    %add3A_18 = arith.addf %sub3A, %add3A_17 : vector<1x256xf32>
    %sqrt3A = math.sqrt %add3A_18 : vector<1x256xf32>
    %div3A_19 = vector.broadcast %sqrt3A : vector<1x256xf32> to vector<512x256xf32>
    %div3A_20 = arith.divf %sub3A_16, %div3A_19 : vector<512x256xf32>
    %max3A = arith.constant 0.000000e+00 : f32
    %max3A_21 = vector.broadcast %max3A : f32 to vector<512x256xf32>
    %max3A_22 = arith.maximumf %div3A_20, %max3A_21 : vector<512x256xf32>
    %swap3A = arith.constant 0 : index
    %swap3A_23 = arith.constant 0 : index
    %swap3A_24 = arith.constant 0 : index
    %swap3A_25 = vector.load %arg4[%swap3A, %swap3A_23, %swap3A_24] : memref<1x512x256xf32, #tpu.memory_space<vmem>>, vector<1x512x256xf32>
    %swap3A_26 = vector.shape_cast %swap3A_25 : vector<1x512x256xf32> to vector<512x256xf32>
    %swap3A_27 = vector.shape_cast %max3A_22 : vector<512x256xf32> to vector<1x512x256xf32>
    tpu.vector_store %arg4[%swap3A, %swap3A_23, %swap3A_24], %swap3A_27 {strides = array<i32>} : memref<1x512x256xf32, #tpu.memory_space<vmem>>, vector<1x512x256xf32>,
    return
  }
  func.func @transform_0(%arg0: i32) -> (i32, i32, i32) {
    %c0_i32 = arith.constant 0 : i32
    %c0_i32_0 = arith.constant 0 : i32
    %c0_i32_1 = arith.constant 0 : i32
    return %arg0, %c0_i32, %c0_i32_0 : i32, i32, i32
  }
  func.func @transform_1(%arg0: i32) -> (i32, i32) {
    %c0_i32 = arith.constant 0 : i32
    %c0_i32_0 = arith.constant 0 : i32
    %c0_i32_1 = arith.constant 0 : i32
    return %c0_i32, %c0_i32_0 : i32, i32
  }
  func.func @transform_2(%arg0: i32) -> (i32, i32) {
    %c0_i32 = arith.constant 0 : i32
    %c0_i32_0 = arith.constant 0 : i32
    %c0_i32_1 = arith.constant 0 : i32
    return %c0_i32, %c0_i32_0 : i32, i32
  }
  func.func @transform_3(%arg0: i32) -> (i32, i32, i32) {
    %c0_i32 = arith.constant 0 : i32
    %c0_i32_0 = arith.constant 0 : i32
    %c0_i32_1 = arith.constant 0 : i32
    return %arg0, %c0_i32, %c0_i32_0 : i32, i32, i32
  }
}

module attributes {stable_mosaic.version = 14 : i64} {
  func.func @_pool_kernel(%arg0: i32, %arg1: i32, %arg2: memref<1x4096x384xf32, #tpu.memory_space<vmem>>, %arg3: memref<1x64x384xf32, #tpu.memory_space<vmem>>, %arg4: memref<256x384xf32, #tpu.memory_space<vmem>>, %arg5: memref<1x64x256xf32, #tpu.memory_space<vmem>>, %arg6: memref<1x256xf32, #tpu.memory_space<vmem>>, %arg7: memref<1x256xf32, #tpu.memory_space<vmem>>) attributes {dimension_semantics = [#tpu.dimension_semantics<arbitrary>, #tpu.dimension_semantics<arbitrary>], iteration_bounds = array<i64: 16, 4>, scalar_prefetch = 0 : i64, scratch_operands = 0 : i64, tpu.core_type = #tpu.core_type<tc>, window_params = [{transform_indices = @transform_0, window_bounds = array<i64: 1, 4096, 384>}, {transform_indices = @transform_1, window_bounds = array<i64: 1, 64, 384>}, {pipeline_mode = #tpu.pipeline_mode<synchronous>, transform_indices = @transform_2, window_bounds = array<i64: 256, 384>}, {transform_indices = @transform_3, window_bounds = array<i64: 1, 64, 256>}, {pipeline_mode = #tpu.pipeline_mode<synchronous>, transform_indices = @transform_4, window_bounds = array<i64: 1, 256>}, {pipeline_mode = #tpu.pipeline_mode<synchronous>, transform_indices = @transform_5, window_bounds = array<i64: 1, 256>}]} {
    %mul3A = arith.constant 4 : i32
    %mul3A_0 = arith.muli %arg0, %mul3A : i32
    %add3A = arith.addi %mul3A_0, %arg1 : i32
    %eq3A = arith.constant 0 : i32
    %eq3A_1 = arith.cmpi eq, %add3A, %eq3A : i32
    %convert_element_type3A = arith.extui %eq3A_1 : i1 to i32
    %cond3A = arith.constant 0 : i32
    %cond3A_2 = arith.cmpi ne, %convert_element_type3A, %cond3A : i32
    scf.if %cond3A_2 {
      %broadcast_in_dim3A_45 = arith.constant 0.000000e+00 : f32
      %broadcast_in_dim3A_46 = vector.broadcast %broadcast_in_dim3A_45 : f32 to vector<1x256xf32>
      %swap3A_47 = arith.constant 0 : index
      %swap3A_48 = arith.constant 0 : index
      %swap3A_49 = vector.load %arg6[%swap3A_47, %swap3A_48] : memref<1x256xf32, #tpu.memory_space<vmem>>, vector<1x256xf32>
      tpu.vector_store %arg6[%swap3A_47, %swap3A_48], %broadcast_in_dim3A_46 {strides = array<i32>} : memref<1x256xf32, #tpu.memory_space<vmem>>, vector<1x256xf32>,
      %broadcast_in_dim3A_50 = arith.constant 0.000000e+00 : f32
      %broadcast_in_dim3A_51 = vector.broadcast %broadcast_in_dim3A_50 : f32 to vector<1x256xf32>
      %swap3A_52 = arith.constant 0 : index
      %swap3A_53 = arith.constant 0 : index
      %swap3A_54 = vector.load %arg7[%swap3A_52, %swap3A_53] : memref<1x256xf32, #tpu.memory_space<vmem>>, vector<1x256xf32>
      tpu.vector_store %arg7[%swap3A_52, %swap3A_53], %broadcast_in_dim3A_51 {strides = array<i32>} : memref<1x256xf32, #tpu.memory_space<vmem>>, vector<1x256xf32>,
    } else {
    }
    %get3A = arith.constant 0 : index
    %get3A_3 = arith.constant 0 : index
    %get3A_4 = arith.constant 0 : index
    %get3A_5 = vector.load %arg2[%get3A, %get3A_3, %get3A_4] : memref<1x4096x384xf32, #tpu.memory_space<vmem>>, vector<1x4096x384xf32>
    %get3A_6 = vector.shape_cast %get3A_5 : vector<1x4096x384xf32> to vector<4096x384xf32>
    %reshape3A = vector.shape_cast %get3A_6 : vector<4096x384xf32> to vector<64x64x384xf32>
    %get3A_7 = arith.constant 0 : index
    %get3A_8 = arith.constant 0 : index
    %get3A_9 = arith.constant 0 : index
    %get3A_10 = vector.load %arg3[%get3A_7, %get3A_8, %get3A_9] : memref<1x64x384xf32, #tpu.memory_space<vmem>>, vector<1x64x384xf32>
    %get3A_11 = vector.shape_cast %get3A_10 : vector<1x64x384xf32> to vector<64x384xf32>
    %broadcast_in_dim3A = vector.shape_cast %get3A_11 : vector<64x384xf32> to vector<64x1x384xf32>
    %sub3A = vector.broadcast %broadcast_in_dim3A : vector<64x1x384xf32> to vector<64x64x384xf32>
    %sub3A_12 = arith.subf %reshape3A, %sub3A : vector<64x64x384xf32>
    %reshape3A_13 = vector.shape_cast %sub3A_12 : vector<64x64x384xf32> to vector<4096x384xf32>
    %get3A_14 = arith.constant 0 : index
    %get3A_15 = arith.constant 0 : index
    %get3A_16 = vector.load %arg4[%get3A_14, %get3A_15] : memref<256x384xf32, #tpu.memory_space<vmem>>, vector<256x384xf32>
    %dot_general3A = arith.constant dense<0.000000e+00> : vector<4096x256xf32>
    %dot_general3A_17 = tpu.matmul %reshape3A_13, %get3A_16, %dot_general3A {dimension_numbers = #tpu.dot_dimension_numbers<[1], [1], [0], [0], [0, 0, 1, 0], [], []>, transpose_lhs_hint = false} : vector<4096x384xf32>, vector<256x384xf32>, vector<4096x256xf32> -> vector<4096x256xf32>
    %get3A_18 = arith.constant 0 : index
    %get3A_19 = arith.constant 0 : index
    %get3A_20 = vector.load %arg6[%get3A_18, %get3A_19] : memref<1x256xf32, #tpu.memory_space<vmem>>, vector<1x256xf32>
    %reduce_sum3A = arith.constant dense<0.000000e+00> : vector<256xf32>
    %reduce_sum3A_21 = vector.multi_reduction <add>, %dot_general3A_17, %reduce_sum3A [0] : vector<4096x256xf32> to vector<256xf32>
    %broadcast_in_dim3A_22 = vector.shape_cast %reduce_sum3A_21 : vector<256xf32> to vector<1x256xf32>
    %add3A_23 = arith.addf %get3A_20, %broadcast_in_dim3A_22 : vector<1x256xf32>
    %swap3A = arith.constant 0 : index
    %swap3A_24 = arith.constant 0 : index
    %swap3A_25 = vector.load %arg6[%swap3A, %swap3A_24] : memref<1x256xf32, #tpu.memory_space<vmem>>, vector<1x256xf32>
    tpu.vector_store %arg6[%swap3A, %swap3A_24], %add3A_23 {strides = array<i32>} : memref<1x256xf32, #tpu.memory_space<vmem>>, vector<1x256xf32>,
    %get3A_26 = arith.constant 0 : index
    %get3A_27 = arith.constant 0 : index
    %get3A_28 = vector.load %arg7[%get3A_26, %get3A_27] : memref<1x256xf32, #tpu.memory_space<vmem>>, vector<1x256xf32>
    %mul3A_29 = arith.mulf %dot_general3A_17, %dot_general3A_17 : vector<4096x256xf32>
    %reduce_sum3A_30 = arith.constant dense<0.000000e+00> : vector<256xf32>
    %reduce_sum3A_31 = vector.multi_reduction <add>, %mul3A_29, %reduce_sum3A_30 [0] : vector<4096x256xf32> to vector<256xf32>
    %broadcast_in_dim3A_32 = vector.shape_cast %reduce_sum3A_31 : vector<256xf32> to vector<1x256xf32>
    %add3A_33 = arith.addf %get3A_28, %broadcast_in_dim3A_32 : vector<1x256xf32>
    %swap3A_34 = arith.constant 0 : index
    %swap3A_35 = arith.constant 0 : index
    %swap3A_36 = vector.load %arg7[%swap3A_34, %swap3A_35] : memref<1x256xf32, #tpu.memory_space<vmem>>, vector<1x256xf32>
    tpu.vector_store %arg7[%swap3A_34, %swap3A_35], %add3A_33 {strides = array<i32>} : memref<1x256xf32, #tpu.memory_space<vmem>>, vector<1x256xf32>,
    %reshape3A_37 = vector.shape_cast %dot_general3A_17 : vector<4096x256xf32> to vector<64x64x256xf32>
    %reduce_max3A = arith.constant dense<0xFF800000> : vector<64x256xf32>
    %reduce_max3A_38 = vector.multi_reduction <maximumf>, %reshape3A_37, %reduce_max3A [1] : vector<64x64x256xf32> to vector<64x256xf32>
    %swap3A_39 = arith.constant 0 : index
    %swap3A_40 = arith.constant 0 : index
    %swap3A_41 = arith.constant 0 : index
    %swap3A_42 = vector.load %arg5[%swap3A_39, %swap3A_40, %swap3A_41] : memref<1x64x256xf32, #tpu.memory_space<vmem>>, vector<1x64x256xf32>
    %swap3A_43 = vector.shape_cast %swap3A_42 : vector<1x64x256xf32> to vector<64x256xf32>
    %swap3A_44 = vector.shape_cast %reduce_max3A_38 : vector<64x256xf32> to vector<1x64x256xf32>
    tpu.vector_store %arg5[%swap3A_39, %swap3A_40, %swap3A_41], %swap3A_44 {strides = array<i32>} : memref<1x64x256xf32, #tpu.memory_space<vmem>>, vector<1x64x256xf32>,
    return
  }
  func.func @transform_0(%arg0: i32, %arg1: i32) -> (i32, i32, i32) {
    %c0_i32 = arith.constant 0 : i32
    %c0_i32_0 = arith.constant 0 : i32
    return %arg0, %arg1, %c0_i32 : i32, i32, i32
  }
  func.func @transform_1(%arg0: i32, %arg1: i32) -> (i32, i32, i32) {
    %c0_i32 = arith.constant 0 : i32
    %c0_i32_0 = arith.constant 0 : i32
    return %arg0, %arg1, %c0_i32 : i32, i32, i32
  }
  func.func @transform_2(%arg0: i32, %arg1: i32) -> (i32, i32) {
    %c0_i32 = arith.constant 0 : i32
    %c0_i32_0 = arith.constant 0 : i32
    %c0_i32_1 = arith.constant 0 : i32
    return %c0_i32, %c0_i32_0 : i32, i32
  }
  func.func @transform_3(%arg0: i32, %arg1: i32) -> (i32, i32, i32) {
    %c0_i32 = arith.constant 0 : i32
    %c0_i32_0 = arith.constant 0 : i32
    return %arg0, %arg1, %c0_i32 : i32, i32, i32
  }
  func.func @transform_4(%arg0: i32, %arg1: i32) -> (i32, i32) {
    %c0_i32 = arith.constant 0 : i32
    %c0_i32_0 = arith.constant 0 : i32
    %c0_i32_1 = arith.constant 0 : i32
    return %c0_i32, %c0_i32_0 : i32, i32
  }
  func.func @transform_5(%arg0: i32, %arg1: i32) -> (i32, i32) {
    %c0_i32 = arith.constant 0 : i32
    %c0_i32_0 = arith.constant 0 : i32
    %c0_i32_1 = arith.constant 0 : i32
    return %c0_i32, %c0_i32_0 : i32, i32
  }
}

module attributes {stable_mosaic.version = 14 : i64} {
  func.func @_pre_kernel(%arg0: i32, %arg1: memref<1x256x128xf32, #tpu.memory_space<vmem>>, %arg2: memref<1x256x256xf32, #tpu.memory_space<vmem>>, %arg3: memref<256x128xf32, #tpu.memory_space<vmem>>, %arg4: memref<256x256xf32, #tpu.memory_space<vmem>>, %arg5: memref<1x256x256xf32, #tpu.memory_space<vmem>>, %arg6: memref<1x256x256xf32, #tpu.memory_space<vmem>>, %arg7: memref<1x256xf32, #tpu.memory_space<vmem>>, %arg8: memref<1x256xf32, #tpu.memory_space<vmem>>, %arg9: memref<1x256xf32, #tpu.memory_space<vmem>>, %arg10: memref<1x256xf32, #tpu.memory_space<vmem>>) attributes {dimension_semantics = [#tpu.dimension_semantics<arbitrary>], iteration_bounds = array<i64: 16>, scalar_prefetch = 0 : i64, scratch_operands = 0 : i64, tpu.core_type = #tpu.core_type<tc>, window_params = [{transform_indices = @transform_0, window_bounds = array<i64: 1, 256, 128>}, {transform_indices = @transform_1, window_bounds = array<i64: 1, 256, 256>}, {pipeline_mode = #tpu.pipeline_mode<synchronous>, transform_indices = @transform_2, window_bounds = array<i64: 256, 128>}, {pipeline_mode = #tpu.pipeline_mode<synchronous>, transform_indices = @transform_3, window_bounds = array<i64: 256, 256>}, {transform_indices = @transform_4, window_bounds = array<i64: 1, 256, 256>}, {transform_indices = @transform_5, window_bounds = array<i64: 1, 256, 256>}, {pipeline_mode = #tpu.pipeline_mode<synchronous>, transform_indices = @transform_6, window_bounds = array<i64: 1, 256>}, {pipeline_mode = #tpu.pipeline_mode<synchronous>, transform_indices = @transform_7, window_bounds = array<i64: 1, 256>}, {pipeline_mode = #tpu.pipeline_mode<synchronous>, transform_indices = @transform_8, window_bounds = array<i64: 1, 256>}, {pipeline_mode = #tpu.pipeline_mode<synchronous>, transform_indices = @transform_9, window_bounds = array<i64: 1, 256>}]} {
    %eq3A = arith.constant 0 : i32
    %eq3A_0 = arith.cmpi eq, %arg0, %eq3A : i32
    %convert_element_type3A = arith.extui %eq3A_0 : i1 to i32
    %cond3A = arith.constant 0 : i32
    %cond3A_1 = arith.cmpi ne, %convert_element_type3A, %cond3A : i32
    scf.if %cond3A_1 {
      %broadcast_in_dim3A_69 = arith.constant 0.000000e+00 : f32
      %broadcast_in_dim3A_70 = vector.broadcast %broadcast_in_dim3A_69 : f32 to vector<1x256xf32>
      %swap3A_71 = arith.constant 0 : index
      %swap3A_72 = arith.constant 0 : index
      %swap3A_73 = vector.load %arg7[%swap3A_71, %swap3A_72] : memref<1x256xf32, #tpu.memory_space<vmem>>, vector<1x256xf32>
      tpu.vector_store %arg7[%swap3A_71, %swap3A_72], %broadcast_in_dim3A_70 {strides = array<i32>} : memref<1x256xf32, #tpu.memory_space<vmem>>, vector<1x256xf32>,
      %broadcast_in_dim3A_74 = arith.constant 0.000000e+00 : f32
      %broadcast_in_dim3A_75 = vector.broadcast %broadcast_in_dim3A_74 : f32 to vector<1x256xf32>
      %swap3A_76 = arith.constant 0 : index
      %swap3A_77 = arith.constant 0 : index
      %swap3A_78 = vector.load %arg8[%swap3A_76, %swap3A_77] : memref<1x256xf32, #tpu.memory_space<vmem>>, vector<1x256xf32>
      tpu.vector_store %arg8[%swap3A_76, %swap3A_77], %broadcast_in_dim3A_75 {strides = array<i32>} : memref<1x256xf32, #tpu.memory_space<vmem>>, vector<1x256xf32>,
      %broadcast_in_dim3A_79 = arith.constant 0.000000e+00 : f32
      %broadcast_in_dim3A_80 = vector.broadcast %broadcast_in_dim3A_79 : f32 to vector<1x256xf32>
      %swap3A_81 = arith.constant 0 : index
      %swap3A_82 = arith.constant 0 : index
      %swap3A_83 = vector.load %arg9[%swap3A_81, %swap3A_82] : memref<1x256xf32, #tpu.memory_space<vmem>>, vector<1x256xf32>
      tpu.vector_store %arg9[%swap3A_81, %swap3A_82], %broadcast_in_dim3A_80 {strides = array<i32>} : memref<1x256xf32, #tpu.memory_space<vmem>>, vector<1x256xf32>,
      %broadcast_in_dim3A_84 = arith.constant 0.000000e+00 : f32
      %broadcast_in_dim3A_85 = vector.broadcast %broadcast_in_dim3A_84 : f32 to vector<1x256xf32>
      %swap3A_86 = arith.constant 0 : index
      %swap3A_87 = arith.constant 0 : index
      %swap3A_88 = vector.load %arg10[%swap3A_86, %swap3A_87] : memref<1x256xf32, #tpu.memory_space<vmem>>, vector<1x256xf32>
      tpu.vector_store %arg10[%swap3A_86, %swap3A_87], %broadcast_in_dim3A_85 {strides = array<i32>} : memref<1x256xf32, #tpu.memory_space<vmem>>, vector<1x256xf32>,
    } else {
    }
    %get3A = arith.constant 0 : index
    %get3A_2 = arith.constant 0 : index
    %get3A_3 = arith.constant 0 : index
    %get3A_4 = vector.load %arg1[%get3A, %get3A_2, %get3A_3] : memref<1x256x128xf32, #tpu.memory_space<vmem>>, vector<1x256x128xf32>
    %get3A_5 = vector.shape_cast %get3A_4 : vector<1x256x128xf32> to vector<256x128xf32>
    %get3A_6 = arith.constant 0 : index
    %get3A_7 = arith.constant 0 : index
    %get3A_8 = vector.load %arg3[%get3A_6, %get3A_7] : memref<256x128xf32, #tpu.memory_space<vmem>>, vector<256x128xf32>
    %dot_general3A = arith.constant dense<0.000000e+00> : vector<256x256xf32>
    %dot_general3A_9 = tpu.matmul %get3A_5, %get3A_8, %dot_general3A {dimension_numbers = #tpu.dot_dimension_numbers<[1], [1], [0], [0], [0, 0, 1, 0], [], []>, transpose_lhs_hint = false} : vector<256x128xf32>, vector<256x128xf32>, vector<256x256xf32> -> vector<256x256xf32>
    %get3A_10 = arith.constant 0 : index
    %get3A_11 = arith.constant 0 : index
    %get3A_12 = arith.constant 0 : index
    %get3A_13 = vector.load %arg2[%get3A_10, %get3A_11, %get3A_12] : memref<1x256x256xf32, #tpu.memory_space<vmem>>, vector<1x256x256xf32>
    %get3A_14 = vector.shape_cast %get3A_13 : vector<1x256x256xf32> to vector<256x256xf32>
    %get3A_15 = arith.constant 0 : index
    %get3A_16 = arith.constant 0 : index
    %get3A_17 = vector.load %arg4[%get3A_15, %get3A_16] : memref<256x256xf32, #tpu.memory_space<vmem>>, vector<256x256xf32>
    %dot_general3A_18 = arith.constant dense<0.000000e+00> : vector<256x256xf32>
    %dot_general3A_19 = tpu.matmul %get3A_14, %get3A_17, %dot_general3A_18 {dimension_numbers = #tpu.dot_dimension_numbers<[1], [1], [0], [0], [0, 0, 1, 0], [], []>, transpose_lhs_hint = false} : vector<256x256xf32>, vector<256x256xf32>, vector<256x256xf32> -> vector<256x256xf32>
    %swap3A = arith.constant 0 : index
    %swap3A_20 = arith.constant 0 : index
    %swap3A_21 = arith.constant 0 : index
    %swap3A_22 = vector.load %arg5[%swap3A, %swap3A_20, %swap3A_21] : memref<1x256x256xf32, #tpu.memory_space<vmem>>, vector<1x256x256xf32>
    %swap3A_23 = vector.shape_cast %swap3A_22 : vector<1x256x256xf32> to vector<256x256xf32>
    %swap3A_24 = vector.shape_cast %dot_general3A_9 : vector<256x256xf32> to vector<1x256x256xf32>
    tpu.vector_store %arg5[%swap3A, %swap3A_20, %swap3A_21], %swap3A_24 {strides = array<i32>} : memref<1x256x256xf32, #tpu.memory_space<vmem>>, vector<1x256x256xf32>,
    %swap3A_25 = arith.constant 0 : index
    %swap3A_26 = arith.constant 0 : index
    %swap3A_27 = arith.constant 0 : index
    %swap3A_28 = vector.load %arg6[%swap3A_25, %swap3A_26, %swap3A_27] : memref<1x256x256xf32, #tpu.memory_space<vmem>>, vector<1x256x256xf32>
    %swap3A_29 = vector.shape_cast %swap3A_28 : vector<1x256x256xf32> to vector<256x256xf32>
    %swap3A_30 = vector.shape_cast %dot_general3A_19 : vector<256x256xf32> to vector<1x256x256xf32>
    tpu.vector_store %arg6[%swap3A_25, %swap3A_26, %swap3A_27], %swap3A_30 {strides = array<i32>} : memref<1x256x256xf32, #tpu.memory_space<vmem>>, vector<1x256x256xf32>,
    %get3A_31 = arith.constant 0 : index
    %get3A_32 = arith.constant 0 : index
    %get3A_33 = vector.load %arg7[%get3A_31, %get3A_32] : memref<1x256xf32, #tpu.memory_space<vmem>>, vector<1x256xf32>
    %reduce_sum3A = arith.constant dense<0.000000e+00> : vector<256xf32>
    %reduce_sum3A_34 = vector.multi_reduction <add>, %dot_general3A_9, %reduce_sum3A [0] : vector<256x256xf32> to vector<256xf32>
    %broadcast_in_dim3A = vector.shape_cast %reduce_sum3A_34 : vector<256xf32> to vector<1x256xf32>
    %add3A = arith.addf %get3A_33, %broadcast_in_dim3A : vector<1x256xf32>
    %swap3A_35 = arith.constant 0 : index
    %swap3A_36 = arith.constant 0 : index
    %swap3A_37 = vector.load %arg7[%swap3A_35, %swap3A_36] : memref<1x256xf32, #tpu.memory_space<vmem>>, vector<1x256xf32>
    tpu.vector_store %arg7[%swap3A_35, %swap3A_36], %add3A {strides = array<i32>} : memref<1x256xf32, #tpu.memory_space<vmem>>, vector<1x256xf32>,
    %get3A_38 = arith.constant 0 : index
    %get3A_39 = arith.constant 0 : index
    %get3A_40 = vector.load %arg8[%get3A_38, %get3A_39] : memref<1x256xf32, #tpu.memory_space<vmem>>, vector<1x256xf32>
    %mul3A = arith.mulf %dot_general3A_9, %dot_general3A_9 : vector<256x256xf32>
    %reduce_sum3A_41 = arith.constant dense<0.000000e+00> : vector<256xf32>
    %reduce_sum3A_42 = vector.multi_reduction <add>, %mul3A, %reduce_sum3A_41 [0] : vector<256x256xf32> to vector<256xf32>
    %broadcast_in_dim3A_43 = vector.shape_cast %reduce_sum3A_42 : vector<256xf32> to vector<1x256xf32>
    %add3A_44 = arith.addf %get3A_40, %broadcast_in_dim3A_43 : vector<1x256xf32>
    %swap3A_45 = arith.constant 0 : index
    %swap3A_46 = arith.constant 0 : index
    %swap3A_47 = vector.load %arg8[%swap3A_45, %swap3A_46] : memref<1x256xf32, #tpu.memory_space<vmem>>, vector<1x256xf32>
    tpu.vector_store %arg8[%swap3A_45, %swap3A_46], %add3A_44 {strides = array<i32>} : memref<1x256xf32, #tpu.memory_space<vmem>>, vector<1x256xf32>,
    %get3A_48 = arith.constant 0 : index
    %get3A_49 = arith.constant 0 : index
    %get3A_50 = vector.load %arg9[%get3A_48, %get3A_49] : memref<1x256xf32, #tpu.memory_space<vmem>>, vector<1x256xf32>
    %reduce_sum3A_51 = arith.constant dense<0.000000e+00> : vector<256xf32>
    %reduce_sum3A_52 = vector.multi_reduction <add>, %dot_general3A_19, %reduce_sum3A_51 [0] : vector<256x256xf32> to vector<256xf32>
    %broadcast_in_dim3A_53 = vector.shape_cast %reduce_sum3A_52 : vector<256xf32> to vector<1x256xf32>
    %add3A_54 = arith.addf %get3A_50, %broadcast_in_dim3A_53 : vector<1x256xf32>
    %swap3A_55 = arith.constant 0 : index
    %swap3A_56 = arith.constant 0 : index
    %swap3A_57 = vector.load %arg9[%swap3A_55, %swap3A_56] : memref<1x256xf32, #tpu.memory_space<vmem>>, vector<1x256xf32>
    tpu.vector_store %arg9[%swap3A_55, %swap3A_56], %add3A_54 {strides = array<i32>} : memref<1x256xf32, #tpu.memory_space<vmem>>, vector<1x256xf32>,
    %get3A_58 = arith.constant 0 : index
    %get3A_59 = arith.constant 0 : index
    %get3A_60 = vector.load %arg10[%get3A_58, %get3A_59] : memref<1x256xf32, #tpu.memory_space<vmem>>, vector<1x256xf32>
    %mul3A_61 = arith.mulf %dot_general3A_19, %dot_general3A_19 : vector<256x256xf32>
    %reduce_sum3A_62 = arith.constant dense<0.000000e+00> : vector<256xf32>
    %reduce_sum3A_63 = vector.multi_reduction <add>, %mul3A_61, %reduce_sum3A_62 [0] : vector<256x256xf32> to vector<256xf32>
    %broadcast_in_dim3A_64 = vector.shape_cast %reduce_sum3A_63 : vector<256xf32> to vector<1x256xf32>
    %add3A_65 = arith.addf %get3A_60, %broadcast_in_dim3A_64 : vector<1x256xf32>
    %swap3A_66 = arith.constant 0 : index
    %swap3A_67 = arith.constant 0 : index
    %swap3A_68 = vector.load %arg10[%swap3A_66, %swap3A_67] : memref<1x256xf32, #tpu.memory_space<vmem>>, vector<1x256xf32>
    tpu.vector_store %arg10[%swap3A_66, %swap3A_67], %add3A_65 {strides = array<i32>} : memref<1x256xf32, #tpu.memory_space<vmem>>, vector<1x256xf32>,
    return
  }
  func.func @transform_0(%arg0: i32) -> (i32, i32, i32) {
    %c0_i32 = arith.constant 0 : i32
    %c0_i32_0 = arith.constant 0 : i32
    %c0_i32_1 = arith.constant 0 : i32
    return %arg0, %c0_i32, %c0_i32_0 : i32, i32, i32
  }
  func.func @transform_1(%arg0: i32) -> (i32, i32, i32) {
    %c0_i32 = arith.constant 0 : i32
    %c0_i32_0 = arith.constant 0 : i32
    %c0_i32_1 = arith.constant 0 : i32
    return %arg0, %c0_i32, %c0_i32_0 : i32, i32, i32
  }
  func.func @transform_2(%arg0: i32) -> (i32, i32) {
    %c0_i32 = arith.constant 0 : i32
    %c0_i32_0 = arith.constant 0 : i32
    %c0_i32_1 = arith.constant 0 : i32
    return %c0_i32, %c0_i32_0 : i32, i32
  }
  func.func @transform_3(%arg0: i32) -> (i32, i32) {
    %c0_i32 = arith.constant 0 : i32
    %c0_i32_0 = arith.constant 0 : i32
    %c0_i32_1 = arith.constant 0 : i32
    return %c0_i32, %c0_i32_0 : i32, i32
  }
  func.func @transform_4(%arg0: i32) -> (i32, i32, i32) {
    %c0_i32 = arith.constant 0 : i32
    %c0_i32_0 = arith.constant 0 : i32
    %c0_i32_1 = arith.constant 0 : i32
    return %arg0, %c0_i32, %c0_i32_0 : i32, i32, i32
  }
  func.func @transform_5(%arg0: i32) -> (i32, i32, i32) {
    %c0_i32 = arith.constant 0 : i32
    %c0_i32_0 = arith.constant 0 : i32
    %c0_i32_1 = arith.constant 0 : i32
    return %arg0, %c0_i32, %c0_i32_0 : i32, i32, i32
  }
  func.func @transform_6(%arg0: i32) -> (i32, i32) {
    %c0_i32 = arith.constant 0 : i32
    %c0_i32_0 = arith.constant 0 : i32
    %c0_i32_1 = arith.constant 0 : i32
    return %c0_i32, %c0_i32_0 : i32, i32
  }
  func.func @transform_7(%arg0: i32) -> (i32, i32) {
    %c0_i32 = arith.constant 0 : i32
    %c0_i32_0 = arith.constant 0 : i32
    %c0_i32_1 = arith.constant 0 : i32
    return %c0_i32, %c0_i32_0 : i32, i32
  }
  func.func @transform_8(%arg0: i32) -> (i32, i32) {
    %c0_i32 = arith.constant 0 : i32
    %c0_i32_0 = arith.constant 0 : i32
    %c0_i32_1 = arith.constant 0 : i32
    return %c0_i32, %c0_i32_0 : i32, i32
  }
  func.func @transform_9(%arg0: i32) -> (i32, i32) {
    %c0_i32 = arith.constant 0 : i32
    %c0_i32_0 = arith.constant 0 : i32
    %c0_i32_1 = arith.constant 0 : i32
    return %c0_i32, %c0_i32_0 : i32, i32
  }
}

module attributes {stable_mosaic.version = 14 : i64} {
  func.func @_y4_kernel(%arg0: i32, %arg1: memref<1x3x256xf32, #tpu.memory_space<vmem>>, %arg2: memref<1x256x256xf32, #tpu.memory_space<vmem>>, %arg3: memref<1x256x256xf32, #tpu.memory_space<vmem>>, %arg4: memref<1x256x256xf32, #tpu.memory_space<vmem>>, %arg5: memref<1x256xf32, #tpu.memory_space<vmem>>, %arg6: memref<1x256xf32, #tpu.memory_space<vmem>>, %arg7: memref<1x256xf32, #tpu.memory_space<vmem>>, %arg8: memref<1x256xf32, #tpu.memory_space<vmem>>, %arg9: memref<1x256xf32, #tpu.memory_space<vmem>>, %arg10: memref<1x256xf32, #tpu.memory_space<vmem>>, %arg11: memref<1024x771xf32, #tpu.memory_space<vmem>>, %arg12: memref<1x1x1024xf32, #tpu.memory_space<vmem>>, %arg13: memref<1x1024xf32, #tpu.memory_space<vmem>>, %arg14: memref<1x1024xf32, #tpu.memory_space<vmem>>) attributes {dimension_semantics = [#tpu.dimension_semantics<arbitrary>], iteration_bounds = array<i64: 16>, scalar_prefetch = 0 : i64, scratch_operands = 0 : i64, tpu.core_type = #tpu.core_type<tc>, window_params = [{transform_indices = @transform_0, window_bounds = array<i64: 1, 3, 256>}, {transform_indices = @transform_1, window_bounds = array<i64: 1, 256, 256>}, {transform_indices = @transform_2, window_bounds = array<i64: 1, 256, 256>}, {transform_indices = @transform_3, window_bounds = array<i64: 1, 256, 256>}, {pipeline_mode = #tpu.pipeline_mode<synchronous>, transform_indices = @transform_4, window_bounds = array<i64: 1, 256>}, {pipeline_mode = #tpu.pipeline_mode<synchronous>, transform_indices = @transform_5, window_bounds = array<i64: 1, 256>}, {pipeline_mode = #tpu.pipeline_mode<synchronous>, transform_indices = @transform_6, window_bounds = array<i64: 1, 256>}, {pipeline_mode = #tpu.pipeline_mode<synchronous>, transform_indices = @transform_7, window_bounds = array<i64: 1, 256>}, {pipeline_mode = #tpu.pipeline_mode<synchronous>, transform_indices = @transform_8, window_bounds = array<i64: 1, 256>}, {pipeline_mode = #tpu.pipeline_mode<synchronous>, transform_indices = @transform_9, window_bounds = array<i64: 1, 256>}, {pipeline_mode = #tpu.pipeline_mode<synchronous>, transform_indices = @transform_10, window_bounds = array<i64: 1024, 771>}, {transform_indices = @transform_11, window_bounds = array<i64: 1, 1, 1024>}, {pipeline_mode = #tpu.pipeline_mode<synchronous>, transform_indices = @transform_12, window_bounds = array<i64: 1, 1024>}, {pipeline_mode = #tpu.pipeline_mode<synchronous>, transform_indices = @transform_13, window_bounds = array<i64: 1, 1024>}]} {
    %eq3A = arith.constant 0 : i32
    %eq3A_0 = arith.cmpi eq, %arg0, %eq3A : i32
    %convert_element_type3A = arith.extui %eq3A_0 : i1 to i32
    %cond3A = arith.constant 0 : i32
    %cond3A_1 = arith.cmpi ne, %convert_element_type3A, %cond3A : i32
    scf.if %cond3A_1 {
      %broadcast_in_dim3A_120 = arith.constant 0.000000e+00 : f32
      %broadcast_in_dim3A_121 = vector.broadcast %broadcast_in_dim3A_120 : f32 to vector<1x1024xf32>
      %swap3A_122 = arith.constant 0 : index
      %swap3A_123 = arith.constant 0 : index
      %swap3A_124 = vector.load %arg13[%swap3A_122, %swap3A_123] : memref<1x1024xf32, #tpu.memory_space<vmem>>, vector<1x1024xf32>
      tpu.vector_store %arg13[%swap3A_122, %swap3A_123], %broadcast_in_dim3A_121 {strides = array<i32>} : memref<1x1024xf32, #tpu.memory_space<vmem>>, vector<1x1024xf32>,
      %broadcast_in_dim3A_125 = arith.constant 0.000000e+00 : f32
      %broadcast_in_dim3A_126 = vector.broadcast %broadcast_in_dim3A_125 : f32 to vector<1x1024xf32>
      %swap3A_127 = arith.constant 0 : index
      %swap3A_128 = arith.constant 0 : index
      %swap3A_129 = vector.load %arg14[%swap3A_127, %swap3A_128] : memref<1x1024xf32, #tpu.memory_space<vmem>>, vector<1x1024xf32>
      tpu.vector_store %arg14[%swap3A_127, %swap3A_128], %broadcast_in_dim3A_126 {strides = array<i32>} : memref<1x1024xf32, #tpu.memory_space<vmem>>, vector<1x1024xf32>,
    } else {
    }
    %get3A = arith.constant 0 : index
    %get3A_2 = arith.constant 0 : index
    %get3A_3 = arith.constant 0 : index
    %get3A_4 = vector.load %arg2[%get3A, %get3A_2, %get3A_3] : memref<1x256x256xf32, #tpu.memory_space<vmem>>, vector<1x256x256xf32>
    %get3A_5 = vector.shape_cast %get3A_4 : vector<1x256x256xf32> to vector<256x256xf32>
    %get3A_6 = arith.constant 0 : index
    %get3A_7 = arith.constant 0 : index
    %get3A_8 = vector.load %arg5[%get3A_6, %get3A_7] : memref<1x256xf32, #tpu.memory_space<vmem>>, vector<1x256xf32>
    %get3A_9 = arith.constant 0 : index
    %get3A_10 = arith.constant 0 : index
    %get3A_11 = vector.load %arg6[%get3A_9, %get3A_10] : memref<1x256xf32, #tpu.memory_space<vmem>>, vector<1x256xf32>
    %div3A = arith.constant 4.096000e+03 : f32
    %div3A_12 = vector.broadcast %div3A : f32 to vector<1x256xf32>
    %div3A_13 = arith.divf %get3A_8, %div3A_12 : vector<1x256xf32>
    %div3A_14 = arith.constant 4.096000e+03 : f32
    %div3A_15 = vector.broadcast %div3A_14 : f32 to vector<1x256xf32>
    %div3A_16 = arith.divf %get3A_11, %div3A_15 : vector<1x256xf32>
    %mul3A = arith.mulf %div3A_13, %div3A_13 : vector<1x256xf32>
    %sub3A = arith.subf %div3A_16, %mul3A : vector<1x256xf32>
    %sub3A_17 = vector.broadcast %div3A_13 : vector<1x256xf32> to vector<256x256xf32>
    %sub3A_18 = arith.subf %get3A_5, %sub3A_17 : vector<256x256xf32>
    %add3A = arith.constant 9.99999974E-6 : f32
    %add3A_19 = vector.broadcast %add3A : f32 to vector<1x256xf32>
    %add3A_20 = arith.addf %sub3A, %add3A_19 : vector<1x256xf32>
    %sqrt3A = math.sqrt %add3A_20 : vector<1x256xf32>
    %div3A_21 = vector.broadcast %sqrt3A : vector<1x256xf32> to vector<256x256xf32>
    %div3A_22 = arith.divf %sub3A_18, %div3A_21 : vector<256x256xf32>
    %max3A = arith.constant 0.000000e+00 : f32
    %max3A_23 = vector.broadcast %max3A : f32 to vector<256x256xf32>
    %max3A_24 = arith.maximumf %div3A_22, %max3A_23 : vector<256x256xf32>
    %get3A_25 = arith.constant 0 : index
    %get3A_26 = arith.constant 0 : index
    %get3A_27 = arith.constant 0 : index
    %get3A_28 = vector.load %arg3[%get3A_25, %get3A_26, %get3A_27] : memref<1x256x256xf32, #tpu.memory_space<vmem>>, vector<1x256x256xf32>
    %get3A_29 = vector.shape_cast %get3A_28 : vector<1x256x256xf32> to vector<256x256xf32>
    %get3A_30 = arith.constant 0 : index
    %get3A_31 = arith.constant 0 : index
    %get3A_32 = vector.load %arg7[%get3A_30, %get3A_31] : memref<1x256xf32, #tpu.memory_space<vmem>>, vector<1x256xf32>
    %get3A_33 = arith.constant 0 : index
    %get3A_34 = arith.constant 0 : index
    %get3A_35 = vector.load %arg8[%get3A_33, %get3A_34] : memref<1x256xf32, #tpu.memory_space<vmem>>, vector<1x256xf32>
    %div3A_36 = arith.constant 4.096000e+03 : f32
    %div3A_37 = vector.broadcast %div3A_36 : f32 to vector<1x256xf32>
    %div3A_38 = arith.divf %get3A_32, %div3A_37 : vector<1x256xf32>
    %div3A_39 = arith.constant 4.096000e+03 : f32
    %div3A_40 = vector.broadcast %div3A_39 : f32 to vector<1x256xf32>
    %div3A_41 = arith.divf %get3A_35, %div3A_40 : vector<1x256xf32>
    %mul3A_42 = arith.mulf %div3A_38, %div3A_38 : vector<1x256xf32>
    %sub3A_43 = arith.subf %div3A_41, %mul3A_42 : vector<1x256xf32>
    %sub3A_44 = vector.broadcast %div3A_38 : vector<1x256xf32> to vector<256x256xf32>
    %sub3A_45 = arith.subf %get3A_29, %sub3A_44 : vector<256x256xf32>
    %add3A_46 = arith.constant 9.99999974E-6 : f32
    %add3A_47 = vector.broadcast %add3A_46 : f32 to vector<1x256xf32>
    %add3A_48 = arith.addf %sub3A_43, %add3A_47 : vector<1x256xf32>
    %sqrt3A_49 = math.sqrt %add3A_48 : vector<1x256xf32>
    %div3A_50 = vector.broadcast %sqrt3A_49 : vector<1x256xf32> to vector<256x256xf32>
    %div3A_51 = arith.divf %sub3A_45, %div3A_50 : vector<256x256xf32>
    %max3A_52 = arith.constant 0.000000e+00 : f32
    %max3A_53 = vector.broadcast %max3A_52 : f32 to vector<256x256xf32>
    %max3A_54 = arith.maximumf %div3A_51, %max3A_53 : vector<256x256xf32>
    %get3A_55 = arith.constant 0 : index
    %get3A_56 = arith.constant 0 : index
    %get3A_57 = arith.constant 0 : index
    %get3A_58 = vector.load %arg4[%get3A_55, %get3A_56, %get3A_57] : memref<1x256x256xf32, #tpu.memory_space<vmem>>, vector<1x256x256xf32>
    %get3A_59 = vector.shape_cast %get3A_58 : vector<1x256x256xf32> to vector<256x256xf32>
    %get3A_60 = arith.constant 0 : index
    %get3A_61 = arith.constant 0 : index
    %get3A_62 = vector.load %arg9[%get3A_60, %get3A_61] : memref<1x256xf32, #tpu.memory_space<vmem>>, vector<1x256xf32>
    %get3A_63 = arith.constant 0 : index
    %get3A_64 = arith.constant 0 : index
    %get3A_65 = vector.load %arg10[%get3A_63, %get3A_64] : memref<1x256xf32, #tpu.memory_space<vmem>>, vector<1x256xf32>
    %div3A_66 = arith.constant 2.621440e+05 : f32
    %div3A_67 = vector.broadcast %div3A_66 : f32 to vector<1x256xf32>
    %div3A_68 = arith.divf %get3A_62, %div3A_67 : vector<1x256xf32>
    %div3A_69 = arith.constant 2.621440e+05 : f32
    %div3A_70 = vector.broadcast %div3A_69 : f32 to vector<1x256xf32>
    %div3A_71 = arith.divf %get3A_65, %div3A_70 : vector<1x256xf32>
    %mul3A_72 = arith.mulf %div3A_68, %div3A_68 : vector<1x256xf32>
    %sub3A_73 = arith.subf %div3A_71, %mul3A_72 : vector<1x256xf32>
    %sub3A_74 = vector.broadcast %div3A_68 : vector<1x256xf32> to vector<256x256xf32>
    %sub3A_75 = arith.subf %get3A_59, %sub3A_74 : vector<256x256xf32>
    %add3A_76 = arith.constant 9.99999974E-6 : f32
    %add3A_77 = vector.broadcast %add3A_76 : f32 to vector<1x256xf32>
    %add3A_78 = arith.addf %sub3A_73, %add3A_77 : vector<1x256xf32>
    %sqrt3A_79 = math.sqrt %add3A_78 : vector<1x256xf32>
    %div3A_80 = vector.broadcast %sqrt3A_79 : vector<1x256xf32> to vector<256x256xf32>
    %div3A_81 = arith.divf %sub3A_75, %div3A_80 : vector<256x256xf32>
    %max3A_82 = arith.constant 0.000000e+00 : f32
    %max3A_83 = vector.broadcast %max3A_82 : f32 to vector<256x256xf32>
    %max3A_84 = arith.maximumf %div3A_81, %max3A_83 : vector<256x256xf32>
    %get3A_85 = arith.constant 0 : index
    %get3A_86 = arith.constant 0 : index
    %get3A_87 = arith.constant 0 : index
    %get3A_88 = vector.load %arg1[%get3A_85, %get3A_86, %get3A_87] : memref<1x3x256xf32, #tpu.memory_space<vmem>>, vector<1x3x256xf32>
    %get3A_89 = vector.shape_cast %get3A_88 : vector<1x3x256xf32> to vector<3x256xf32>
    %transpose3A = tpu.transpose %get3A_89, [1, 0] : vector<3x256xf32> -> vector<256x3xf32>
    %concatenate3A = tpu.concatenate %transpose3A, %max3A_24, %max3A_54, %max3A_84 in 1 : vector<256x3xf32>, vector<256x256xf32>, vector<256x256xf32>, vector<256x256xf32> -> vector<256x771xf32>
    %get3A_90 = arith.constant 0 : index
    %get3A_91 = arith.constant 0 : index
    %get3A_92 = vector.load %arg11[%get3A_90, %get3A_91] : memref<1024x771xf32, #tpu.memory_space<vmem>>, vector<1024x771xf32>
    %dot_general3A = arith.constant dense<0.000000e+00> : vector<256x1024xf32>
    %dot_general3A_93 = tpu.matmul %concatenate3A, %get3A_92, %dot_general3A {dimension_numbers = #tpu.dot_dimension_numbers<[1], [1], [0], [0], [0, 0, 1, 0], [], []>, transpose_lhs_hint = false} : vector<256x771xf32>, vector<1024x771xf32>, vector<256x1024xf32> -> vector<256x1024xf32>
    %get3A_94 = arith.constant 0 : index
    %get3A_95 = arith.constant 0 : index
    %get3A_96 = vector.load %arg13[%get3A_94, %get3A_95] : memref<1x1024xf32, #tpu.memory_space<vmem>>, vector<1x1024xf32>
    %reduce_sum3A = arith.constant dense<0.000000e+00> : vector<1024xf32>
    %reduce_sum3A_97 = vector.multi_reduction <add>, %dot_general3A_93, %reduce_sum3A [0] : vector<256x1024xf32> to vector<1024xf32>
    %broadcast_in_dim3A = vector.shape_cast %reduce_sum3A_97 : vector<1024xf32> to vector<1x1024xf32>
    %add3A_98 = arith.addf %get3A_96, %broadcast_in_dim3A : vector<1x1024xf32>
    %swap3A = arith.constant 0 : index
    %swap3A_99 = arith.constant 0 : index
    %swap3A_100 = vector.load %arg13[%swap3A, %swap3A_99] : memref<1x1024xf32, #tpu.memory_space<vmem>>, vector<1x1024xf32>
    tpu.vector_store %arg13[%swap3A, %swap3A_99], %add3A_98 {strides = array<i32>} : memref<1x1024xf32, #tpu.memory_space<vmem>>, vector<1x1024xf32>,
    %get3A_101 = arith.constant 0 : index
    %get3A_102 = arith.constant 0 : index
    %get3A_103 = vector.load %arg14[%get3A_101, %get3A_102] : memref<1x1024xf32, #tpu.memory_space<vmem>>, vector<1x1024xf32>
    %mul3A_104 = arith.mulf %dot_general3A_93, %dot_general3A_93 : vector<256x1024xf32>
    %reduce_sum3A_105 = arith.constant dense<0.000000e+00> : vector<1024xf32>
    %reduce_sum3A_106 = vector.multi_reduction <add>, %mul3A_104, %reduce_sum3A_105 [0] : vector<256x1024xf32> to vector<1024xf32>
    %broadcast_in_dim3A_107 = vector.shape_cast %reduce_sum3A_106 : vector<1024xf32> to vector<1x1024xf32>
    %add3A_108 = arith.addf %get3A_103, %broadcast_in_dim3A_107 : vector<1x1024xf32>
    %swap3A_109 = arith.constant 0 : index
    %swap3A_110 = arith.constant 0 : index
    %swap3A_111 = vector.load %arg14[%swap3A_109, %swap3A_110] : memref<1x1024xf32, #tpu.memory_space<vmem>>, vector<1x1024xf32>
    tpu.vector_store %arg14[%swap3A_109, %swap3A_110], %add3A_108 {strides = array<i32>} : memref<1x1024xf32, #tpu.memory_space<vmem>>, vector<1x1024xf32>,
    %reduce_max3A = arith.constant dense<0xFF800000> : vector<1024xf32>
    %reduce_max3A_112 = vector.multi_reduction <maximumf>, %dot_general3A_93, %reduce_max3A [0] : vector<256x1024xf32> to vector<1024xf32>
    %broadcast_in_dim3A_113 = vector.shape_cast %reduce_max3A_112 : vector<1024xf32> to vector<1x1024xf32>
    %swap3A_114 = arith.constant 0 : index
    %swap3A_115 = arith.constant 0 : index
    %swap3A_116 = arith.constant 0 : index
    %swap3A_117 = vector.load %arg12[%swap3A_114, %swap3A_115, %swap3A_116] : memref<1x1x1024xf32, #tpu.memory_space<vmem>>, vector<1x1x1024xf32>
    %swap3A_118 = vector.shape_cast %swap3A_117 : vector<1x1x1024xf32> to vector<1x1024xf32>
    %swap3A_119 = vector.shape_cast %broadcast_in_dim3A_113 : vector<1x1024xf32> to vector<1x1x1024xf32>
    tpu.vector_store %arg12[%swap3A_114, %swap3A_115, %swap3A_116], %swap3A_119 {strides = array<i32>} : memref<1x1x1024xf32, #tpu.memory_space<vmem>>, vector<1x1x1024xf32>,
    return
  }
  func.func @transform_0(%arg0: i32) -> (i32, i32, i32) {
    %c0_i32 = arith.constant 0 : i32
    %c0_i32_0 = arith.constant 0 : i32
    %c0_i32_1 = arith.constant 0 : i32
    return %arg0, %c0_i32, %c0_i32_0 : i32, i32, i32
  }
  func.func @transform_1(%arg0: i32) -> (i32, i32, i32) {
    %c0_i32 = arith.constant 0 : i32
    %c0_i32_0 = arith.constant 0 : i32
    %c0_i32_1 = arith.constant 0 : i32
    return %arg0, %c0_i32, %c0_i32_0 : i32, i32, i32
  }
  func.func @transform_2(%arg0: i32) -> (i32, i32, i32) {
    %c0_i32 = arith.constant 0 : i32
    %c0_i32_0 = arith.constant 0 : i32
    %c0_i32_1 = arith.constant 0 : i32
    return %arg0, %c0_i32, %c0_i32_0 : i32, i32, i32
  }
  func.func @transform_3(%arg0: i32) -> (i32, i32, i32) {
    %c0_i32 = arith.constant 0 : i32
    %c0_i32_0 = arith.constant 0 : i32
    %c0_i32_1 = arith.constant 0 : i32
    return %arg0, %c0_i32, %c0_i32_0 : i32, i32, i32
  }
  func.func @transform_4(%arg0: i32) -> (i32, i32) {
    %c0_i32 = arith.constant 0 : i32
    %c0_i32_0 = arith.constant 0 : i32
    %c0_i32_1 = arith.constant 0 : i32
    return %c0_i32, %c0_i32_0 : i32, i32
  }
  func.func @transform_5(%arg0: i32) -> (i32, i32) {
    %c0_i32 = arith.constant 0 : i32
    %c0_i32_0 = arith.constant 0 : i32
    %c0_i32_1 = arith.constant 0 : i32
    return %c0_i32, %c0_i32_0 : i32, i32
  }
  func.func @transform_6(%arg0: i32) -> (i32, i32) {
    %c0_i32 = arith.constant 0 : i32
    %c0_i32_0 = arith.constant 0 : i32
    %c0_i32_1 = arith.constant 0 : i32
    return %c0_i32, %c0_i32_0 : i32, i32
  }
  func.func @transform_7(%arg0: i32) -> (i32, i32) {
    %c0_i32 = arith.constant 0 : i32
    %c0_i32_0 = arith.constant 0 : i32
    %c0_i32_1 = arith.constant 0 : i32
    return %c0_i32, %c0_i32_0 : i32, i32
  }
  func.func @transform_8(%arg0: i32) -> (i32, i32) {
    %c0_i32 = arith.constant 0 : i32
    %c0_i32_0 = arith.constant 0 : i32
    %c0_i32_1 = arith.constant 0 : i32
    return %c0_i32, %c0_i32_0 : i32, i32
  }
  func.func @transform_9(%arg0: i32) -> (i32, i32) {
    %c0_i32 = arith.constant 0 : i32
    %c0_i32_0 = arith.constant 0 : i32
    %c0_i32_1 = arith.constant 0 : i32
    return %c0_i32, %c0_i32_0 : i32, i32
  }
  func.func @transform_10(%arg0: i32) -> (i32, i32) {
    %c0_i32 = arith.constant 0 : i32
    %c0_i32_0 = arith.constant 0 : i32
    %c0_i32_1 = arith.constant 0 : i32
    return %c0_i32, %c0_i32_0 : i32, i32
  }
  func.func @transform_11(%arg0: i32) -> (i32, i32, i32) {
    %c0_i32 = arith.constant 0 : i32
    %c0_i32_0 = arith.constant 0 : i32
    %c0_i32_1 = arith.constant 0 : i32
    return %arg0, %c0_i32, %c0_i32_0 : i32, i32, i32
  }
  func.func @transform_12(%arg0: i32) -> (i32, i32) {
    %c0_i32 = arith.constant 0 : i32
    %c0_i32_0 = arith.constant 0 : i32
    %c0_i32_1 = arith.constant 0 : i32
    return %c0_i32, %c0_i32_0 : i32, i32
  }
  func.func @transform_13(%arg0: i32) -> (i32, i32) {
    %c0_i32 = arith.constant 0 : i32
    %c0_i32_0 = arith.constant 0 : i32
    %c0_i32_1 = arith.constant 0 : i32
    return %c0_i32, %c0_i32_0 : i32, i32
  }
}

module attributes {stable_mosaic.version = 14 : i64} {
  func.func @_fc_kernel(%arg0: memref<16x1024xf32, #tpu.memory_space<vmem>>, %arg1: memref<1x1024xf32, #tpu.memory_space<vmem>>, %arg2: memref<1x1024xf32, #tpu.memory_space<vmem>>, %arg3: memref<512x1024xf32, #tpu.memory_space<vmem>>, %arg4: memref<512x512xf32, #tpu.memory_space<vmem>>, %arg5: memref<16x512xf32, #tpu.memory_space<vmem>>) attributes {dimension_semantics = [], scalar_prefetch = 0 : i64, scratch_operands = 0 : i64, tpu.core_type = #tpu.core_type<tc>} {
    %get3A = arith.constant 0 : index
    %get3A_0 = arith.constant 0 : index
    %get3A_1 = vector.load %arg1[%get3A, %get3A_0] : memref<1x1024xf32, #tpu.memory_space<vmem>>, vector<1x1024xf32>
    %div3A = arith.constant 4.096000e+03 : f32
    %div3A_2 = vector.broadcast %div3A : f32 to vector<1x1024xf32>
    %div3A_3 = arith.divf %get3A_1, %div3A_2 : vector<1x1024xf32>
    %get3A_4 = arith.constant 0 : index
    %get3A_5 = arith.constant 0 : index
    %get3A_6 = vector.load %arg2[%get3A_4, %get3A_5] : memref<1x1024xf32, #tpu.memory_space<vmem>>, vector<1x1024xf32>
    %div3A_7 = arith.constant 4.096000e+03 : f32
    %div3A_8 = vector.broadcast %div3A_7 : f32 to vector<1x1024xf32>
    %div3A_9 = arith.divf %get3A_6, %div3A_8 : vector<1x1024xf32>
    %mul3A = arith.mulf %div3A_3, %div3A_3 : vector<1x1024xf32>
    %sub3A = arith.subf %div3A_9, %mul3A : vector<1x1024xf32>
    %get3A_10 = arith.constant 0 : index
    %get3A_11 = arith.constant 0 : index
    %get3A_12 = vector.load %arg0[%get3A_10, %get3A_11] : memref<16x1024xf32, #tpu.memory_space<vmem>>, vector<16x1024xf32>
    %sub3A_13 = vector.broadcast %div3A_3 : vector<1x1024xf32> to vector<16x1024xf32>
    %sub3A_14 = arith.subf %get3A_12, %sub3A_13 : vector<16x1024xf32>
    %add3A = arith.constant 9.99999974E-6 : f32
    %add3A_15 = vector.broadcast %add3A : f32 to vector<1x1024xf32>
    %add3A_16 = arith.addf %sub3A, %add3A_15 : vector<1x1024xf32>
    %sqrt3A = math.sqrt %add3A_16 : vector<1x1024xf32>
    %div3A_17 = vector.broadcast %sqrt3A : vector<1x1024xf32> to vector<16x1024xf32>
    %div3A_18 = arith.divf %sub3A_14, %div3A_17 : vector<16x1024xf32>
    %max3A = arith.constant 0.000000e+00 : f32
    %max3A_19 = vector.broadcast %max3A : f32 to vector<16x1024xf32>
    %max3A_20 = arith.maximumf %div3A_18, %max3A_19 : vector<16x1024xf32>
    %get3A_21 = arith.constant 0 : index
    %get3A_22 = arith.constant 0 : index
    %get3A_23 = vector.load %arg3[%get3A_21, %get3A_22] : memref<512x1024xf32, #tpu.memory_space<vmem>>, vector<512x1024xf32>
    %dot_general3A = arith.constant dense<0.000000e+00> : vector<16x512xf32>
    %dot_general3A_24 = tpu.matmul %max3A_20, %get3A_23, %dot_general3A {dimension_numbers = #tpu.dot_dimension_numbers<[1], [1], [0], [0], [0, 0, 1, 0], [], []>, transpose_lhs_hint = false} : vector<16x1024xf32>, vector<512x1024xf32>, vector<16x512xf32> -> vector<16x512xf32>
    %reduce_sum3A = arith.constant dense<0.000000e+00> : vector<512xf32>
    %reduce_sum3A_25 = vector.multi_reduction <add>, %dot_general3A_24, %reduce_sum3A [0] : vector<16x512xf32> to vector<512xf32>
    %broadcast_in_dim3A = vector.shape_cast %reduce_sum3A_25 : vector<512xf32> to vector<1x512xf32>
    %div3A_26 = arith.constant 1.600000e+01 : f32
    %div3A_27 = vector.broadcast %div3A_26 : f32 to vector<1x512xf32>
    %div3A_28 = arith.divf %broadcast_in_dim3A, %div3A_27 : vector<1x512xf32>
    %mul3A_29 = arith.mulf %dot_general3A_24, %dot_general3A_24 : vector<16x512xf32>
    %reduce_sum3A_30 = arith.constant dense<0.000000e+00> : vector<512xf32>
    %reduce_sum3A_31 = vector.multi_reduction <add>, %mul3A_29, %reduce_sum3A_30 [0] : vector<16x512xf32> to vector<512xf32>
    %broadcast_in_dim3A_32 = vector.shape_cast %reduce_sum3A_31 : vector<512xf32> to vector<1x512xf32>
    %div3A_33 = arith.constant 1.600000e+01 : f32
    %div3A_34 = vector.broadcast %div3A_33 : f32 to vector<1x512xf32>
    %div3A_35 = arith.divf %broadcast_in_dim3A_32, %div3A_34 : vector<1x512xf32>
    %mul3A_36 = arith.mulf %div3A_28, %div3A_28 : vector<1x512xf32>
    %sub3A_37 = arith.subf %div3A_35, %mul3A_36 : vector<1x512xf32>
    %sub3A_38 = vector.broadcast %div3A_28 : vector<1x512xf32> to vector<16x512xf32>
    %sub3A_39 = arith.subf %dot_general3A_24, %sub3A_38 : vector<16x512xf32>
    %add3A_40 = arith.constant 9.99999974E-6 : f32
    %add3A_41 = vector.broadcast %add3A_40 : f32 to vector<1x512xf32>
    %add3A_42 = arith.addf %sub3A_37, %add3A_41 : vector<1x512xf32>
    %sqrt3A_43 = math.sqrt %add3A_42 : vector<1x512xf32>
    %div3A_44 = vector.broadcast %sqrt3A_43 : vector<1x512xf32> to vector<16x512xf32>
    %div3A_45 = arith.divf %sub3A_39, %div3A_44 : vector<16x512xf32>
    %max3A_46 = arith.constant 0.000000e+00 : f32
    %max3A_47 = vector.broadcast %max3A_46 : f32 to vector<16x512xf32>
    %max3A_48 = arith.maximumf %div3A_45, %max3A_47 : vector<16x512xf32>
    %get3A_49 = arith.constant 0 : index
    %get3A_50 = arith.constant 0 : index
    %get3A_51 = vector.load %arg4[%get3A_49, %get3A_50] : memref<512x512xf32, #tpu.memory_space<vmem>>, vector<512x512xf32>
    %dot_general3A_52 = arith.constant dense<0.000000e+00> : vector<16x512xf32>
    %dot_general3A_53 = tpu.matmul %max3A_48, %get3A_51, %dot_general3A_52 {dimension_numbers = #tpu.dot_dimension_numbers<[1], [1], [0], [0], [0, 0, 1, 0], [], []>, transpose_lhs_hint = false} : vector<16x512xf32>, vector<512x512xf32>, vector<16x512xf32> -> vector<16x512xf32>
    %reduce_sum3A_54 = arith.constant dense<0.000000e+00> : vector<512xf32>
    %reduce_sum3A_55 = vector.multi_reduction <add>, %dot_general3A_53, %reduce_sum3A_54 [0] : vector<16x512xf32> to vector<512xf32>
    %broadcast_in_dim3A_56 = vector.shape_cast %reduce_sum3A_55 : vector<512xf32> to vector<1x512xf32>
    %div3A_57 = arith.constant 1.600000e+01 : f32
    %div3A_58 = vector.broadcast %div3A_57 : f32 to vector<1x512xf32>
    %div3A_59 = arith.divf %broadcast_in_dim3A_56, %div3A_58 : vector<1x512xf32>
    %mul3A_60 = arith.mulf %dot_general3A_53, %dot_general3A_53 : vector<16x512xf32>
    %reduce_sum3A_61 = arith.constant dense<0.000000e+00> : vector<512xf32>
    %reduce_sum3A_62 = vector.multi_reduction <add>, %mul3A_60, %reduce_sum3A_61 [0] : vector<16x512xf32> to vector<512xf32>
    %broadcast_in_dim3A_63 = vector.shape_cast %reduce_sum3A_62 : vector<512xf32> to vector<1x512xf32>
    %div3A_64 = arith.constant 1.600000e+01 : f32
    %div3A_65 = vector.broadcast %div3A_64 : f32 to vector<1x512xf32>
    %div3A_66 = arith.divf %broadcast_in_dim3A_63, %div3A_65 : vector<1x512xf32>
    %mul3A_67 = arith.mulf %div3A_59, %div3A_59 : vector<1x512xf32>
    %sub3A_68 = arith.subf %div3A_66, %mul3A_67 : vector<1x512xf32>
    %sub3A_69 = vector.broadcast %div3A_59 : vector<1x512xf32> to vector<16x512xf32>
    %sub3A_70 = arith.subf %dot_general3A_53, %sub3A_69 : vector<16x512xf32>
    %add3A_71 = arith.constant 9.99999974E-6 : f32
    %add3A_72 = vector.broadcast %add3A_71 : f32 to vector<1x512xf32>
    %add3A_73 = arith.addf %sub3A_68, %add3A_72 : vector<1x512xf32>
    %sqrt3A_74 = math.sqrt %add3A_73 : vector<1x512xf32>
    %div3A_75 = vector.broadcast %sqrt3A_74 : vector<1x512xf32> to vector<16x512xf32>
    %div3A_76 = arith.divf %sub3A_70, %div3A_75 : vector<16x512xf32>
    %max3A_77 = arith.constant 0.000000e+00 : f32
    %max3A_78 = vector.broadcast %max3A_77 : f32 to vector<16x512xf32>
    %max3A_79 = arith.maximumf %div3A_76, %max3A_78 : vector<16x512xf32>
    %swap3A = arith.constant 0 : index
    %swap3A_80 = arith.constant 0 : index
    %swap3A_81 = vector.load %arg5[%swap3A, %swap3A_80] : memref<16x512xf32, #tpu.memory_space<vmem>>, vector<16x512xf32>
    tpu.vector_store %arg5[%swap3A, %swap3A_80], %max3A_79 {strides = array<i32>} : memref<16x512xf32, #tpu.memory_space<vmem>>, vector<16x512xf32>,
    return
  }
}

</mosaic_0001>

<sc_bundles>
// kernel: kernel.21.cloned.1.call-start
scs
__scs_entry_jumppad:
0x0: {  	(pc) =	sbr.rel $0x88, $3  }
0x1: {  	(tag) =	ssettag $0x0;
	lr =	simm.s32 $0x1  }
0x2: {  	[smem:$0x3F96] =	sst lr;
	_ =	strace $0xD0000000  }
0x3: {  	_ = 	snop  }
0x4: {  	_ = 	snop  }
0x5: {  	_ = 	snop  }
0x6: {  	_ = 	snop  }
0x7: {  	_ = 	snop  }
__scs_overlays_trampoline_lowered:
0x8: {  	[smem:$0x3FA5] =	sst s0  }
0x9: {  	[smem:$0x3FA6] =	sst s1  }
0xa: {  	[smem:$0x3FA7] =	sst s2  }
0xb: {  	[smem:$0x3FA8] =	sst s3  }
0xc: {  	[smem:$0x3FA9] =	sst s4  }
0xd: {  	[smem:$0x3FAA] =	sst s5  }
0xe: {  	[smem:$0x3FAB] =	sst s6  }
0xf: {  	[smem:$0x3FAC] =	sst s7  }
0x10: {  	[smem:$0x3FAD] =	sst s8  }
0x11: {  	[smem:$0x3FAE] =	sst s9;
	s0 =	simm.s32 @!p0 $0x0  }
0x12: {  	s1 =	sld [smem:$0x3F94];
	s0 =	simm.s32 @p0 $0x1  }
0x13: {  	[smem:$0x3FAF] =	sst s0;
	s0 =	simm.s32 @!p1 $0x0  }
0x14: {  	s2 =	sld [smem:$0x3F93];
	s0 =	simm.s32 @p1 $0x1  }
0x15: {  	[smem:$0x3FB0] =	sst s0;
	s0 =	simm.s32 @!p2 $0x0  }
0x16: {  	s3 =	sld [smem:$0x3FDB];
	s0 =	simm.s32 @p2 $0x1  }
0x17: {  	s4 =	simm.s32 $0x1BF5;
	[smem:$0x3FB2] =	sst s0  }
0x18: {  	s0 =	sld [smem:$0x3F95];
	_ =	swait.ge [sflag:s4], $0x0  }
0x19: {  	s7 =	sld [smem:$0x3F96]  }
0x1a: {  	s8 =	sadd.s32 $0xFFFFE003, lr  }
0x1b: {  	s9 =	sadd.s32 $0xFFFFFEF7, lr;
	s5 =	simm.s32 $0xFFFFFFFF;
	p2 =	slt.u32 s8, $0xFFFFF086  }
0x1c: {  	p1 =	slt.u32 s9, $0xF7A;
	s5 =	simm.s32 @!p2 $0x0  }
0x1d: {  	s5 =	simm.s32 @p1 $0x1;
	p0 =	seq.s32 s7, s2  }
0x1e: {  	s7 =	smul.u32 @!p0 $0xF7A, s2;
	p2 =	seq.s32 @!p0 s5, $0x0  }
0x1f: {  	s9 =	smul.u32 $0xF7A, s1;
	s8 =	simm.s32 @!p0 $0x1BF5;
	p2 =	por !p2, p0  }
0x20: {  	[sflag:s8] =	ssyncset.s32 @!p0 $0xFFFFF086;
	s6 =	sadd.s32 @!p0 s3, s7;
	s7 =	simm.s32 @!p0 $0x108  }
0x21: {  	s3 =	sadd.s32 s3, s9;
	s6 =	sadd.s32 @!p0 $0x88, s6;
	s7 =	simm.s32 @p2 $0x1082  }
0x22: {  	[simem:s7], [sflag:s8] =	dma.local @!p0 [hbm:s6], $0xF7A  }
0x23: {  	s9 =	sor.u32 $0xD0000000, s2;
	s6 =	simm.s32 $0x108;
	_ =	swait.ge @!p0 [sflag:s8], $0x0  }
0x24: {  	s3 =	sadd.s32 $0x88, s3;
	s6 =	simm.s32 @!p1 $0x1082;
	[sflag:s4] =	ssyncset.s32 $0xFFFFF086  }
0x25: {  	[simem:s6], [sflag:s4] =	dma.local [hbm:s3], $0xF7A  }
0x26: {  	[smem:$0x3F96] =	sst s1;
	(tag) =	ssettag s2;
	_ =	strace s9  }
0x27: {  	s1 =	sld [smem:$0x3FA6]  }
0x28: {  	s2 =	sld [smem:$0x3FA7]  }
0x29: {  	s4 =	sld [smem:$0x3FA9]  }
0x2a: {  	p0 =	seq.s32 s5, $0x0;
	s5 =	sld [smem:$0x3FAA]  }
0x2b: {  	s6 =	sld [smem:$0x3FAB]  }
0x2c: {  	s7 =	sld [smem:$0x3FAC]  }
0x2d: {  	s3 =	simm.s32 $0x108;
	s8 =	sld [smem:$0x3FAD]  }
0x2e: {  	s3 =	simm.s32 @!p0 $0x1082;
	s9 =	sld [smem:$0x3FAE]  }
0x2f: {  	lr =	sadd.s32 s0, s3;
	s0 =	sld [smem:$0x3FA5]  }
0x30: {  	s3 =	sld [smem:$0x3FA8]  }
0x31: {  	[smem:$0x3FB1] =	sst s10  }
0x32: {  	s10 =	sld [smem:$0x3FAF];
	_ =	sdelay $0x3  }
0x33: {  	p0 =	seq.s32 s10, $0x1;
	s10 =	sld [smem:$0x3FB1];
	_ =	sdelay $0x3  }
0x34: {  	[smem:$0x3FB1] =	sst s10  }
0x35: {  	s10 =	sld [smem:$0x3FB0];
	_ =	sdelay $0x3  }
0x36: {  	p1 =	seq.s32 s10, $0x1;
	s10 =	sld [smem:$0x3FB1];
	_ =	sdelay $0x3  }
0x37: {  	[smem:$0x3FB1] =	sst s10  }
0x38: {  	s10 =	sld [smem:$0x3FB2]  }
0x39: {  	_ = 	snop;
	(pc) =	sbr.ind lr, $3  }
0x3a: {  	_ = 	snop  }
0x3b: {  	_ = 	snop  }
0x3c: {  	p2 =	seq.s32 s10, $0x1;
	s10 =	sld [smem:$0x3FB1]  }
0x3d: {  	_ =	shalt  }
0x3e: {  	_ =	shalt  }
0x3f: {  	_ =	shalt  }
0x40: {  	_ =	shalt  }
0x41: {  	_ =	shalt  }
0x42: {  	_ =	shalt  }
0x43: {  	_ =	shalt  }
0x44: {  	_ =	shalt  }
0x45: {  	_ =	shalt  }
0x46: {  	_ =	shalt  }
0x47: {  	_ =	shalt  }
0x48: {  	_ =	shalt  }
0x49: {  	_ =	shalt  }
0x4a: {  	_ =	shalt  }
0x4b: {  	_ =	shalt  }
0x4c: {  	_ =	shalt  }
0x4d: {  	_ =	shalt  }
0x4e: {  	_ =	shalt  }
0x4f: {  	_ =	shalt  }
0x50: {  	_ =	shalt  }
0x51: {  	_ =	shalt  }
0x52: {  	_ =	shalt  }
0x53: {  	_ =	shalt  }
0x54: {  	_ =	shalt  }
0x55: {  	_ =	shalt  }
0x56: {  	_ =	shalt  }
0x57: {  	_ =	shalt  }
0x58: {  	_ =	shalt  }
0x59: {  	_ =	shalt  }
0x5a: {  	_ =	shalt  }
0x5b: {  	_ =	shalt  }
0x5c: {  	_ =	shalt  }
0x5d: {  	_ =	shalt  }
0x5e: {  	_ =	shalt  }
0x5f: {  	_ =	shalt  }
0x60: {  	_ =	shalt  }
0x61: {  	_ =	shalt  }
0x62: {  	_ =	shalt  }
0x63: {  	_ =	shalt  }
0x64: {  	_ =	shalt  }
0x65: {  	_ =	shalt  }
0x66: {  	_ =	shalt  }
0x67: {  	_ =	shalt  }
0x68: {  	_ =	shalt  }
0x69: {  	_ =	shalt  }
0x6a: {  	_ =	shalt  }
0x6b: {  	_ =	shalt  }
0x6c: {  	_ =	shalt  }
0x6d: {  	_ =	shalt  }
0x6e: {  	_ =	shalt  }
0x6f: {  	_ =	shalt  }
0x70: {  	_ =	shalt  }
0x71: {  	_ =	shalt  }
0x72: {  	_ =	shalt  }
0x73: {  	_ =	shalt  }
0x74: {  	_ =	shalt  }
0x75: {  	_ =	shalt  }
0x76: {  	_ =	shalt  }
0x77: {  	_ =	shalt  }
0x78: {  	_ =	shalt  }
0x79: {  	_ =	shalt  }
0x7a: {  	_ =	shalt  }
0x7b: {  	_ =	shalt  }
0x7c: {  	_ =	shalt  }
0x7d: {  	_ =	shalt  }
0x7e: {  	_ =	shalt  }
0x7f: {  	_ =	shalt  }
0x80: {  	_ =	shalt  }
0x81: {  	_ =	shalt  }
0x82: {  	_ =	shalt  }
0x83: {  	_ =	shalt  }
0x84: {  	_ =	shalt  }
0x85: {  	_ =	shalt  }
0x86: {  	_ =	shalt  }
0x87: {  	_ =	shalt  }
.Lfunc_end0:
.L_simem_size_0:
called_computation_lowered:
.L_overlay_start_0:
0x88: {  	s2 =	sld [smem:$0x3FD9]  }
0x89: {  	s3 =	sld [smem:$0x3FFE];
	_ =	sdelay $0x1  }
0x8a: {  	s1 =	srdreg.scid  }
0x8b: {  	s0 =	sand.u32 $0x1, s1  }
0x8c: {  	s16 =	sshll.u32 s0, $0xA;
	s2 =	sadd.s32 s3, s2  }
0x8d: {  	s2 =	sadd.s32 s2, s16  }
0x8e: {  	[smem:$0x3FBD] =	sst s2  }
0x8f: {  	_ = 	snop  }
0x90: {  	(tm) =	ssettm $0x1  }
0x91: {  	s17 =	sld [smem:$0x3FFB];
	_ =	sdelay $0x3  }
0x92: {  	_ =	strace s17  }
0x93: {  	s2 =	sld [smem:$0x3FFC];
	_ =	sdelay $0x3  }
0x94: {  	_ =	strace s2  }
0x95: {  	s2 =	sld [smem:$0x3FFD];
	_ =	sdelay $0x3  }
0x96: {  	_ =	strace s2  }
0x97: {  	_ =	strace $0x8FFFFFFF  }
0x98: {  	s18 =	sld [smem:$0x3FDB];
	_ =	sdelay $0x1  }
0x99: {  	s19 =	simm.s32 $_scs_section_size  }
0x9a: {  	s4 =	simm.s32 $_size__tile_overlayer_lowered;
	s5 =	simm.s32 $_tile_overlayer_lowered  }
0x9b: {  	s22 =	simm.s32 $0x1BFF;
	s21 =	sshll.u32 s5, $0x1;
	s2 =	sadd.s32 s19, s18  }
0x9c: {  	s6 =	simm.s32 $0x0;
	s20 =	sshll.u32 s4, $0x1;
	s4 =	sadd.s32 s21, s2  }
0x9d: {  	[timem:s6], [sflag:s22] =	dma.local [hbm:s4], s20  }
0x9e: {  	_ =	swait.ge [sflag:s22], s20  }
0x9f: {  	s3 =	ssub.s32 $0x0, s20;
	[sflag:s22] =	ssyncset.done $0x0  }
0xa0: {  	[sflag:s22] =	ssyncadd.s32 s3;
	_ =	sdelay $0x1  }
0xa1: {  	s23 =	simm.s32 $0x1B8B  }
0xa2: {  	_ =	swait.ge [sflag:s23], $0x1  }
0xa3: {  	[sflag:s23] =	ssyncset.done $0x0  }
0xa4: {  	s25 =	simm.s32 $0x1B8E;
	s24 =	sld [smem:$0x3FFE];
	[sflag:s23] =	ssyncadd.s32 $0xFFFFFFFF  }
0xa5: {  	s26 =	simm.s32 $execute0_lowered;
	[smem:$0x3FD2] =	sst s25  }
0xa6: {  	s4 =	sshll.u32 s26, $0x1;
	_ =	strace $0x80000046;
	[dreg:$0x1] =	wrdreg $0xFFFFFFFF  }
0xa7: {  	s28 =	simm.s32 $_size_execute0_lowered;
	s2 =	sadd.s32 s2, s4;
	[dreg:$0x0] =	wrdreg $0x0  }
0xa8: {  	s4 =	sshll.u32 s28, $0x1;
	[dreg:$0x2] =	wrdreg s2  }
0xa9: {  	[dreg:$0x3] =	wrdreg s4  }
0xaa: {  	[dreg:$0x4] =	wrdreg $0xC0  }
0xab: {  	_ =	task [dreg:s6], $0x5FFFF  }
0xac: {  	[dreg:$0x1] =	wrdreg $0xFFFFFFFF  }
0xad: {  	[dreg:$0x0] =	wrdreg $0x60  }
0xae: {  	[dreg:$0x2] =	wrdreg s24  }
0xaf: {  	[dreg:$0x3] =	wrdreg $0x9  }
0xb0: {  	_ =	task.clear_ibuf [dreg:s6], $0x4FFFF;
	_ =	strace $0x90000046  }
0xb1: {  	s29 =	simm.s32 $0x9;
	_ =	strace $0x80000048  }
0xb2: {  	_ =	swait.ge [sflag:s29], $0x1  }
0xb3: {  	[sflag:s29] =	ssyncadd.s32 $0xFFFFFFFF  }
0xb4: {  	_ =	strace $0x90000048  }
0xb5: {  	_ =	sfence  }
0xb6: {  	s30 =	sld [smem:$0x0];
	_ =	sdelay $0x2  }
0xb7: {  	s31 =	sshll.u32 s1, $0xD;
	s1 =	sshrl.u32 s1, $0x2  }
0xb8: {  	s3 =	sand.u32 $0x4000, s31;
	s1 =	sadd.s32 s1, s30  }
0xb9: {  	s0 =	sor.u32 s3, s0;
	s1 =	sshll.u32 s1, $0x11  }
0xba: {  	s0 =	sor.u32 s1, s0  }
0xbb: {  	s0 =	sadd.s32 $0x8F2B, s0  }
0xbc: {  	[sflag:s0] =	ssyncadd.remote.s32 $0x1  }
0xbd: {  	_ =	sfence.sel $0xFFFF  }
0xbe: {  	[dreg:$0x0] =	wrdreg $0xFFFFFFFF;
	(pc) =	sbr.abs _section_cstart, $3  }
0xbf: {  	[dreg:$0x1] =	wrdreg $0xFFFFFFFF  }
0xc0: {  	_ =	task.clear_ibuf [dreg:s6], $0x2FFFF;
	_ =	strace $0x9FFFFFFF  }
0xc1: {  	(tm) =	ssettm $0x7FFFFFFF  }
tec
execute0_lowered:
.L_overlay_start_1:
0x0: {  	(tag) =	ssettag $0x1  }
0x1: {  	s4 =	rddreg [dreg:$0x0]  }
0x2: {  	s0 =	rddreg [dreg:$0x1];
	s2 =	simm.s32 $0x0;
	s1 =	stileid.u32  }
0x3: {  	s3 =	srdreg.scid;
	s10 =	simm.s32 $0x0;
	s6 =	smul.u32 $0xC000, s1  }
0x4: {  	[smem:$0x7FF] =	sst s2;
	s5 =	sand.u32 $0x1, s3;
	s8 =	smul.u32 $0xC0000, s1  }
0x5: {  	s3 =	sadd.s32 $0x121600, s4;
	s7 =	smul.u32 $0x6000, s5;
	s9 =	ssub.s32 $0x2, s5  }
0x6: {  	_ =	strace $0x80000047;
	s5 =	smul.u32 $0x60000, s5;
	s31 =	sshrl.u32 s9, $0x1  }
0x7: {  	s8 =	sadd.s32 s8, s4;
	s6 =	sadd.s32 s7, s6;
	s7 =	ssub.s32 s9, s31  }
0x8: {  	s5 =	sadd.s32 s5, s8;
	s8 =	simm.s32 $0x80;
	s6 =	sshrl.u32 s6, $0x3  }
0x9: {  	s9 =	simm.s32 $0x1;
	s5 =	sadd.s32 $0x221600, s5;
	s6 =	sadd.s32 s6, s4  }
0xa: {  	s4 =	smax.u32 s7, $0x1;
	s7 =	simm.s32 $0x2;
	s6 =	sadd.s32 $0x109600, s6  }
.LBB2_1:
0xb: {  	s11 =	sadd.s32 $0x0, s6  }
0xc: {  	[tilespmem:s2], [sflag:$0x2] =	stream.linear.gather [hbm4b:s11+s2], $0x80, $0x38;
	[tilespmem:$0x4080] =	vst v63  }
0xd: {  	_ =	swait.ge [sflag:s7], $0x80  }
0xe: {  	[sflag:s7] =	ssyncset.done $0x0  }
0xf: {  	[sflag:s7] =	ssyncadd.s32 $0xFFFFFF80  }
0x10: {  	[tilespmem:s8], [sflag:$0x1] =	stream.indirect.gather [hbm4b:s3+s8], $0x80, s2, s8, $0xb8;
	[tilespmem:$0x4080] =	vst v63  }
0x11: {  	_ =	swait.ge [sflag:s9], $0x4000  }
0x12: {  	[sflag:s9] =	ssyncset.done $0x0  }
0x13: {  	[sflag:s9] =	ssyncadd.s32 $0xFFFFC000  }
0x14: {  	[hbm4b:s5+s2] =	stream.linear.scatter [tilespmem:s8], [sflag:$0x2], $0x4000, $0x38;
	[tilespmem:$0x4080] =	vst v63  }
0x15: {  	s12 =	simm.s32 $0x10;
	_ =	swait.ge [sflag:s7], $0x4000  }
0x16: {  	s13 =	simm.s32 $0x20;
	s11 =	sadd.s32 $0x800, s5;
	[sflag:s7] =	ssyncset.done $0x0  }
.LBB2_2:
0x17: {  	s14 =	sadd.s32 s12, s6  }
0x18: {  	[sflag:s7] =	ssyncadd.s32 $0xFFFFC000;
	s12 =	smov.u32 s13;
	s15 =	sadd.s32 $0x10, s13  }
0x19: {  	[tilespmem:s2], [sflag:$0x2] =	stream.linear.gather [hbm4b:s14+s2], $0x80, $0x38;
	[tilespmem:$0x4080] =	vst v63  }
0x1a: {  	p0 =	sne.s32 s13, $0xBF0;
	_ =	swait.ge [sflag:s7], $0x80  }
0x1b: {  	[sflag:s7] =	ssyncset.done $0x0  }
0x1c: {  	[sflag:s7] =	ssyncadd.s32 $0xFFFFFF80  }
0x1d: {  	[tilespmem:s8], [sflag:$0x1] =	stream.indirect.gather [hbm4b:s3+s8], $0x80, s2, s8, $0xb8;
	[tilespmem:$0x4080] =	vst v63  }
0x1e: {  	_ =	swait.ge [sflag:s9], $0x4000  }
.Ltmp0:
0x1f: {  	[sflag:s9] =	ssyncset.done $0x0;
	(pc) =	sbr.rel @p0 .LBB2_2-.Ltmp0, $4  }
0x20: {  	[sflag:s9] =	ssyncadd.s32 $0xFFFFC000  }
0x21: {  	[hbm4b:s11+s2] =	stream.linear.scatter [tilespmem:s8], [sflag:$0x2], $0x4000, $0x38;
	[tilespmem:$0x4080] =	vst v63  }
0x22: {  	_ =	swait.ge [sflag:s7], $0x4000  }
0x23: {  	s13 =	smov.u32 s15;
	s11 =	sadd.s32 $0x800, s11;
	[sflag:s7] =	ssyncset.done $0x0  }
0x24: {  	s12 =	sadd.s32 s12, s6;
	[sflag:s7] =	ssyncadd.s32 $0xFFFFC000  }
0x25: {  	[tilespmem:s2], [sflag:$0x2] =	stream.linear.gather [hbm4b:s12+s2], $0x80, $0x38;
	[tilespmem:$0x4080] =	vst v63  }
0x26: {  	_ =	swait.ge [sflag:s7], $0x80  }
0x27: {  	[sflag:s7] =	ssyncset.done $0x0  }
0x28: {  	[sflag:s7] =	ssyncadd.s32 $0xFFFFFF80  }
0x29: {  	[tilespmem:s8], [sflag:$0x1] =	stream.indirect.gather [hbm4b:s3+s8], $0x80, s2, s8, $0xb8;
	[tilespmem:$0x4080] =	vst v63  }
0x2a: {  	s10 =	sadd.s32 $0x1, s10;
	_ =	swait.ge [sflag:s9], $0x4000  }
0x2b: {  	p0 =	sne.s32 s10, s4;
	[sflag:s9] =	ssyncset.done $0x0  }
.Ltmp1:
0x2c: {  	[sflag:s9] =	ssyncadd.s32 $0xFFFFC000;
	(pc) =	sbr.rel @p0 .LBB2_1-.Ltmp1, $4  }
0x2d: {  	[hbm4b:s11+s2] =	stream.linear.scatter [tilespmem:s8], [sflag:$0x2], $0x4000, $0x38;
	[tilespmem:$0x4080] =	vst v63  }
0x2e: {  	_ =	swait.ge [sflag:s7], $0x4000  }
0x2f: {  	[sflag:s7] =	ssyncset.done $0x0  }
0x30: {  	[sflag:s7] =	ssyncadd.s32 $0xFFFFC000  }
0x31: {  	_ =	sfence.sel $0x180000  }
0x32: {  	[bflag:$0x0] =	sbarrier.arrive $0xFFFF  }
0x33: {  	p0 =	sne.s32 s1, $0x0;
	_ =	strace $0x90000047  }
0x34: {  	s0 =	sadd.s32 @!p0 $0x100000, s0;
	[bflag:$0x2] =	sbarrier.arrive $0xFFFF  }
0x35: {  	[sflag:s0] =	ssyncadd.tile.s32 @!p0 $0x1;
	_ =	shalt  }
.Lfunc_end2:
_tile_overlayer_lowered:
.L_overlay_start_2:
0x36: {  	(tag) =	ssettag $0x2  }
0x37: {  	s0 =	rddreg [dreg:$0x0];
	s2 =	stileid.u32  }
0x38: {  	s1 =	rddreg [dreg:$0x1];
	p0 =	sne.s32 s2, $0x0  }
0x39: {  	s3 =	rddreg [dreg:$0x2];
	[bflag:$0x3] =	sbarrier.arrive $0xFFFF;
	s2 =	simm.s32 @!p0 $0x1C02  }
0x3a: {  	[timem:s3], [sflag:s2] =	dma.local @!p0 [hbm:s0], s1  }
0x3b: {  	s0 =	simm.s32 @!p0 $0x2  }
0x3c: {  	_ =	swait.ge @!p0 [sflag:s0], s1  }
0x3d: {  	s1 =	ssub.s32 @!p0 $0x0, s1;
	[sflag:s0] =	ssyncset.done @!p0 $0x0  }
0x3e: {  	[sflag:s0] =	ssyncadd.s32 @!p0 s1  }
0x3f: {  	[bflag:$0x3] =	sbarrier.arrive $0xFFFF  }
0x40: {  	_ =	shalt  }

// kernel: kernel.24.cloned.1.call-start
scs
__scs_entry_jumppad:
0x0: {  	(pc) =	sbr.rel $0x88, $3  }
0x1: {  	(tag) =	ssettag $0x0;
	lr =	simm.s32 $0x1  }
0x2: {  	[smem:$0x3F96] =	sst lr;
	_ =	strace $0xD0000000  }
0x3: {  	_ = 	snop  }
0x4: {  	_ = 	snop  }
0x5: {  	_ = 	snop  }
0x6: {  	_ = 	snop  }
0x7: {  	_ = 	snop  }
__scs_overlays_trampoline_lowered:
0x8: {  	[smem:$0x3FA5] =	sst s0  }
0x9: {  	[smem:$0x3FA6] =	sst s1  }
0xa: {  	[smem:$0x3FA7] =	sst s2  }
0xb: {  	[smem:$0x3FA8] =	sst s3  }
0xc: {  	[smem:$0x3FA9] =	sst s4  }
0xd: {  	[smem:$0x3FAA] =	sst s5  }
0xe: {  	[smem:$0x3FAB] =	sst s6  }
0xf: {  	[smem:$0x3FAC] =	sst s7  }
0x10: {  	[smem:$0x3FAD] =	sst s8  }
0x11: {  	[smem:$0x3FAE] =	sst s9;
	s0 =	simm.s32 @!p0 $0x0  }
0x12: {  	s1 =	sld [smem:$0x3F94];
	s0 =	simm.s32 @p0 $0x1  }
0x13: {  	[smem:$0x3FAF] =	sst s0;
	s0 =	simm.s32 @!p1 $0x0  }
0x14: {  	s2 =	sld [smem:$0x3F93];
	s0 =	simm.s32 @p1 $0x1  }
0x15: {  	[smem:$0x3FB0] =	sst s0;
	s0 =	simm.s32 @!p2 $0x0  }
0x16: {  	s3 =	sld [smem:$0x3FDB];
	s0 =	simm.s32 @p2 $0x1  }
0x17: {  	s4 =	simm.s32 $0x1BF5;
	[smem:$0x3FB2] =	sst s0  }
0x18: {  	s0 =	sld [smem:$0x3F95];
	_ =	swait.ge [sflag:s4], $0x0  }
0x19: {  	s7 =	sld [smem:$0x3F96]  }
0x1a: {  	s8 =	sadd.s32 $0xFFFFE003, lr  }
0x1b: {  	s9 =	sadd.s32 $0xFFFFFEF7, lr;
	s5 =	simm.s32 $0xFFFFFFFF;
	p2 =	slt.u32 s8, $0xFFFFF086  }
0x1c: {  	p1 =	slt.u32 s9, $0xF7A;
	s5 =	simm.s32 @!p2 $0x0  }
0x1d: {  	s5 =	simm.s32 @p1 $0x1;
	p0 =	seq.s32 s7, s2  }
0x1e: {  	s7 =	smul.u32 @!p0 $0xF7A, s2;
	p2 =	seq.s32 @!p0 s5, $0x0  }
0x1f: {  	s9 =	smul.u32 $0xF7A, s1;
	s8 =	simm.s32 @!p0 $0x1BF5;
	p2 =	por !p2, p0  }
0x20: {  	[sflag:s8] =	ssyncset.s32 @!p0 $0xFFFFF086;
	s6 =	sadd.s32 @!p0 s3, s7;
	s7 =	simm.s32 @!p0 $0x108  }
0x21: {  	s3 =	sadd.s32 s3, s9;
	s6 =	sadd.s32 @!p0 $0x88, s6;
	s7 =	simm.s32 @p2 $0x1082  }
0x22: {  	[simem:s7], [sflag:s8] =	dma.local @!p0 [hbm:s6], $0xF7A  }
0x23: {  	s9 =	sor.u32 $0xD0000000, s2;
	s6 =	simm.s32 $0x108;
	_ =	swait.ge @!p0 [sflag:s8], $0x0  }
0x24: {  	s3 =	sadd.s32 $0x88, s3;
	s6 =	simm.s32 @!p1 $0x1082;
	[sflag:s4] =	ssyncset.s32 $0xFFFFF086  }
0x25: {  	[simem:s6], [sflag:s4] =	dma.local [hbm:s3], $0xF7A  }
0x26: {  	[smem:$0x3F96] =	sst s1;
	(tag) =	ssettag s2;
	_ =	strace s9  }
0x27: {  	s1 =	sld [smem:$0x3FA6]  }
0x28: {  	s2 =	sld [smem:$0x3FA7]  }
0x29: {  	s4 =	sld [smem:$0x3FA9]  }
0x2a: {  	p0 =	seq.s32 s5, $0x0;
	s5 =	sld [smem:$0x3FAA]  }
0x2b: {  	s6 =	sld [smem:$0x3FAB]  }
0x2c: {  	s7 =	sld [smem:$0x3FAC]  }
0x2d: {  	s3 =	simm.s32 $0x108;
	s8 =	sld [smem:$0x3FAD]  }
0x2e: {  	s3 =	simm.s32 @!p0 $0x1082;
	s9 =	sld [smem:$0x3FAE]  }
0x2f: {  	lr =	sadd.s32 s0, s3;
	s0 =	sld [smem:$0x3FA5]  }
0x30: {  	s3 =	sld [smem:$0x3FA8]  }
0x31: {  	[smem:$0x3FB1] =	sst s10  }
0x32: {  	s10 =	sld [smem:$0x3FAF];
	_ =	sdelay $0x3  }
0x33: {  	p0 =	seq.s32 s10, $0x1;
	s10 =	sld [smem:$0x3FB1];
	_ =	sdelay $0x3  }
0x34: {  	[smem:$0x3FB1] =	sst s10  }
0x35: {  	s10 =	sld [smem:$0x3FB0];
	_ =	sdelay $0x3  }
0x36: {  	p1 =	seq.s32 s10, $0x1;
	s10 =	sld [smem:$0x3FB1];
	_ =	sdelay $0x3  }
0x37: {  	[smem:$0x3FB1] =	sst s10  }
0x38: {  	s10 =	sld [smem:$0x3FB2]  }
0x39: {  	_ = 	snop;
	(pc) =	sbr.ind lr, $3  }
0x3a: {  	_ = 	snop  }
0x3b: {  	_ = 	snop  }
0x3c: {  	p2 =	seq.s32 s10, $0x1;
	s10 =	sld [smem:$0x3FB1]  }
0x3d: {  	_ =	shalt  }
0x3e: {  	_ =	shalt  }
0x3f: {  	_ =	shalt  }
0x40: {  	_ =	shalt  }
0x41: {  	_ =	shalt  }
0x42: {  	_ =	shalt  }
0x43: {  	_ =	shalt  }
0x44: {  	_ =	shalt  }
0x45: {  	_ =	shalt  }
0x46: {  	_ =	shalt  }
0x47: {  	_ =	shalt  }
0x48: {  	_ =	shalt  }
0x49: {  	_ =	shalt  }
0x4a: {  	_ =	shalt  }
0x4b: {  	_ =	shalt  }
0x4c: {  	_ =	shalt  }
0x4d: {  	_ =	shalt  }
0x4e: {  	_ =	shalt  }
0x4f: {  	_ =	shalt  }
0x50: {  	_ =	shalt  }
0x51: {  	_ =	shalt  }
0x52: {  	_ =	shalt  }
0x53: {  	_ =	shalt  }
0x54: {  	_ =	shalt  }
0x55: {  	_ =	shalt  }
0x56: {  	_ =	shalt  }
0x57: {  	_ =	shalt  }
0x58: {  	_ =	shalt  }
0x59: {  	_ =	shalt  }
0x5a: {  	_ =	shalt  }
0x5b: {  	_ =	shalt  }
0x5c: {  	_ =	shalt  }
0x5d: {  	_ =	shalt  }
0x5e: {  	_ =	shalt  }
0x5f: {  	_ =	shalt  }
0x60: {  	_ =	shalt  }
0x61: {  	_ =	shalt  }
0x62: {  	_ =	shalt  }
0x63: {  	_ =	shalt  }
0x64: {  	_ =	shalt  }
0x65: {  	_ =	shalt  }
0x66: {  	_ =	shalt  }
0x67: {  	_ =	shalt  }
0x68: {  	_ =	shalt  }
0x69: {  	_ =	shalt  }
0x6a: {  	_ =	shalt  }
0x6b: {  	_ =	shalt  }
0x6c: {  	_ =	shalt  }
0x6d: {  	_ =	shalt  }
0x6e: {  	_ =	shalt  }
0x6f: {  	_ =	shalt  }
0x70: {  	_ =	shalt  }
0x71: {  	_ =	shalt  }
0x72: {  	_ =	shalt  }
0x73: {  	_ =	shalt  }
0x74: {  	_ =	shalt  }
0x75: {  	_ =	shalt  }
0x76: {  	_ =	shalt  }
0x77: {  	_ =	shalt  }
0x78: {  	_ =	shalt  }
0x79: {  	_ =	shalt  }
0x7a: {  	_ =	shalt  }
0x7b: {  	_ =	shalt  }
0x7c: {  	_ =	shalt  }
0x7d: {  	_ =	shalt  }
0x7e: {  	_ =	shalt  }
0x7f: {  	_ =	shalt  }
0x80: {  	_ =	shalt  }
0x81: {  	_ =	shalt  }
0x82: {  	_ =	shalt  }
0x83: {  	_ =	shalt  }
0x84: {  	_ =	shalt  }
0x85: {  	_ =	shalt  }
0x86: {  	_ =	shalt  }
0x87: {  	_ =	shalt  }
.Lfunc_end0:
.L_simem_size_0:
called_computation.1_lowered:
.L_overlay_start_0:
0x88: {  	s2 =	sld [smem:$0x3FD9]  }
0x89: {  	s3 =	sld [smem:$0x3FFE];
	_ =	sdelay $0x1  }
0x8a: {  	s1 =	srdreg.scid  }
0x8b: {  	s0 =	sand.u32 $0x1, s1  }
0x8c: {  	s16 =	sshll.u32 s0, $0xA;
	s2 =	sadd.s32 s3, s2  }
0x8d: {  	s2 =	sadd.s32 s2, s16  }
0x8e: {  	[smem:$0x3FBD] =	sst s2  }
0x8f: {  	_ = 	snop  }
0x90: {  	(tm) =	ssettm $0x1  }
0x91: {  	s17 =	sld [smem:$0x3FFB];
	_ =	sdelay $0x3  }
0x92: {  	_ =	strace s17  }
0x93: {  	s2 =	sld [smem:$0x3FFC];
	_ =	sdelay $0x3  }
0x94: {  	_ =	strace s2  }
0x95: {  	s2 =	sld [smem:$0x3FFD];
	_ =	sdelay $0x3  }
0x96: {  	_ =	strace s2  }
0x97: {  	_ =	strace $0x8FFFFFFF  }
0x98: {  	s18 =	sld [smem:$0x3FDB];
	_ =	sdelay $0x1  }
0x99: {  	s19 =	simm.s32 $_scs_section_size  }
0x9a: {  	s4 =	simm.s32 $_size__tile_overlayer_lowered;
	s5 =	simm.s32 $_tile_overlayer_lowered  }
0x9b: {  	s22 =	simm.s32 $0x1BFF;
	s21 =	sshll.u32 s5, $0x1;
	s2 =	sadd.s32 s19, s18  }
0x9c: {  	s6 =	simm.s32 $0x0;
	s20 =	sshll.u32 s4, $0x1;
	s4 =	sadd.s32 s21, s2  }
0x9d: {  	[timem:s6], [sflag:s22] =	dma.local [hbm:s4], s20  }
0x9e: {  	_ =	swait.ge [sflag:s22], s20  }
0x9f: {  	s3 =	ssub.s32 $0x0, s20;
	[sflag:s22] =	ssyncset.done $0x0  }
0xa0: {  	[sflag:s22] =	ssyncadd.s32 s3;
	_ =	sdelay $0x1  }
0xa1: {  	s23 =	simm.s32 $0x1B8B  }
0xa2: {  	_ =	swait.ge [sflag:s23], $0x1  }
0xa3: {  	[sflag:s23] =	ssyncset.done $0x0  }
0xa4: {  	s25 =	simm.s32 $0x1B8E;
	s24 =	sld [smem:$0x3FFE];
	[sflag:s23] =	ssyncadd.s32 $0xFFFFFFFF  }
0xa5: {  	s26 =	simm.s32 $execute0_lowered;
	[smem:$0x3FD2] =	sst s25  }
0xa6: {  	s4 =	sshll.u32 s26, $0x1;
	_ =	strace $0x80000049;
	[dreg:$0x1] =	wrdreg $0xFFFFFFFF  }
0xa7: {  	s28 =	simm.s32 $_size_execute0_lowered;
	s2 =	sadd.s32 s2, s4;
	[dreg:$0x0] =	wrdreg $0x0  }
0xa8: {  	s4 =	sshll.u32 s28, $0x1;
	[dreg:$0x2] =	wrdreg s2  }
0xa9: {  	[dreg:$0x3] =	wrdreg s4  }
0xaa: {  	[dreg:$0x4] =	wrdreg $0xC0  }
0xab: {  	_ =	task [dreg:s6], $0x5FFFF  }
0xac: {  	[dreg:$0x1] =	wrdreg $0xFFFFFFFF  }
0xad: {  	[dreg:$0x0] =	wrdreg $0x60  }
0xae: {  	[dreg:$0x2] =	wrdreg s24  }
0xaf: {  	[dreg:$0x3] =	wrdreg $0xA  }
0xb0: {  	_ =	task.clear_ibuf [dreg:s6], $0x4FFFF;
	_ =	strace $0x90000049  }
0xb1: {  	s29 =	simm.s32 $0xA;
	_ =	strace $0x8000004B  }
0xb2: {  	_ =	swait.ge [sflag:s29], $0x1  }
0xb3: {  	[sflag:s29] =	ssyncadd.s32 $0xFFFFFFFF  }
0xb4: {  	_ =	strace $0x9000004B  }
0xb5: {  	_ =	sfence  }
0xb6: {  	s30 =	sld [smem:$0x0];
	_ =	sdelay $0x2  }
0xb7: {  	s31 =	sshll.u32 s1, $0xD;
	s1 =	sshrl.u32 s1, $0x2  }
0xb8: {  	s3 =	sand.u32 $0x4000, s31;
	s1 =	sadd.s32 s1, s30  }
0xb9: {  	s0 =	sor.u32 s3, s0;
	s1 =	sshll.u32 s1, $0x11  }
0xba: {  	s0 =	sor.u32 s1, s0  }
0xbb: {  	s0 =	sadd.s32 $0x8F2B, s0  }
0xbc: {  	[sflag:s0] =	ssyncadd.remote.s32 $0x1  }
0xbd: {  	_ =	sfence.sel $0xFFFF  }
0xbe: {  	[dreg:$0x0] =	wrdreg $0xFFFFFFFF;
	(pc) =	sbr.abs _section_cstart, $3  }
0xbf: {  	[dreg:$0x1] =	wrdreg $0xFFFFFFFF  }
0xc0: {  	_ =	task.clear_ibuf [dreg:s6], $0x2FFFF;
	_ =	strace $0x9FFFFFFF  }
0xc1: {  	(tm) =	ssettm $0x7FFFFFFF  }
tec
execute0_lowered:
.L_overlay_start_1:
0x0: {  	(tag) =	ssettag $0x1  }
0x1: {  	s4 =	rddreg [dreg:$0x0]  }
0x2: {  	s0 =	rddreg [dreg:$0x1];
	s2 =	simm.s32 $0x0;
	s3 =	srdreg.scid  }
0x3: {  	s1 =	stileid.u32;
	s10 =	simm.s32 $0x1080;
	s11 =	simm.s32 $0x1880  }
0x4: {  	s12 =	simm.s32 $0x2080;
	s13 =	simm.s32 $0x2880;
	s14 =	simm.s32 $0x3080  }
0x5: {  	s15 =	simm.s32 $0x3880;
	s16 =	simm.s32 $0x4080;
	s17 =	simm.s32 $0x4880  }
0x6: {  	s18 =	simm.s32 $0x5080;
	s19 =	simm.s32 $0x5880;
	s20 =	simm.s32 $0x6080  }
0x7: {  	s21 =	simm.s32 $0x6880;
	s22 =	simm.s32 $0x7080;
	s23 =	simm.s32 $0x7880  }
0x8: {  	s24 =	simm.s32 $0x1;
	s25 =	simm.s32 $0x0;
	[smem:$0x7FF] =	sst s2  }
0x9: {  	s5 =	sand.u32 $0x1, s3;
	s6 =	sshll.u32 s1, $0xF;
	s3 =	sadd.s32 $0x109600, s4  }
0xa: {  	s8 =	sshll.u32 s1, $0x14;
	_ =	strace $0x8000004A;
	s7 =	sshll.u32 s5, $0xE  }
0xb: {  	s31 =	ssub.s32 $0x2, s5;
	s8 =	sadd.s32 s8, s4;
	s5 =	sshll.u32 s5, $0x13  }
0xc: {  	s6 =	sor.u32 s7, s6;
	s9 =	sshrl.u32 s31, $0x1;
	s5 =	sadd.s32 s5, s8  }
0xd: {  	v2 =	vlaneseq.u32;
	s8 =	simm.s32 $0x80;
	s6 =	sshrl.u32 s6, $0x3;
	s7 =	ssub.s32 s31, s9  }
0xe: {  	vm0 =	vmmov $0xffff;
	v1 =	vshrl.u32 v2, $0x3;
	s5 =	sadd.s32 $0x189600, s5;
	s9 =	simm.s32 $0x880;
	s6 =	sadd.s32 s6, s4  }
0xf: {  	v0 =	vand.u32 $0x7, v2;
	v2 =	vor.u32 $0x8, v2;
	v1 =	vmul.u32 $0x8, v1;
	s4 =	smax.u32 s7, $0x1;
	s7 =	simm.s32 $0x2;
	s6 =	sadd.s32 $0x45C00, s6  }
.LBB2_1:
0x10: {  	s26 =	smov.u32 s5;
	s28 =	simm.s32 $0x0  }
.LBB2_2:
0x11: {  	s29 =	sadd.s32 s28, s6  }
0x12: {  	[tilespmem:s2], [sflag:$0x2] =	stream.linear.gather [hbm4b:s29+s2], $0x80, $0x38;
	[tilespmem:$0x8080] =	vst v63  }
0x13: {  	_ =	swait.ge [sflag:s7], $0x80  }
0x14: {  	[sflag:s7] =	ssyncset.done $0x0  }
0x15: {  	[sflag:s7] =	ssyncadd.s32 $0xFFFFFF80  }
0x16: {  	v3 =	vld [tilespmem:$0x0];
	_ =	sdelay $0x4  }
0x17: {  	v4 =	vshll.u32 v3, $0x1  }
0x18: {  	v3 =	vand.u32 $0x7, v3;
	v4 =	vand.u32 $0xFFFFFFF0, v4  }
0x19: {  	v3 =	vor.u32 v3, v4  }
0x1a: {  	v4 =	vperm.xlane v3, v0;
	_ =	sdelay $0x1  }
0x1b: {  	v3 =	vperm.xlane v3, v2;
	v4 =	vadd.s32 v1, v4;
	_ =	sdelay $0x1  }
0x1c: {  	v3 =	vadd.s32 v1, v3;
	_ =	sdelay $0x2  }
0x1d: {  	[tilespmem:s8], [sflag:$0x1] =	stream.indirect_vreg.gather [hbm4b:s3+s2], $0x80, v4, vm0, $0xb8;
	[tilespmem:$0x8080] =	vst v63  }
0x1e: {  	_ = 	snop  }
0x1f: {  	[tilespmem:s9], [sflag:$0x1] =	stream.indirect_vreg.gather [hbm4b:s3+s2], $0x80, v3, vm0, $0xb8;
	[tilespmem:$0x8080] =	vst v63  }
0x20: {  	v3 =	vld [tilespmem:$0x10];
	_ =	sdelay $0x4  }
0x21: {  	v57 =	vshll.u32 v3, $0x1  }
0x22: {  	v3 =	vand.u32 $0x7, v3;
	v4 =	vand.u32 $0xFFFFFFF0, v57  }
0x23: {  	v3 =	vor.u32 v3, v4  }
0x24: {  	v4 =	vperm.xlane v3, v0;
	_ =	sdelay $0x1  }
0x25: {  	v3 =	vperm.xlane v3, v2;
	v4 =	vadd.s32 v1, v4;
	_ =	sdelay $0x1  }
0x26: {  	v3 =	vadd.s32 v1, v3;
	_ =	sdelay $0x2  }
0x27: {  	[tilespmem:s10], [sflag:$0x1] =	stream.indirect_vreg.gather [hbm4b:s3+s2], $0x80, v4, vm0, $0xb8;
	[tilespmem:$0x8080] =	vst v63  }
0x28: {  	_ = 	snop  }
0x29: {  	[tilespmem:s11], [sflag:$0x1] =	stream.indirect_vreg.gather [hbm4b:s3+s2], $0x80, v3, vm0, $0xb8;
	[tilespmem:$0x8080] =	vst v63  }
0x2a: {  	v3 =	vld [tilespmem:$0x20];
	_ =	sdelay $0x4  }
0x2b: {  	v58 =	vshll.u32 v3, $0x1  }
0x2c: {  	v3 =	vand.u32 $0x7, v3;
	v4 =	vand.u32 $0xFFFFFFF0, v58  }
0x2d: {  	v3 =	vor.u32 v3, v4  }
0x2e: {  	v4 =	vperm.xlane v3, v0;
	_ =	sdelay $0x1  }
0x2f: {  	v3 =	vperm.xlane v3, v2;
	v4 =	vadd.s32 v1, v4;
	_ =	sdelay $0x1  }
0x30: {  	v3 =	vadd.s32 v1, v3;
	_ =	sdelay $0x2  }
0x31: {  	[tilespmem:s12], [sflag:$0x1] =	stream.indirect_vreg.gather [hbm4b:s3+s2], $0x80, v4, vm0, $0xb8;
	[tilespmem:$0x8080] =	vst v63  }
0x32: {  	_ = 	snop  }
0x33: {  	[tilespmem:s13], [sflag:$0x1] =	stream.indirect_vreg.gather [hbm4b:s3+s2], $0x80, v3, vm0, $0xb8;
	[tilespmem:$0x8080] =	vst v63  }
0x34: {  	v3 =	vld [tilespmem:$0x30];
	_ =	sdelay $0x4  }
0x35: {  	v59 =	vshll.u32 v3, $0x1  }
0x36: {  	v3 =	vand.u32 $0x7, v3;
	v4 =	vand.u32 $0xFFFFFFF0, v59  }
0x37: {  	v3 =	vor.u32 v3, v4  }
0x38: {  	v4 =	vperm.xlane v3, v0;
	_ =	sdelay $0x1  }
0x39: {  	v3 =	vperm.xlane v3, v2;
	v4 =	vadd.s32 v1, v4;
	_ =	sdelay $0x1  }
0x3a: {  	v3 =	vadd.s32 v1, v3;
	_ =	sdelay $0x2  }
0x3b: {  	[tilespmem:s14], [sflag:$0x1] =	stream.indirect_vreg.gather [hbm4b:s3+s2], $0x80, v4, vm0, $0xb8;
	[tilespmem:$0x8080] =	vst v63  }
0x3c: {  	_ = 	snop  }
0x3d: {  	[tilespmem:s15], [sflag:$0x1] =	stream.indirect_vreg.gather [hbm4b:s3+s2], $0x80, v3, vm0, $0xb8;
	[tilespmem:$0x8080] =	vst v63  }
0x3e: {  	v3 =	vld [tilespmem:$0x40];
	_ =	sdelay $0x4  }
0x3f: {  	v60 =	vshll.u32 v3, $0x1  }
0x40: {  	v3 =	vand.u32 $0x7, v3;
	v4 =	vand.u32 $0xFFFFFFF0, v60  }
0x41: {  	v3 =	vor.u32 v3, v4  }
0x42: {  	v4 =	vperm.xlane v3, v0;
	_ =	sdelay $0x1  }
0x43: {  	v3 =	vperm.xlane v3, v2;
	v4 =	vadd.s32 v1, v4;
	_ =	sdelay $0x1  }
0x44: {  	v3 =	vadd.s32 v1, v3;
	_ =	sdelay $0x2  }
0x45: {  	[tilespmem:s16], [sflag:$0x1] =	stream.indirect_vreg.gather [hbm4b:s3+s2], $0x80, v4, vm0, $0xb8;
	[tilespmem:$0x8080] =	vst v63  }
0x46: {  	_ = 	snop  }
0x47: {  	[tilespmem:s17], [sflag:$0x1] =	stream.indirect_vreg.gather [hbm4b:s3+s2], $0x80, v3, vm0, $0xb8;
	[tilespmem:$0x8080] =	vst v63  }
0x48: {  	v3 =	vld [tilespmem:$0x50];
	_ =	sdelay $0x4  }
0x49: {  	v61 =	vshll.u32 v3, $0x1  }
0x4a: {  	v3 =	vand.u32 $0x7, v3;
	v4 =	vand.u32 $0xFFFFFFF0, v61  }
0x4b: {  	v3 =	vor.u32 v3, v4  }
0x4c: {  	v4 =	vperm.xlane v3, v0;
	_ =	sdelay $0x1  }
0x4d: {  	v3 =	vperm.xlane v3, v2;
	v4 =	vadd.s32 v1, v4;
	_ =	sdelay $0x1  }
0x4e: {  	v3 =	vadd.s32 v1, v3;
	_ =	sdelay $0x2  }
0x4f: {  	[tilespmem:s18], [sflag:$0x1] =	stream.indirect_vreg.gather [hbm4b:s3+s2], $0x80, v4, vm0, $0xb8;
	[tilespmem:$0x8080] =	vst v63  }
0x50: {  	_ = 	snop  }
0x51: {  	[tilespmem:s19], [sflag:$0x1] =	stream.indirect_vreg.gather [hbm4b:s3+s2], $0x80, v3, vm0, $0xb8;
	[tilespmem:$0x8080] =	vst v63  }
0x52: {  	v3 =	vld [tilespmem:$0x60];
	_ =	sdelay $0x4  }
0x53: {  	v62 =	vshll.u32 v3, $0x1  }
0x54: {  	v3 =	vand.u32 $0x7, v3;
	v4 =	vand.u32 $0xFFFFFFF0, v62  }
0x55: {  	v3 =	vor.u32 v3, v4  }
0x56: {  	v4 =	vperm.xlane v3, v0;
	_ =	sdelay $0x1  }
0x57: {  	v3 =	vperm.xlane v3, v2;
	v4 =	vadd.s32 v1, v4;
	_ =	sdelay $0x1  }
0x58: {  	v3 =	vadd.s32 v1, v3;
	_ =	sdelay $0x2  }
0x59: {  	[tilespmem:s20], [sflag:$0x1] =	stream.indirect_vreg.gather [hbm4b:s3+s2], $0x80, v4, vm0, $0xb8;
	[tilespmem:$0x8080] =	vst v63  }
0x5a: {  	_ = 	snop  }
0x5b: {  	[tilespmem:s21], [sflag:$0x1] =	stream.indirect_vreg.gather [hbm4b:s3+s2], $0x80, v3, vm0, $0xb8;
	[tilespmem:$0x8080] =	vst v63  }
0x5c: {  	v3 =	vld [tilespmem:$0x70];
	_ =	sdelay $0x4  }
0x5d: {  	v63 =	vshll.u32 v3, $0x1  }
0x5e: {  	v3 =	vand.u32 $0x7, v3;
	v4 =	vand.u32 $0xFFFFFFF0, v63  }
0x5f: {  	v3 =	vor.u32 v3, v4  }
0x60: {  	v4 =	vperm.xlane v3, v0;
	_ =	sdelay $0x1  }
0x61: {  	v3 =	vperm.xlane v3, v2;
	v4 =	vadd.s32 v1, v4;
	_ =	sdelay $0x1  }
0x62: {  	v3 =	vadd.s32 v1, v3;
	_ =	sdelay $0x2  }
0x63: {  	[tilespmem:s22], [sflag:$0x1] =	stream.indirect_vreg.gather [hbm4b:s3+s2], $0x80, v4, vm0, $0xb8;
	[tilespmem:$0x8080] =	vst v63  }
0x64: {  	_ = 	snop  }
0x65: {  	[tilespmem:s23], [sflag:$0x1] =	stream.indirect_vreg.gather [hbm4b:s3+s2], $0x80, v3, vm0, $0xb8;
	[tilespmem:$0x8080] =	vst v63  }
0x66: {  	_ =	swait.ge [sflag:s24], $0x8000  }
0x67: {  	p0 =	sne.s32 s28, $0x7F0;
	[sflag:s24] =	ssyncset.done $0x0  }
.Ltmp0:
0x68: {  	[sflag:s24] =	ssyncadd.s32 $0xFFFF8000;
	(pc) =	sbr.rel @p0 .LBB2_2-.Ltmp0, $4  }
0x69: {  	[hbm4b:s26+s2] =	stream.linear.scatter [tilespmem:s8], [sflag:$0x2], $0x8000, $0x38;
	[tilespmem:$0x8080] =	vst v63  }
0x6a: {  	_ =	swait.ge [sflag:s7], $0x8000  }
0x6b: {  	[sflag:s7] =	ssyncset.done $0x0  }
0x6c: {  	s28 =	sadd.s32 $0x10, s28;
	s26 =	sadd.s32 $0x1000, s26;
	[sflag:s7] =	ssyncadd.s32 $0xFFFF8000  }
0x6d: {  	s25 =	sadd.s32 $0x1, s25  }
0x6e: {  	p0 =	sne.s32 s25, s4  }
.Ltmp1:
0x6f: {  	_ = 	snop;
	(pc) =	sbr.rel @p0 .LBB2_1-.Ltmp1, $1  }
0x70: {  	_ =	sdelay $0x3  }
0x71: {  	_ =	sfence.sel $0x180000  }
0x72: {  	[bflag:$0x0] =	sbarrier.arrive $0xFFFF  }
0x73: {  	p0 =	sne.s32 s1, $0x0;
	_ =	strace $0x9000004A  }
0x74: {  	s0 =	sadd.s32 @!p0 $0x100000, s0;
	[bflag:$0x2] =	sbarrier.arrive $0xFFFF  }
0x75: {  	[sflag:s0] =	ssyncadd.tile.s32 @!p0 $0x1;
	_ =	shalt  }
.Lfunc_end2:
_tile_overlayer_lowered:
.L_overlay_start_2:
0x76: {  	(tag) =	ssettag $0x2  }
0x77: {  	s0 =	rddreg [dreg:$0x0];
	s2 =	stileid.u32  }
0x78: {  	s1 =	rddreg [dreg:$0x1];
	p0 =	sne.s32 s2, $0x0  }
0x79: {  	s3 =	rddreg [dreg:$0x2];
	[bflag:$0x3] =	sbarrier.arrive $0xFFFF;
	s2 =	simm.s32 @!p0 $0x1C02  }
0x7a: {  	[timem:s3], [sflag:s2] =	dma.local @!p0 [hbm:s0], s1  }
0x7b: {  	s0 =	simm.s32 @!p0 $0x2  }
0x7c: {  	_ =	swait.ge @!p0 [sflag:s0], s1  }
0x7d: {  	s1 =	ssub.s32 @!p0 $0x0, s1;
	[sflag:s0] =	ssyncset.done @!p0 $0x0  }
0x7e: {  	[sflag:s0] =	ssyncadd.s32 @!p0 s1  }
0x7f: {  	[bflag:$0x3] =	sbarrier.arrive $0xFFFF  }
0x80: {  	_ =	shalt  }

// kernel: kernel.27.cloned.1.call-start
scs
__scs_entry_jumppad:
0x0: {  	(pc) =	sbr.rel $0x88, $3  }
0x1: {  	(tag) =	ssettag $0x0;
	lr =	simm.s32 $0x1  }
0x2: {  	[smem:$0x3F96] =	sst lr;
	_ =	strace $0xD0000000  }
0x3: {  	_ = 	snop  }
0x4: {  	_ = 	snop  }
0x5: {  	_ = 	snop  }
0x6: {  	_ = 	snop  }
0x7: {  	_ = 	snop  }
__scs_overlays_trampoline_lowered:
0x8: {  	[smem:$0x3FA5] =	sst s0  }
0x9: {  	[smem:$0x3FA6] =	sst s1  }
0xa: {  	[smem:$0x3FA7] =	sst s2  }
0xb: {  	[smem:$0x3FA8] =	sst s3  }
0xc: {  	[smem:$0x3FA9] =	sst s4  }
0xd: {  	[smem:$0x3FAA] =	sst s5  }
0xe: {  	[smem:$0x3FAB] =	sst s6  }
0xf: {  	[smem:$0x3FAC] =	sst s7  }
0x10: {  	[smem:$0x3FAD] =	sst s8  }
0x11: {  	[smem:$0x3FAE] =	sst s9;
	s0 =	simm.s32 @!p0 $0x0  }
0x12: {  	s1 =	sld [smem:$0x3F94];
	s0 =	simm.s32 @p0 $0x1  }
0x13: {  	[smem:$0x3FAF] =	sst s0;
	s0 =	simm.s32 @!p1 $0x0  }
0x14: {  	s2 =	sld [smem:$0x3F93];
	s0 =	simm.s32 @p1 $0x1  }
0x15: {  	[smem:$0x3FB0] =	sst s0;
	s0 =	simm.s32 @!p2 $0x0  }
0x16: {  	s3 =	sld [smem:$0x3FDB];
	s0 =	simm.s32 @p2 $0x1  }
0x17: {  	s4 =	simm.s32 $0x1BF5;
	[smem:$0x3FB2] =	sst s0  }
0x18: {  	s0 =	sld [smem:$0x3F95];
	_ =	swait.ge [sflag:s4], $0x0  }
0x19: {  	s7 =	sld [smem:$0x3F96]  }
0x1a: {  	s8 =	sadd.s32 $0xFFFFE003, lr  }
0x1b: {  	s9 =	sadd.s32 $0xFFFFFEF7, lr;
	s5 =	simm.s32 $0xFFFFFFFF;
	p2 =	slt.u32 s8, $0xFFFFF086  }
0x1c: {  	p1 =	slt.u32 s9, $0xF7A;
	s5 =	simm.s32 @!p2 $0x0  }
0x1d: {  	s5 =	simm.s32 @p1 $0x1;
	p0 =	seq.s32 s7, s2  }
0x1e: {  	s7 =	smul.u32 @!p0 $0xF7A, s2;
	p2 =	seq.s32 @!p0 s5, $0x0  }
0x1f: {  	s9 =	smul.u32 $0xF7A, s1;
	s8 =	simm.s32 @!p0 $0x1BF5;
	p2 =	por !p2, p0  }
0x20: {  	[sflag:s8] =	ssyncset.s32 @!p0 $0xFFFFF086;
	s6 =	sadd.s32 @!p0 s3, s7;
	s7 =	simm.s32 @!p0 $0x108  }
0x21: {  	s3 =	sadd.s32 s3, s9;
	s6 =	sadd.s32 @!p0 $0x88, s6;
	s7 =	simm.s32 @p2 $0x1082  }
0x22: {  	[simem:s7], [sflag:s8] =	dma.local @!p0 [hbm:s6], $0xF7A  }
0x23: {  	s9 =	sor.u32 $0xD0000000, s2;
	s6 =	simm.s32 $0x108;
	_ =	swait.ge @!p0 [sflag:s8], $0x0  }
0x24: {  	s3 =	sadd.s32 $0x88, s3;
	s6 =	simm.s32 @!p1 $0x1082;
	[sflag:s4] =	ssyncset.s32 $0xFFFFF086  }
0x25: {  	[simem:s6], [sflag:s4] =	dma.local [hbm:s3], $0xF7A  }
0x26: {  	[smem:$0x3F96] =	sst s1;
	(tag) =	ssettag s2;
	_ =	strace s9  }
0x27: {  	s1 =	sld [smem:$0x3FA6]  }
0x28: {  	s2 =	sld [smem:$0x3FA7]  }
0x29: {  	s4 =	sld [smem:$0x3FA9]  }
0x2a: {  	p0 =	seq.s32 s5, $0x0;
	s5 =	sld [smem:$0x3FAA]  }
0x2b: {  	s6 =	sld [smem:$0x3FAB]  }
0x2c: {  	s7 =	sld [smem:$0x3FAC]  }
0x2d: {  	s3 =	simm.s32 $0x108;
	s8 =	sld [smem:$0x3FAD]  }
0x2e: {  	s3 =	simm.s32 @!p0 $0x1082;
	s9 =	sld [smem:$0x3FAE]  }
0x2f: {  	lr =	sadd.s32 s0, s3;
	s0 =	sld [smem:$0x3FA5]  }
0x30: {  	s3 =	sld [smem:$0x3FA8]  }
0x31: {  	[smem:$0x3FB1] =	sst s10  }
0x32: {  	s10 =	sld [smem:$0x3FAF];
	_ =	sdelay $0x3  }
0x33: {  	p0 =	seq.s32 s10, $0x1;
	s10 =	sld [smem:$0x3FB1];
	_ =	sdelay $0x3  }
0x34: {  	[smem:$0x3FB1] =	sst s10  }
0x35: {  	s10 =	sld [smem:$0x3FB0];
	_ =	sdelay $0x3  }
0x36: {  	p1 =	seq.s32 s10, $0x1;
	s10 =	sld [smem:$0x3FB1];
	_ =	sdelay $0x3  }
0x37: {  	[smem:$0x3FB1] =	sst s10  }
0x38: {  	s10 =	sld [smem:$0x3FB2]  }
0x39: {  	_ = 	snop;
	(pc) =	sbr.ind lr, $3  }
0x3a: {  	_ = 	snop  }
0x3b: {  	_ = 	snop  }
0x3c: {  	p2 =	seq.s32 s10, $0x1;
	s10 =	sld [smem:$0x3FB1]  }
0x3d: {  	_ =	shalt  }
0x3e: {  	_ =	shalt  }
0x3f: {  	_ =	shalt  }
0x40: {  	_ =	shalt  }
0x41: {  	_ =	shalt  }
0x42: {  	_ =	shalt  }
0x43: {  	_ =	shalt  }
0x44: {  	_ =	shalt  }
0x45: {  	_ =	shalt  }
0x46: {  	_ =	shalt  }
0x47: {  	_ =	shalt  }
0x48: {  	_ =	shalt  }
0x49: {  	_ =	shalt  }
0x4a: {  	_ =	shalt  }
0x4b: {  	_ =	shalt  }
0x4c: {  	_ =	shalt  }
0x4d: {  	_ =	shalt  }
0x4e: {  	_ =	shalt  }
0x4f: {  	_ =	shalt  }
0x50: {  	_ =	shalt  }
0x51: {  	_ =	shalt  }
0x52: {  	_ =	shalt  }
0x53: {  	_ =	shalt  }
0x54: {  	_ =	shalt  }
0x55: {  	_ =	shalt  }
0x56: {  	_ =	shalt  }
0x57: {  	_ =	shalt  }
0x58: {  	_ =	shalt  }
0x59: {  	_ =	shalt  }
0x5a: {  	_ =	shalt  }
0x5b: {  	_ =	shalt  }
0x5c: {  	_ =	shalt  }
0x5d: {  	_ =	shalt  }
0x5e: {  	_ =	shalt  }
0x5f: {  	_ =	shalt  }
0x60: {  	_ =	shalt  }
0x61: {  	_ =	shalt  }
0x62: {  	_ =	shalt  }
0x63: {  	_ =	shalt  }
0x64: {  	_ =	shalt  }
0x65: {  	_ =	shalt  }
0x66: {  	_ =	shalt  }
0x67: {  	_ =	shalt  }
0x68: {  	_ =	shalt  }
0x69: {  	_ =	shalt  }
0x6a: {  	_ =	shalt  }
0x6b: {  	_ =	shalt  }
0x6c: {  	_ =	shalt  }
0x6d: {  	_ =	shalt  }
0x6e: {  	_ =	shalt  }
0x6f: {  	_ =	shalt  }
0x70: {  	_ =	shalt  }
0x71: {  	_ =	shalt  }
0x72: {  	_ =	shalt  }
0x73: {  	_ =	shalt  }
0x74: {  	_ =	shalt  }
0x75: {  	_ =	shalt  }
0x76: {  	_ =	shalt  }
0x77: {  	_ =	shalt  }
0x78: {  	_ =	shalt  }
0x79: {  	_ =	shalt  }
0x7a: {  	_ =	shalt  }
0x7b: {  	_ =	shalt  }
0x7c: {  	_ =	shalt  }
0x7d: {  	_ =	shalt  }
0x7e: {  	_ =	shalt  }
0x7f: {  	_ =	shalt  }
0x80: {  	_ =	shalt  }
0x81: {  	_ =	shalt  }
0x82: {  	_ =	shalt  }
0x83: {  	_ =	shalt  }
0x84: {  	_ =	shalt  }
0x85: {  	_ =	shalt  }
0x86: {  	_ =	shalt  }
0x87: {  	_ =	shalt  }
.Lfunc_end0:
.L_simem_size_0:
called_computation.2_lowered:
.L_overlay_start_0:
0x88: {  	s2 =	sld [smem:$0x3FD9]  }
0x89: {  	s3 =	sld [smem:$0x3FFE];
	_ =	sdelay $0x1  }
0x8a: {  	s1 =	srdreg.scid  }
0x8b: {  	s0 =	sand.u32 $0x1, s1  }
0x8c: {  	s17 =	sshll.u32 s0, $0xA;
	s2 =	sadd.s32 s3, s2  }
0x8d: {  	s2 =	sadd.s32 s2, s17  }
0x8e: {  	[smem:$0x3FBD] =	sst s2  }
0x8f: {  	_ = 	snop  }
0x90: {  	(tm) =	ssettm $0x1  }
0x91: {  	s18 =	sld [smem:$0x3FFB];
	_ =	sdelay $0x3  }
0x92: {  	_ =	strace s18  }
0x93: {  	s2 =	sld [smem:$0x3FFC];
	_ =	sdelay $0x3  }
0x94: {  	_ =	strace s2  }
0x95: {  	s2 =	sld [smem:$0x3FFD];
	_ =	sdelay $0x3  }
0x96: {  	_ =	strace s2  }
0x97: {  	_ =	strace $0x8FFFFFFF  }
0x98: {  	s19 =	sld [smem:$0x3FDB];
	_ =	sdelay $0x1  }
0x99: {  	s20 =	simm.s32 $_scs_section_size  }
0x9a: {  	s4 =	simm.s32 $_size__tile_overlayer_lowered;
	s5 =	simm.s32 $_tile_overlayer_lowered  }
0x9b: {  	s6 =	simm.s32 $0x1BFF;
	s21 =	sshll.u32 s5, $0x1;
	s3 =	sadd.s32 s20, s19  }
0x9c: {  	s22 =	simm.s32 $0x0;
	s4 =	sshll.u32 s4, $0x1;
	s5 =	sadd.s32 s21, s3  }
0x9d: {  	[timem:s22], [sflag:s6] =	dma.local [hbm:s5], s4  }
0x9e: {  	_ =	swait.ge [sflag:s6], s4  }
0x9f: {  	s4 =	ssub.s32 $0x0, s4;
	[sflag:s6] =	ssyncset.done $0x0  }
0xa0: {  	[sflag:s6] =	ssyncadd.s32 s4;
	_ =	sdelay $0x1  }
0xa1: {  	s23 =	simm.s32 $0x1B8B  }
0xa2: {  	_ =	swait.ge [sflag:s23], $0x1  }
0xa3: {  	[sflag:s23] =	ssyncset.done $0x0  }
0xa4: {  	[sflag:s23] =	ssyncadd.s32 $0xFFFFFFFF  }
0xa5: {  	s4 =	sld [smem:$0x0]  }
0xa6: {  	s5 =	sand.u32 $0xFFFFFFFE, s1  }
0xa7: {  	p0 =	sne.s32 s1, s5  }
0xa8: {  	s5 =	sshll.u32 @p0 s5, $0xE  }
0xa9: {  	s5 =	sadd.s32 @p0 $0x11B8D, s5;
	s6 =	sshll.u32 @p0 s4, $0x11  }
0xaa: {  	s5 =	sor.u32 @p0 s6, s5  }
0xab: {  	[sflag:s5] =	ssyncadd.remote.s32 @p0 $0x1;
	_ =	sdelay $0x1  }
0xac: {  	s5 =	simm.s32 @p0 $0x1B8D  }
0xad: {  	_ =	swait.eq @p0 [sflag:s5], $0x1  }
0xae: {  	[sflag:s5] =	ssyncadd.s32 @p0 $0xFFFFFFFF  }
0xaf: {  	s6 =	sshll.u32 @!p0 s1, $0xE  }
0xb0: {  	s6 =	sor.u32 @!p0 $0x4000, s6;
	s5 =	simm.s32 @!p0 $0x1B8D  }
0xb1: {  	s4 =	sshll.u32 @!p0 s4, $0x11;
	s6 =	sadd.s32 @!p0 $0x11B8D, s6;
	_ =	swait.eq @!p0 [sflag:s5], $0x1  }
0xb2: {  	s4 =	sor.u32 @!p0 s4, s6;
	[sflag:s5] =	ssyncadd.s32 @!p0 $0xFFFFFFFF  }
0xb3: {  	s25 =	simm.s32 $0x1B8E;
	s24 =	sld [smem:$0x3FFE];
	[sflag:s4] =	ssyncadd.remote.s32 @!p0 $0x1  }
0xb4: {  	s26 =	simm.s32 $execute0_lowered;
	[smem:$0x3FD2] =	sst s25  }
0xb5: {  	s5 =	sshll.u32 s26, $0x1;
	_ =	strace $0x8000004F;
	[dreg:$0x1] =	wrdreg $0xFFFFFFFF  }
0xb6: {  	s28 =	simm.s32 $_size_execute0_lowered;
	s3 =	sadd.s32 s3, s5;
	[dreg:$0x0] =	wrdreg $0x0  }
0xb7: {  	s5 =	sshll.u32 s28, $0x1;
	[dreg:$0x2] =	wrdreg s3  }
0xb8: {  	[dreg:$0x3] =	wrdreg s5  }
0xb9: {  	[dreg:$0x4] =	wrdreg $0xC0  }
0xba: {  	_ =	task [dreg:s22], $0x5FFFF  }
0xbb: {  	[dreg:$0x1] =	wrdreg $0xFFFFFFFF  }
0xbc: {  	[dreg:$0x0] =	wrdreg $0x60  }
0xbd: {  	[dreg:$0x2] =	wrdreg s24  }
0xbe: {  	[dreg:$0x3] =	wrdreg $0xA  }
0xbf: {  	_ =	task.clear_ibuf [dreg:s22], $0x4FFFF;
	_ =	strace $0x9000004F  }
0xc0: {  	s29 =	simm.s32 $0xA;
	_ =	strace $0x80000051  }
0xc1: {  	_ =	swait.ge [sflag:s29], $0x1  }
0xc2: {  	[sflag:s29] =	ssyncadd.s32 $0xFFFFFFFF  }
0xc3: {  	_ =	strace $0x90000051  }
0xc4: {  	_ =	sfence  }
0xc5: {  	s30 =	sld [smem:$0x0];
	_ =	sdelay $0x2  }
0xc6: {  	s31 =	sshll.u32 s1, $0xD;
	s1 =	sshrl.u32 s1, $0x2  }
0xc7: {  	s4 =	sand.u32 $0x4000, s31;
	s1 =	sadd.s32 s1, s30  }
0xc8: {  	s0 =	sor.u32 s4, s0;
	s1 =	sshll.u32 s1, $0x11  }
0xc9: {  	s0 =	sor.u32 s1, s0  }
0xca: {  	s0 =	sadd.s32 $0x8F2B, s0  }
0xcb: {  	[sflag:s0] =	ssyncadd.remote.s32 $0x1  }
0xcc: {  	_ =	sfence.sel $0xFFFF  }
0xcd: {  	[dreg:$0x0] =	wrdreg $0xFFFFFFFF;
	(pc) =	sbr.abs _section_cstart, $3  }
0xce: {  	[dreg:$0x1] =	wrdreg $0xFFFFFFFF  }
0xcf: {  	_ =	task.clear_ibuf [dreg:s22], $0x2FFFF;
	_ =	strace $0x9FFFFFFF  }
0xd0: {  	(tm) =	ssettm $0x7FFFFFFF  }
0xd1: {  	_ =	shalt  }
tec
execute0_lowered:
.L_overlay_start_1:
0x0: {  	(tag) =	ssettag $0x1  }
0x1: {  	s0 =	rddreg [dreg:$0x0]  }
0x2: {  	s5 =	stileid.u32;
	s1 =	srdreg.scid  }
0x3: {  	s2 =	simm.s32 $0x0;
	s14 =	simm.s32 $0x880;
	s15 =	simm.s32 $0xC80  }
0x4: {  	s17 =	simm.s32 $0x1480;
	s18 =	simm.s32 $0x1880;
	s19 =	simm.s32 $0x2080  }
0x5: {  	s20 =	simm.s32 $0x2480;
	s21 =	simm.s32 $0x2C80;
	[smem:$0x7FF] =	sst s2  }
0x6: {  	s22 =	simm.s32 $0x3080;
	_ =	strace $0x80000050;
	[dreg:$0x3] =	wrdreg s14  }
0x7: {  	s23 =	simm.s32 $0x3880;
	s25 =	simm.s32 $0x3C80;
	[dreg:$0x4] =	wrdreg s15  }
0x8: {  	s26 =	simm.s32 $0x4480;
	s8 =	simm.s32 $0x80;
	[dreg:$0x5] =	wrdreg s17  }
0x9: {  	s9 =	simm.s32 $0x4880;
	s10 =	simm.s32 $0x5080;
	[dreg:$0x6] =	wrdreg s18  }
0xa: {  	s11 =	simm.s32 $0x5480;
	s28 =	simm.s32 $0xB480;
	[dreg:$0x7] =	wrdreg s19  }
0xb: {  	s29 =	simm.s32 $0xBC80;
	s30 =	simm.s32 $0x1;
	[dreg:$0x8] =	wrdreg s20  }
0xc: {  	s31 =	simm.s32 $0x0;
	s3 =	sshll.u32 s5, $0xB;
	[dreg:$0x9] =	wrdreg s21  }
0xd: {  	s1 =	sand.u32 $0x1, s1;
	s12 =	smul.u32 $0xC0000, s5;
	[dreg:$0xa] =	wrdreg s22  }
0xe: {  	s3 =	sadd.s32 s3, s0;
	s4 =	sshll.u32 s1, $0xA;
	[dreg:$0xb] =	wrdreg s23  }
0xf: {  	s16 =	ssub.s32 $0x2, s1;
	s1 =	smul.u32 $0x60000, s1;
	[dreg:$0xc] =	wrdreg s25  }
0x10: {  	[dreg:$0xd] =	wrdreg s26;
	s14 =	simm.s32 $0x6880;
	s15 =	simm.s32 $0x6C80  }
0x11: {  	s17 =	simm.s32 $0x7880;
	s18 =	simm.s32 $0x8080;
	s19 =	simm.s32 $0x8480  }
0x12: {  	s20 =	simm.s32 $0x8C80;
	s21 =	simm.s32 $0x9080;
	s22 =	simm.s32 $0x9880  }
0x13: {  	s23 =	simm.s32 $0x9C80;
	s25 =	simm.s32 $0xA880;
	s26 =	simm.s32 $0xB080  }
0x14: {  	s3 =	sadd.s32 s4, s3;
	s6 =	sadd.s32 s12, s0;
	s7 =	sshrl.u32 s16, $0x1  }
0x15: {  	s4 =	sadd.s32 $0x5DD00, s0;
	s12 =	simm.s32 $0x5C80;
	s13 =	sadd.s32 $0x55C00, s3  }
0x16: {  	s3 =	sadd.s32 $0x5DC00, s0;
	s5 =	ssub.s32 s16, s7;
	s1 =	sadd.s32 s1, s6  }
0x17: {  	v2 =	vlaneseq.u32;
	s7 =	simm.s32 $0x2;
	[dreg:$0x2] =	wrdreg s13;
	s5 =	smax.u32 s5, $0x1  }
0x18: {  	vm0 =	vmmov $0xffff;
	vm1 =	vmmov $0xff;
	v1 =	vshrl.u32 v2, $0x3;
	s16 =	simm.s32 $0x7480;
	s24 =	sadd.s32 $0x189600, s1;
	[dreg:$0xe] =	wrdreg s5  }
0x19: {  	v0 =	vand.u32 $0x7, v2;
	v2 =	vor.u32 $0x8, v2;
	v1 =	vmul.u32 $0x8, v1;
	s13 =	simm.s32 $0x6080;
	[dreg:$0xf] =	wrdreg s24;
	s24 =	simm.s32 $0xA480  }
.LBB2_1:
0x1a: {  	s6 =	rddreg [dreg:$0xf];
	s1 =	simm.s32 $0x0  }
.LBB2_2:
0x1b: {  	s5 =	rddreg [dreg:$0x2]  }
0x1c: {  	s5 =	sadd.s32 s1, s5  }
0x1d: {  	[tilespmem:s2], [sflag:$0x2] =	stream.linear.gather [hbm4b:s5+s2], $0x80, $0x38;
	[tilespmem:$0xC080] =	vst v63  }
0x1e: {  	_ =	swait.ge [sflag:s7], $0x80  }
0x1f: {  	[sflag:s7] =	ssyncset.done $0x0  }
0x20: {  	[sflag:s7] =	ssyncadd.s32 $0xFFFFFF80  }
0x21: {  	v3 =	vld [tilespmem:$0x0];
	_ =	sdelay $0x4  }
0x22: {  	v4 =	vshrl.u32 v3, $0x3  }
0x23: {  	v4 =	vmul.u32 $0x18, v4  }
0x24: {  	v3 =	vand.u32 $0x7, v3  }
0x25: {  	v3 =	vor.u32 v3, v4  }
0x26: {  	v4 =	vperm.xlane v3, v0;
	_ =	sdelay $0x1  }
0x27: {  	v4 =	vadd.s32 v1, v4;
	_ =	sdelay $0x1  }
0x28: {  	v3 =	vperm.xlane v3, v2;
	_ =	sdelay $0x1  }
0x29: {  	v3 =	vadd.s32 v1, v3  }
0x2a: {  	[tilespmem:s8], [sflag:$0x1] =	stream.indirect_vreg.gather [hbm4b:s3+s2], $0x80, v4, vm0, $0xb8;
	[tilespmem:$0xC080] =	vst v63  }
0x2b: {  	s5 =	rddreg [dreg:$0x3]  }
0x2c: {  	[tilespmem:s5], [sflag:$0x1] =	stream.indirect_vreg.gather [hbm4b:s4+s2], $0x80, v4, vm1, $0xb8;
	[tilespmem:$0xC080] =	vst v63  }
0x2d: {  	s0 =	rddreg [dreg:$0x4]  }
0x2e: {  	[tilespmem:s0], [sflag:$0x1] =	stream.indirect_vreg.gather [hbm4b:s3+s2], $0x80, v3, vm0, $0xb8;
	[tilespmem:$0xC080] =	vst v63  }
0x2f: {  	s5 =	rddreg [dreg:$0x5]  }
0x30: {  	[tilespmem:s5], [sflag:$0x1] =	stream.indirect_vreg.gather [hbm4b:s4+s2], $0x80, v3, vm1, $0xb8;
	[tilespmem:$0xC080] =	vst v63  }
0x31: {  	v3 =	vld [tilespmem:$0x10];
	_ =	sdelay $0x4  }
0x32: {  	v57 =	vshrl.u32 v3, $0x3  }
0x33: {  	v4 =	vmul.u32 $0x18, v57  }
0x34: {  	v3 =	vand.u32 $0x7, v3  }
0x35: {  	v3 =	vor.u32 v3, v4  }
0x36: {  	v4 =	vperm.xlane v3, v0;
	_ =	sdelay $0x1  }
0x37: {  	v4 =	vadd.s32 v1, v4;
	_ =	sdelay $0x1  }
0x38: {  	v3 =	vperm.xlane v3, v2;
	_ =	sdelay $0x1  }
0x39: {  	s0 =	rddreg [dreg:$0x6];
	v3 =	vadd.s32 v1, v3  }
0x3a: {  	[tilespmem:s0], [sflag:$0x1] =	stream.indirect_vreg.gather [hbm4b:s3+s2], $0x80, v4, vm0, $0xb8;
	[tilespmem:$0xC080] =	vst v63  }
0x3b: {  	s5 =	rddreg [dreg:$0x7]  }
0x3c: {  	[tilespmem:s5], [sflag:$0x1] =	stream.indirect_vreg.gather [hbm4b:s4+s2], $0x80, v4, vm1, $0xb8;
	[tilespmem:$0xC080] =	vst v63  }
0x3d: {  	s0 =	rddreg [dreg:$0x8]  }
0x3e: {  	[tilespmem:s0], [sflag:$0x1] =	stream.indirect_vreg.gather [hbm4b:s3+s2], $0x80, v3, vm0, $0xb8;
	[tilespmem:$0xC080] =	vst v63  }
0x3f: {  	s5 =	rddreg [dreg:$0x9]  }
0x40: {  	[tilespmem:s5], [sflag:$0x1] =	stream.indirect_vreg.gather [hbm4b:s4+s2], $0x80, v3, vm1, $0xb8;
	[tilespmem:$0xC080] =	vst v63  }
0x41: {  	v3 =	vld [tilespmem:$0x20];
	_ =	sdelay $0x4  }
0x42: {  	v58 =	vshrl.u32 v3, $0x3  }
0x43: {  	v4 =	vmul.u32 $0x18, v58  }
0x44: {  	v3 =	vand.u32 $0x7, v3  }
0x45: {  	v3 =	vor.u32 v3, v4  }
0x46: {  	v4 =	vperm.xlane v3, v0;
	_ =	sdelay $0x1  }
0x47: {  	v4 =	vadd.s32 v1, v4;
	_ =	sdelay $0x1  }
0x48: {  	v3 =	vperm.xlane v3, v2;
	_ =	sdelay $0x1  }
0x49: {  	s0 =	rddreg [dreg:$0xa];
	v3 =	vadd.s32 v1, v3  }
0x4a: {  	[tilespmem:s0], [sflag:$0x1] =	stream.indirect_vreg.gather [hbm4b:s3+s2], $0x80, v4, vm0, $0xb8;
	[tilespmem:$0xC080] =	vst v63  }
0x4b: {  	s5 =	rddreg [dreg:$0xb]  }
0x4c: {  	[tilespmem:s5], [sflag:$0x1] =	stream.indirect_vreg.gather [hbm4b:s4+s2], $0x80, v4, vm1, $0xb8;
	[tilespmem:$0xC080] =	vst v63  }
0x4d: {  	s0 =	rddreg [dreg:$0xc]  }
0x4e: {  	[tilespmem:s0], [sflag:$0x1] =	stream.indirect_vreg.gather [hbm4b:s3+s2], $0x80, v3, vm0, $0xb8;
	[tilespmem:$0xC080] =	vst v63  }
0x4f: {  	s5 =	rddreg [dreg:$0xd]  }
0x50: {  	[tilespmem:s5], [sflag:$0x1] =	stream.indirect_vreg.gather [hbm4b:s4+s2], $0x80, v3, vm1, $0xb8;
	[tilespmem:$0xC080] =	vst v63  }
0x51: {  	v3 =	vld [tilespmem:$0x30];
	_ =	sdelay $0x4  }
0x52: {  	v59 =	vshrl.u32 v3, $0x3  }
0x53: {  	v4 =	vmul.u32 $0x18, v59  }
0x54: {  	v3 =	vand.u32 $0x7, v3  }
0x55: {  	v3 =	vor.u32 v3, v4  }
0x56: {  	v4 =	vperm.xlane v3, v0;
	_ =	sdelay $0x1  }
0x57: {  	v4 =	vadd.s32 v1, v4;
	_ =	sdelay $0x1  }
0x58: {  	v3 =	vperm.xlane v3, v2;
	_ =	sdelay $0x1  }
0x59: {  	v3 =	vadd.s32 v1, v3  }
0x5a: {  	[tilespmem:s9], [sflag:$0x1] =	stream.indirect_vreg.gather [hbm4b:s3+s2], $0x80, v4, vm0, $0xb8;
	[tilespmem:$0xC080] =	vst v63  }
0x5b: {  	_ = 	snop  }
0x5c: {  	[tilespmem:s10], [sflag:$0x1] =	stream.indirect_vreg.gather [hbm4b:s4+s2], $0x80, v4, vm1, $0xb8;
	[tilespmem:$0xC080] =	vst v63  }
0x5d: {  	_ = 	snop  }
0x5e: {  	[tilespmem:s11], [sflag:$0x1] =	stream.indirect_vreg.gather [hbm4b:s3+s2], $0x80, v3, vm0, $0xb8;
	[tilespmem:$0xC080] =	vst v63  }
0x5f: {  	_ = 	snop  }
0x60: {  	[tilespmem:s12], [sflag:$0x1] =	stream.indirect_vreg.gather [hbm4b:s4+s2], $0x80, v3, vm1, $0xb8;
	[tilespmem:$0xC080] =	vst v63  }
0x61: {  	v3 =	vld [tilespmem:$0x40];
	_ =	sdelay $0x4  }
0x62: {  	v60 =	vshrl.u32 v3, $0x3  }
0x63: {  	v4 =	vmul.u32 $0x18, v60  }
0x64: {  	v3 =	vand.u32 $0x7, v3  }
0x65: {  	v3 =	vor.u32 v3, v4  }
0x66: {  	v4 =	vperm.xlane v3, v0;
	_ =	sdelay $0x1  }
0x67: {  	v4 =	vadd.s32 v1, v4;
	_ =	sdelay $0x1  }
0x68: {  	v3 =	vperm.xlane v3, v2;
	_ =	sdelay $0x1  }
0x69: {  	v3 =	vadd.s32 v1, v3  }
0x6a: {  	[tilespmem:s13], [sflag:$0x1] =	stream.indirect_vreg.gather [hbm4b:s3+s2], $0x80, v4, vm0, $0xb8;
	[tilespmem:$0xC080] =	vst v63  }
0x6b: {  	_ = 	snop  }
0x6c: {  	[tilespmem:s14], [sflag:$0x1] =	stream.indirect_vreg.gather [hbm4b:s4+s2], $0x80, v4, vm1, $0xb8;
	[tilespmem:$0xC080] =	vst v63  }
0x6d: {  	_ = 	snop  }
0x6e: {  	[tilespmem:s15], [sflag:$0x1] =	stream.indirect_vreg.gather [hbm4b:s3+s2], $0x80, v3, vm0, $0xb8;
	[tilespmem:$0xC080] =	vst v63  }
0x6f: {  	_ = 	snop  }
0x70: {  	[tilespmem:s16], [sflag:$0x1] =	stream.indirect_vreg.gather [hbm4b:s4+s2], $0x80, v3, vm1, $0xb8;
	[tilespmem:$0xC080] =	vst v63  }
0x71: {  	v3 =	vld [tilespmem:$0x50];
	_ =	sdelay $0x4  }
0x72: {  	v61 =	vshrl.u32 v3, $0x3  }
0x73: {  	v4 =	vmul.u32 $0x18, v61  }
0x74: {  	v3 =	vand.u32 $0x7, v3  }
0x75: {  	v3 =	vor.u32 v3, v4  }
0x76: {  	v4 =	vperm.xlane v3, v0;
	_ =	sdelay $0x1  }
0x77: {  	v4 =	vadd.s32 v1, v4;
	_ =	sdelay $0x1  }
0x78: {  	v3 =	vperm.xlane v3, v2;
	_ =	sdelay $0x1  }
0x79: {  	v3 =	vadd.s32 v1, v3  }
0x7a: {  	[tilespmem:s17], [sflag:$0x1] =	stream.indirect_vreg.gather [hbm4b:s3+s2], $0x80, v4, vm0, $0xb8;
	[tilespmem:$0xC080] =	vst v63  }
0x7b: {  	_ = 	snop  }
0x7c: {  	[tilespmem:s18], [sflag:$0x1] =	stream.indirect_vreg.gather [hbm4b:s4+s2], $0x80, v4, vm1, $0xb8;
	[tilespmem:$0xC080] =	vst v63  }
0x7d: {  	_ = 	snop  }
0x7e: {  	[tilespmem:s19], [sflag:$0x1] =	stream.indirect_vreg.gather [hbm4b:s3+s2], $0x80, v3, vm0, $0xb8;
	[tilespmem:$0xC080] =	vst v63  }
0x7f: {  	_ = 	snop  }
0x80: {  	[tilespmem:s20], [sflag:$0x1] =	stream.indirect_vreg.gather [hbm4b:s4+s2], $0x80, v3, vm1, $0xb8;
	[tilespmem:$0xC080] =	vst v63  }
0x81: {  	v3 =	vld [tilespmem:$0x60];
	_ =	sdelay $0x4  }
0x82: {  	v62 =	vshrl.u32 v3, $0x3  }
0x83: {  	v4 =	vmul.u32 $0x18, v62  }
0x84: {  	v3 =	vand.u32 $0x7, v3  }
0x85: {  	v3 =	vor.u32 v3, v4  }
0x86: {  	v4 =	vperm.xlane v3, v0;
	_ =	sdelay $0x1  }
0x87: {  	v4 =	vadd.s32 v1, v4;
	_ =	sdelay $0x1  }
0x88: {  	v3 =	vperm.xlane v3, v2;
	_ =	sdelay $0x1  }
0x89: {  	v3 =	vadd.s32 v1, v3  }
0x8a: {  	[tilespmem:s21], [sflag:$0x1] =	stream.indirect_vreg.gather [hbm4b:s3+s2], $0x80, v4, vm0, $0xb8;
	[tilespmem:$0xC080] =	vst v63  }
0x8b: {  	_ = 	snop  }
0x8c: {  	[tilespmem:s22], [sflag:$0x1] =	stream.indirect_vreg.gather [hbm4b:s4+s2], $0x80, v4, vm1, $0xb8;
	[tilespmem:$0xC080] =	vst v63  }
0x8d: {  	_ = 	snop  }
0x8e: {  	[tilespmem:s23], [sflag:$0x1] =	stream.indirect_vreg.gather [hbm4b:s3+s2], $0x80, v3, vm0, $0xb8;
	[tilespmem:$0xC080] =	vst v63  }
0x8f: {  	_ = 	snop  }
0x90: {  	[tilespmem:s24], [sflag:$0x1] =	stream.indirect_vreg.gather [hbm4b:s4+s2], $0x80, v3, vm1, $0xb8;
	[tilespmem:$0xC080] =	vst v63  }
0x91: {  	v3 =	vld [tilespmem:$0x70];
	_ =	sdelay $0x4  }
0x92: {  	v63 =	vshrl.u32 v3, $0x3  }
0x93: {  	v4 =	vmul.u32 $0x18, v63  }
0x94: {  	v3 =	vand.u32 $0x7, v3  }
0x95: {  	v3 =	vor.u32 v3, v4  }
0x96: {  	v4 =	vperm.xlane v3, v0;
	_ =	sdelay $0x1  }
0x97: {  	v4 =	vadd.s32 v1, v4;
	_ =	sdelay $0x1  }
0x98: {  	v3 =	vperm.xlane v3, v2;
	_ =	sdelay $0x1  }
0x99: {  	v3 =	vadd.s32 v1, v3  }
0x9a: {  	[tilespmem:s25], [sflag:$0x1] =	stream.indirect_vreg.gather [hbm4b:s3+s2], $0x80, v4, vm0, $0xb8;
	[tilespmem:$0xC080] =	vst v63  }
0x9b: {  	_ = 	snop  }
0x9c: {  	[tilespmem:s26], [sflag:$0x1] =	stream.indirect_vreg.gather [hbm4b:s4+s2], $0x80, v4, vm1, $0xb8;
	[tilespmem:$0xC080] =	vst v63  }
0x9d: {  	_ = 	snop  }
0x9e: {  	[tilespmem:s28], [sflag:$0x1] =	stream.indirect_vreg.gather [hbm4b:s3+s2], $0x80, v3, vm0, $0xb8;
	[tilespmem:$0xC080] =	vst v63  }
0x9f: {  	_ = 	snop  }
0xa0: {  	[tilespmem:s29], [sflag:$0x1] =	stream.indirect_vreg.gather [hbm4b:s4+s2], $0x80, v3, vm1, $0xb8;
	[tilespmem:$0xC080] =	vst v63  }
0xa1: {  	_ =	swait.ge [sflag:s30], $0xC000  }
0xa2: {  	p0 =	sne.s32 s1, $0x3F0;
	[sflag:s30] =	ssyncset.done $0x0  }
.Ltmp0:
0xa3: {  	[sflag:s30] =	ssyncadd.s32 $0xFFFF4000;
	(pc) =	sbr.rel @p0 .LBB2_2-.Ltmp0, $4  }
0xa4: {  	[hbm4b:s6+s2] =	stream.linear.scatter [tilespmem:s8], [sflag:$0x2], $0xC000, $0x38;
	[tilespmem:$0xC080] =	vst v63  }
0xa5: {  	_ =	swait.ge [sflag:s7], $0xC000  }
0xa6: {  	[sflag:s7] =	ssyncset.done $0x0  }
0xa7: {  	s1 =	sadd.s32 $0x10, s1;
	s6 =	sadd.s32 $0x1800, s6;
	[sflag:s7] =	ssyncadd.s32 $0xFFFF4000  }
0xa8: {  	s31 =	sadd.s32 $0x1, s31;
	s0 =	rddreg [dreg:$0xe]  }
0xa9: {  	p0 =	sne.s32 s31, s0  }
.Ltmp1:
0xaa: {  	_ = 	snop;
	(pc) =	sbr.rel @p0 .LBB2_1-.Ltmp1, $1  }
0xab: {  	_ =	sdelay $0x3  }
0xac: {  	_ =	sfence.sel $0x180000  }
0xad: {  	[bflag:$0x0] =	sbarrier.arrive $0xFFFF  }
0xae: {  	_ =	strace $0x90000050  }
0xaf: {  	s0 =	stileid.u32;
	[bflag:$0x2] =	sbarrier.arrive $0xFFFF  }
0xb0: {  	p0 =	sne.s32 s0, $0x0;
	s0 =	rddreg [dreg:$0x1]  }
0xb1: {  	s0 =	sadd.s32 @!p0 $0x100000, s0  }
0xb2: {  	[sflag:s0] =	ssyncadd.tile.s32 @!p0 $0x1;
	_ =	shalt  }
.Lfunc_end2:
_tile_overlayer_lowered:
.L_overlay_start_2:
0xb3: {  	(tag) =	ssettag $0x2  }
0xb4: {  	s0 =	rddreg [dreg:$0x0];
	s2 =	stileid.u32  }
0xb5: {  	s1 =	rddreg [dreg:$0x1];
	p0 =	sne.s32 s2, $0x0  }
0xb6: {  	s3 =	rddreg [dreg:$0x2];
	[bflag:$0x3] =	sbarrier.arrive $0xFFFF;
	s2 =	simm.s32 @!p0 $0x1C02  }
0xb7: {  	[timem:s3], [sflag:s2] =	dma.local @!p0 [hbm:s0], s1  }
0xb8: {  	s0 =	simm.s32 @!p0 $0x2  }
0xb9: {  	_ =	swait.ge @!p0 [sflag:s0], s1  }
0xba: {  	s1 =	ssub.s32 @!p0 $0x0, s1;
	[sflag:s0] =	ssyncset.done @!p0 $0x0  }
0xbb: {  	[sflag:s0] =	ssyncadd.s32 @!p0 s1  }
0xbc: {  	[bflag:$0x3] =	sbarrier.arrive $0xFFFF  }
0xbd: {  	_ =	shalt  }

// kernel: kernel.30.cloned.1.call-start
scs
__scs_entry_jumppad:
0x0: {  	(pc) =	sbr.rel $0x88, $3  }
0x1: {  	(tag) =	ssettag $0x0;
	lr =	simm.s32 $0x1  }
0x2: {  	[smem:$0x3F96] =	sst lr;
	_ =	strace $0xD0000000  }
0x3: {  	_ = 	snop  }
0x4: {  	_ = 	snop  }
0x5: {  	_ = 	snop  }
0x6: {  	_ = 	snop  }
0x7: {  	_ = 	snop  }
__scs_overlays_trampoline_lowered:
0x8: {  	[smem:$0x3FA5] =	sst s0  }
0x9: {  	[smem:$0x3FA6] =	sst s1  }
0xa: {  	[smem:$0x3FA7] =	sst s2  }
0xb: {  	[smem:$0x3FA8] =	sst s3  }
0xc: {  	[smem:$0x3FA9] =	sst s4  }
0xd: {  	[smem:$0x3FAA] =	sst s5  }
0xe: {  	[smem:$0x3FAB] =	sst s6  }
0xf: {  	[smem:$0x3FAC] =	sst s7  }
0x10: {  	[smem:$0x3FAD] =	sst s8  }
0x11: {  	[smem:$0x3FAE] =	sst s9;
	s0 =	simm.s32 @!p0 $0x0  }
0x12: {  	s1 =	sld [smem:$0x3F94];
	s0 =	simm.s32 @p0 $0x1  }
0x13: {  	[smem:$0x3FAF] =	sst s0;
	s0 =	simm.s32 @!p1 $0x0  }
0x14: {  	s2 =	sld [smem:$0x3F93];
	s0 =	simm.s32 @p1 $0x1  }
0x15: {  	[smem:$0x3FB0] =	sst s0;
	s0 =	simm.s32 @!p2 $0x0  }
0x16: {  	s3 =	sld [smem:$0x3FDB];
	s0 =	simm.s32 @p2 $0x1  }
0x17: {  	s4 =	simm.s32 $0x1BF5;
	[smem:$0x3FB2] =	sst s0  }
0x18: {  	s0 =	sld [smem:$0x3F95];
	_ =	swait.ge [sflag:s4], $0x0  }
0x19: {  	s7 =	sld [smem:$0x3F96]  }
0x1a: {  	s8 =	sadd.s32 $0xFFFFE003, lr  }
0x1b: {  	s9 =	sadd.s32 $0xFFFFFEF7, lr;
	s5 =	simm.s32 $0xFFFFFFFF;
	p2 =	slt.u32 s8, $0xFFFFF086  }
0x1c: {  	p1 =	slt.u32 s9, $0xF7A;
	s5 =	simm.s32 @!p2 $0x0  }
0x1d: {  	s5 =	simm.s32 @p1 $0x1;
	p0 =	seq.s32 s7, s2  }
0x1e: {  	s7 =	smul.u32 @!p0 $0xF7A, s2;
	p2 =	seq.s32 @!p0 s5, $0x0  }
0x1f: {  	s9 =	smul.u32 $0xF7A, s1;
	s8 =	simm.s32 @!p0 $0x1BF5;
	p2 =	por !p2, p0  }
0x20: {  	[sflag:s8] =	ssyncset.s32 @!p0 $0xFFFFF086;
	s6 =	sadd.s32 @!p0 s3, s7;
	s7 =	simm.s32 @!p0 $0x108  }
0x21: {  	s3 =	sadd.s32 s3, s9;
	s6 =	sadd.s32 @!p0 $0x88, s6;
	s7 =	simm.s32 @p2 $0x1082  }
0x22: {  	[simem:s7], [sflag:s8] =	dma.local @!p0 [hbm:s6], $0xF7A  }
0x23: {  	s9 =	sor.u32 $0xD0000000, s2;
	s6 =	simm.s32 $0x108;
	_ =	swait.ge @!p0 [sflag:s8], $0x0  }
0x24: {  	s3 =	sadd.s32 $0x88, s3;
	s6 =	simm.s32 @!p1 $0x1082;
	[sflag:s4] =	ssyncset.s32 $0xFFFFF086  }
0x25: {  	[simem:s6], [sflag:s4] =	dma.local [hbm:s3], $0xF7A  }
0x26: {  	[smem:$0x3F96] =	sst s1;
	(tag) =	ssettag s2;
	_ =	strace s9  }
0x27: {  	s1 =	sld [smem:$0x3FA6]  }
0x28: {  	s2 =	sld [smem:$0x3FA7]  }
0x29: {  	s4 =	sld [smem:$0x3FA9]  }
0x2a: {  	p0 =	seq.s32 s5, $0x0;
	s5 =	sld [smem:$0x3FAA]  }
0x2b: {  	s6 =	sld [smem:$0x3FAB]  }
0x2c: {  	s7 =	sld [smem:$0x3FAC]  }
0x2d: {  	s3 =	simm.s32 $0x108;
	s8 =	sld [smem:$0x3FAD]  }
0x2e: {  	s3 =	simm.s32 @!p0 $0x1082;
	s9 =	sld [smem:$0x3FAE]  }
0x2f: {  	lr =	sadd.s32 s0, s3;
	s0 =	sld [smem:$0x3FA5]  }
0x30: {  	s3 =	sld [smem:$0x3FA8]  }
0x31: {  	[smem:$0x3FB1] =	sst s10  }
0x32: {  	s10 =	sld [smem:$0x3FAF];
	_ =	sdelay $0x3  }
0x33: {  	p0 =	seq.s32 s10, $0x1;
	s10 =	sld [smem:$0x3FB1];
	_ =	sdelay $0x3  }
0x34: {  	[smem:$0x3FB1] =	sst s10  }
0x35: {  	s10 =	sld [smem:$0x3FB0];
	_ =	sdelay $0x3  }
0x36: {  	p1 =	seq.s32 s10, $0x1;
	s10 =	sld [smem:$0x3FB1];
	_ =	sdelay $0x3  }
0x37: {  	[smem:$0x3FB1] =	sst s10  }
0x38: {  	s10 =	sld [smem:$0x3FB2]  }
0x39: {  	_ = 	snop;
	(pc) =	sbr.ind lr, $3  }
0x3a: {  	_ = 	snop  }
0x3b: {  	_ = 	snop  }
0x3c: {  	p2 =	seq.s32 s10, $0x1;
	s10 =	sld [smem:$0x3FB1]  }
0x3d: {  	_ =	shalt  }
0x3e: {  	_ =	shalt  }
0x3f: {  	_ =	shalt  }
0x40: {  	_ =	shalt  }
0x41: {  	_ =	shalt  }
0x42: {  	_ =	shalt  }
0x43: {  	_ =	shalt  }
0x44: {  	_ =	shalt  }
0x45: {  	_ =	shalt  }
0x46: {  	_ =	shalt  }
0x47: {  	_ =	shalt  }
0x48: {  	_ =	shalt  }
0x49: {  	_ =	shalt  }
0x4a: {  	_ =	shalt  }
0x4b: {  	_ =	shalt  }
0x4c: {  	_ =	shalt  }
0x4d: {  	_ =	shalt  }
0x4e: {  	_ =	shalt  }
0x4f: {  	_ =	shalt  }
0x50: {  	_ =	shalt  }
0x51: {  	_ =	shalt  }
0x52: {  	_ =	shalt  }
0x53: {  	_ =	shalt  }
0x54: {  	_ =	shalt  }
0x55: {  	_ =	shalt  }
0x56: {  	_ =	shalt  }
0x57: {  	_ =	shalt  }
0x58: {  	_ =	shalt  }
0x59: {  	_ =	shalt  }
0x5a: {  	_ =	shalt  }
0x5b: {  	_ =	shalt  }
0x5c: {  	_ =	shalt  }
0x5d: {  	_ =	shalt  }
0x5e: {  	_ =	shalt  }
0x5f: {  	_ =	shalt  }
0x60: {  	_ =	shalt  }
0x61: {  	_ =	shalt  }
0x62: {  	_ =	shalt  }
0x63: {  	_ =	shalt  }
0x64: {  	_ =	shalt  }
0x65: {  	_ =	shalt  }
0x66: {  	_ =	shalt  }
0x67: {  	_ =	shalt  }
0x68: {  	_ =	shalt  }
0x69: {  	_ =	shalt  }
0x6a: {  	_ =	shalt  }
0x6b: {  	_ =	shalt  }
0x6c: {  	_ =	shalt  }
0x6d: {  	_ =	shalt  }
0x6e: {  	_ =	shalt  }
0x6f: {  	_ =	shalt  }
0x70: {  	_ =	shalt  }
0x71: {  	_ =	shalt  }
0x72: {  	_ =	shalt  }
0x73: {  	_ =	shalt  }
0x74: {  	_ =	shalt  }
0x75: {  	_ =	shalt  }
0x76: {  	_ =	shalt  }
0x77: {  	_ =	shalt  }
0x78: {  	_ =	shalt  }
0x79: {  	_ =	shalt  }
0x7a: {  	_ =	shalt  }
0x7b: {  	_ =	shalt  }
0x7c: {  	_ =	shalt  }
0x7d: {  	_ =	shalt  }
0x7e: {  	_ =	shalt  }
0x7f: {  	_ =	shalt  }
0x80: {  	_ =	shalt  }
0x81: {  	_ =	shalt  }
0x82: {  	_ =	shalt  }
0x83: {  	_ =	shalt  }
0x84: {  	_ =	shalt  }
0x85: {  	_ =	shalt  }
0x86: {  	_ =	shalt  }
0x87: {  	_ =	shalt  }
.Lfunc_end0:
.L_simem_size_0:
called_computation.3_lowered:
.L_overlay_start_0:
0x88: {  	s2 =	sld [smem:$0x3FD9]  }
0x89: {  	s3 =	sld [smem:$0x3FFE];
	_ =	sdelay $0x1  }
0x8a: {  	s1 =	srdreg.scid  }
0x8b: {  	s0 =	sand.u32 $0x1, s1  }
0x8c: {  	s17 =	sshll.u32 s0, $0xA;
	s2 =	sadd.s32 s3, s2  }
0x8d: {  	s2 =	sadd.s32 s2, s17  }
0x8e: {  	[smem:$0x3FBD] =	sst s2  }
0x8f: {  	_ = 	snop  }
0x90: {  	(tm) =	ssettm $0x1  }
0x91: {  	s18 =	sld [smem:$0x3FFB];
	_ =	sdelay $0x3  }
0x92: {  	_ =	strace s18  }
0x93: {  	s2 =	sld [smem:$0x3FFC];
	_ =	sdelay $0x3  }
0x94: {  	_ =	strace s2  }
0x95: {  	s2 =	sld [smem:$0x3FFD];
	_ =	sdelay $0x3  }
0x96: {  	_ =	strace s2  }
0x97: {  	_ =	strace $0x8FFFFFFF  }
0x98: {  	s19 =	sld [smem:$0x3FDB];
	_ =	sdelay $0x1  }
0x99: {  	s20 =	simm.s32 $_scs_section_size  }
0x9a: {  	s4 =	simm.s32 $_size__tile_overlayer_lowered;
	s5 =	simm.s32 $_tile_overlayer_lowered  }
0x9b: {  	s6 =	simm.s32 $0x1BFF;
	s21 =	sshll.u32 s5, $0x1;
	s3 =	sadd.s32 s20, s19  }
0x9c: {  	s22 =	simm.s32 $0x0;
	s4 =	sshll.u32 s4, $0x1;
	s5 =	sadd.s32 s21, s3  }
0x9d: {  	[timem:s22], [sflag:s6] =	dma.local [hbm:s5], s4  }
0x9e: {  	_ =	swait.ge [sflag:s6], s4  }
0x9f: {  	s4 =	ssub.s32 $0x0, s4;
	[sflag:s6] =	ssyncset.done $0x0  }
0xa0: {  	[sflag:s6] =	ssyncadd.s32 s4;
	_ =	sdelay $0x1  }
0xa1: {  	s23 =	simm.s32 $0x1B8B  }
0xa2: {  	_ =	swait.ge [sflag:s23], $0x1  }
0xa3: {  	[sflag:s23] =	ssyncset.done $0x0  }
0xa4: {  	[sflag:s23] =	ssyncadd.s32 $0xFFFFFFFF  }
0xa5: {  	s4 =	sld [smem:$0x0]  }
0xa6: {  	s5 =	sand.u32 $0xFFFFFFFE, s1  }
0xa7: {  	p0 =	sne.s32 s1, s5  }
0xa8: {  	s5 =	sshll.u32 @p0 s5, $0xE  }
0xa9: {  	s5 =	sadd.s32 @p0 $0x11B8D, s5;
	s6 =	sshll.u32 @p0 s4, $0x11  }
0xaa: {  	s5 =	sor.u32 @p0 s6, s5  }
0xab: {  	[sflag:s5] =	ssyncadd.remote.s32 @p0 $0x1;
	_ =	sdelay $0x1  }
0xac: {  	s5 =	simm.s32 @p0 $0x1B8D  }
0xad: {  	_ =	swait.eq @p0 [sflag:s5], $0x1  }
0xae: {  	[sflag:s5] =	ssyncadd.s32 @p0 $0xFFFFFFFF  }
0xaf: {  	s6 =	sshll.u32 @!p0 s1, $0xE  }
0xb0: {  	s6 =	sor.u32 @!p0 $0x4000, s6;
	s5 =	simm.s32 @!p0 $0x1B8D  }
0xb1: {  	s4 =	sshll.u32 @!p0 s4, $0x11;
	s6 =	sadd.s32 @!p0 $0x11B8D, s6;
	_ =	swait.eq @!p0 [sflag:s5], $0x1  }
0xb2: {  	s4 =	sor.u32 @!p0 s4, s6;
	[sflag:s5] =	ssyncadd.s32 @!p0 $0xFFFFFFFF  }
0xb3: {  	s25 =	simm.s32 $0x1B8E;
	s24 =	sld [smem:$0x3FFE];
	[sflag:s4] =	ssyncadd.remote.s32 @!p0 $0x1  }
0xb4: {  	s26 =	simm.s32 $execute0_lowered;
	[smem:$0x3FD2] =	sst s25  }
0xb5: {  	s5 =	sshll.u32 s26, $0x1;
	_ =	strace $0x8000004C;
	[dreg:$0x1] =	wrdreg $0xFFFFFFFF  }
0xb6: {  	s28 =	simm.s32 $_size_execute0_lowered;
	s3 =	sadd.s32 s3, s5;
	[dreg:$0x0] =	wrdreg $0x0  }
0xb7: {  	s5 =	sshll.u32 s28, $0x1;
	[dreg:$0x2] =	wrdreg s3  }
0xb8: {  	[dreg:$0x3] =	wrdreg s5  }
0xb9: {  	[dreg:$0x4] =	wrdreg $0xC0  }
0xba: {  	_ =	task [dreg:s22], $0x5FFFF  }
0xbb: {  	[dreg:$0x1] =	wrdreg $0xFFFFFFFF  }
0xbc: {  	[dreg:$0x0] =	wrdreg $0x60  }
0xbd: {  	[dreg:$0x2] =	wrdreg s24  }
0xbe: {  	[dreg:$0x3] =	wrdreg $0x9  }
0xbf: {  	_ =	task.clear_ibuf [dreg:s22], $0x4FFFF;
	_ =	strace $0x9000004C  }
0xc0: {  	s29 =	simm.s32 $0x9;
	_ =	strace $0x8000004E  }
0xc1: {  	_ =	swait.ge [sflag:s29], $0x1  }
0xc2: {  	[sflag:s29] =	ssyncadd.s32 $0xFFFFFFFF  }
0xc3: {  	_ =	strace $0x9000004E  }
0xc4: {  	_ =	sfence  }
0xc5: {  	s30 =	sld [smem:$0x0];
	_ =	sdelay $0x2  }
0xc6: {  	s31 =	sshll.u32 s1, $0xD;
	s1 =	sshrl.u32 s1, $0x2  }
0xc7: {  	s4 =	sand.u32 $0x4000, s31;
	s1 =	sadd.s32 s1, s30  }
0xc8: {  	s0 =	sor.u32 s4, s0;
	s1 =	sshll.u32 s1, $0x11  }
0xc9: {  	s0 =	sor.u32 s1, s0  }
0xca: {  	s0 =	sadd.s32 $0x8F2B, s0  }
0xcb: {  	[sflag:s0] =	ssyncadd.remote.s32 $0x1  }
0xcc: {  	_ =	sfence.sel $0xFFFF  }
0xcd: {  	[dreg:$0x0] =	wrdreg $0xFFFFFFFF;
	(pc) =	sbr.abs _section_cstart, $3  }
0xce: {  	[dreg:$0x1] =	wrdreg $0xFFFFFFFF  }
0xcf: {  	_ =	task.clear_ibuf [dreg:s22], $0x2FFFF;
	_ =	strace $0x9FFFFFFF  }
0xd0: {  	(tm) =	ssettm $0x7FFFFFFF  }
0xd1: {  	_ =	shalt  }
tec
execute0_lowered:
.L_overlay_start_1:
0x0: {  	(tag) =	ssettag $0x1  }
0x1: {  	s4 =	rddreg [dreg:$0x0]  }
0x2: {  	s0 =	rddreg [dreg:$0x1];
	s2 =	simm.s32 $0x0;
	s3 =	srdreg.scid  }
0x3: {  	s1 =	stileid.u32;
	s9 =	simm.s32 $0x880;
	s10 =	simm.s32 $0x1080  }
0x4: {  	s11 =	simm.s32 $0x1880;
	s12 =	simm.s32 $0x2080;
	s13 =	simm.s32 $0x2880  }
0x5: {  	s14 =	simm.s32 $0x3080;
	s15 =	simm.s32 $0x3880;
	s16 =	simm.s32 $0x4080  }
0x6: {  	s17 =	simm.s32 $0x4880;
	s18 =	simm.s32 $0x5080;
	s19 =	simm.s32 $0x5880  }
0x7: {  	s20 =	simm.s32 $0x6080;
	s21 =	simm.s32 $0x6880;
	s22 =	simm.s32 $0x7080  }
0x8: {  	s23 =	simm.s32 $0x7880;
	s24 =	simm.s32 $0x1;
	s5 =	sand.u32 $0x1, s3  }
0x9: {  	[smem:$0x7FF] =	sst s2;
	s6 =	sshll.u32 s1, $0x8;
	s7 =	sshll.u32 s5, $0x7  }
0xa: {  	s3 =	sadd.s32 $0x109600, s4;
	_ =	strace $0x8000004D;
	s6 =	sor.u32 s7, s6  }
0xb: {  	s5 =	ssub.s32 $0x2, s5;
	s7 =	sshrl.u32 s6, $0x3;
	s6 =	sshll.u32 s6, $0x5  }
0xc: {  	v2 =	vlaneseq.u32;
	s8 =	sshrl.u32 s5, $0x1;
	s7 =	sadd.s32 s7, s4;
	s6 =	sadd.s32 s6, s4  }
0xd: {  	vm0 =	vmmov $0xffff;
	v1 =	vshrl.u32 v2, $0x3;
	s8 =	ssub.s32 s5, s8;
	s4 =	sadd.s32 $0x109400, s7;
	s5 =	sadd.s32 $0x5C00, s6  }
0xe: {  	v0 =	vand.u32 $0x7, v2;
	v2 =	vor.u32 $0x8, v2;
	v1 =	vmul.u32 $0x8, v1;
	s6 =	smax.u32 s8, $0x1;
	s7 =	simm.s32 $0x2;
	s8 =	simm.s32 $0x80  }
.LBB2_1:
0xf: {  	[tilespmem:s2], [sflag:$0x2] =	stream.linear.gather [hbm4b:s4+s2], $0x80, $0x38;
	[tilespmem:$0x8080] =	vst v63  }
0x10: {  	_ =	swait.ge [sflag:s7], $0x80  }
0x11: {  	[sflag:s7] =	ssyncset.done $0x0  }
0x12: {  	[sflag:s7] =	ssyncadd.s32 $0xFFFFFF80  }
0x13: {  	v3 =	vld [tilespmem:$0x0];
	_ =	sdelay $0x4  }
0x14: {  	v4 =	vshll.u32 v3, $0x1  }
0x15: {  	v3 =	vand.u32 $0x7, v3;
	v4 =	vand.u32 $0xFFFFFFF0, v4  }
0x16: {  	v3 =	vor.u32 v3, v4  }
0x17: {  	v4 =	vperm.xlane v3, v0;
	_ =	sdelay $0x1  }
0x18: {  	v3 =	vperm.xlane v3, v2;
	v4 =	vadd.s32 v1, v4;
	_ =	sdelay $0x1  }
0x19: {  	v3 =	vadd.s32 v1, v3;
	_ =	sdelay $0x2  }
0x1a: {  	[tilespmem:s8], [sflag:$0x1] =	stream.indirect_vreg.gather [hbm4b:s3+s2], $0x80, v4, vm0, $0xb8;
	[tilespmem:$0x8080] =	vst v63  }
0x1b: {  	_ = 	snop  }
0x1c: {  	[tilespmem:s9], [sflag:$0x1] =	stream.indirect_vreg.gather [hbm4b:s3+s2], $0x80, v3, vm0, $0xb8;
	[tilespmem:$0x8080] =	vst v63  }
0x1d: {  	v3 =	vld [tilespmem:$0x10];
	_ =	sdelay $0x4  }
0x1e: {  	v57 =	vshll.u32 v3, $0x1  }
0x1f: {  	v3 =	vand.u32 $0x7, v3;
	v4 =	vand.u32 $0xFFFFFFF0, v57  }
0x20: {  	v3 =	vor.u32 v3, v4  }
0x21: {  	v4 =	vperm.xlane v3, v0;
	_ =	sdelay $0x1  }
0x22: {  	v3 =	vperm.xlane v3, v2;
	v4 =	vadd.s32 v1, v4;
	_ =	sdelay $0x1  }
0x23: {  	v3 =	vadd.s32 v1, v3;
	_ =	sdelay $0x2  }
0x24: {  	[tilespmem:s10], [sflag:$0x1] =	stream.indirect_vreg.gather [hbm4b:s3+s2], $0x80, v4, vm0, $0xb8;
	[tilespmem:$0x8080] =	vst v63  }
0x25: {  	_ = 	snop  }
0x26: {  	[tilespmem:s11], [sflag:$0x1] =	stream.indirect_vreg.gather [hbm4b:s3+s2], $0x80, v3, vm0, $0xb8;
	[tilespmem:$0x8080] =	vst v63  }
0x27: {  	v3 =	vld [tilespmem:$0x20];
	_ =	sdelay $0x4  }
0x28: {  	v58 =	vshll.u32 v3, $0x1  }
0x29: {  	v3 =	vand.u32 $0x7, v3;
	v4 =	vand.u32 $0xFFFFFFF0, v58  }
0x2a: {  	v3 =	vor.u32 v3, v4  }
0x2b: {  	v4 =	vperm.xlane v3, v0;
	_ =	sdelay $0x1  }
0x2c: {  	v3 =	vperm.xlane v3, v2;
	v4 =	vadd.s32 v1, v4;
	_ =	sdelay $0x1  }
0x2d: {  	v3 =	vadd.s32 v1, v3;
	_ =	sdelay $0x2  }
0x2e: {  	[tilespmem:s12], [sflag:$0x1] =	stream.indirect_vreg.gather [hbm4b:s3+s2], $0x80, v4, vm0, $0xb8;
	[tilespmem:$0x8080] =	vst v63  }
0x2f: {  	_ = 	snop  }
0x30: {  	[tilespmem:s13], [sflag:$0x1] =	stream.indirect_vreg.gather [hbm4b:s3+s2], $0x80, v3, vm0, $0xb8;
	[tilespmem:$0x8080] =	vst v63  }
0x31: {  	v3 =	vld [tilespmem:$0x30];
	_ =	sdelay $0x4  }
0x32: {  	v59 =	vshll.u32 v3, $0x1  }
0x33: {  	v3 =	vand.u32 $0x7, v3;
	v4 =	vand.u32 $0xFFFFFFF0, v59  }
0x34: {  	v3 =	vor.u32 v3, v4  }
0x35: {  	v4 =	vperm.xlane v3, v0;
	_ =	sdelay $0x1  }
0x36: {  	v3 =	vperm.xlane v3, v2;
	v4 =	vadd.s32 v1, v4;
	_ =	sdelay $0x1  }
0x37: {  	v3 =	vadd.s32 v1, v3;
	_ =	sdelay $0x2  }
0x38: {  	[tilespmem:s14], [sflag:$0x1] =	stream.indirect_vreg.gather [hbm4b:s3+s2], $0x80, v4, vm0, $0xb8;
	[tilespmem:$0x8080] =	vst v63  }
0x39: {  	_ = 	snop  }
0x3a: {  	[tilespmem:s15], [sflag:$0x1] =	stream.indirect_vreg.gather [hbm4b:s3+s2], $0x80, v3, vm0, $0xb8;
	[tilespmem:$0x8080] =	vst v63  }
0x3b: {  	v3 =	vld [tilespmem:$0x40];
	_ =	sdelay $0x4  }
0x3c: {  	v60 =	vshll.u32 v3, $0x1  }
0x3d: {  	v3 =	vand.u32 $0x7, v3;
	v4 =	vand.u32 $0xFFFFFFF0, v60  }
0x3e: {  	v3 =	vor.u32 v3, v4  }
0x3f: {  	v4 =	vperm.xlane v3, v0;
	_ =	sdelay $0x1  }
0x40: {  	v3 =	vperm.xlane v3, v2;
	v4 =	vadd.s32 v1, v4;
	_ =	sdelay $0x1  }
0x41: {  	v3 =	vadd.s32 v1, v3;
	_ =	sdelay $0x2  }
0x42: {  	[tilespmem:s16], [sflag:$0x1] =	stream.indirect_vreg.gather [hbm4b:s3+s2], $0x80, v4, vm0, $0xb8;
	[tilespmem:$0x8080] =	vst v63  }
0x43: {  	_ = 	snop  }
0x44: {  	[tilespmem:s17], [sflag:$0x1] =	stream.indirect_vreg.gather [hbm4b:s3+s2], $0x80, v3, vm0, $0xb8;
	[tilespmem:$0x8080] =	vst v63  }
0x45: {  	v3 =	vld [tilespmem:$0x50];
	_ =	sdelay $0x4  }
0x46: {  	v61 =	vshll.u32 v3, $0x1  }
0x47: {  	v3 =	vand.u32 $0x7, v3;
	v4 =	vand.u32 $0xFFFFFFF0, v61  }
0x48: {  	v3 =	vor.u32 v3, v4  }
0x49: {  	v4 =	vperm.xlane v3, v0;
	_ =	sdelay $0x1  }
0x4a: {  	v3 =	vperm.xlane v3, v2;
	v4 =	vadd.s32 v1, v4;
	_ =	sdelay $0x1  }
0x4b: {  	v3 =	vadd.s32 v1, v3;
	_ =	sdelay $0x2  }
0x4c: {  	[tilespmem:s18], [sflag:$0x1] =	stream.indirect_vreg.gather [hbm4b:s3+s2], $0x80, v4, vm0, $0xb8;
	[tilespmem:$0x8080] =	vst v63  }
0x4d: {  	_ = 	snop  }
0x4e: {  	[tilespmem:s19], [sflag:$0x1] =	stream.indirect_vreg.gather [hbm4b:s3+s2], $0x80, v3, vm0, $0xb8;
	[tilespmem:$0x8080] =	vst v63  }
0x4f: {  	v3 =	vld [tilespmem:$0x60];
	_ =	sdelay $0x4  }
0x50: {  	v62 =	vshll.u32 v3, $0x1  }
0x51: {  	v3 =	vand.u32 $0x7, v3;
	v4 =	vand.u32 $0xFFFFFFF0, v62  }
0x52: {  	v3 =	vor.u32 v3, v4  }
0x53: {  	v4 =	vperm.xlane v3, v0;
	_ =	sdelay $0x1  }
0x54: {  	v3 =	vperm.xlane v3, v2;
	v4 =	vadd.s32 v1, v4;
	_ =	sdelay $0x1  }
0x55: {  	v3 =	vadd.s32 v1, v3;
	_ =	sdelay $0x2  }
0x56: {  	[tilespmem:s20], [sflag:$0x1] =	stream.indirect_vreg.gather [hbm4b:s3+s2], $0x80, v4, vm0, $0xb8;
	[tilespmem:$0x8080] =	vst v63  }
0x57: {  	_ = 	snop  }
0x58: {  	[tilespmem:s21], [sflag:$0x1] =	stream.indirect_vreg.gather [hbm4b:s3+s2], $0x80, v3, vm0, $0xb8;
	[tilespmem:$0x8080] =	vst v63  }
0x59: {  	v3 =	vld [tilespmem:$0x70];
	_ =	sdelay $0x4  }
0x5a: {  	v63 =	vshll.u32 v3, $0x1  }
0x5b: {  	v3 =	vand.u32 $0x7, v3;
	v4 =	vand.u32 $0xFFFFFFF0, v63  }
0x5c: {  	v3 =	vor.u32 v3, v4  }
0x5d: {  	v4 =	vperm.xlane v3, v0;
	_ =	sdelay $0x1  }
0x5e: {  	v3 =	vperm.xlane v3, v2;
	v4 =	vadd.s32 v1, v4;
	_ =	sdelay $0x1  }
0x5f: {  	v3 =	vadd.s32 v1, v3;
	_ =	sdelay $0x2  }
0x60: {  	[tilespmem:s22], [sflag:$0x1] =	stream.indirect_vreg.gather [hbm4b:s3+s2], $0x80, v4, vm0, $0xb8;
	[tilespmem:$0x8080] =	vst v63  }
0x61: {  	_ = 	snop  }
0x62: {  	[tilespmem:s23], [sflag:$0x1] =	stream.indirect_vreg.gather [hbm4b:s3+s2], $0x80, v3, vm0, $0xb8;
	[tilespmem:$0x8080] =	vst v63  }
0x63: {  	_ =	swait.ge [sflag:s24], $0x8000  }
0x64: {  	p0 =	sne.s32 s6, $0x1;
	[sflag:s24] =	ssyncset.done $0x0  }
.Ltmp0:
0x65: {  	[sflag:s24] =	ssyncadd.s32 $0xFFFF8000;
	(pc) =	sbr.rel @p0 .LBB2_1-.Ltmp0, $4  }
0x66: {  	[hbm4b:s5+s2] =	stream.linear.scatter [tilespmem:s8], [sflag:$0x2], $0x8000, $0x38;
	[tilespmem:$0x8080] =	vst v63  }
0x67: {  	_ =	swait.ge [sflag:s7], $0x8000  }
0x68: {  	[sflag:s7] =	ssyncset.done $0x0  }
0x69: {  	s6 =	sadd.s32 $0xFFFFFFFF, s6;
	[sflag:s7] =	ssyncadd.s32 $0xFFFF8000  }
0x6a: {  	_ =	sfence.sel $0x180000  }
0x6b: {  	[bflag:$0x0] =	sbarrier.arrive $0xFFFF  }
0x6c: {  	p0 =	sne.s32 s1, $0x0;
	_ =	strace $0x9000004D  }
0x6d: {  	s0 =	sadd.s32 @!p0 $0x100000, s0;
	[bflag:$0x2] =	sbarrier.arrive $0xFFFF  }
0x6e: {  	[sflag:s0] =	ssyncadd.tile.s32 @!p0 $0x1;
	_ =	shalt  }
.Lfunc_end2:
_tile_overlayer_lowered:
.L_overlay_start_2:
0x6f: {  	(tag) =	ssettag $0x2  }
0x70: {  	s0 =	rddreg [dreg:$0x0];
	s2 =	stileid.u32  }
0x71: {  	s1 =	rddreg [dreg:$0x1];
	p0 =	sne.s32 s2, $0x0  }
0x72: {  	s3 =	rddreg [dreg:$0x2];
	[bflag:$0x3] =	sbarrier.arrive $0xFFFF;
	s2 =	simm.s32 @!p0 $0x1C02  }
0x73: {  	[timem:s3], [sflag:s2] =	dma.local @!p0 [hbm:s0], s1  }
0x74: {  	s0 =	simm.s32 @!p0 $0x2  }
0x75: {  	_ =	swait.ge @!p0 [sflag:s0], s1  }
0x76: {  	s1 =	ssub.s32 @!p0 $0x0, s1;
	[sflag:s0] =	ssyncset.done @!p0 $0x0  }
0x77: {  	[sflag:s0] =	ssyncadd.s32 @!p0 s1  }
0x78: {  	[bflag:$0x3] =	sbarrier.arrive $0xFFFF  }
0x79: {  	_ =	shalt  }

// kernel: kernel.33.cloned.1.call-start
scs
__scs_entry_jumppad:
0x0: {  	(pc) =	sbr.rel $0x88, $3  }
0x1: {  	(tag) =	ssettag $0x0;
	lr =	simm.s32 $0x1  }
0x2: {  	[smem:$0x3F96] =	sst lr;
	_ =	strace $0xD0000000  }
0x3: {  	_ = 	snop  }
0x4: {  	_ = 	snop  }
0x5: {  	_ = 	snop  }
0x6: {  	_ = 	snop  }
0x7: {  	_ = 	snop  }
__scs_overlays_trampoline_lowered:
0x8: {  	[smem:$0x3FA5] =	sst s0  }
0x9: {  	[smem:$0x3FA6] =	sst s1  }
0xa: {  	[smem:$0x3FA7] =	sst s2  }
0xb: {  	[smem:$0x3FA8] =	sst s3  }
0xc: {  	[smem:$0x3FA9] =	sst s4  }
0xd: {  	[smem:$0x3FAA] =	sst s5  }
0xe: {  	[smem:$0x3FAB] =	sst s6  }
0xf: {  	[smem:$0x3FAC] =	sst s7  }
0x10: {  	[smem:$0x3FAD] =	sst s8  }
0x11: {  	[smem:$0x3FAE] =	sst s9;
	s0 =	simm.s32 @!p0 $0x0  }
0x12: {  	s1 =	sld [smem:$0x3F94];
	s0 =	simm.s32 @p0 $0x1  }
0x13: {  	[smem:$0x3FAF] =	sst s0;
	s0 =	simm.s32 @!p1 $0x0  }
0x14: {  	s2 =	sld [smem:$0x3F93];
	s0 =	simm.s32 @p1 $0x1  }
0x15: {  	[smem:$0x3FB0] =	sst s0;
	s0 =	simm.s32 @!p2 $0x0  }
0x16: {  	s3 =	sld [smem:$0x3FDB];
	s0 =	simm.s32 @p2 $0x1  }
0x17: {  	s4 =	simm.s32 $0x1BF5;
	[smem:$0x3FB2] =	sst s0  }
0x18: {  	s0 =	sld [smem:$0x3F95];
	_ =	swait.ge [sflag:s4], $0x0  }
0x19: {  	s7 =	sld [smem:$0x3F96]  }
0x1a: {  	s8 =	sadd.s32 $0xFFFFE003, lr  }
0x1b: {  	s9 =	sadd.s32 $0xFFFFFEF7, lr;
	s5 =	simm.s32 $0xFFFFFFFF;
	p2 =	slt.u32 s8, $0xFFFFF086  }
0x1c: {  	p1 =	slt.u32 s9, $0xF7A;
	s5 =	simm.s32 @!p2 $0x0  }
0x1d: {  	s5 =	simm.s32 @p1 $0x1;
	p0 =	seq.s32 s7, s2  }
0x1e: {  	s7 =	smul.u32 @!p0 $0xF7A, s2;
	p2 =	seq.s32 @!p0 s5, $0x0  }
0x1f: {  	s9 =	smul.u32 $0xF7A, s1;
	s8 =	simm.s32 @!p0 $0x1BF5;
	p2 =	por !p2, p0  }
0x20: {  	[sflag:s8] =	ssyncset.s32 @!p0 $0xFFFFF086;
	s6 =	sadd.s32 @!p0 s3, s7;
	s7 =	simm.s32 @!p0 $0x108  }
0x21: {  	s3 =	sadd.s32 s3, s9;
	s6 =	sadd.s32 @!p0 $0x88, s6;
	s7 =	simm.s32 @p2 $0x1082  }
0x22: {  	[simem:s7], [sflag:s8] =	dma.local @!p0 [hbm:s6], $0xF7A  }
0x23: {  	s9 =	sor.u32 $0xD0000000, s2;
	s6 =	simm.s32 $0x108;
	_ =	swait.ge @!p0 [sflag:s8], $0x0  }
0x24: {  	s3 =	sadd.s32 $0x88, s3;
	s6 =	simm.s32 @!p1 $0x1082;
	[sflag:s4] =	ssyncset.s32 $0xFFFFF086  }
0x25: {  	[simem:s6], [sflag:s4] =	dma.local [hbm:s3], $0xF7A  }
0x26: {  	[smem:$0x3F96] =	sst s1;
	(tag) =	ssettag s2;
	_ =	strace s9  }
0x27: {  	s1 =	sld [smem:$0x3FA6]  }
0x28: {  	s2 =	sld [smem:$0x3FA7]  }
0x29: {  	s4 =	sld [smem:$0x3FA9]  }
0x2a: {  	p0 =	seq.s32 s5, $0x0;
	s5 =	sld [smem:$0x3FAA]  }
0x2b: {  	s6 =	sld [smem:$0x3FAB]  }
0x2c: {  	s7 =	sld [smem:$0x3FAC]  }
0x2d: {  	s3 =	simm.s32 $0x108;
	s8 =	sld [smem:$0x3FAD]  }
0x2e: {  	s3 =	simm.s32 @!p0 $0x1082;
	s9 =	sld [smem:$0x3FAE]  }
0x2f: {  	lr =	sadd.s32 s0, s3;
	s0 =	sld [smem:$0x3FA5]  }
0x30: {  	s3 =	sld [smem:$0x3FA8]  }
0x31: {  	[smem:$0x3FB1] =	sst s10  }
0x32: {  	s10 =	sld [smem:$0x3FAF];
	_ =	sdelay $0x3  }
0x33: {  	p0 =	seq.s32 s10, $0x1;
	s10 =	sld [smem:$0x3FB1];
	_ =	sdelay $0x3  }
0x34: {  	[smem:$0x3FB1] =	sst s10  }
0x35: {  	s10 =	sld [smem:$0x3FB0];
	_ =	sdelay $0x3  }
0x36: {  	p1 =	seq.s32 s10, $0x1;
	s10 =	sld [smem:$0x3FB1];
	_ =	sdelay $0x3  }
0x37: {  	[smem:$0x3FB1] =	sst s10  }
0x38: {  	s10 =	sld [smem:$0x3FB2]  }
0x39: {  	_ = 	snop;
	(pc) =	sbr.ind lr, $3  }
0x3a: {  	_ = 	snop  }
0x3b: {  	_ = 	snop  }
0x3c: {  	p2 =	seq.s32 s10, $0x1;
	s10 =	sld [smem:$0x3FB1]  }
0x3d: {  	_ =	shalt  }
0x3e: {  	_ =	shalt  }
0x3f: {  	_ =	shalt  }
0x40: {  	_ =	shalt  }
0x41: {  	_ =	shalt  }
0x42: {  	_ =	shalt  }
0x43: {  	_ =	shalt  }
0x44: {  	_ =	shalt  }
0x45: {  	_ =	shalt  }
0x46: {  	_ =	shalt  }
0x47: {  	_ =	shalt  }
0x48: {  	_ =	shalt  }
0x49: {  	_ =	shalt  }
0x4a: {  	_ =	shalt  }
0x4b: {  	_ =	shalt  }
0x4c: {  	_ =	shalt  }
0x4d: {  	_ =	shalt  }
0x4e: {  	_ =	shalt  }
0x4f: {  	_ =	shalt  }
0x50: {  	_ =	shalt  }
0x51: {  	_ =	shalt  }
0x52: {  	_ =	shalt  }
0x53: {  	_ =	shalt  }
0x54: {  	_ =	shalt  }
0x55: {  	_ =	shalt  }
0x56: {  	_ =	shalt  }
0x57: {  	_ =	shalt  }
0x58: {  	_ =	shalt  }
0x59: {  	_ =	shalt  }
0x5a: {  	_ =	shalt  }
0x5b: {  	_ =	shalt  }
0x5c: {  	_ =	shalt  }
0x5d: {  	_ =	shalt  }
0x5e: {  	_ =	shalt  }
0x5f: {  	_ =	shalt  }
0x60: {  	_ =	shalt  }
0x61: {  	_ =	shalt  }
0x62: {  	_ =	shalt  }
0x63: {  	_ =	shalt  }
0x64: {  	_ =	shalt  }
0x65: {  	_ =	shalt  }
0x66: {  	_ =	shalt  }
0x67: {  	_ =	shalt  }
0x68: {  	_ =	shalt  }
0x69: {  	_ =	shalt  }
0x6a: {  	_ =	shalt  }
0x6b: {  	_ =	shalt  }
0x6c: {  	_ =	shalt  }
0x6d: {  	_ =	shalt  }
0x6e: {  	_ =	shalt  }
0x6f: {  	_ =	shalt  }
0x70: {  	_ =	shalt  }
0x71: {  	_ =	shalt  }
0x72: {  	_ =	shalt  }
0x73: {  	_ =	shalt  }
0x74: {  	_ =	shalt  }
0x75: {  	_ =	shalt  }
0x76: {  	_ =	shalt  }
0x77: {  	_ =	shalt  }
0x78: {  	_ =	shalt  }
0x79: {  	_ =	shalt  }
0x7a: {  	_ =	shalt  }
0x7b: {  	_ =	shalt  }
0x7c: {  	_ =	shalt  }
0x7d: {  	_ =	shalt  }
0x7e: {  	_ =	shalt  }
0x7f: {  	_ =	shalt  }
0x80: {  	_ =	shalt  }
0x81: {  	_ =	shalt  }
0x82: {  	_ =	shalt  }
0x83: {  	_ =	shalt  }
0x84: {  	_ =	shalt  }
0x85: {  	_ =	shalt  }
0x86: {  	_ =	shalt  }
0x87: {  	_ =	shalt  }
.Lfunc_end0:
.L_simem_size_0:
called_computation.4_lowered:
.L_overlay_start_0:
0x88: {  	s2 =	sld [smem:$0x3FD9]  }
0x89: {  	s3 =	sld [smem:$0x3FFE];
	_ =	sdelay $0x1  }
0x8a: {  	s1 =	srdreg.scid  }
0x8b: {  	s0 =	sand.u32 $0x1, s1  }
0x8c: {  	s17 =	sshll.u32 s0, $0xA;
	s2 =	sadd.s32 s3, s2  }
0x8d: {  	s2 =	sadd.s32 s2, s17  }
0x8e: {  	[smem:$0x3FBD] =	sst s2  }
0x8f: {  	_ = 	snop  }
0x90: {  	s18 =	sld [smem:$0x3FD0];
	(tm) =	ssettm $0x1  }
0x91: {  	s19 =	sld [smem:$0x3FFB];
	_ =	sdelay $0x3  }
0x92: {  	_ =	strace s19  }
0x93: {  	s2 =	sld [smem:$0x3FFC];
	_ =	sdelay $0x3  }
0x94: {  	_ =	strace s2  }
0x95: {  	s2 =	sld [smem:$0x3FFD];
	_ =	sdelay $0x3  }
0x96: {  	_ =	strace s2  }
0x97: {  	_ =	strace $0x8FFFFFFF  }
0x98: {  	s20 =	sld [smem:$0x3FDB];
	_ =	sdelay $0x1  }
0x99: {  	s4 =	simm.s32 $_scs_section_size  }
0x9a: {  	s5 =	simm.s32 $_size__tile_overlayer_lowered;
	s6 =	simm.s32 $_tile_overlayer_lowered  }
0x9b: {  	s7 =	simm.s32 $0x1BFF;
	s21 =	sshll.u32 s6, $0x1;
	s4 =	sadd.s32 s4, s20  }
0x9c: {  	s22 =	simm.s32 $0x0;
	s5 =	sshll.u32 s5, $0x1;
	s6 =	sadd.s32 s21, s4  }
0x9d: {  	[timem:s22], [sflag:s7] =	dma.local [hbm:s6], s5  }
0x9e: {  	_ =	swait.ge [sflag:s7], s5  }
0x9f: {  	s5 =	ssub.s32 $0x0, s5;
	[sflag:s7] =	ssyncset.done $0x0  }
0xa0: {  	[sflag:s7] =	ssyncadd.s32 s5;
	_ =	sdelay $0x1  }
0xa1: {  	s23 =	simm.s32 $0x1B8B  }
0xa2: {  	_ =	swait.ge [sflag:s23], $0x1  }
0xa3: {  	[sflag:s23] =	ssyncset.done $0x0  }
0xa4: {  	[sflag:s23] =	ssyncadd.s32 $0xFFFFFFFF  }
0xa5: {  	s5 =	sld [smem:$0x0]  }
0xa6: {  	s6 =	sand.u32 $0xFFFFFFFE, s1  }
0xa7: {  	p0 =	sne.s32 s1, s6  }
0xa8: {  	s6 =	sshll.u32 @p0 s6, $0xE  }
0xa9: {  	s6 =	sadd.s32 @p0 $0x11B8D, s6;
	s7 =	sshll.u32 @p0 s5, $0x11  }
0xaa: {  	s6 =	sor.u32 @p0 s7, s6  }
0xab: {  	[sflag:s6] =	ssyncadd.remote.s32 @p0 $0x1;
	_ =	sdelay $0x1  }
0xac: {  	s6 =	simm.s32 @p0 $0x1B8D  }
0xad: {  	_ =	swait.eq @p0 [sflag:s6], $0x1  }
0xae: {  	[sflag:s6] =	ssyncadd.s32 @p0 $0xFFFFFFFF  }
0xaf: {  	s7 =	sshll.u32 @!p0 s1, $0xE  }
0xb0: {  	s7 =	sor.u32 @!p0 $0x4000, s7;
	s6 =	simm.s32 @!p0 $0x1B8D  }
0xb1: {  	s5 =	sshll.u32 @!p0 s5, $0x11;
	s7 =	sadd.s32 @!p0 $0x11B8D, s7;
	_ =	swait.eq @!p0 [sflag:s6], $0x1  }
0xb2: {  	s5 =	sor.u32 @!p0 s5, s7;
	[sflag:s6] =	ssyncadd.s32 @!p0 $0xFFFFFFFF  }
0xb3: {  	s25 =	simm.s32 $0x1B8E;
	s24 =	sld [smem:$0x3FFE];
	[sflag:s5] =	ssyncadd.remote.s32 @!p0 $0x1  }
0xb4: {  	s26 =	simm.s32 $execute0_lowered;
	[smem:$0x3FD2] =	sst s25  }
0xb5: {  	s6 =	sshll.u32 s26, $0x1;
	_ =	strace $0x80000052;
	[dreg:$0x1] =	wrdreg $0xFFFFFFFF  }
0xb6: {  	s28 =	simm.s32 $_size_execute0_lowered;
	s4 =	sadd.s32 s4, s6;
	[dreg:$0x0] =	wrdreg $0x0  }
0xb7: {  	s6 =	sshll.u32 s28, $0x1;
	[dreg:$0x2] =	wrdreg s4  }
0xb8: {  	[dreg:$0x3] =	wrdreg s6  }
0xb9: {  	[dreg:$0x4] =	wrdreg $0xC0  }
0xba: {  	_ =	task [dreg:s22], $0x5FFFF  }
0xbb: {  	[dreg:$0x1] =	wrdreg $0xFFFFFFFF  }
0xbc: {  	[dreg:$0x0] =	wrdreg $0x60  }
0xbd: {  	[dreg:$0x2] =	wrdreg s24  }
0xbe: {  	[dreg:$0x3] =	wrdreg s18  }
0xbf: {  	[dreg:$0x4] =	wrdreg $0xB  }
0xc0: {  	_ =	task.clear_ibuf [dreg:s22], $0x5FFFF;
	_ =	strace $0x90000052  }
0xc1: {  	s29 =	simm.s32 $0xB;
	_ =	strace $0x80000054  }
0xc2: {  	_ =	swait.ge [sflag:s29], $0x1  }
0xc3: {  	[sflag:s29] =	ssyncadd.s32 $0xFFFFFFFF  }
0xc4: {  	_ =	strace $0x90000054  }
0xc5: {  	_ =	sfence  }
0xc6: {  	s30 =	sld [smem:$0x0];
	_ =	sdelay $0x2  }
0xc7: {  	s31 =	sshll.u32 s1, $0xD;
	s1 =	sshrl.u32 s1, $0x2  }
0xc8: {  	s4 =	sand.u32 $0x4000, s31;
	s1 =	sadd.s32 s1, s30  }
0xc9: {  	s0 =	sor.u32 s4, s0;
	s1 =	sshll.u32 s1, $0x11  }
0xca: {  	s0 =	sor.u32 s1, s0  }
0xcb: {  	s0 =	sadd.s32 $0x8F2B, s0  }
0xcc: {  	[sflag:s0] =	ssyncadd.remote.s32 $0x1  }
0xcd: {  	_ =	sfence.sel $0xFFFF  }
0xce: {  	[dreg:$0x0] =	wrdreg $0xFFFFFFFF;
	(pc) =	sbr.abs _section_cstart, $3  }
0xcf: {  	[dreg:$0x1] =	wrdreg $0xFFFFFFFF  }
0xd0: {  	_ =	task.clear_ibuf [dreg:s22], $0x2FFFF;
	_ =	strace $0x9FFFFFFF  }
0xd1: {  	(tm) =	ssettm $0x7FFFFFFF  }
tec
execute0_lowered:
.L_overlay_start_1:
0x0: {  	(tag) =	ssettag $0x1  }
0x1: {  	s1 =	srdreg.scid;
	s4 =	rddreg [dreg:$0x0]  }
0x2: {  	s0 =	stileid.u32;
	s5 =	rddreg [dreg:$0x1]  }
0x3: {  	s18 =	simm.s32 $0x880;
	s19 =	simm.s32 $0xC80;
	s20 =	simm.s32 $0x1480  }
0x4: {  	s21 =	simm.s32 $0x1880;
	s23 =	simm.s32 $0x2080;
	s24 =	simm.s32 $0x2480  }
0x5: {  	s25 =	simm.s32 $0x2C80;
	s26 =	simm.s32 $0x3080;
	s1 =	sand.u32 $0x1, s1  }
0x6: {  	s7 =	simm.s32 $0x80;
	s2 =	sshll.u32 s0, $0x5;
	s3 =	sshll.u32 s1, $0x4  }
0x7: {  	s9 =	simm.s32 $0x3C80;
	s3 =	sor.u32 s3, s2;
	s2 =	simm.s32 $0x0  }
0x8: {  	s6 =	smul.u32 $0x180, s3;
	[smem:$0x7FF] =	sst s2;
	s3 =	sadd.s32 s5, s3  }
0x9: {  	s10 =	simm.s32 $0x4480;
	_ =	strace $0x80000053;
	[dreg:$0x3] =	wrdreg s3  }
0xa: {  	s11 =	simm.s32 $0x4880;
	s12 =	simm.s32 $0x5080;
	[dreg:$0x5] =	wrdreg s18  }
0xb: {  	s13 =	simm.s32 $0x5480;
	s14 =	simm.s32 $0x5C80;
	[dreg:$0x6] =	wrdreg s19  }
0xc: {  	s15 =	simm.s32 $0x6080;
	s16 =	simm.s32 $0x6880;
	[dreg:$0x7] =	wrdreg s20  }
0xd: {  	s28 =	simm.s32 $0xA880;
	s29 =	simm.s32 $0xB080;
	[dreg:$0x8] =	wrdreg s21  }
0xe: {  	s30 =	simm.s32 $0xB480;
	s1 =	ssub.s32 $0x2, s1;
	[dreg:$0x9] =	wrdreg s23  }
0xf: {  	s31 =	simm.s32 $0xBC80;
	s22 =	sshrl.u32 s1, $0x1;
	[dreg:$0xa] =	wrdreg s24  }
0x10: {  	s1 =	ssub.s32 s1, s22;
	s22 =	simm.s32 $0x8C80;
	[dreg:$0xb] =	wrdreg s25  }
0x11: {  	s3 =	sadd.s32 $0x5DC00, s4;
	s5 =	smax.u32 s1, $0x1;
	[dreg:$0xc] =	wrdreg s26  }
0x12: {  	s18 =	simm.s32 $0x7480;
	s19 =	simm.s32 $0x7880;
	s20 =	simm.s32 $0x8080  }
0x13: {  	s21 =	simm.s32 $0x8480;
	s23 =	simm.s32 $0x9080;
	s24 =	simm.s32 $0x9880  }
0x14: {  	v2 =	vlaneseq.u32;
	s25 =	simm.s32 $0x9C80;
	s26 =	simm.s32 $0xA480;
	s6 =	sadd.s32 s6, s4  }
0x15: {  	vm0 =	vmmov $0xffff;
	vm1 =	vmmov $0xff;
	v1 =	vshrl.u32 v2, $0x3;
	s1 =	simm.s32 $0x1;
	s4 =	sadd.s32 $0x5DD00, s4;
	s17 =	sadd.s32 $0x25C00, s6  }
0x16: {  	v0 =	vand.u32 $0x7, v2;
	v2 =	vor.u32 $0x8, v2;
	v1 =	vmul.u32 $0x8, v1;
	s6 =	simm.s32 $0x2;
	[dreg:$0x4] =	wrdreg s17;
	s17 =	simm.s32 $0x6C80  }
.LBB2_1:
0x17: {  	s0 =	rddreg [dreg:$0x3]  }
0x18: {  	[tilespmem:s2], [sflag:$0x2] =	stream.linear.gather [hbm4b:s0+s2], $0x80, $0x38;
	[tilespmem:$0xC080] =	vst v63  }
0x19: {  	_ =	swait.ge [sflag:s6], $0x80  }
0x1a: {  	[sflag:s6] =	ssyncset.done $0x0  }
0x1b: {  	[sflag:s6] =	ssyncadd.s32 $0xFFFFFF80  }
0x1c: {  	v3 =	vld [tilespmem:$0x0];
	_ =	sdelay $0x4  }
0x1d: {  	v4 =	vshrl.u32 v3, $0x3  }
0x1e: {  	v4 =	vmul.u32 $0x18, v4  }
0x1f: {  	v3 =	vand.u32 $0x7, v3  }
0x20: {  	v3 =	vor.u32 v3, v4  }
0x21: {  	v4 =	vperm.xlane v3, v0;
	_ =	sdelay $0x1  }
0x22: {  	v4 =	vadd.s32 v1, v4;
	_ =	sdelay $0x1  }
0x23: {  	v3 =	vperm.xlane v3, v2;
	_ =	sdelay $0x1  }
0x24: {  	v3 =	vadd.s32 v1, v3  }
0x25: {  	[tilespmem:s7], [sflag:$0x1] =	stream.indirect_vreg.gather [hbm4b:s3+s2], $0x80, v4, vm0, $0xb8;
	[tilespmem:$0xC080] =	vst v63  }
0x26: {  	s0 =	rddreg [dreg:$0x5]  }
0x27: {  	[tilespmem:s0], [sflag:$0x1] =	stream.indirect_vreg.gather [hbm4b:s4+s2], $0x80, v4, vm1, $0xb8;
	[tilespmem:$0xC080] =	vst v63  }
0x28: {  	s8 =	rddreg [dreg:$0x6]  }
0x29: {  	[tilespmem:s8], [sflag:$0x1] =	stream.indirect_vreg.gather [hbm4b:s3+s2], $0x80, v3, vm0, $0xb8;
	[tilespmem:$0xC080] =	vst v63  }
0x2a: {  	s0 =	rddreg [dreg:$0x7]  }
0x2b: {  	[tilespmem:s0], [sflag:$0x1] =	stream.indirect_vreg.gather [hbm4b:s4+s2], $0x80, v3, vm1, $0xb8;
	[tilespmem:$0xC080] =	vst v63  }
0x2c: {  	v3 =	vld [tilespmem:$0x10];
	_ =	sdelay $0x4  }
0x2d: {  	v57 =	vshrl.u32 v3, $0x3  }
0x2e: {  	v4 =	vmul.u32 $0x18, v57  }
0x2f: {  	v3 =	vand.u32 $0x7, v3  }
0x30: {  	v3 =	vor.u32 v3, v4  }
0x31: {  	v4 =	vperm.xlane v3, v0;
	_ =	sdelay $0x1  }
0x32: {  	v4 =	vadd.s32 v1, v4;
	_ =	sdelay $0x1  }
0x33: {  	v3 =	vperm.xlane v3, v2;
	_ =	sdelay $0x1  }
0x34: {  	s0 =	rddreg [dreg:$0x8];
	v3 =	vadd.s32 v1, v3  }
0x35: {  	[tilespmem:s0], [sflag:$0x1] =	stream.indirect_vreg.gather [hbm4b:s3+s2], $0x80, v4, vm0, $0xb8;
	[tilespmem:$0xC080] =	vst v63  }
0x36: {  	s8 =	rddreg [dreg:$0x9]  }
0x37: {  	[tilespmem:s8], [sflag:$0x1] =	stream.indirect_vreg.gather [hbm4b:s4+s2], $0x80, v4, vm1, $0xb8;
	[tilespmem:$0xC080] =	vst v63  }
0x38: {  	s0 =	rddreg [dreg:$0xa]  }
0x39: {  	[tilespmem:s0], [sflag:$0x1] =	stream.indirect_vreg.gather [hbm4b:s3+s2], $0x80, v3, vm0, $0xb8;
	[tilespmem:$0xC080] =	vst v63  }
0x3a: {  	s8 =	rddreg [dreg:$0xb]  }
0x3b: {  	[tilespmem:s8], [sflag:$0x1] =	stream.indirect_vreg.gather [hbm4b:s4+s2], $0x80, v3, vm1, $0xb8;
	[tilespmem:$0xC080] =	vst v63  }
0x3c: {  	v3 =	vld [tilespmem:$0x20];
	_ =	sdelay $0x4  }
0x3d: {  	v58 =	vshrl.u32 v3, $0x3  }
0x3e: {  	v4 =	vmul.u32 $0x18, v58  }
0x3f: {  	v3 =	vand.u32 $0x7, v3  }
0x40: {  	v3 =	vor.u32 v3, v4  }
0x41: {  	v4 =	vperm.xlane v3, v0;
	_ =	sdelay $0x1  }
0x42: {  	v4 =	vadd.s32 v1, v4;
	_ =	sdelay $0x1  }
0x43: {  	v3 =	vperm.xlane v3, v2;
	_ =	sdelay $0x1  }
0x44: {  	s8 =	rddreg [dreg:$0xc];
	v3 =	vadd.s32 v1, v3  }
0x45: {  	[tilespmem:s8], [sflag:$0x1] =	stream.indirect_vreg.gather [hbm4b:s3+s2], $0x80, v4, vm0, $0xb8;
	[tilespmem:$0xC080] =	vst v63  }
0x46: {  	s8 =	simm.s32 $0x3880  }
0x47: {  	[tilespmem:s8], [sflag:$0x1] =	stream.indirect_vreg.gather [hbm4b:s4+s2], $0x80, v4, vm1, $0xb8;
	[tilespmem:$0xC080] =	vst v63  }
0x48: {  	_ = 	snop  }
0x49: {  	[tilespmem:s9], [sflag:$0x1] =	stream.indirect_vreg.gather [hbm4b:s3+s2], $0x80, v3, vm0, $0xb8;
	[tilespmem:$0xC080] =	vst v63  }
0x4a: {  	_ = 	snop  }
0x4b: {  	[tilespmem:s10], [sflag:$0x1] =	stream.indirect_vreg.gather [hbm4b:s4+s2], $0x80, v3, vm1, $0xb8;
	[tilespmem:$0xC080] =	vst v63  }
0x4c: {  	v3 =	vld [tilespmem:$0x30];
	_ =	sdelay $0x4  }
0x4d: {  	v59 =	vshrl.u32 v3, $0x3  }
0x4e: {  	v4 =	vmul.u32 $0x18, v59  }
0x4f: {  	v3 =	vand.u32 $0x7, v3  }
0x50: {  	v3 =	vor.u32 v3, v4  }
0x51: {  	v4 =	vperm.xlane v3, v0;
	_ =	sdelay $0x1  }
0x52: {  	v4 =	vadd.s32 v1, v4;
	_ =	sdelay $0x1  }
0x53: {  	v3 =	vperm.xlane v3, v2;
	_ =	sdelay $0x1  }
0x54: {  	v3 =	vadd.s32 v1, v3  }
0x55: {  	[tilespmem:s11], [sflag:$0x1] =	stream.indirect_vreg.gather [hbm4b:s3+s2], $0x80, v4, vm0, $0xb8;
	[tilespmem:$0xC080] =	vst v63  }
0x56: {  	_ = 	snop  }
0x57: {  	[tilespmem:s12], [sflag:$0x1] =	stream.indirect_vreg.gather [hbm4b:s4+s2], $0x80, v4, vm1, $0xb8;
	[tilespmem:$0xC080] =	vst v63  }
0x58: {  	_ = 	snop  }
0x59: {  	[tilespmem:s13], [sflag:$0x1] =	stream.indirect_vreg.gather [hbm4b:s3+s2], $0x80, v3, vm0, $0xb8;
	[tilespmem:$0xC080] =	vst v63  }
0x5a: {  	_ = 	snop  }
0x5b: {  	[tilespmem:s14], [sflag:$0x1] =	stream.indirect_vreg.gather [hbm4b:s4+s2], $0x80, v3, vm1, $0xb8;
	[tilespmem:$0xC080] =	vst v63  }
0x5c: {  	v3 =	vld [tilespmem:$0x40];
	_ =	sdelay $0x4  }
0x5d: {  	v60 =	vshrl.u32 v3, $0x3  }
0x5e: {  	v4 =	vmul.u32 $0x18, v60  }
0x5f: {  	v3 =	vand.u32 $0x7, v3  }
0x60: {  	v3 =	vor.u32 v3, v4  }
0x61: {  	v4 =	vperm.xlane v3, v0;
	_ =	sdelay $0x1  }
0x62: {  	v4 =	vadd.s32 v1, v4;
	_ =	sdelay $0x1  }
0x63: {  	v3 =	vperm.xlane v3, v2;
	_ =	sdelay $0x1  }
0x64: {  	v3 =	vadd.s32 v1, v3  }
0x65: {  	[tilespmem:s15], [sflag:$0x1] =	stream.indirect_vreg.gather [hbm4b:s3+s2], $0x80, v4, vm0, $0xb8;
	[tilespmem:$0xC080] =	vst v63  }
0x66: {  	_ = 	snop  }
0x67: {  	[tilespmem:s16], [sflag:$0x1] =	stream.indirect_vreg.gather [hbm4b:s4+s2], $0x80, v4, vm1, $0xb8;
	[tilespmem:$0xC080] =	vst v63  }
0x68: {  	_ = 	snop  }
0x69: {  	[tilespmem:s17], [sflag:$0x1] =	stream.indirect_vreg.gather [hbm4b:s3+s2], $0x80, v3, vm0, $0xb8;
	[tilespmem:$0xC080] =	vst v63  }
0x6a: {  	_ = 	snop  }
0x6b: {  	[tilespmem:s18], [sflag:$0x1] =	stream.indirect_vreg.gather [hbm4b:s4+s2], $0x80, v3, vm1, $0xb8;
	[tilespmem:$0xC080] =	vst v63  }
0x6c: {  	v3 =	vld [tilespmem:$0x50];
	_ =	sdelay $0x4  }
0x6d: {  	v61 =	vshrl.u32 v3, $0x3  }
0x6e: {  	v4 =	vmul.u32 $0x18, v61  }
0x6f: {  	v3 =	vand.u32 $0x7, v3  }
0x70: {  	v3 =	vor.u32 v3, v4  }
0x71: {  	v4 =	vperm.xlane v3, v0;
	_ =	sdelay $0x1  }
0x72: {  	v4 =	vadd.s32 v1, v4;
	_ =	sdelay $0x1  }
0x73: {  	v3 =	vperm.xlane v3, v2;
	_ =	sdelay $0x1  }
0x74: {  	v3 =	vadd.s32 v1, v3  }
0x75: {  	[tilespmem:s19], [sflag:$0x1] =	stream.indirect_vreg.gather [hbm4b:s3+s2], $0x80, v4, vm0, $0xb8;
	[tilespmem:$0xC080] =	vst v63  }
0x76: {  	_ = 	snop  }
0x77: {  	[tilespmem:s20], [sflag:$0x1] =	stream.indirect_vreg.gather [hbm4b:s4+s2], $0x80, v4, vm1, $0xb8;
	[tilespmem:$0xC080] =	vst v63  }
0x78: {  	_ = 	snop  }
0x79: {  	[tilespmem:s21], [sflag:$0x1] =	stream.indirect_vreg.gather [hbm4b:s3+s2], $0x80, v3, vm0, $0xb8;
	[tilespmem:$0xC080] =	vst v63  }
0x7a: {  	_ = 	snop  }
0x7b: {  	[tilespmem:s22], [sflag:$0x1] =	stream.indirect_vreg.gather [hbm4b:s4+s2], $0x80, v3, vm1, $0xb8;
	[tilespmem:$0xC080] =	vst v63  }
0x7c: {  	v3 =	vld [tilespmem:$0x60];
	_ =	sdelay $0x4  }
0x7d: {  	v62 =	vshrl.u32 v3, $0x3  }
0x7e: {  	v4 =	vmul.u32 $0x18, v62  }
0x7f: {  	v3 =	vand.u32 $0x7, v3  }
0x80: {  	v3 =	vor.u32 v3, v4  }
0x81: {  	v4 =	vperm.xlane v3, v0;
	_ =	sdelay $0x1  }
0x82: {  	v4 =	vadd.s32 v1, v4;
	_ =	sdelay $0x1  }
0x83: {  	v3 =	vperm.xlane v3, v2;
	_ =	sdelay $0x1  }
0x84: {  	v3 =	vadd.s32 v1, v3  }
0x85: {  	[tilespmem:s23], [sflag:$0x1] =	stream.indirect_vreg.gather [hbm4b:s3+s2], $0x80, v4, vm0, $0xb8;
	[tilespmem:$0xC080] =	vst v63  }
0x86: {  	_ = 	snop  }
0x87: {  	[tilespmem:s24], [sflag:$0x1] =	stream.indirect_vreg.gather [hbm4b:s4+s2], $0x80, v4, vm1, $0xb8;
	[tilespmem:$0xC080] =	vst v63  }
0x88: {  	_ = 	snop  }
0x89: {  	[tilespmem:s25], [sflag:$0x1] =	stream.indirect_vreg.gather [hbm4b:s3+s2], $0x80, v3, vm0, $0xb8;
	[tilespmem:$0xC080] =	vst v63  }
0x8a: {  	_ = 	snop  }
0x8b: {  	[tilespmem:s26], [sflag:$0x1] =	stream.indirect_vreg.gather [hbm4b:s4+s2], $0x80, v3, vm1, $0xb8;
	[tilespmem:$0xC080] =	vst v63  }
0x8c: {  	v3 =	vld [tilespmem:$0x70];
	_ =	sdelay $0x4  }
0x8d: {  	v63 =	vshrl.u32 v3, $0x3  }
0x8e: {  	v4 =	vmul.u32 $0x18, v63  }
0x8f: {  	v3 =	vand.u32 $0x7, v3  }
0x90: {  	v3 =	vor.u32 v3, v4  }
0x91: {  	v4 =	vperm.xlane v3, v0;
	_ =	sdelay $0x1  }
0x92: {  	v4 =	vadd.s32 v1, v4;
	_ =	sdelay $0x1  }
0x93: {  	v3 =	vperm.xlane v3, v2;
	_ =	sdelay $0x1  }
0x94: {  	v3 =	vadd.s32 v1, v3  }
0x95: {  	[tilespmem:s28], [sflag:$0x1] =	stream.indirect_vreg.gather [hbm4b:s3+s2], $0x80, v4, vm0, $0xb8;
	[tilespmem:$0xC080] =	vst v63  }
0x96: {  	_ = 	snop  }
0x97: {  	[tilespmem:s29], [sflag:$0x1] =	stream.indirect_vreg.gather [hbm4b:s4+s2], $0x80, v4, vm1, $0xb8;
	[tilespmem:$0xC080] =	vst v63  }
0x98: {  	_ = 	snop  }
0x99: {  	[tilespmem:s30], [sflag:$0x1] =	stream.indirect_vreg.gather [hbm4b:s3+s2], $0x80, v3, vm0, $0xb8;
	[tilespmem:$0xC080] =	vst v63  }
0x9a: {  	_ = 	snop  }
0x9b: {  	[tilespmem:s31], [sflag:$0x1] =	stream.indirect_vreg.gather [hbm4b:s4+s2], $0x80, v3, vm1, $0xb8;
	[tilespmem:$0xC080] =	vst v63  }
0x9c: {  	_ =	swait.ge [sflag:s1], $0xC000  }
0x9d: {  	p0 =	sne.s32 s5, $0x1;
	[sflag:s1] =	ssyncset.done $0x0  }
.Ltmp0:
0x9e: {  	s8 =	rddreg [dreg:$0x4];
	[sflag:s1] =	ssyncadd.s32 $0xFFFF4000;
	(pc) =	sbr.rel @p0 .LBB2_1-.Ltmp0, $4  }
0x9f: {  	[hbm4b:s8+s2] =	stream.linear.scatter [tilespmem:s7], [sflag:$0x2], $0xC000, $0x38;
	[tilespmem:$0xC080] =	vst v63  }
0xa0: {  	_ =	swait.ge [sflag:s6], $0xC000  }
0xa1: {  	[sflag:s6] =	ssyncset.done $0x0  }
0xa2: {  	s5 =	sadd.s32 $0xFFFFFFFF, s5;
	[sflag:s6] =	ssyncadd.s32 $0xFFFF4000  }
0xa3: {  	_ =	sfence.sel $0x180000  }
0xa4: {  	[bflag:$0x0] =	sbarrier.arrive $0xFFFF  }
0xa5: {  	_ =	strace $0x90000053  }
0xa6: {  	s0 =	stileid.u32;
	[bflag:$0x2] =	sbarrier.arrive $0xFFFF  }
0xa7: {  	p0 =	sne.s32 s0, $0x0;
	s0 =	rddreg [dreg:$0x2]  }
0xa8: {  	s0 =	sadd.s32 @!p0 $0x100000, s0  }
0xa9: {  	[sflag:s0] =	ssyncadd.tile.s32 @!p0 $0x1;
	_ =	shalt  }
.Lfunc_end2:
_tile_overlayer_lowered:
.L_overlay_start_2:
0xaa: {  	(tag) =	ssettag $0x2  }
0xab: {  	s0 =	rddreg [dreg:$0x0];
	s2 =	stileid.u32  }
0xac: {  	s1 =	rddreg [dreg:$0x1];
	p0 =	sne.s32 s2, $0x0  }
0xad: {  	s3 =	rddreg [dreg:$0x2];
	[bflag:$0x3] =	sbarrier.arrive $0xFFFF;
	s2 =	simm.s32 @!p0 $0x1C02  }
0xae: {  	[timem:s3], [sflag:s2] =	dma.local @!p0 [hbm:s0], s1  }
0xaf: {  	s0 =	simm.s32 @!p0 $0x2  }
0xb0: {  	_ =	swait.ge @!p0 [sflag:s0], s1  }
0xb1: {  	s1 =	ssub.s32 @!p0 $0x0, s1;
	[sflag:s0] =	ssyncset.done @!p0 $0x0  }
0xb2: {  	[sflag:s0] =	ssyncadd.s32 @!p0 s1  }
0xb3: {  	[bflag:$0x3] =	sbarrier.arrive $0xFFFF  }
0xb4: {  	_ =	shalt  }

</sc_bundles>
